<compile_context>
chip_gen: v7x
topology: tpu7x:2x2x1
jax: 0.10.2.dev20260603
libtpu: 0.0.44.dev20260713+nightly
codegen_flags: <defaults>
</compile_context>

<pallas_src>
import functools

import jax
import jax.numpy as jnp
from jax import lax
from jax.experimental import pallas as pl
from jax.experimental.pallas import tpu as pltpu
from jax.experimental.pallas import tpu_sc as plsc

N = 50000
E = 800000
D = 64
T = 4
WID = 128
NC = 2
NS = 16
CH = 2560
P = 10
ROWS = CH * T
RPT = ROWS // NS
GRP = 64
ACC_ROWS = ROWS + GRP
DUMMY = ROWS
OUT_ROWS = NC * CH * P * T
EPT = E // NS
CE = 2000
RCH = 5
NR = EPT // (CE * RCH)
CAP = CE * RCH + 176
ZR = 32


def _sc_kernel(xp_h, src_h, key_h, out_h,
               pk_list, es_a, ek_a, es_b, ek_b, src_a, idx_a, src_b, idx_b,
               rows_a, rows_b, zbuf, acc,
               esem_a, esem_b, gsem_a, gsem_b, zsem):
    c = lax.axis_index("c")
    s = lax.axis_index("s")

    zero16 = jnp.zeros((16,), jnp.float32)

    def zb_body(r, _):
        for cg in range(WID // 16):
            zbuf[r, pl.ds(cg * 16, 16)] = zero16
        return 0

    lax.fori_loop(0, ZR, zb_body, 0)

    iota16 = lax.iota(jnp.int32, 16)
    dummy = jnp.full((16,), DUMMY, jnp.int32)
    ebufs = [(es_a, ek_a), (es_b, ek_b)]
    esems = [esem_a, esem_b]

    def issue_edges(base, sl):
        hs = pltpu.async_copy(src_h.at[pl.ds(base, CE)], ebufs[sl][0],
                              esems[sl])
        hk = pltpu.async_copy(key_h.at[pl.ds(base, CE)], ebufs[sl][1],
                              esems[sl])
        return (hs, hk)

    def unpack(g, srcst, idxst):
        for j in range(GRP // 16):
            pk = pk_list[pl.ds(g * GRP + j * 16, 16)]
            srcst[pl.ds(j * 16, 16)] = pk >> 15
            idxst[pl.ds(j * 16, 16)] = pk & 32767

    def pass_body(p, _):
        lo4 = ((p * NC + c) * CH) * T

        zbase = pl.multiple_of(s * RPT, 8)
        def zinit_issue(k, _):
            pltpu.async_copy(zbuf, acc.at[pl.ds(zbase + k * ZR, ZR)], zsem)
            return 0

        lax.fori_loop(0, RPT // ZR, zinit_issue, 0)

        def zinit_drain(k, _):
            pltpu.make_async_copy(zbuf, acc.at[pl.ds(zbase, ZR)], zsem).wait()
            return 0

        lax.fori_loop(0, RPT // ZR, zinit_drain, 0)
        plsc.subcore_barrier()

        def round_body(r, _):
            base0 = pl.multiple_of(s * EPT + r * (RCH * CE), 8)
            h_e = [None, None]
            h_e[0] = issue_edges(base0, 0)

            pos = 0
            for ch in range(RCH):
                sl = ch % 2
                h_e[sl][0].wait()
                h_e[sl][1].wait()
                if ch + 1 < RCH:
                    nb = (ch + 1) % 2
                    nbase = pl.multiple_of(base0 + (ch + 1) * CE, 8)
                    h_e[nb] = issue_edges(nbase, nb)
                es, ek = ebufs[sl]

                def grp_body(g, pos, es=es, ek=ek):
                    sv = es[pl.ds(g * 16, 16)]
                    kv = ek[pl.ds(g * 16, 16)]
                    m = (kv >= lo4) & (kv < lo4 + CH * T)
                    li = kv - lo4
                    packed = (sv << 15) | li
                    mi = m.astype(jnp.int32)
                    csum = plsc.cumsum(mi)
                    plsc.store_scatter(pk_list, [pos + csum - mi], packed,
                                       mask=m)
                    return pos + jnp.sum(mi)

                pos = lax.fori_loop(0, CE // 16, grp_body, pos)

            for j in range(GRP // 16):
                plsc.store_scatter(pk_list, [pos + j * 16 + iota16], dummy)

            ngr = (pos + GRP - 1) // GRP

            @pl.when(ngr > 0)
            def _():
                unpack(0, src_a, idx_a)
                pltpu.async_copy(xp_h.at[src_a], rows_a, gsem_a)

            def proc2(h, _):
                g1 = 2 * h + 1

                @pl.when(g1 < ngr)
                def _():
                    unpack(g1, src_b, idx_b)
                    pltpu.async_copy(xp_h.at[src_b], rows_b, gsem_b)

                pltpu.make_async_copy(xp_h.at[src_a], rows_a, gsem_a).wait()
                pltpu.sync_copy(rows_a, acc.at[idx_a], add=True)

                @pl.when(2 * h + 2 < ngr)
                def _():
                    unpack(2 * h + 2, src_a, idx_a)
                    pltpu.async_copy(xp_h.at[src_a], rows_a, gsem_a)

                @pl.when(g1 < ngr)
                def _():
                    pltpu.make_async_copy(xp_h.at[src_b], rows_b, gsem_b).wait()
                    pltpu.sync_copy(rows_b, acc.at[idx_b], add=True)

                return 0

            lax.fori_loop(0, (ngr + 1) // 2, proc2, 0)
            return 0

        lax.fori_loop(0, NR, round_body, 0)
        plsc.subcore_barrier()

        pltpu.sync_copy(acc.at[pl.ds(zbase, RPT)],
                        out_h.at[pl.ds(pl.multiple_of(lo4 + s * RPT, 8), RPT)])
        return 0

    lax.fori_loop(0, P, pass_body, 0)


def _make_sc():
    mesh = plsc.VectorSubcoreMesh(core_axis_name="c", subcore_axis_name="s")
    return pl.kernel(
        _sc_kernel,
        mesh=mesh,
        compiler_params=pltpu.CompilerParams(needs_layout_passes=False),
        out_type=jax.ShapeDtypeStruct((OUT_ROWS, WID), jnp.float32),
        scratch_types=[
            pltpu.VMEM((CAP,), jnp.int32),
            pltpu.VMEM((CE,), jnp.int32),
            pltpu.VMEM((CE,), jnp.int32),
            pltpu.VMEM((CE,), jnp.int32),
            pltpu.VMEM((CE,), jnp.int32),
            pltpu.VMEM((GRP,), jnp.int32),
            pltpu.VMEM((GRP,), jnp.int32),
            pltpu.VMEM((GRP,), jnp.int32),
            pltpu.VMEM((GRP,), jnp.int32),
            pltpu.VMEM((GRP, WID), jnp.float32),
            pltpu.VMEM((GRP, WID), jnp.float32),
            pltpu.VMEM((ZR, WID), jnp.float32),
            pltpu.VMEM_SHARED((ACC_ROWS, WID), jnp.float32),
            pltpu.SemaphoreType.DMA,
            pltpu.SemaphoreType.DMA,
            pltpu.SemaphoreType.DMA,
            pltpu.SemaphoreType.DMA,
            pltpu.SemaphoreType.DMA,
        ],
    )


BN = 2000


def _dense_kernel(s_ref, w_ref, b_ref, o_ref, *, pad_out):
    S = s_ref[...]
    parts = []
    for t in range(T):
        st = S[:, t * WID:t * WID + D]
        cnt = S[:, t * WID + D:t * WID + D + 1]
        mean = st / jnp.maximum(cnt, 1.0)
        nr = 1.0 - jnp.sum(mean * mean, axis=1, keepdims=True)
        parts.append(mean / nr)
    h = jnp.concatenate(parts, axis=1)
    y = jnp.dot(h, w_ref[...].T, preferred_element_type=jnp.float32)
    y = jnp.maximum(y + b_ref[...], 0.0)
    if pad_out:
        o_ref[:, :D] = y
        o_ref[:, D:D + 1] = jnp.ones((BN, 1), jnp.float32)
        o_ref[:, D + 1:] = jnp.zeros((BN, WID - D - 1), jnp.float32)
    else:
        o_ref[...] = y


def _dense(sums, w, b, pad_out):
    ow = WID if pad_out else D
    return pl.pallas_call(
        functools.partial(_dense_kernel, pad_out=pad_out),
        grid=(N // BN,),
        in_specs=[
            pl.BlockSpec((BN, T * WID), lambda i: (i, 0)),
            pl.BlockSpec((D, T * D), lambda i: (0, 0)),
            pl.BlockSpec((1, D), lambda i: (0, 0)),
        ],
        out_specs=pl.BlockSpec((BN, ow), lambda i: (i, 0)),
        out_shape=jax.ShapeDtypeStruct((N, ow), jnp.float32),
    )(sums, w, b.reshape(1, D))


def kernel(x, edge_index, time_index, W1, b1, W2, b2):
    src = edge_index[0]
    dst = edge_index[1]
    key = dst * T + time_index.astype(jnp.int32)
    xp = jnp.concatenate(
        [x, jnp.ones((N, 1), jnp.float32), jnp.zeros((N, WID - D - 1), jnp.float32)],
        axis=1)
    sc = _make_sc()
    s1 = sc(xp, src, key)
    h = _dense(s1.reshape(-1, T * WID), W1, b1, pad_out=True)
    s2 = sc(h, src, key)
    out = _dense(s2.reshape(-1, T * WID), W2, b2, pad_out=False)
    return out

# --- scband reference (transcript-rebuilt; emitter-appended) ---
"""Pipeline reference for scband-temporal-hyperbolic-gnn-78606491451779 (READ-ONLY COPY).

The authoritative reference and input builder live on the scoring server;
editing this copy changes nothing except your own understanding.
"""

import jax, jax.numpy as jnp
import numpy as np

N = 50000
E = 800000
D = 64
T = 4
C = 1.0


def setup_inputs(seed: int = 0) -> dict:
    key = jax.random.key(seed)
    k1, k2, k3, k4, k5, k6, k7 = jax.random.split(key, 7)
    x = jax.random.normal(k1, (N, D), dtype=jnp.float32)
    edge_index = jax.random.randint(k2, (2, E), 0, N, dtype=jnp.int32)
    time_index = jax.random.randint(k3, (E,), 0, T, dtype=jnp.int32)
    # temporal_lin params (torch Linear convention: W is [out, in])
    W1 = jax.random.normal(k4, (D, D * T), dtype=jnp.float32) * (1.0 / np.sqrt(D * T))
    b1 = jax.random.normal(k5, (D,), dtype=jnp.float32) * 0.01
    W2 = jax.random.normal(k6, (D, D * T), dtype=jnp.float32) * (1.0 / np.sqrt(D * T))
    b2 = jax.random.normal(k7, (D,), dtype=jnp.float32) * 0.01
    return {"x": x, "edge_index": edge_index, "time_index": time_index,
            "W1": W1, "b1": b1, "W2": W2, "b2": b2}


def _hyperbolic_mean_masked(xj, dst, mask):
    # scatter_add over edges of time step t, expressed as masked segment_sum
    msg = xj * mask[:, None]
    s = jax.ops.segment_sum(msg, dst, num_segments=N)
    cnt = jax.ops.segment_sum(jnp.broadcast_to(mask[:, None], msg.shape), dst, num_segments=N)
    mean = s / jnp.clip(cnt, 1.0, None)
    norm_mean = (1.0 - (C ** 2) * jnp.sum(mean * mean, axis=-1))[:, None]
    return mean / norm_mean


def _conv(x, edge_index, time_index, W, b):
    src = edge_index[0]
    dst = edge_index[1]
    xj = x[src]
    outs = []
    for t in range(T):
        mask = (time_index == t).astype(x.dtype)
        outs.append(_hyperbolic_mean_masked(xj, dst, mask))
    h = jnp.concatenate(outs, axis=-1)
    return jax.nn.relu(h @ W.T + b)


def reference(x, edge_index, time_index, W1, b1, W2, b2):
    h = _conv(x, edge_index, time_index, W1, b1)
    h = jax.nn.relu(h)
    out = _conv(h, edge_index, time_index, W2, b2)
    return out

if __name__ == "__main__":
    import jax
    _d = setup_inputs()
    print(jax.jit(kernel)(*tuple(_d.values())))

</pallas_src>

<mosaic_0001>
#map = affine_map<(d0, d1) -> (0, 0)>
#map1 = affine_map<(d0, d1) -> (0)>
module attributes {stable_mosaic.version = 14 : i64} {
  func.func @_sc_kernel(%arg0: i32, %arg1: i32, %arg2: memref<50000x128xf32, #tpu.memory_space<hbm>>, %arg3: memref<800000xi32, #tpu.memory_space<hbm>>, %arg4: memref<800000xi32, #tpu.memory_space<hbm>>, %arg5: memref<204800x128xf32, #tpu.memory_space<hbm>>, %arg6: memref<10176xi32, #tpu.memory_space<vmem>>, %arg7: memref<2000xi32, #tpu.memory_space<vmem>>, %arg8: memref<2000xi32, #tpu.memory_space<vmem>>, %arg9: memref<2000xi32, #tpu.memory_space<vmem>>, %arg10: memref<2000xi32, #tpu.memory_space<vmem>>, %arg11: memref<64xi32, #tpu.memory_space<vmem>>, %arg12: memref<64xi32, #tpu.memory_space<vmem>>, %arg13: memref<64xi32, #tpu.memory_space<vmem>>, %arg14: memref<64xi32, #tpu.memory_space<vmem>>, %arg15: memref<64x128xf32, #tpu.memory_space<vmem>>, %arg16: memref<64x128xf32, #tpu.memory_space<vmem>>, %arg17: memref<32x128xf32, #tpu.memory_space<vmem>>, %arg18: memref<10304x128xf32, #tpu.memory_space<vmem_shared>>, %arg19: memref<!tpu.dma_semaphore, #tpu.memory_space<semaphore_mem>>, %arg20: memref<!tpu.dma_semaphore, #tpu.memory_space<semaphore_mem>>, %arg21: memref<!tpu.dma_semaphore, #tpu.memory_space<semaphore_mem>>, %arg22: memref<!tpu.dma_semaphore, #tpu.memory_space<semaphore_mem>>, %arg23: memref<!tpu.dma_semaphore, #tpu.memory_space<semaphore_mem>>) attributes {dimension_semantics = [#tpu.dimension_semantics<core_parallel>, #tpu.dimension_semantics<subcore_parallel>], iteration_bounds = array<i64: 2, 16>, scalar_prefetch = 0 : i64, scratch_operands = 18 : i64, tpu.core_type = #tpu.core_type<sc_vector_subcore>, window_params = [{transform_indices = #map}, {transform_indices = #map1}, {transform_indices = #map1}, {transform_indices = #map}]} {
    %broadcast_in_dim3A = arith.constant 0.000000e+00 : f32
    %broadcast_in_dim3A_0 = vector.broadcast %broadcast_in_dim3A : f32 to vector<16xf32>
    %scan3A = arith.constant 0 : i32
    %scan3A_1 = arith.constant 0 : i32
    %scan3A_2 = arith.constant 32 : i32
    %scan3A_3 = arith.addi %scan3A_1, %scan3A_2 : i32
    %scan3A_4 = arith.constant 1 : i32
    %scan3A_5 = scf.for %scan3A_16 = %scan3A_1 to %scan3A_3 step %scan3A_4 iter_args(%scan3A_17 = %scan3A) -> (i32)  : i32 {
      %swap3A = arith.index_cast %scan3A_16 : i32 to index
      %swap3A_18 = arith.constant 0 : index
      %swap3A_19 = tpu.vector_load %arg17[%swap3A, %swap3A_18] {strides = array<i32>} : memref<32x128xf32, #tpu.memory_space<vmem>>, vector<16xf32>,
      tpu.vector_store %arg17[%swap3A, %swap3A_18], %broadcast_in_dim3A_0 {strides = array<i32>} : memref<32x128xf32, #tpu.memory_space<vmem>>, vector<16xf32>,
      %swap3A_20 = arith.index_cast %scan3A_16 : i32 to index
      %swap3A_21 = arith.constant 16 : index
      %swap3A_22 = tpu.vector_load %arg17[%swap3A_20, %swap3A_21] {strides = array<i32>} : memref<32x128xf32, #tpu.memory_space<vmem>>, vector<16xf32>,
      tpu.vector_store %arg17[%swap3A_20, %swap3A_21], %broadcast_in_dim3A_0 {strides = array<i32>} : memref<32x128xf32, #tpu.memory_space<vmem>>, vector<16xf32>,
      %swap3A_23 = arith.index_cast %scan3A_16 : i32 to index
      %swap3A_24 = arith.constant 32 : index
      %swap3A_25 = tpu.vector_load %arg17[%swap3A_23, %swap3A_24] {strides = array<i32>} : memref<32x128xf32, #tpu.memory_space<vmem>>, vector<16xf32>,
      tpu.vector_store %arg17[%swap3A_23, %swap3A_24], %broadcast_in_dim3A_0 {strides = array<i32>} : memref<32x128xf32, #tpu.memory_space<vmem>>, vector<16xf32>,
      %swap3A_26 = arith.index_cast %scan3A_16 : i32 to index
      %swap3A_27 = arith.constant 48 : index
      %swap3A_28 = tpu.vector_load %arg17[%swap3A_26, %swap3A_27] {strides = array<i32>} : memref<32x128xf32, #tpu.memory_space<vmem>>, vector<16xf32>,
      tpu.vector_store %arg17[%swap3A_26, %swap3A_27], %broadcast_in_dim3A_0 {strides = array<i32>} : memref<32x128xf32, #tpu.memory_space<vmem>>, vector<16xf32>,
      %swap3A_29 = arith.index_cast %scan3A_16 : i32 to index
      %swap3A_30 = arith.constant 64 : index
      %swap3A_31 = tpu.vector_load %arg17[%swap3A_29, %swap3A_30] {strides = array<i32>} : memref<32x128xf32, #tpu.memory_space<vmem>>, vector<16xf32>,
      tpu.vector_store %arg17[%swap3A_29, %swap3A_30], %broadcast_in_dim3A_0 {strides = array<i32>} : memref<32x128xf32, #tpu.memory_space<vmem>>, vector<16xf32>,
      %swap3A_32 = arith.index_cast %scan3A_16 : i32 to index
      %swap3A_33 = arith.constant 80 : index
      %swap3A_34 = tpu.vector_load %arg17[%swap3A_32, %swap3A_33] {strides = array<i32>} : memref<32x128xf32, #tpu.memory_space<vmem>>, vector<16xf32>,
      tpu.vector_store %arg17[%swap3A_32, %swap3A_33], %broadcast_in_dim3A_0 {strides = array<i32>} : memref<32x128xf32, #tpu.memory_space<vmem>>, vector<16xf32>,
      %swap3A_35 = arith.index_cast %scan3A_16 : i32 to index
      %swap3A_36 = arith.constant 96 : index
      %swap3A_37 = tpu.vector_load %arg17[%swap3A_35, %swap3A_36] {strides = array<i32>} : memref<32x128xf32, #tpu.memory_space<vmem>>, vector<16xf32>,
      tpu.vector_store %arg17[%swap3A_35, %swap3A_36], %broadcast_in_dim3A_0 {strides = array<i32>} : memref<32x128xf32, #tpu.memory_space<vmem>>, vector<16xf32>,
      %swap3A_38 = arith.index_cast %scan3A_16 : i32 to index
      %swap3A_39 = arith.constant 112 : index
      %swap3A_40 = tpu.vector_load %arg17[%swap3A_38, %swap3A_39] {strides = array<i32>} : memref<32x128xf32, #tpu.memory_space<vmem>>, vector<16xf32>,
      tpu.vector_store %arg17[%swap3A_38, %swap3A_39], %broadcast_in_dim3A_0 {strides = array<i32>} : memref<32x128xf32, #tpu.memory_space<vmem>>, vector<16xf32>,
      %scan3A_41 = arith.constant 0 : i32
      scf.yield %scan3A_41 : i32
    }
    %scan3A_6 = arith.constant 32 : i32
    %iota3A = tpu.iota {dimensions = array<i32: 0>} : vector<16xi32>
    %broadcast_in_dim3A_7 = arith.constant 10240 : i32
    %broadcast_in_dim3A_8 = vector.broadcast %broadcast_in_dim3A_7 : i32 to vector<16xi32>
    %scan3A_9 = arith.constant 0 : i32
    %scan3A_10 = arith.constant 0 : i32
    %scan3A_11 = arith.constant 10 : i32
    %scan3A_12 = arith.addi %scan3A_10, %scan3A_11 : i32
    %scan3A_13 = arith.constant 1 : i32
    %scan3A_14 = scf.for %scan3A_16 = %scan3A_10 to %scan3A_12 step %scan3A_13 iter_args(%scan3A_17 = %scan3A_9) -> (i32)  : i32 {
      %mul3A = arith.constant 2 : i32
      %mul3A_18 = arith.muli %scan3A_16, %mul3A : i32
      %add3A = arith.addi %mul3A_18, %arg0 : i32
      %mul3A_19 = arith.constant 2560 : i32
      %mul3A_20 = arith.muli %add3A, %mul3A_19 : i32
      %mul3A_21 = arith.constant 4 : i32
      %mul3A_22 = arith.muli %mul3A_20, %mul3A_21 : i32
      %mul3A_23 = arith.constant 640 : i32
      %mul3A_24 = arith.muli %arg1, %mul3A_23 : i32
      %multiple_of3A = tpu.assume_multiple %mul3A_24, 8 : i32
      %scan3A_25 = arith.constant 0 : i32
      %scan3A_26 = arith.constant 0 : i32
      %scan3A_27 = arith.constant 20 : i32
      %scan3A_28 = arith.addi %scan3A_26, %scan3A_27 : i32
      %scan3A_29 = arith.constant 1 : i32
      %scan3A_30 = scf.for %scan3A_52 = %scan3A_26 to %scan3A_28 step %scan3A_29 iter_args(%scan3A_53 = %scan3A_25) -> (i32)  : i32 {
        %mul3A_54 = arith.constant 32 : i32
        %mul3A_55 = arith.muli %scan3A_52, %mul3A_54 : i32
        %add3A_56 = arith.addi %multiple_of3A, %mul3A_55 : i32
        %dma_start3A = arith.constant 0 : i32
        %dma_start3A_57 = tpu.memref_slice %arg18[%add3A_56, %dma_start3A] : memref<10304x128xf32, #tpu.memory_space<vmem_shared>> -> memref<32x128xf32, #tpu.memory_space<vmem_shared>>
        %dma_start3A_58 = arith.constant 0 : i32
        %dma_start3A_59 = tpu.memref_slice %arg18[%add3A_56, %dma_start3A_58] : memref<10304x128xf32, #tpu.memory_space<vmem_shared>> -> memref<32x128xf32, #tpu.memory_space<vmem_shared>>
        tpu.enqueue_dma source(%arg17 : memref<32x128xf32, #tpu.memory_space<vmem>>) target(%dma_start3A_59 : memref<32x128xf32, #tpu.memory_space<vmem_shared>>) target_semaphore(%arg23 : memref<!tpu.dma_semaphore, #tpu.memory_space<semaphore_mem>>)
        %scan3A_60 = arith.constant 0 : i32
        scf.yield %scan3A_60 : i32
      }
      %scan3A_31 = arith.constant 20 : i32
      %scan3A_32 = arith.constant 0 : i32
      %scan3A_33 = arith.constant 0 : i32
      %scan3A_34 = arith.constant 20 : i32
      %scan3A_35 = arith.addi %scan3A_33, %scan3A_34 : i32
      %scan3A_36 = arith.constant 1 : i32
      %scan3A_37 = scf.for %scan3A_52 = %scan3A_33 to %scan3A_35 step %scan3A_36 iter_args(%scan3A_53 = %scan3A_32) -> (i32)  : i32 {
        %dma_wait3A = arith.constant 0 : i32
        %dma_wait3A_54 = tpu.memref_slice %arg18[%multiple_of3A, %dma_wait3A] : memref<10304x128xf32, #tpu.memory_space<vmem_shared>> -> memref<32x128xf32, #tpu.memory_space<vmem_shared>>
        %dma_wait3A_55 = arith.constant 0 : i32
        %dma_wait3A_56 = tpu.memref_slice %arg18[%multiple_of3A, %dma_wait3A_55] : memref<10304x128xf32, #tpu.memory_space<vmem_shared>> -> memref<32x128xf32, #tpu.memory_space<vmem_shared>>
        tpu.wait_dma2 semaphore(%arg23 : memref<!tpu.dma_semaphore, #tpu.memory_space<semaphore_mem>>) src(%arg17 : memref<32x128xf32, #tpu.memory_space<vmem>>) dst(%dma_wait3A_56 : memref<32x128xf32, #tpu.memory_space<vmem_shared>>)
        %scan3A_57 = arith.constant 0 : i32
        scf.yield %scan3A_57 : i32
      }
      %scan3A_38 = arith.constant 20 : i32
      %barrier3A = arith.constant 0 : index
      tpu.barrier barrier_id(%barrier3A)
      %scan3A_39 = arith.constant 0 : i32
      %scan3A_40 = arith.constant 0 : i32
      %scan3A_41 = arith.constant 5 : i32
      %scan3A_42 = arith.addi %scan3A_40, %scan3A_41 : i32
      %scan3A_43 = arith.constant 1 : i32
      %scan3A_44 = scf.for %scan3A_52 = %scan3A_40 to %scan3A_42 step %scan3A_43 iter_args(%scan3A_53 = %scan3A_39) -> (i32)  : i32 {
        %mul3A_54 = arith.constant 50000 : i32
        %mul3A_55 = arith.muli %arg1, %mul3A_54 : i32
        %mul3A_56 = arith.constant 10000 : i32
        %mul3A_57 = arith.muli %scan3A_52, %mul3A_56 : i32
        %add3A_58 = arith.addi %mul3A_55, %mul3A_57 : i32
        %multiple_of3A_59 = tpu.assume_multiple %add3A_58, 8 : i32
        %dma_start3A = tpu.memref_slice %arg3[%multiple_of3A_59] : memref<800000xi32, #tpu.memory_space<hbm>> -> memref<2000xi32, #tpu.memory_space<hbm>>
        %dma_start3A_60 = tpu.memref_slice %arg3[%multiple_of3A_59] : memref<800000xi32, #tpu.memory_space<hbm>> -> memref<2000xi32, #tpu.memory_space<hbm>>
        tpu.enqueue_dma source(%dma_start3A_60 : memref<2000xi32, #tpu.memory_space<hbm>>) target(%arg7 : memref<2000xi32, #tpu.memory_space<vmem>>) target_semaphore(%arg19 : memref<!tpu.dma_semaphore, #tpu.memory_space<semaphore_mem>>)
        %dma_start3A_61 = tpu.memref_slice %arg4[%multiple_of3A_59] : memref<800000xi32, #tpu.memory_space<hbm>> -> memref<2000xi32, #tpu.memory_space<hbm>>
        %dma_start3A_62 = tpu.memref_slice %arg4[%multiple_of3A_59] : memref<800000xi32, #tpu.memory_space<hbm>> -> memref<2000xi32, #tpu.memory_space<hbm>>
        tpu.enqueue_dma source(%dma_start3A_62 : memref<2000xi32, #tpu.memory_space<hbm>>) target(%arg8 : memref<2000xi32, #tpu.memory_space<vmem>>) target_semaphore(%arg19 : memref<!tpu.dma_semaphore, #tpu.memory_space<semaphore_mem>>)
        %dma_wait3A = tpu.memref_slice %arg3[%multiple_of3A_59] : memref<800000xi32, #tpu.memory_space<hbm>> -> memref<2000xi32, #tpu.memory_space<hbm>>
        %dma_wait3A_63 = tpu.memref_slice %arg3[%multiple_of3A_59] : memref<800000xi32, #tpu.memory_space<hbm>> -> memref<2000xi32, #tpu.memory_space<hbm>>
        tpu.wait_dma2 semaphore(%arg19 : memref<!tpu.dma_semaphore, #tpu.memory_space<semaphore_mem>>) src(%dma_wait3A_63 : memref<2000xi32, #tpu.memory_space<hbm>>) dst(%arg7 : memref<2000xi32, #tpu.memory_space<vmem>>)
        %dma_wait3A_64 = tpu.memref_slice %arg4[%multiple_of3A_59] : memref<800000xi32, #tpu.memory_space<hbm>> -> memref<2000xi32, #tpu.memory_space<hbm>>
        %dma_wait3A_65 = tpu.memref_slice %arg4[%multiple_of3A_59] : memref<800000xi32, #tpu.memory_space<hbm>> -> memref<2000xi32, #tpu.memory_space<hbm>>
        tpu.wait_dma2 semaphore(%arg19 : memref<!tpu.dma_semaphore, #tpu.memory_space<semaphore_mem>>) src(%dma_wait3A_65 : memref<2000xi32, #tpu.memory_space<hbm>>) dst(%arg8 : memref<2000xi32, #tpu.memory_space<vmem>>)
        %add3A_66 = arith.constant 2000 : i32
        %add3A_67 = arith.addi %multiple_of3A_59, %add3A_66 : i32
        %multiple_of3A_68 = tpu.assume_multiple %add3A_67, 8 : i32
        %dma_start3A_69 = tpu.memref_slice %arg3[%multiple_of3A_68] : memref<800000xi32, #tpu.memory_space<hbm>> -> memref<2000xi32, #tpu.memory_space<hbm>>
        %dma_start3A_70 = tpu.memref_slice %arg3[%multiple_of3A_68] : memref<800000xi32, #tpu.memory_space<hbm>> -> memref<2000xi32, #tpu.memory_space<hbm>>
        tpu.enqueue_dma source(%dma_start3A_70 : memref<2000xi32, #tpu.memory_space<hbm>>) target(%arg9 : memref<2000xi32, #tpu.memory_space<vmem>>) target_semaphore(%arg20 : memref<!tpu.dma_semaphore, #tpu.memory_space<semaphore_mem>>)
        %dma_start3A_71 = tpu.memref_slice %arg4[%multiple_of3A_68] : memref<800000xi32, #tpu.memory_space<hbm>> -> memref<2000xi32, #tpu.memory_space<hbm>>
        %dma_start3A_72 = tpu.memref_slice %arg4[%multiple_of3A_68] : memref<800000xi32, #tpu.memory_space<hbm>> -> memref<2000xi32, #tpu.memory_space<hbm>>
        tpu.enqueue_dma source(%dma_start3A_72 : memref<2000xi32, #tpu.memory_space<hbm>>) target(%arg10 : memref<2000xi32, #tpu.memory_space<vmem>>) target_semaphore(%arg20 : memref<!tpu.dma_semaphore, #tpu.memory_space<semaphore_mem>>)
        %scan3A_73 = arith.constant 0 : i32
        %scan3A_74 = arith.constant 0 : i32
        %scan3A_75 = arith.constant 125 : i32
        %scan3A_76 = arith.addi %scan3A_74, %scan3A_75 : i32
        %scan3A_77 = arith.constant 1 : i32
        %scan3A_78 = scf.for %scan3A_217 = %scan3A_74 to %scan3A_76 step %scan3A_77 iter_args(%scan3A_218 = %scan3A_73) -> (i32)  : i32 {
          %mul3A_219 = arith.constant 16 : i32
          %mul3A_220 = arith.muli %scan3A_217, %mul3A_219 : i32
          %get3A = arith.index_cast %mul3A_220 : i32 to index
          %get3A_221 = tpu.vector_load %arg7[%get3A] {strides = array<i32>} : memref<2000xi32, #tpu.memory_space<vmem>>, vector<16xi32>,
          %mul3A_222 = arith.constant 16 : i32
          %mul3A_223 = arith.muli %scan3A_217, %mul3A_222 : i32
          %get3A_224 = arith.index_cast %mul3A_223 : i32 to index
          %get3A_225 = tpu.vector_load %arg8[%get3A_224] {strides = array<i32>} : memref<2000xi32, #tpu.memory_space<vmem>>, vector<16xi32>,
          %ge3A = vector.broadcast %mul3A_22 : i32 to vector<16xi32>
          %ge3A_226 = arith.cmpi sge, %get3A_225, %ge3A : vector<16xi32>
          %add3A_227 = arith.constant 10240 : i32
          %add3A_228 = arith.addi %mul3A_22, %add3A_227 : i32
          %lt3A = vector.broadcast %add3A_228 : i32 to vector<16xi32>
          %lt3A_229 = arith.cmpi slt, %get3A_225, %lt3A : vector<16xi32>
          %and3A_230 = arith.andi %ge3A_226, %lt3A_229 : vector<16xi1>
          %sub3A_231 = vector.broadcast %mul3A_22 : i32 to vector<16xi32>
          %sub3A_232 = arith.subi %get3A_225, %sub3A_231 : vector<16xi32>
          %shift_left3A = arith.constant 15 : i32
          %shift_left3A_233 = vector.broadcast %shift_left3A : i32 to vector<16xi32>
          %shift_left3A_234 = arith.shli %get3A_221, %shift_left3A_233 : vector<16xi32>
          %or3A = arith.ori %shift_left3A_234, %sub3A_232 : vector<16xi32>
          %convert_element_type3A_235 = arith.extui %and3A_230 : vector<16xi1> to vector<16xi32>
          %broadcast_in_dim3A_236 = arith.constant true
          %broadcast_in_dim3A_237 = vector.broadcast %broadcast_in_dim3A_236 : i1 to vector<16xi1>
          %masked_cumsum3A = tpu.scan <sum>, %convert_element_type3A_235 masked %broadcast_in_dim3A_237 : vector<16xi32>, vector<16xi1> -> vector<16xi32>
          %add3A_238 = vector.broadcast %scan3A_218 : i32 to vector<16xi32>
          %add3A_239 = arith.addi %add3A_238, %masked_cumsum3A : vector<16xi32>
          %sub3A_240 = arith.subi %add3A_239, %convert_element_type3A_235 : vector<16xi32>
          tpu.vector_store_idx %arg6[%sub3A_240], %or3A masked %and3A_230 : memref<10176xi32, #tpu.memory_space<vmem>>[vector<16xi32>], vector<16xi32>, vector<16xi1>
          %reduce_sum3A = arith.constant true
          %reduce_sum3A_241 = vector.broadcast %reduce_sum3A : i1 to vector<16xi1>
          %reduce_sum3A_242 = tpu.scan <sum>, %convert_element_type3A_235 masked %reduce_sum3A_241 : vector<16xi32>, vector<16xi1> -> vector<16xi32>
          %reduce_sum3A_243 = vector.extract %reduce_sum3A_242[15] : i32 from vector<16xi32>
          %add3A_244 = arith.addi %scan3A_218, %reduce_sum3A_243 : i32
          scf.yield %add3A_244 : i32
        }
        %scan3A_79 = arith.constant 125 : i32
        %dma_wait3A_80 = tpu.memref_slice %arg3[%multiple_of3A_68] : memref<800000xi32, #tpu.memory_space<hbm>> -> memref<2000xi32, #tpu.memory_space<hbm>>
        %dma_wait3A_81 = tpu.memref_slice %arg3[%multiple_of3A_68] : memref<800000xi32, #tpu.memory_space<hbm>> -> memref<2000xi32, #tpu.memory_space<hbm>>
        tpu.wait_dma2 semaphore(%arg20 : memref<!tpu.dma_semaphore, #tpu.memory_space<semaphore_mem>>) src(%dma_wait3A_81 : memref<2000xi32, #tpu.memory_space<hbm>>) dst(%arg9 : memref<2000xi32, #tpu.memory_space<vmem>>)
        %dma_wait3A_82 = tpu.memref_slice %arg4[%multiple_of3A_68] : memref<800000xi32, #tpu.memory_space<hbm>> -> memref<2000xi32, #tpu.memory_space<hbm>>
        %dma_wait3A_83 = tpu.memref_slice %arg4[%multiple_of3A_68] : memref<800000xi32, #tpu.memory_space<hbm>> -> memref<2000xi32, #tpu.memory_space<hbm>>
        tpu.wait_dma2 semaphore(%arg20 : memref<!tpu.dma_semaphore, #tpu.memory_space<semaphore_mem>>) src(%dma_wait3A_83 : memref<2000xi32, #tpu.memory_space<hbm>>) dst(%arg10 : memref<2000xi32, #tpu.memory_space<vmem>>)
        %add3A_84 = arith.constant 4000 : i32
        %add3A_85 = arith.addi %multiple_of3A_59, %add3A_84 : i32
        %multiple_of3A_86 = tpu.assume_multiple %add3A_85, 8 : i32
        %dma_start3A_87 = tpu.memref_slice %arg3[%multiple_of3A_86] : memref<800000xi32, #tpu.memory_space<hbm>> -> memref<2000xi32, #tpu.memory_space<hbm>>
        %dma_start3A_88 = tpu.memref_slice %arg3[%multiple_of3A_86] : memref<800000xi32, #tpu.memory_space<hbm>> -> memref<2000xi32, #tpu.memory_space<hbm>>
        tpu.enqueue_dma source(%dma_start3A_88 : memref<2000xi32, #tpu.memory_space<hbm>>) target(%arg7 : memref<2000xi32, #tpu.memory_space<vmem>>) target_semaphore(%arg19 : memref<!tpu.dma_semaphore, #tpu.memory_space<semaphore_mem>>)
        %dma_start3A_89 = tpu.memref_slice %arg4[%multiple_of3A_86] : memref<800000xi32, #tpu.memory_space<hbm>> -> memref<2000xi32, #tpu.memory_space<hbm>>
        %dma_start3A_90 = tpu.memref_slice %arg4[%multiple_of3A_86] : memref<800000xi32, #tpu.memory_space<hbm>> -> memref<2000xi32, #tpu.memory_space<hbm>>
        tpu.enqueue_dma source(%dma_start3A_90 : memref<2000xi32, #tpu.memory_space<hbm>>) target(%arg8 : memref<2000xi32, #tpu.memory_space<vmem>>) target_semaphore(%arg19 : memref<!tpu.dma_semaphore, #tpu.memory_space<semaphore_mem>>)
        %scan3A_91 = arith.constant 0 : i32
        %scan3A_92 = arith.constant 125 : i32
        %scan3A_93 = arith.addi %scan3A_91, %scan3A_92 : i32
        %scan3A_94 = arith.constant 1 : i32
        %scan3A_95 = scf.for %scan3A_217 = %scan3A_91 to %scan3A_93 step %scan3A_94 iter_args(%scan3A_218 = %scan3A_78) -> (i32)  : i32 {
          %mul3A_219 = arith.constant 16 : i32
          %mul3A_220 = arith.muli %scan3A_217, %mul3A_219 : i32
          %get3A = arith.index_cast %mul3A_220 : i32 to index
          %get3A_221 = tpu.vector_load %arg9[%get3A] {strides = array<i32>} : memref<2000xi32, #tpu.memory_space<vmem>>, vector<16xi32>,
          %mul3A_222 = arith.constant 16 : i32
          %mul3A_223 = arith.muli %scan3A_217, %mul3A_222 : i32
          %get3A_224 = arith.index_cast %mul3A_223 : i32 to index
          %get3A_225 = tpu.vector_load %arg10[%get3A_224] {strides = array<i32>} : memref<2000xi32, #tpu.memory_space<vmem>>, vector<16xi32>,
          %ge3A = vector.broadcast %mul3A_22 : i32 to vector<16xi32>
          %ge3A_226 = arith.cmpi sge, %get3A_225, %ge3A : vector<16xi32>
          %add3A_227 = arith.constant 10240 : i32
          %add3A_228 = arith.addi %mul3A_22, %add3A_227 : i32
          %lt3A = vector.broadcast %add3A_228 : i32 to vector<16xi32>
          %lt3A_229 = arith.cmpi slt, %get3A_225, %lt3A : vector<16xi32>
          %and3A_230 = arith.andi %ge3A_226, %lt3A_229 : vector<16xi1>
          %sub3A_231 = vector.broadcast %mul3A_22 : i32 to vector<16xi32>
          %sub3A_232 = arith.subi %get3A_225, %sub3A_231 : vector<16xi32>
          %shift_left3A = arith.constant 15 : i32
          %shift_left3A_233 = vector.broadcast %shift_left3A : i32 to vector<16xi32>
          %shift_left3A_234 = arith.shli %get3A_221, %shift_left3A_233 : vector<16xi32>
          %or3A = arith.ori %shift_left3A_234, %sub3A_232 : vector<16xi32>
          %convert_element_type3A_235 = arith.extui %and3A_230 : vector<16xi1> to vector<16xi32>
          %broadcast_in_dim3A_236 = arith.constant true
          %broadcast_in_dim3A_237 = vector.broadcast %broadcast_in_dim3A_236 : i1 to vector<16xi1>
          %masked_cumsum3A = tpu.scan <sum>, %convert_element_type3A_235 masked %broadcast_in_dim3A_237 : vector<16xi32>, vector<16xi1> -> vector<16xi32>
          %add3A_238 = vector.broadcast %scan3A_218 : i32 to vector<16xi32>
          %add3A_239 = arith.addi %add3A_238, %masked_cumsum3A : vector<16xi32>
          %sub3A_240 = arith.subi %add3A_239, %convert_element_type3A_235 : vector<16xi32>
          tpu.vector_store_idx %arg6[%sub3A_240], %or3A masked %and3A_230 : memref<10176xi32, #tpu.memory_space<vmem>>[vector<16xi32>], vector<16xi32>, vector<16xi1>
          %reduce_sum3A = arith.constant true
          %reduce_sum3A_241 = vector.broadcast %reduce_sum3A : i1 to vector<16xi1>
          %reduce_sum3A_242 = tpu.scan <sum>, %convert_element_type3A_235 masked %reduce_sum3A_241 : vector<16xi32>, vector<16xi1> -> vector<16xi32>
          %reduce_sum3A_243 = vector.extract %reduce_sum3A_242[15] : i32 from vector<16xi32>
          %add3A_244 = arith.addi %scan3A_218, %reduce_sum3A_243 : i32
          scf.yield %add3A_244 : i32
        }
        %scan3A_96 = arith.constant 125 : i32
        %dma_wait3A_97 = tpu.memref_slice %arg3[%multiple_of3A_86] : memref<800000xi32, #tpu.memory_space<hbm>> -> memref<2000xi32, #tpu.memory_space<hbm>>
        %dma_wait3A_98 = tpu.memref_slice %arg3[%multiple_of3A_86] : memref<800000xi32, #tpu.memory_space<hbm>> -> memref<2000xi32, #tpu.memory_space<hbm>>
        tpu.wait_dma2 semaphore(%arg19 : memref<!tpu.dma_semaphore, #tpu.memory_space<semaphore_mem>>) src(%dma_wait3A_98 : memref<2000xi32, #tpu.memory_space<hbm>>) dst(%arg7 : memref<2000xi32, #tpu.memory_space<vmem>>)
        %dma_wait3A_99 = tpu.memref_slice %arg4[%multiple_of3A_86] : memref<800000xi32, #tpu.memory_space<hbm>> -> memref<2000xi32, #tpu.memory_space<hbm>>
        %dma_wait3A_100 = tpu.memref_slice %arg4[%multiple_of3A_86] : memref<800000xi32, #tpu.memory_space<hbm>> -> memref<2000xi32, #tpu.memory_space<hbm>>
        tpu.wait_dma2 semaphore(%arg19 : memref<!tpu.dma_semaphore, #tpu.memory_space<semaphore_mem>>) src(%dma_wait3A_100 : memref<2000xi32, #tpu.memory_space<hbm>>) dst(%arg8 : memref<2000xi32, #tpu.memory_space<vmem>>)
        %add3A_101 = arith.constant 6000 : i32
        %add3A_102 = arith.addi %multiple_of3A_59, %add3A_101 : i32
        %multiple_of3A_103 = tpu.assume_multiple %add3A_102, 8 : i32
        %dma_start3A_104 = tpu.memref_slice %arg3[%multiple_of3A_103] : memref<800000xi32, #tpu.memory_space<hbm>> -> memref<2000xi32, #tpu.memory_space<hbm>>
        %dma_start3A_105 = tpu.memref_slice %arg3[%multiple_of3A_103] : memref<800000xi32, #tpu.memory_space<hbm>> -> memref<2000xi32, #tpu.memory_space<hbm>>
        tpu.enqueue_dma source(%dma_start3A_105 : memref<2000xi32, #tpu.memory_space<hbm>>) target(%arg9 : memref<2000xi32, #tpu.memory_space<vmem>>) target_semaphore(%arg20 : memref<!tpu.dma_semaphore, #tpu.memory_space<semaphore_mem>>)
        %dma_start3A_106 = tpu.memref_slice %arg4[%multiple_of3A_103] : memref<800000xi32, #tpu.memory_space<hbm>> -> memref<2000xi32, #tpu.memory_space<hbm>>
        %dma_start3A_107 = tpu.memref_slice %arg4[%multiple_of3A_103] : memref<800000xi32, #tpu.memory_space<hbm>> -> memref<2000xi32, #tpu.memory_space<hbm>>
        tpu.enqueue_dma source(%dma_start3A_107 : memref<2000xi32, #tpu.memory_space<hbm>>) target(%arg10 : memref<2000xi32, #tpu.memory_space<vmem>>) target_semaphore(%arg20 : memref<!tpu.dma_semaphore, #tpu.memory_space<semaphore_mem>>)
        %scan3A_108 = arith.constant 0 : i32
        %scan3A_109 = arith.constant 125 : i32
        %scan3A_110 = arith.addi %scan3A_108, %scan3A_109 : i32
        %scan3A_111 = arith.constant 1 : i32
        %scan3A_112 = scf.for %scan3A_217 = %scan3A_108 to %scan3A_110 step %scan3A_111 iter_args(%scan3A_218 = %scan3A_95) -> (i32)  : i32 {
          %mul3A_219 = arith.constant 16 : i32
          %mul3A_220 = arith.muli %scan3A_217, %mul3A_219 : i32
          %get3A = arith.index_cast %mul3A_220 : i32 to index
          %get3A_221 = tpu.vector_load %arg7[%get3A] {strides = array<i32>} : memref<2000xi32, #tpu.memory_space<vmem>>, vector<16xi32>,
          %mul3A_222 = arith.constant 16 : i32
          %mul3A_223 = arith.muli %scan3A_217, %mul3A_222 : i32
          %get3A_224 = arith.index_cast %mul3A_223 : i32 to index
          %get3A_225 = tpu.vector_load %arg8[%get3A_224] {strides = array<i32>} : memref<2000xi32, #tpu.memory_space<vmem>>, vector<16xi32>,
          %ge3A = vector.broadcast %mul3A_22 : i32 to vector<16xi32>
          %ge3A_226 = arith.cmpi sge, %get3A_225, %ge3A : vector<16xi32>
          %add3A_227 = arith.constant 10240 : i32
          %add3A_228 = arith.addi %mul3A_22, %add3A_227 : i32
          %lt3A = vector.broadcast %add3A_228 : i32 to vector<16xi32>
          %lt3A_229 = arith.cmpi slt, %get3A_225, %lt3A : vector<16xi32>
          %and3A_230 = arith.andi %ge3A_226, %lt3A_229 : vector<16xi1>
          %sub3A_231 = vector.broadcast %mul3A_22 : i32 to vector<16xi32>
          %sub3A_232 = arith.subi %get3A_225, %sub3A_231 : vector<16xi32>
          %shift_left3A = arith.constant 15 : i32
          %shift_left3A_233 = vector.broadcast %shift_left3A : i32 to vector<16xi32>
          %shift_left3A_234 = arith.shli %get3A_221, %shift_left3A_233 : vector<16xi32>
          %or3A = arith.ori %shift_left3A_234, %sub3A_232 : vector<16xi32>
          %convert_element_type3A_235 = arith.extui %and3A_230 : vector<16xi1> to vector<16xi32>
          %broadcast_in_dim3A_236 = arith.constant true
          %broadcast_in_dim3A_237 = vector.broadcast %broadcast_in_dim3A_236 : i1 to vector<16xi1>
          %masked_cumsum3A = tpu.scan <sum>, %convert_element_type3A_235 masked %broadcast_in_dim3A_237 : vector<16xi32>, vector<16xi1> -> vector<16xi32>
          %add3A_238 = vector.broadcast %scan3A_218 : i32 to vector<16xi32>
          %add3A_239 = arith.addi %add3A_238, %masked_cumsum3A : vector<16xi32>
          %sub3A_240 = arith.subi %add3A_239, %convert_element_type3A_235 : vector<16xi32>
          tpu.vector_store_idx %arg6[%sub3A_240], %or3A masked %and3A_230 : memref<10176xi32, #tpu.memory_space<vmem>>[vector<16xi32>], vector<16xi32>, vector<16xi1>
          %reduce_sum3A = arith.constant true
          %reduce_sum3A_241 = vector.broadcast %reduce_sum3A : i1 to vector<16xi1>
          %reduce_sum3A_242 = tpu.scan <sum>, %convert_element_type3A_235 masked %reduce_sum3A_241 : vector<16xi32>, vector<16xi1> -> vector<16xi32>
          %reduce_sum3A_243 = vector.extract %reduce_sum3A_242[15] : i32 from vector<16xi32>
          %add3A_244 = arith.addi %scan3A_218, %reduce_sum3A_243 : i32
          scf.yield %add3A_244 : i32
        }
        %scan3A_113 = arith.constant 125 : i32
        %dma_wait3A_114 = tpu.memref_slice %arg3[%multiple_of3A_103] : memref<800000xi32, #tpu.memory_space<hbm>> -> memref<2000xi32, #tpu.memory_space<hbm>>
        %dma_wait3A_115 = tpu.memref_slice %arg3[%multiple_of3A_103] : memref<800000xi32, #tpu.memory_space<hbm>> -> memref<2000xi32, #tpu.memory_space<hbm>>
        tpu.wait_dma2 semaphore(%arg20 : memref<!tpu.dma_semaphore, #tpu.memory_space<semaphore_mem>>) src(%dma_wait3A_115 : memref<2000xi32, #tpu.memory_space<hbm>>) dst(%arg9 : memref<2000xi32, #tpu.memory_space<vmem>>)
        %dma_wait3A_116 = tpu.memref_slice %arg4[%multiple_of3A_103] : memref<800000xi32, #tpu.memory_space<hbm>> -> memref<2000xi32, #tpu.memory_space<hbm>>
        %dma_wait3A_117 = tpu.memref_slice %arg4[%multiple_of3A_103] : memref<800000xi32, #tpu.memory_space<hbm>> -> memref<2000xi32, #tpu.memory_space<hbm>>
        tpu.wait_dma2 semaphore(%arg20 : memref<!tpu.dma_semaphore, #tpu.memory_space<semaphore_mem>>) src(%dma_wait3A_117 : memref<2000xi32, #tpu.memory_space<hbm>>) dst(%arg10 : memref<2000xi32, #tpu.memory_space<vmem>>)
        %add3A_118 = arith.constant 8000 : i32
        %add3A_119 = arith.addi %multiple_of3A_59, %add3A_118 : i32
        %multiple_of3A_120 = tpu.assume_multiple %add3A_119, 8 : i32
        %dma_start3A_121 = tpu.memref_slice %arg3[%multiple_of3A_120] : memref<800000xi32, #tpu.memory_space<hbm>> -> memref<2000xi32, #tpu.memory_space<hbm>>
        %dma_start3A_122 = tpu.memref_slice %arg3[%multiple_of3A_120] : memref<800000xi32, #tpu.memory_space<hbm>> -> memref<2000xi32, #tpu.memory_space<hbm>>
        tpu.enqueue_dma source(%dma_start3A_122 : memref<2000xi32, #tpu.memory_space<hbm>>) target(%arg7 : memref<2000xi32, #tpu.memory_space<vmem>>) target_semaphore(%arg19 : memref<!tpu.dma_semaphore, #tpu.memory_space<semaphore_mem>>)
        %dma_start3A_123 = tpu.memref_slice %arg4[%multiple_of3A_120] : memref<800000xi32, #tpu.memory_space<hbm>> -> memref<2000xi32, #tpu.memory_space<hbm>>
        %dma_start3A_124 = tpu.memref_slice %arg4[%multiple_of3A_120] : memref<800000xi32, #tpu.memory_space<hbm>> -> memref<2000xi32, #tpu.memory_space<hbm>>
        tpu.enqueue_dma source(%dma_start3A_124 : memref<2000xi32, #tpu.memory_space<hbm>>) target(%arg8 : memref<2000xi32, #tpu.memory_space<vmem>>) target_semaphore(%arg19 : memref<!tpu.dma_semaphore, #tpu.memory_space<semaphore_mem>>)
        %scan3A_125 = arith.constant 0 : i32
        %scan3A_126 = arith.constant 125 : i32
        %scan3A_127 = arith.addi %scan3A_125, %scan3A_126 : i32
        %scan3A_128 = arith.constant 1 : i32
        %scan3A_129 = scf.for %scan3A_217 = %scan3A_125 to %scan3A_127 step %scan3A_128 iter_args(%scan3A_218 = %scan3A_112) -> (i32)  : i32 {
          %mul3A_219 = arith.constant 16 : i32
          %mul3A_220 = arith.muli %scan3A_217, %mul3A_219 : i32
          %get3A = arith.index_cast %mul3A_220 : i32 to index
          %get3A_221 = tpu.vector_load %arg9[%get3A] {strides = array<i32>} : memref<2000xi32, #tpu.memory_space<vmem>>, vector<16xi32>,
          %mul3A_222 = arith.constant 16 : i32
          %mul3A_223 = arith.muli %scan3A_217, %mul3A_222 : i32
          %get3A_224 = arith.index_cast %mul3A_223 : i32 to index
          %get3A_225 = tpu.vector_load %arg10[%get3A_224] {strides = array<i32>} : memref<2000xi32, #tpu.memory_space<vmem>>, vector<16xi32>,
          %ge3A = vector.broadcast %mul3A_22 : i32 to vector<16xi32>
          %ge3A_226 = arith.cmpi sge, %get3A_225, %ge3A : vector<16xi32>
          %add3A_227 = arith.constant 10240 : i32
          %add3A_228 = arith.addi %mul3A_22, %add3A_227 : i32
          %lt3A = vector.broadcast %add3A_228 : i32 to vector<16xi32>
          %lt3A_229 = arith.cmpi slt, %get3A_225, %lt3A : vector<16xi32>
          %and3A_230 = arith.andi %ge3A_226, %lt3A_229 : vector<16xi1>
          %sub3A_231 = vector.broadcast %mul3A_22 : i32 to vector<16xi32>
          %sub3A_232 = arith.subi %get3A_225, %sub3A_231 : vector<16xi32>
          %shift_left3A = arith.constant 15 : i32
          %shift_left3A_233 = vector.broadcast %shift_left3A : i32 to vector<16xi32>
          %shift_left3A_234 = arith.shli %get3A_221, %shift_left3A_233 : vector<16xi32>
          %or3A = arith.ori %shift_left3A_234, %sub3A_232 : vector<16xi32>
          %convert_element_type3A_235 = arith.extui %and3A_230 : vector<16xi1> to vector<16xi32>
          %broadcast_in_dim3A_236 = arith.constant true
          %broadcast_in_dim3A_237 = vector.broadcast %broadcast_in_dim3A_236 : i1 to vector<16xi1>
          %masked_cumsum3A = tpu.scan <sum>, %convert_element_type3A_235 masked %broadcast_in_dim3A_237 : vector<16xi32>, vector<16xi1> -> vector<16xi32>
          %add3A_238 = vector.broadcast %scan3A_218 : i32 to vector<16xi32>
          %add3A_239 = arith.addi %add3A_238, %masked_cumsum3A : vector<16xi32>
          %sub3A_240 = arith.subi %add3A_239, %convert_element_type3A_235 : vector<16xi32>
          tpu.vector_store_idx %arg6[%sub3A_240], %or3A masked %and3A_230 : memref<10176xi32, #tpu.memory_space<vmem>>[vector<16xi32>], vector<16xi32>, vector<16xi1>
          %reduce_sum3A = arith.constant true
          %reduce_sum3A_241 = vector.broadcast %reduce_sum3A : i1 to vector<16xi1>
          %reduce_sum3A_242 = tpu.scan <sum>, %convert_element_type3A_235 masked %reduce_sum3A_241 : vector<16xi32>, vector<16xi1> -> vector<16xi32>
          %reduce_sum3A_243 = vector.extract %reduce_sum3A_242[15] : i32 from vector<16xi32>
          %add3A_244 = arith.addi %scan3A_218, %reduce_sum3A_243 : i32
          scf.yield %add3A_244 : i32
        }
        %scan3A_130 = arith.constant 125 : i32
        %dma_wait3A_131 = tpu.memref_slice %arg3[%multiple_of3A_120] : memref<800000xi32, #tpu.memory_space<hbm>> -> memref<2000xi32, #tpu.memory_space<hbm>>
        %dma_wait3A_132 = tpu.memref_slice %arg3[%multiple_of3A_120] : memref<800000xi32, #tpu.memory_space<hbm>> -> memref<2000xi32, #tpu.memory_space<hbm>>
        tpu.wait_dma2 semaphore(%arg19 : memref<!tpu.dma_semaphore, #tpu.memory_space<semaphore_mem>>) src(%dma_wait3A_132 : memref<2000xi32, #tpu.memory_space<hbm>>) dst(%arg7 : memref<2000xi32, #tpu.memory_space<vmem>>)
        %dma_wait3A_133 = tpu.memref_slice %arg4[%multiple_of3A_120] : memref<800000xi32, #tpu.memory_space<hbm>> -> memref<2000xi32, #tpu.memory_space<hbm>>
        %dma_wait3A_134 = tpu.memref_slice %arg4[%multiple_of3A_120] : memref<800000xi32, #tpu.memory_space<hbm>> -> memref<2000xi32, #tpu.memory_space<hbm>>
        tpu.wait_dma2 semaphore(%arg19 : memref<!tpu.dma_semaphore, #tpu.memory_space<semaphore_mem>>) src(%dma_wait3A_134 : memref<2000xi32, #tpu.memory_space<hbm>>) dst(%arg8 : memref<2000xi32, #tpu.memory_space<vmem>>)
        %scan3A_135 = arith.constant 0 : i32
        %scan3A_136 = arith.constant 125 : i32
        %scan3A_137 = arith.addi %scan3A_135, %scan3A_136 : i32
        %scan3A_138 = arith.constant 1 : i32
        %scan3A_139 = scf.for %scan3A_217 = %scan3A_135 to %scan3A_137 step %scan3A_138 iter_args(%scan3A_218 = %scan3A_129) -> (i32)  : i32 {
          %mul3A_219 = arith.constant 16 : i32
          %mul3A_220 = arith.muli %scan3A_217, %mul3A_219 : i32
          %get3A = arith.index_cast %mul3A_220 : i32 to index
          %get3A_221 = tpu.vector_load %arg7[%get3A] {strides = array<i32>} : memref<2000xi32, #tpu.memory_space<vmem>>, vector<16xi32>,
          %mul3A_222 = arith.constant 16 : i32
          %mul3A_223 = arith.muli %scan3A_217, %mul3A_222 : i32
          %get3A_224 = arith.index_cast %mul3A_223 : i32 to index
          %get3A_225 = tpu.vector_load %arg8[%get3A_224] {strides = array<i32>} : memref<2000xi32, #tpu.memory_space<vmem>>, vector<16xi32>,
          %ge3A = vector.broadcast %mul3A_22 : i32 to vector<16xi32>
          %ge3A_226 = arith.cmpi sge, %get3A_225, %ge3A : vector<16xi32>
          %add3A_227 = arith.constant 10240 : i32
          %add3A_228 = arith.addi %mul3A_22, %add3A_227 : i32
          %lt3A = vector.broadcast %add3A_228 : i32 to vector<16xi32>
          %lt3A_229 = arith.cmpi slt, %get3A_225, %lt3A : vector<16xi32>
          %and3A_230 = arith.andi %ge3A_226, %lt3A_229 : vector<16xi1>
          %sub3A_231 = vector.broadcast %mul3A_22 : i32 to vector<16xi32>
          %sub3A_232 = arith.subi %get3A_225, %sub3A_231 : vector<16xi32>
          %shift_left3A = arith.constant 15 : i32
          %shift_left3A_233 = vector.broadcast %shift_left3A : i32 to vector<16xi32>
          %shift_left3A_234 = arith.shli %get3A_221, %shift_left3A_233 : vector<16xi32>
          %or3A = arith.ori %shift_left3A_234, %sub3A_232 : vector<16xi32>
          %convert_element_type3A_235 = arith.extui %and3A_230 : vector<16xi1> to vector<16xi32>
          %broadcast_in_dim3A_236 = arith.constant true
          %broadcast_in_dim3A_237 = vector.broadcast %broadcast_in_dim3A_236 : i1 to vector<16xi1>
          %masked_cumsum3A = tpu.scan <sum>, %convert_element_type3A_235 masked %broadcast_in_dim3A_237 : vector<16xi32>, vector<16xi1> -> vector<16xi32>
          %add3A_238 = vector.broadcast %scan3A_218 : i32 to vector<16xi32>
          %add3A_239 = arith.addi %add3A_238, %masked_cumsum3A : vector<16xi32>
          %sub3A_240 = arith.subi %add3A_239, %convert_element_type3A_235 : vector<16xi32>
          tpu.vector_store_idx %arg6[%sub3A_240], %or3A masked %and3A_230 : memref<10176xi32, #tpu.memory_space<vmem>>[vector<16xi32>], vector<16xi32>, vector<16xi1>
          %reduce_sum3A = arith.constant true
          %reduce_sum3A_241 = vector.broadcast %reduce_sum3A : i1 to vector<16xi1>
          %reduce_sum3A_242 = tpu.scan <sum>, %convert_element_type3A_235 masked %reduce_sum3A_241 : vector<16xi32>, vector<16xi1> -> vector<16xi32>
          %reduce_sum3A_243 = vector.extract %reduce_sum3A_242[15] : i32 from vector<16xi32>
          %add3A_244 = arith.addi %scan3A_218, %reduce_sum3A_243 : i32
          scf.yield %add3A_244 : i32
        }
        %scan3A_140 = arith.constant 125 : i32
        %add3A_141 = arith.constant 0 : i32
        %add3A_142 = arith.addi %scan3A_139, %add3A_141 : i32
        %add3A_143 = vector.broadcast %add3A_142 : i32 to vector<16xi32>
        %add3A_144 = arith.addi %add3A_143, %iota3A : vector<16xi32>
        tpu.vector_store_idx %arg6[%add3A_144], %broadcast_in_dim3A_8 : memref<10176xi32, #tpu.memory_space<vmem>>[vector<16xi32>], vector<16xi32>,
        %add3A_145 = arith.constant 16 : i32
        %add3A_146 = arith.addi %scan3A_139, %add3A_145 : i32
        %add3A_147 = vector.broadcast %add3A_146 : i32 to vector<16xi32>
        %add3A_148 = arith.addi %add3A_147, %iota3A : vector<16xi32>
        tpu.vector_store_idx %arg6[%add3A_148], %broadcast_in_dim3A_8 : memref<10176xi32, #tpu.memory_space<vmem>>[vector<16xi32>], vector<16xi32>,
        %add3A_149 = arith.constant 32 : i32
        %add3A_150 = arith.addi %scan3A_139, %add3A_149 : i32
        %add3A_151 = vector.broadcast %add3A_150 : i32 to vector<16xi32>
        %add3A_152 = arith.addi %add3A_151, %iota3A : vector<16xi32>
        tpu.vector_store_idx %arg6[%add3A_152], %broadcast_in_dim3A_8 : memref<10176xi32, #tpu.memory_space<vmem>>[vector<16xi32>], vector<16xi32>,
        %add3A_153 = arith.constant 48 : i32
        %add3A_154 = arith.addi %scan3A_139, %add3A_153 : i32
        %add3A_155 = vector.broadcast %add3A_154 : i32 to vector<16xi32>
        %add3A_156 = arith.addi %add3A_155, %iota3A : vector<16xi32>
        tpu.vector_store_idx %arg6[%add3A_156], %broadcast_in_dim3A_8 : memref<10176xi32, #tpu.memory_space<vmem>>[vector<16xi32>], vector<16xi32>,
        %add3A_157 = arith.constant 64 : i32
        %add3A_158 = arith.addi %scan3A_139, %add3A_157 : i32
        %sub3A = arith.constant 1 : i32
        %sub3A_159 = arith.subi %add3A_158, %sub3A : i32
        %jit3A = arith.constant 64 : i32
        %div3A = arith.divsi %sub3A_159, %jit3A : i32
        %sign3A = arith.constant 0 : i32
        %sign3A_160 = arith.cmpi sgt, %sub3A_159, %sign3A : i32
        %sign3A_161 = arith.extui %sign3A_160 : i1 to i32
        %sign3A_162 = arith.constant 0 : i32
        %sign3A_163 = arith.cmpi slt, %sub3A_159, %sign3A_162 : i32
        %sign3A_164 = arith.extui %sign3A_163 : i1 to i32
        %sign3A_165 = arith.subi %sign3A_161, %sign3A_164 : i32
        %sign3A_166 = arith.constant 0 : i32
        %sign3A_167 = arith.cmpi sgt, %jit3A, %sign3A_166 : i32
        %sign3A_168 = arith.extui %sign3A_167 : i1 to i32
        %sign3A_169 = arith.constant 0 : i32
        %sign3A_170 = arith.cmpi slt, %jit3A, %sign3A_169 : i32
        %sign3A_171 = arith.extui %sign3A_170 : i1 to i32
        %sign3A_172 = arith.subi %sign3A_168, %sign3A_171 : i32
        %ne3A = arith.cmpi ne, %sign3A_165, %sign3A_172 : i32
        %rem3A = arith.remsi %sub3A_159, %jit3A : i32
        %ne3A_173 = arith.constant 0 : i32
        %ne3A_174 = arith.cmpi ne, %rem3A, %ne3A_173 : i32
        %and3A = arith.andi %ne3A, %ne3A_174 : i1
        %sub3A_175 = arith.constant 1 : i32
        %sub3A_176 = arith.subi %div3A, %sub3A_175 : i32
        %select_n3A = arith.select %and3A, %sub3A_176, %div3A : i32
        %gt3A = arith.constant 0 : i32
        %gt3A_177 = arith.cmpi sgt, %select_n3A, %gt3A : i32
        %convert_element_type3A = arith.extui %gt3A_177 : i1 to i32
        %cond3A = arith.constant 0 : i32
        %cond3A_178 = arith.cmpi ne, %convert_element_type3A, %cond3A : i32
        scf.if %cond3A_178 {
          %get3A = arith.constant 0 : index
          %get3A_217 = tpu.vector_load %arg6[%get3A] {strides = array<i32>} : memref<10176xi32, #tpu.memory_space<vmem>>, vector<16xi32>,
          %shift_right_arithmetic3A = arith.constant 15 : i32
          %shift_right_arithmetic3A_218 = vector.broadcast %shift_right_arithmetic3A : i32 to vector<16xi32>
          %shift_right_arithmetic3A_219 = arith.shrsi %get3A_217, %shift_right_arithmetic3A_218 : vector<16xi32>
          %swap3A = arith.constant 0 : index
          %swap3A_220 = tpu.vector_load %arg11[%swap3A] {strides = array<i32>} : memref<64xi32, #tpu.memory_space<vmem>>, vector<16xi32>,
          tpu.vector_store %arg11[%swap3A], %shift_right_arithmetic3A_219 {strides = array<i32>} : memref<64xi32, #tpu.memory_space<vmem>>, vector<16xi32>,
          %and3A_221 = arith.constant 32767 : i32
          %and3A_222 = vector.broadcast %and3A_221 : i32 to vector<16xi32>
          %and3A_223 = arith.andi %get3A_217, %and3A_222 : vector<16xi32>
          %swap3A_224 = arith.constant 0 : index
          %swap3A_225 = tpu.vector_load %arg12[%swap3A_224] {strides = array<i32>} : memref<64xi32, #tpu.memory_space<vmem>>, vector<16xi32>,
          tpu.vector_store %arg12[%swap3A_224], %and3A_223 {strides = array<i32>} : memref<64xi32, #tpu.memory_space<vmem>>, vector<16xi32>,
          %get3A_226 = arith.constant 16 : index
          %get3A_227 = tpu.vector_load %arg6[%get3A_226] {strides = array<i32>} : memref<10176xi32, #tpu.memory_space<vmem>>, vector<16xi32>,
          %shift_right_arithmetic3A_228 = arith.constant 15 : i32
          %shift_right_arithmetic3A_229 = vector.broadcast %shift_right_arithmetic3A_228 : i32 to vector<16xi32>
          %shift_right_arithmetic3A_230 = arith.shrsi %get3A_227, %shift_right_arithmetic3A_229 : vector<16xi32>
          %swap3A_231 = arith.constant 16 : index
          %swap3A_232 = tpu.vector_load %arg11[%swap3A_231] {strides = array<i32>} : memref<64xi32, #tpu.memory_space<vmem>>, vector<16xi32>,
          tpu.vector_store %arg11[%swap3A_231], %shift_right_arithmetic3A_230 {strides = array<i32>} : memref<64xi32, #tpu.memory_space<vmem>>, vector<16xi32>,
          %and3A_233 = arith.constant 32767 : i32
          %and3A_234 = vector.broadcast %and3A_233 : i32 to vector<16xi32>
          %and3A_235 = arith.andi %get3A_227, %and3A_234 : vector<16xi32>
          %swap3A_236 = arith.constant 16 : index
          %swap3A_237 = tpu.vector_load %arg12[%swap3A_236] {strides = array<i32>} : memref<64xi32, #tpu.memory_space<vmem>>, vector<16xi32>,
          tpu.vector_store %arg12[%swap3A_236], %and3A_235 {strides = array<i32>} : memref<64xi32, #tpu.memory_space<vmem>>, vector<16xi32>,
          %get3A_238 = arith.constant 32 : index
          %get3A_239 = tpu.vector_load %arg6[%get3A_238] {strides = array<i32>} : memref<10176xi32, #tpu.memory_space<vmem>>, vector<16xi32>,
          %shift_right_arithmetic3A_240 = arith.constant 15 : i32
          %shift_right_arithmetic3A_241 = vector.broadcast %shift_right_arithmetic3A_240 : i32 to vector<16xi32>
          %shift_right_arithmetic3A_242 = arith.shrsi %get3A_239, %shift_right_arithmetic3A_241 : vector<16xi32>
          %swap3A_243 = arith.constant 32 : index
          %swap3A_244 = tpu.vector_load %arg11[%swap3A_243] {strides = array<i32>} : memref<64xi32, #tpu.memory_space<vmem>>, vector<16xi32>,
          tpu.vector_store %arg11[%swap3A_243], %shift_right_arithmetic3A_242 {strides = array<i32>} : memref<64xi32, #tpu.memory_space<vmem>>, vector<16xi32>,
          %and3A_245 = arith.constant 32767 : i32
          %and3A_246 = vector.broadcast %and3A_245 : i32 to vector<16xi32>
          %and3A_247 = arith.andi %get3A_239, %and3A_246 : vector<16xi32>
          %swap3A_248 = arith.constant 32 : index
          %swap3A_249 = tpu.vector_load %arg12[%swap3A_248] {strides = array<i32>} : memref<64xi32, #tpu.memory_space<vmem>>, vector<16xi32>,
          tpu.vector_store %arg12[%swap3A_248], %and3A_247 {strides = array<i32>} : memref<64xi32, #tpu.memory_space<vmem>>, vector<16xi32>,
          %get3A_250 = arith.constant 48 : index
          %get3A_251 = tpu.vector_load %arg6[%get3A_250] {strides = array<i32>} : memref<10176xi32, #tpu.memory_space<vmem>>, vector<16xi32>,
          %shift_right_arithmetic3A_252 = arith.constant 15 : i32
          %shift_right_arithmetic3A_253 = vector.broadcast %shift_right_arithmetic3A_252 : i32 to vector<16xi32>
          %shift_right_arithmetic3A_254 = arith.shrsi %get3A_251, %shift_right_arithmetic3A_253 : vector<16xi32>
          %swap3A_255 = arith.constant 48 : index
          %swap3A_256 = tpu.vector_load %arg11[%swap3A_255] {strides = array<i32>} : memref<64xi32, #tpu.memory_space<vmem>>, vector<16xi32>,
          tpu.vector_store %arg11[%swap3A_255], %shift_right_arithmetic3A_254 {strides = array<i32>} : memref<64xi32, #tpu.memory_space<vmem>>, vector<16xi32>,
          %and3A_257 = arith.constant 32767 : i32
          %and3A_258 = vector.broadcast %and3A_257 : i32 to vector<16xi32>
          %and3A_259 = arith.andi %get3A_251, %and3A_258 : vector<16xi32>
          %swap3A_260 = arith.constant 48 : index
          %swap3A_261 = tpu.vector_load %arg12[%swap3A_260] {strides = array<i32>} : memref<64xi32, #tpu.memory_space<vmem>>, vector<16xi32>,
          tpu.vector_store %arg12[%swap3A_260], %and3A_259 {strides = array<i32>} : memref<64xi32, #tpu.memory_space<vmem>>, vector<16xi32>,
          %dma_start3A_262 = arith.constant 0 : i32
          %dma_start3A_263 = arith.constant 0 : i32
          %dma_start3A_264 = tpu.memref_slice %arg2[%dma_start3A_262, %dma_start3A_263] : memref<50000x128xf32, #tpu.memory_space<hbm>> -> memref<50000x128xf32, #tpu.memory_space<hbm>>
          tpu.enqueue_indirect_dma source(%dma_start3A_264 : memref<50000x128xf32, #tpu.memory_space<hbm>>) target(%arg15 : memref<64x128xf32, #tpu.memory_space<vmem>>) offsets(%arg11 : memref<64xi32, #tpu.memory_space<vmem>>) semaphore(%arg21 : memref<!tpu.dma_semaphore, #tpu.memory_space<semaphore_mem>>)
        } else {
        }
        %add3A_179 = arith.constant 1 : i32
        %add3A_180 = arith.addi %select_n3A, %add3A_179 : i32
        %jit3A_181 = arith.constant 2 : i32
        %div3A_182 = arith.divsi %add3A_180, %jit3A_181 : i32
        %sign3A_183 = arith.constant 0 : i32
        %sign3A_184 = arith.cmpi sgt, %add3A_180, %sign3A_183 : i32
        %sign3A_185 = arith.extui %sign3A_184 : i1 to i32
        %sign3A_186 = arith.constant 0 : i32
        %sign3A_187 = arith.cmpi slt, %add3A_180, %sign3A_186 : i32
        %sign3A_188 = arith.extui %sign3A_187 : i1 to i32
        %sign3A_189 = arith.subi %sign3A_185, %sign3A_188 : i32
        %sign3A_190 = arith.constant 0 : i32
        %sign3A_191 = arith.cmpi sgt, %jit3A_181, %sign3A_190 : i32
        %sign3A_192 = arith.extui %sign3A_191 : i1 to i32
        %sign3A_193 = arith.constant 0 : i32
        %sign3A_194 = arith.cmpi slt, %jit3A_181, %sign3A_193 : i32
        %sign3A_195 = arith.extui %sign3A_194 : i1 to i32
        %sign3A_196 = arith.subi %sign3A_192, %sign3A_195 : i32
        %ne3A_197 = arith.cmpi ne, %sign3A_189, %sign3A_196 : i32
        %rem3A_198 = arith.remsi %add3A_180, %jit3A_181 : i32
        %ne3A_199 = arith.constant 0 : i32
        %ne3A_200 = arith.cmpi ne, %rem3A_198, %ne3A_199 : i32
        %and3A_201 = arith.andi %ne3A_197, %ne3A_200 : i1
        %sub3A_202 = arith.constant 1 : i32
        %sub3A_203 = arith.subi %div3A_182, %sub3A_202 : i32
        %select_n3A_204 = arith.select %and3A_201, %sub3A_203, %div3A_182 : i32
        %while3A = arith.constant 0 : i32
        %while3A_205 = arith.constant 0 : i32
        %while3A_206 = arith.subi %select_n3A_204, %while3A : i32
        %while3A_207 = arith.addi %while3A, %while3A_206 : i32
        %while3A_208 = arith.constant 1 : i32
        %while3A_209 = arith.divsi %while3A_206, %while3A_208 : i32
        %while3A_210 = arith.muli %while3A_209, %while3A_208 : i32
        %while3A_211 = arith.addi %while3A, %while3A_210 : i32
        %while3A_212 = arith.constant 1 : i32
        %while3A_213 = scf.for %while3A_217 = %while3A to %while3A_211 step %while3A_212 iter_args(%while3A_218 = %while3A_205) -> (i32)  : i32 {
          %mul3A_219 = arith.constant 2 : i32
          %mul3A_220 = arith.muli %mul3A_219, %while3A_217 : i32
          %add3A_221 = arith.constant 1 : i32
          %add3A_222 = arith.addi %mul3A_220, %add3A_221 : i32
          %lt3A = arith.cmpi slt, %add3A_222, %select_n3A : i32
          %convert_element_type3A_223 = arith.extui %lt3A : i1 to i32
          %cond3A_224 = arith.constant 0 : i32
          %cond3A_225 = arith.cmpi ne, %convert_element_type3A_223, %cond3A_224 : i32
          scf.if %cond3A_225 {
            %mul3A_242 = arith.constant 64 : i32
            %mul3A_243 = arith.muli %add3A_222, %mul3A_242 : i32
            %add3A_244 = arith.constant 0 : i32
            %add3A_245 = arith.addi %mul3A_243, %add3A_244 : i32
            %get3A = arith.index_cast %add3A_245 : i32 to index
            %get3A_246 = tpu.vector_load %arg6[%get3A] {strides = array<i32>} : memref<10176xi32, #tpu.memory_space<vmem>>, vector<16xi32>,
            %shift_right_arithmetic3A = arith.constant 15 : i32
            %shift_right_arithmetic3A_247 = vector.broadcast %shift_right_arithmetic3A : i32 to vector<16xi32>
            %shift_right_arithmetic3A_248 = arith.shrsi %get3A_246, %shift_right_arithmetic3A_247 : vector<16xi32>
            %swap3A = arith.constant 0 : index
            %swap3A_249 = tpu.vector_load %arg13[%swap3A] {strides = array<i32>} : memref<64xi32, #tpu.memory_space<vmem>>, vector<16xi32>,
            tpu.vector_store %arg13[%swap3A], %shift_right_arithmetic3A_248 {strides = array<i32>} : memref<64xi32, #tpu.memory_space<vmem>>, vector<16xi32>,
            %and3A_250 = arith.constant 32767 : i32
            %and3A_251 = vector.broadcast %and3A_250 : i32 to vector<16xi32>
            %and3A_252 = arith.andi %get3A_246, %and3A_251 : vector<16xi32>
            %swap3A_253 = arith.constant 0 : index
            %swap3A_254 = tpu.vector_load %arg14[%swap3A_253] {strides = array<i32>} : memref<64xi32, #tpu.memory_space<vmem>>, vector<16xi32>,
            tpu.vector_store %arg14[%swap3A_253], %and3A_252 {strides = array<i32>} : memref<64xi32, #tpu.memory_space<vmem>>, vector<16xi32>,
            %mul3A_255 = arith.constant 64 : i32
            %mul3A_256 = arith.muli %add3A_222, %mul3A_255 : i32
            %add3A_257 = arith.constant 16 : i32
            %add3A_258 = arith.addi %mul3A_256, %add3A_257 : i32
            %get3A_259 = arith.index_cast %add3A_258 : i32 to index
            %get3A_260 = tpu.vector_load %arg6[%get3A_259] {strides = array<i32>} : memref<10176xi32, #tpu.memory_space<vmem>>, vector<16xi32>,
            %shift_right_arithmetic3A_261 = arith.constant 15 : i32
            %shift_right_arithmetic3A_262 = vector.broadcast %shift_right_arithmetic3A_261 : i32 to vector<16xi32>
            %shift_right_arithmetic3A_263 = arith.shrsi %get3A_260, %shift_right_arithmetic3A_262 : vector<16xi32>
            %swap3A_264 = arith.constant 16 : index
            %swap3A_265 = tpu.vector_load %arg13[%swap3A_264] {strides = array<i32>} : memref<64xi32, #tpu.memory_space<vmem>>, vector<16xi32>,
            tpu.vector_store %arg13[%swap3A_264], %shift_right_arithmetic3A_263 {strides = array<i32>} : memref<64xi32, #tpu.memory_space<vmem>>, vector<16xi32>,
            %and3A_266 = arith.constant 32767 : i32
            %and3A_267 = vector.broadcast %and3A_266 : i32 to vector<16xi32>
            %and3A_268 = arith.andi %get3A_260, %and3A_267 : vector<16xi32>
            %swap3A_269 = arith.constant 16 : index
            %swap3A_270 = tpu.vector_load %arg14[%swap3A_269] {strides = array<i32>} : memref<64xi32, #tpu.memory_space<vmem>>, vector<16xi32>,
            tpu.vector_store %arg14[%swap3A_269], %and3A_268 {strides = array<i32>} : memref<64xi32, #tpu.memory_space<vmem>>, vector<16xi32>,
            %mul3A_271 = arith.constant 64 : i32
            %mul3A_272 = arith.muli %add3A_222, %mul3A_271 : i32
            %add3A_273 = arith.constant 32 : i32
            %add3A_274 = arith.addi %mul3A_272, %add3A_273 : i32
            %get3A_275 = arith.index_cast %add3A_274 : i32 to index
            %get3A_276 = tpu.vector_load %arg6[%get3A_275] {strides = array<i32>} : memref<10176xi32, #tpu.memory_space<vmem>>, vector<16xi32>,
            %shift_right_arithmetic3A_277 = arith.constant 15 : i32
            %shift_right_arithmetic3A_278 = vector.broadcast %shift_right_arithmetic3A_277 : i32 to vector<16xi32>
            %shift_right_arithmetic3A_279 = arith.shrsi %get3A_276, %shift_right_arithmetic3A_278 : vector<16xi32>
            %swap3A_280 = arith.constant 32 : index
            %swap3A_281 = tpu.vector_load %arg13[%swap3A_280] {strides = array<i32>} : memref<64xi32, #tpu.memory_space<vmem>>, vector<16xi32>,
            tpu.vector_store %arg13[%swap3A_280], %shift_right_arithmetic3A_279 {strides = array<i32>} : memref<64xi32, #tpu.memory_space<vmem>>, vector<16xi32>,
            %and3A_282 = arith.constant 32767 : i32
            %and3A_283 = vector.broadcast %and3A_282 : i32 to vector<16xi32>
            %and3A_284 = arith.andi %get3A_276, %and3A_283 : vector<16xi32>
            %swap3A_285 = arith.constant 32 : index
            %swap3A_286 = tpu.vector_load %arg14[%swap3A_285] {strides = array<i32>} : memref<64xi32, #tpu.memory_space<vmem>>, vector<16xi32>,
            tpu.vector_store %arg14[%swap3A_285], %and3A_284 {strides = array<i32>} : memref<64xi32, #tpu.memory_space<vmem>>, vector<16xi32>,
            %mul3A_287 = arith.constant 64 : i32
            %mul3A_288 = arith.muli %add3A_222, %mul3A_287 : i32
            %add3A_289 = arith.constant 48 : i32
            %add3A_290 = arith.addi %mul3A_288, %add3A_289 : i32
            %get3A_291 = arith.index_cast %add3A_290 : i32 to index
            %get3A_292 = tpu.vector_load %arg6[%get3A_291] {strides = array<i32>} : memref<10176xi32, #tpu.memory_space<vmem>>, vector<16xi32>,
            %shift_right_arithmetic3A_293 = arith.constant 15 : i32
            %shift_right_arithmetic3A_294 = vector.broadcast %shift_right_arithmetic3A_293 : i32 to vector<16xi32>
            %shift_right_arithmetic3A_295 = arith.shrsi %get3A_292, %shift_right_arithmetic3A_294 : vector<16xi32>
            %swap3A_296 = arith.constant 48 : index
            %swap3A_297 = tpu.vector_load %arg13[%swap3A_296] {strides = array<i32>} : memref<64xi32, #tpu.memory_space<vmem>>, vector<16xi32>,
            tpu.vector_store %arg13[%swap3A_296], %shift_right_arithmetic3A_295 {strides = array<i32>} : memref<64xi32, #tpu.memory_space<vmem>>, vector<16xi32>,
            %and3A_298 = arith.constant 32767 : i32
            %and3A_299 = vector.broadcast %and3A_298 : i32 to vector<16xi32>
            %and3A_300 = arith.andi %get3A_292, %and3A_299 : vector<16xi32>
            %swap3A_301 = arith.constant 48 : index
            %swap3A_302 = tpu.vector_load %arg14[%swap3A_301] {strides = array<i32>} : memref<64xi32, #tpu.memory_space<vmem>>, vector<16xi32>,
            tpu.vector_store %arg14[%swap3A_301], %and3A_300 {strides = array<i32>} : memref<64xi32, #tpu.memory_space<vmem>>, vector<16xi32>,
            %dma_start3A_303 = arith.constant 0 : i32
            %dma_start3A_304 = arith.constant 0 : i32
            %dma_start3A_305 = tpu.memref_slice %arg2[%dma_start3A_303, %dma_start3A_304] : memref<50000x128xf32, #tpu.memory_space<hbm>> -> memref<50000x128xf32, #tpu.memory_space<hbm>>
            tpu.enqueue_indirect_dma source(%dma_start3A_305 : memref<50000x128xf32, #tpu.memory_space<hbm>>) target(%arg16 : memref<64x128xf32, #tpu.memory_space<vmem>>) offsets(%arg13 : memref<64xi32, #tpu.memory_space<vmem>>) semaphore(%arg22 : memref<!tpu.dma_semaphore, #tpu.memory_space<semaphore_mem>>)
          } else {
          }
          %dma_wait3A_226 = arith.constant 0 : i32
          %dma_wait3A_227 = arith.constant 0 : i32
          %dma_wait3A_228 = tpu.memref_slice %arg2[%dma_wait3A_226, %dma_wait3A_227] : memref<50000x128xf32, #tpu.memory_space<hbm>> -> memref<50000x128xf32, #tpu.memory_space<hbm>>
          tpu.wait_indirect_dma semaphore(%arg21 : memref<!tpu.dma_semaphore, #tpu.memory_space<semaphore_mem>>) src(%dma_wait3A_228 : memref<50000x128xf32, #tpu.memory_space<hbm>>) dst(%arg15 : memref<64x128xf32, #tpu.memory_space<vmem>>)
          "tpu.region"() ({
            %run_scoped3A = tpu.sem_alloc : memref<!tpu.dma_semaphore, #tpu.memory_space<semaphore_mem>>
            %dma_start3A_242 = arith.constant 0 : i32
            %dma_start3A_243 = arith.constant 0 : i32
            %dma_start3A_244 = tpu.memref_slice %arg18[%dma_start3A_242, %dma_start3A_243] : memref<10304x128xf32, #tpu.memory_space<vmem_shared>> -> memref<10304x128xf32, #tpu.memory_space<vmem_shared>>
            tpu.enqueue_indirect_dma source(%arg15 : memref<64x128xf32, #tpu.memory_space<vmem>>) target(%dma_start3A_244 : memref<10304x128xf32, #tpu.memory_space<vmem_shared>>) offsets(%arg12 : memref<64xi32, #tpu.memory_space<vmem>>) semaphore(%run_scoped3A : memref<!tpu.dma_semaphore, #tpu.memory_space<semaphore_mem>>) {add = true}
            %dma_wait3A_245 = arith.constant 0 : i32
            %dma_wait3A_246 = arith.constant 0 : i32
            %dma_wait3A_247 = tpu.memref_slice %arg18[%dma_wait3A_245, %dma_wait3A_246] : memref<10304x128xf32, #tpu.memory_space<vmem_shared>> -> memref<10304x128xf32, #tpu.memory_space<vmem_shared>>
            tpu.wait_indirect_dma semaphore(%run_scoped3A : memref<!tpu.dma_semaphore, #tpu.memory_space<semaphore_mem>>) src(%arg15 : memref<64x128xf32, #tpu.memory_space<vmem>>) dst(%dma_wait3A_247 : memref<10304x128xf32, #tpu.memory_space<vmem_shared>>)
            tpu.yield
          }) : () -> ()
          %mul3A_229 = arith.constant 2 : i32
          %mul3A_230 = arith.muli %mul3A_229, %while3A_217 : i32
          %add3A_231 = arith.constant 2 : i32
          %add3A_232 = arith.addi %mul3A_230, %add3A_231 : i32
          %lt3A_233 = arith.cmpi slt, %add3A_232, %select_n3A : i32
          %convert_element_type3A_234 = arith.extui %lt3A_233 : i1 to i32
          %cond3A_235 = arith.constant 0 : i32
          %cond3A_236 = arith.cmpi ne, %convert_element_type3A_234, %cond3A_235 : i32
          scf.if %cond3A_236 {
            %mul3A_242 = arith.constant 2 : i32
            %mul3A_243 = arith.muli %mul3A_242, %while3A_217 : i32
            %add3A_244 = arith.constant 2 : i32
            %add3A_245 = arith.addi %mul3A_243, %add3A_244 : i32
            %mul3A_246 = arith.constant 64 : i32
            %mul3A_247 = arith.muli %add3A_245, %mul3A_246 : i32
            %add3A_248 = arith.constant 0 : i32
            %add3A_249 = arith.addi %mul3A_247, %add3A_248 : i32
            %get3A = arith.index_cast %add3A_249 : i32 to index
            %get3A_250 = tpu.vector_load %arg6[%get3A] {strides = array<i32>} : memref<10176xi32, #tpu.memory_space<vmem>>, vector<16xi32>,
            %shift_right_arithmetic3A = arith.constant 15 : i32
            %shift_right_arithmetic3A_251 = vector.broadcast %shift_right_arithmetic3A : i32 to vector<16xi32>
            %shift_right_arithmetic3A_252 = arith.shrsi %get3A_250, %shift_right_arithmetic3A_251 : vector<16xi32>
            %swap3A = arith.constant 0 : index
            %swap3A_253 = tpu.vector_load %arg11[%swap3A] {strides = array<i32>} : memref<64xi32, #tpu.memory_space<vmem>>, vector<16xi32>,
            tpu.vector_store %arg11[%swap3A], %shift_right_arithmetic3A_252 {strides = array<i32>} : memref<64xi32, #tpu.memory_space<vmem>>, vector<16xi32>,
            %and3A_254 = arith.constant 32767 : i32
            %and3A_255 = vector.broadcast %and3A_254 : i32 to vector<16xi32>
            %and3A_256 = arith.andi %get3A_250, %and3A_255 : vector<16xi32>
            %swap3A_257 = arith.constant 0 : index
            %swap3A_258 = tpu.vector_load %arg12[%swap3A_257] {strides = array<i32>} : memref<64xi32, #tpu.memory_space<vmem>>, vector<16xi32>,
            tpu.vector_store %arg12[%swap3A_257], %and3A_256 {strides = array<i32>} : memref<64xi32, #tpu.memory_space<vmem>>, vector<16xi32>,
            %mul3A_259 = arith.constant 64 : i32
            %mul3A_260 = arith.muli %add3A_245, %mul3A_259 : i32
            %add3A_261 = arith.constant 16 : i32
            %add3A_262 = arith.addi %mul3A_260, %add3A_261 : i32
            %get3A_263 = arith.index_cast %add3A_262 : i32 to index
            %get3A_264 = tpu.vector_load %arg6[%get3A_263] {strides = array<i32>} : memref<10176xi32, #tpu.memory_space<vmem>>, vector<16xi32>,
            %shift_right_arithmetic3A_265 = arith.constant 15 : i32
            %shift_right_arithmetic3A_266 = vector.broadcast %shift_right_arithmetic3A_265 : i32 to vector<16xi32>
            %shift_right_arithmetic3A_267 = arith.shrsi %get3A_264, %shift_right_arithmetic3A_266 : vector<16xi32>
            %swap3A_268 = arith.constant 16 : index
            %swap3A_269 = tpu.vector_load %arg11[%swap3A_268] {strides = array<i32>} : memref<64xi32, #tpu.memory_space<vmem>>, vector<16xi32>,
            tpu.vector_store %arg11[%swap3A_268], %shift_right_arithmetic3A_267 {strides = array<i32>} : memref<64xi32, #tpu.memory_space<vmem>>, vector<16xi32>,
            %and3A_270 = arith.constant 32767 : i32
            %and3A_271 = vector.broadcast %and3A_270 : i32 to vector<16xi32>
            %and3A_272 = arith.andi %get3A_264, %and3A_271 : vector<16xi32>
            %swap3A_273 = arith.constant 16 : index
            %swap3A_274 = tpu.vector_load %arg12[%swap3A_273] {strides = array<i32>} : memref<64xi32, #tpu.memory_space<vmem>>, vector<16xi32>,
            tpu.vector_store %arg12[%swap3A_273], %and3A_272 {strides = array<i32>} : memref<64xi32, #tpu.memory_space<vmem>>, vector<16xi32>,
            %mul3A_275 = arith.constant 64 : i32
            %mul3A_276 = arith.muli %add3A_245, %mul3A_275 : i32
            %add3A_277 = arith.constant 32 : i32
            %add3A_278 = arith.addi %mul3A_276, %add3A_277 : i32
            %get3A_279 = arith.index_cast %add3A_278 : i32 to index
            %get3A_280 = tpu.vector_load %arg6[%get3A_279] {strides = array<i32>} : memref<10176xi32, #tpu.memory_space<vmem>>, vector<16xi32>,
            %shift_right_arithmetic3A_281 = arith.constant 15 : i32
            %shift_right_arithmetic3A_282 = vector.broadcast %shift_right_arithmetic3A_281 : i32 to vector<16xi32>
            %shift_right_arithmetic3A_283 = arith.shrsi %get3A_280, %shift_right_arithmetic3A_282 : vector<16xi32>
            %swap3A_284 = arith.constant 32 : index
            %swap3A_285 = tpu.vector_load %arg11[%swap3A_284] {strides = array<i32>} : memref<64xi32, #tpu.memory_space<vmem>>, vector<16xi32>,
            tpu.vector_store %arg11[%swap3A_284], %shift_right_arithmetic3A_283 {strides = array<i32>} : memref<64xi32, #tpu.memory_space<vmem>>, vector<16xi32>,
            %and3A_286 = arith.constant 32767 : i32
            %and3A_287 = vector.broadcast %and3A_286 : i32 to vector<16xi32>
            %and3A_288 = arith.andi %get3A_280, %and3A_287 : vector<16xi32>
            %swap3A_289 = arith.constant 32 : index
            %swap3A_290 = tpu.vector_load %arg12[%swap3A_289] {strides = array<i32>} : memref<64xi32, #tpu.memory_space<vmem>>, vector<16xi32>,
            tpu.vector_store %arg12[%swap3A_289], %and3A_288 {strides = array<i32>} : memref<64xi32, #tpu.memory_space<vmem>>, vector<16xi32>,
            %mul3A_291 = arith.constant 64 : i32
            %mul3A_292 = arith.muli %add3A_245, %mul3A_291 : i32
            %add3A_293 = arith.constant 48 : i32
            %add3A_294 = arith.addi %mul3A_292, %add3A_293 : i32
            %get3A_295 = arith.index_cast %add3A_294 : i32 to index
            %get3A_296 = tpu.vector_load %arg6[%get3A_295] {strides = array<i32>} : memref<10176xi32, #tpu.memory_space<vmem>>, vector<16xi32>,
            %shift_right_arithmetic3A_297 = arith.constant 15 : i32
            %shift_right_arithmetic3A_298 = vector.broadcast %shift_right_arithmetic3A_297 : i32 to vector<16xi32>
            %shift_right_arithmetic3A_299 = arith.shrsi %get3A_296, %shift_right_arithmetic3A_298 : vector<16xi32>
            %swap3A_300 = arith.constant 48 : index
            %swap3A_301 = tpu.vector_load %arg11[%swap3A_300] {strides = array<i32>} : memref<64xi32, #tpu.memory_space<vmem>>, vector<16xi32>,
            tpu.vector_store %arg11[%swap3A_300], %shift_right_arithmetic3A_299 {strides = array<i32>} : memref<64xi32, #tpu.memory_space<vmem>>, vector<16xi32>,
            %and3A_302 = arith.constant 32767 : i32
            %and3A_303 = vector.broadcast %and3A_302 : i32 to vector<16xi32>
            %and3A_304 = arith.andi %get3A_296, %and3A_303 : vector<16xi32>
            %swap3A_305 = arith.constant 48 : index
            %swap3A_306 = tpu.vector_load %arg12[%swap3A_305] {strides = array<i32>} : memref<64xi32, #tpu.memory_space<vmem>>, vector<16xi32>,
            tpu.vector_store %arg12[%swap3A_305], %and3A_304 {strides = array<i32>} : memref<64xi32, #tpu.memory_space<vmem>>, vector<16xi32>,
            %dma_start3A_307 = arith.constant 0 : i32
            %dma_start3A_308 = arith.constant 0 : i32
            %dma_start3A_309 = tpu.memref_slice %arg2[%dma_start3A_307, %dma_start3A_308] : memref<50000x128xf32, #tpu.memory_space<hbm>> -> memref<50000x128xf32, #tpu.memory_space<hbm>>
            tpu.enqueue_indirect_dma source(%dma_start3A_309 : memref<50000x128xf32, #tpu.memory_space<hbm>>) target(%arg15 : memref<64x128xf32, #tpu.memory_space<vmem>>) offsets(%arg11 : memref<64xi32, #tpu.memory_space<vmem>>) semaphore(%arg21 : memref<!tpu.dma_semaphore, #tpu.memory_space<semaphore_mem>>)
          } else {
          }
          %lt3A_237 = arith.cmpi slt, %add3A_222, %select_n3A : i32
          %convert_element_type3A_238 = arith.extui %lt3A_237 : i1 to i32
          %cond3A_239 = arith.constant 0 : i32
          %cond3A_240 = arith.cmpi ne, %convert_element_type3A_238, %cond3A_239 : i32
          scf.if %cond3A_240 {
            %dma_wait3A_242 = arith.constant 0 : i32
            %dma_wait3A_243 = arith.constant 0 : i32
            %dma_wait3A_244 = tpu.memref_slice %arg2[%dma_wait3A_242, %dma_wait3A_243] : memref<50000x128xf32, #tpu.memory_space<hbm>> -> memref<50000x128xf32, #tpu.memory_space<hbm>>
            tpu.wait_indirect_dma semaphore(%arg22 : memref<!tpu.dma_semaphore, #tpu.memory_space<semaphore_mem>>) src(%dma_wait3A_244 : memref<50000x128xf32, #tpu.memory_space<hbm>>) dst(%arg16 : memref<64x128xf32, #tpu.memory_space<vmem>>)
            "tpu.region"() ({
              %run_scoped3A = tpu.sem_alloc : memref<!tpu.dma_semaphore, #tpu.memory_space<semaphore_mem>>
              %dma_start3A_245 = arith.constant 0 : i32
              %dma_start3A_246 = arith.constant 0 : i32
              %dma_start3A_247 = tpu.memref_slice %arg18[%dma_start3A_245, %dma_start3A_246] : memref<10304x128xf32, #tpu.memory_space<vmem_shared>> -> memref<10304x128xf32, #tpu.memory_space<vmem_shared>>
              tpu.enqueue_indirect_dma source(%arg16 : memref<64x128xf32, #tpu.memory_space<vmem>>) target(%dma_start3A_247 : memref<10304x128xf32, #tpu.memory_space<vmem_shared>>) offsets(%arg14 : memref<64xi32, #tpu.memory_space<vmem>>) semaphore(%run_scoped3A : memref<!tpu.dma_semaphore, #tpu.memory_space<semaphore_mem>>) {add = true}
              %dma_wait3A_248 = arith.constant 0 : i32
              %dma_wait3A_249 = arith.constant 0 : i32
              %dma_wait3A_250 = tpu.memref_slice %arg18[%dma_wait3A_248, %dma_wait3A_249] : memref<10304x128xf32, #tpu.memory_space<vmem_shared>> -> memref<10304x128xf32, #tpu.memory_space<vmem_shared>>
              tpu.wait_indirect_dma semaphore(%run_scoped3A : memref<!tpu.dma_semaphore, #tpu.memory_space<semaphore_mem>>) src(%arg16 : memref<64x128xf32, #tpu.memory_space<vmem>>) dst(%dma_wait3A_250 : memref<10304x128xf32, #tpu.memory_space<vmem_shared>>)
              tpu.yield
            }) : () -> ()
          } else {
          }
          %while3A_241 = arith.constant 0 : i32
          scf.yield %while3A_241 : i32
        }
        %while3A_214 = arith.constant 1 : i32
        %while3A_215 = scf.for %while3A_217 = %while3A_211 to %while3A_207 step %while3A_214 iter_args(%while3A_218 = %while3A_213) -> (i32)  : i32 {
          %mul3A_219 = arith.constant 2 : i32
          %mul3A_220 = arith.muli %mul3A_219, %while3A_217 : i32
          %add3A_221 = arith.constant 1 : i32
          %add3A_222 = arith.addi %mul3A_220, %add3A_221 : i32
          %lt3A = arith.cmpi slt, %add3A_222, %select_n3A : i32
          %convert_element_type3A_223 = arith.extui %lt3A : i1 to i32
          %cond3A_224 = arith.constant 0 : i32
          %cond3A_225 = arith.cmpi ne, %convert_element_type3A_223, %cond3A_224 : i32
          scf.if %cond3A_225 {
            %mul3A_242 = arith.constant 64 : i32
            %mul3A_243 = arith.muli %add3A_222, %mul3A_242 : i32
            %add3A_244 = arith.constant 0 : i32
            %add3A_245 = arith.addi %mul3A_243, %add3A_244 : i32
            %get3A = arith.index_cast %add3A_245 : i32 to index
            %get3A_246 = tpu.vector_load %arg6[%get3A] {strides = array<i32>} : memref<10176xi32, #tpu.memory_space<vmem>>, vector<16xi32>,
            %shift_right_arithmetic3A = arith.constant 15 : i32
            %shift_right_arithmetic3A_247 = vector.broadcast %shift_right_arithmetic3A : i32 to vector<16xi32>
            %shift_right_arithmetic3A_248 = arith.shrsi %get3A_246, %shift_right_arithmetic3A_247 : vector<16xi32>
            %swap3A = arith.constant 0 : index
            %swap3A_249 = tpu.vector_load %arg13[%swap3A] {strides = array<i32>} : memref<64xi32, #tpu.memory_space<vmem>>, vector<16xi32>,
            tpu.vector_store %arg13[%swap3A], %shift_right_arithmetic3A_248 {strides = array<i32>} : memref<64xi32, #tpu.memory_space<vmem>>, vector<16xi32>,
            %and3A_250 = arith.constant 32767 : i32
            %and3A_251 = vector.broadcast %and3A_250 : i32 to vector<16xi32>
            %and3A_252 = arith.andi %get3A_246, %and3A_251 : vector<16xi32>
            %swap3A_253 = arith.constant 0 : index
            %swap3A_254 = tpu.vector_load %arg14[%swap3A_253] {strides = array<i32>} : memref<64xi32, #tpu.memory_space<vmem>>, vector<16xi32>,
            tpu.vector_store %arg14[%swap3A_253], %and3A_252 {strides = array<i32>} : memref<64xi32, #tpu.memory_space<vmem>>, vector<16xi32>,
            %mul3A_255 = arith.constant 64 : i32
            %mul3A_256 = arith.muli %add3A_222, %mul3A_255 : i32
            %add3A_257 = arith.constant 16 : i32
            %add3A_258 = arith.addi %mul3A_256, %add3A_257 : i32
            %get3A_259 = arith.index_cast %add3A_258 : i32 to index
            %get3A_260 = tpu.vector_load %arg6[%get3A_259] {strides = array<i32>} : memref<10176xi32, #tpu.memory_space<vmem>>, vector<16xi32>,
            %shift_right_arithmetic3A_261 = arith.constant 15 : i32
            %shift_right_arithmetic3A_262 = vector.broadcast %shift_right_arithmetic3A_261 : i32 to vector<16xi32>
            %shift_right_arithmetic3A_263 = arith.shrsi %get3A_260, %shift_right_arithmetic3A_262 : vector<16xi32>
            %swap3A_264 = arith.constant 16 : index
            %swap3A_265 = tpu.vector_load %arg13[%swap3A_264] {strides = array<i32>} : memref<64xi32, #tpu.memory_space<vmem>>, vector<16xi32>,
            tpu.vector_store %arg13[%swap3A_264], %shift_right_arithmetic3A_263 {strides = array<i32>} : memref<64xi32, #tpu.memory_space<vmem>>, vector<16xi32>,
            %and3A_266 = arith.constant 32767 : i32
            %and3A_267 = vector.broadcast %and3A_266 : i32 to vector<16xi32>
            %and3A_268 = arith.andi %get3A_260, %and3A_267 : vector<16xi32>
            %swap3A_269 = arith.constant 16 : index
            %swap3A_270 = tpu.vector_load %arg14[%swap3A_269] {strides = array<i32>} : memref<64xi32, #tpu.memory_space<vmem>>, vector<16xi32>,
            tpu.vector_store %arg14[%swap3A_269], %and3A_268 {strides = array<i32>} : memref<64xi32, #tpu.memory_space<vmem>>, vector<16xi32>,
            %mul3A_271 = arith.constant 64 : i32
            %mul3A_272 = arith.muli %add3A_222, %mul3A_271 : i32
            %add3A_273 = arith.constant 32 : i32
            %add3A_274 = arith.addi %mul3A_272, %add3A_273 : i32
            %get3A_275 = arith.index_cast %add3A_274 : i32 to index
            %get3A_276 = tpu.vector_load %arg6[%get3A_275] {strides = array<i32>} : memref<10176xi32, #tpu.memory_space<vmem>>, vector<16xi32>,
            %shift_right_arithmetic3A_277 = arith.constant 15 : i32
            %shift_right_arithmetic3A_278 = vector.broadcast %shift_right_arithmetic3A_277 : i32 to vector<16xi32>
            %shift_right_arithmetic3A_279 = arith.shrsi %get3A_276, %shift_right_arithmetic3A_278 : vector<16xi32>
            %swap3A_280 = arith.constant 32 : index
            %swap3A_281 = tpu.vector_load %arg13[%swap3A_280] {strides = array<i32>} : memref<64xi32, #tpu.memory_space<vmem>>, vector<16xi32>,
            tpu.vector_store %arg13[%swap3A_280], %shift_right_arithmetic3A_279 {strides = array<i32>} : memref<64xi32, #tpu.memory_space<vmem>>, vector<16xi32>,
            %and3A_282 = arith.constant 32767 : i32
            %and3A_283 = vector.broadcast %and3A_282 : i32 to vector<16xi32>
            %and3A_284 = arith.andi %get3A_276, %and3A_283 : vector<16xi32>
            %swap3A_285 = arith.constant 32 : index
            %swap3A_286 = tpu.vector_load %arg14[%swap3A_285] {strides = array<i32>} : memref<64xi32, #tpu.memory_space<vmem>>, vector<16xi32>,
            tpu.vector_store %arg14[%swap3A_285], %and3A_284 {strides = array<i32>} : memref<64xi32, #tpu.memory_space<vmem>>, vector<16xi32>,
            %mul3A_287 = arith.constant 64 : i32
            %mul3A_288 = arith.muli %add3A_222, %mul3A_287 : i32
            %add3A_289 = arith.constant 48 : i32
            %add3A_290 = arith.addi %mul3A_288, %add3A_289 : i32
            %get3A_291 = arith.index_cast %add3A_290 : i32 to index
            %get3A_292 = tpu.vector_load %arg6[%get3A_291] {strides = array<i32>} : memref<10176xi32, #tpu.memory_space<vmem>>, vector<16xi32>,
            %shift_right_arithmetic3A_293 = arith.constant 15 : i32
            %shift_right_arithmetic3A_294 = vector.broadcast %shift_right_arithmetic3A_293 : i32 to vector<16xi32>
            %shift_right_arithmetic3A_295 = arith.shrsi %get3A_292, %shift_right_arithmetic3A_294 : vector<16xi32>
            %swap3A_296 = arith.constant 48 : index
            %swap3A_297 = tpu.vector_load %arg13[%swap3A_296] {strides = array<i32>} : memref<64xi32, #tpu.memory_space<vmem>>, vector<16xi32>,
            tpu.vector_store %arg13[%swap3A_296], %shift_right_arithmetic3A_295 {strides = array<i32>} : memref<64xi32, #tpu.memory_space<vmem>>, vector<16xi32>,
            %and3A_298 = arith.constant 32767 : i32
            %and3A_299 = vector.broadcast %and3A_298 : i32 to vector<16xi32>
            %and3A_300 = arith.andi %get3A_292, %and3A_299 : vector<16xi32>
            %swap3A_301 = arith.constant 48 : index
            %swap3A_302 = tpu.vector_load %arg14[%swap3A_301] {strides = array<i32>} : memref<64xi32, #tpu.memory_space<vmem>>, vector<16xi32>,
            tpu.vector_store %arg14[%swap3A_301], %and3A_300 {strides = array<i32>} : memref<64xi32, #tpu.memory_space<vmem>>, vector<16xi32>,
            %dma_start3A_303 = arith.constant 0 : i32
            %dma_start3A_304 = arith.constant 0 : i32
            %dma_start3A_305 = tpu.memref_slice %arg2[%dma_start3A_303, %dma_start3A_304] : memref<50000x128xf32, #tpu.memory_space<hbm>> -> memref<50000x128xf32, #tpu.memory_space<hbm>>
            tpu.enqueue_indirect_dma source(%dma_start3A_305 : memref<50000x128xf32, #tpu.memory_space<hbm>>) target(%arg16 : memref<64x128xf32, #tpu.memory_space<vmem>>) offsets(%arg13 : memref<64xi32, #tpu.memory_space<vmem>>) semaphore(%arg22 : memref<!tpu.dma_semaphore, #tpu.memory_space<semaphore_mem>>)
          } else {
          }
          %dma_wait3A_226 = arith.constant 0 : i32
          %dma_wait3A_227 = arith.constant 0 : i32
          %dma_wait3A_228 = tpu.memref_slice %arg2[%dma_wait3A_226, %dma_wait3A_227] : memref<50000x128xf32, #tpu.memory_space<hbm>> -> memref<50000x128xf32, #tpu.memory_space<hbm>>
          tpu.wait_indirect_dma semaphore(%arg21 : memref<!tpu.dma_semaphore, #tpu.memory_space<semaphore_mem>>) src(%dma_wait3A_228 : memref<50000x128xf32, #tpu.memory_space<hbm>>) dst(%arg15 : memref<64x128xf32, #tpu.memory_space<vmem>>)
          "tpu.region"() ({
            %run_scoped3A = tpu.sem_alloc : memref<!tpu.dma_semaphore, #tpu.memory_space<semaphore_mem>>
            %dma_start3A_242 = arith.constant 0 : i32
            %dma_start3A_243 = arith.constant 0 : i32
            %dma_start3A_244 = tpu.memref_slice %arg18[%dma_start3A_242, %dma_start3A_243] : memref<10304x128xf32, #tpu.memory_space<vmem_shared>> -> memref<10304x128xf32, #tpu.memory_space<vmem_shared>>
            tpu.enqueue_indirect_dma source(%arg15 : memref<64x128xf32, #tpu.memory_space<vmem>>) target(%dma_start3A_244 : memref<10304x128xf32, #tpu.memory_space<vmem_shared>>) offsets(%arg12 : memref<64xi32, #tpu.memory_space<vmem>>) semaphore(%run_scoped3A : memref<!tpu.dma_semaphore, #tpu.memory_space<semaphore_mem>>) {add = true}
            %dma_wait3A_245 = arith.constant 0 : i32
            %dma_wait3A_246 = arith.constant 0 : i32
            %dma_wait3A_247 = tpu.memref_slice %arg18[%dma_wait3A_245, %dma_wait3A_246] : memref<10304x128xf32, #tpu.memory_space<vmem_shared>> -> memref<10304x128xf32, #tpu.memory_space<vmem_shared>>
            tpu.wait_indirect_dma semaphore(%run_scoped3A : memref<!tpu.dma_semaphore, #tpu.memory_space<semaphore_mem>>) src(%arg15 : memref<64x128xf32, #tpu.memory_space<vmem>>) dst(%dma_wait3A_247 : memref<10304x128xf32, #tpu.memory_space<vmem_shared>>)
            tpu.yield
          }) : () -> ()
          %mul3A_229 = arith.constant 2 : i32
          %mul3A_230 = arith.muli %mul3A_229, %while3A_217 : i32
          %add3A_231 = arith.constant 2 : i32
          %add3A_232 = arith.addi %mul3A_230, %add3A_231 : i32
          %lt3A_233 = arith.cmpi slt, %add3A_232, %select_n3A : i32
          %convert_element_type3A_234 = arith.extui %lt3A_233 : i1 to i32
          %cond3A_235 = arith.constant 0 : i32
          %cond3A_236 = arith.cmpi ne, %convert_element_type3A_234, %cond3A_235 : i32
          scf.if %cond3A_236 {
            %mul3A_242 = arith.constant 2 : i32
            %mul3A_243 = arith.muli %mul3A_242, %while3A_217 : i32
            %add3A_244 = arith.constant 2 : i32
            %add3A_245 = arith.addi %mul3A_243, %add3A_244 : i32
            %mul3A_246 = arith.constant 64 : i32
            %mul3A_247 = arith.muli %add3A_245, %mul3A_246 : i32
            %add3A_248 = arith.constant 0 : i32
            %add3A_249 = arith.addi %mul3A_247, %add3A_248 : i32
            %get3A = arith.index_cast %add3A_249 : i32 to index
            %get3A_250 = tpu.vector_load %arg6[%get3A] {strides = array<i32>} : memref<10176xi32, #tpu.memory_space<vmem>>, vector<16xi32>,
            %shift_right_arithmetic3A = arith.constant 15 : i32
            %shift_right_arithmetic3A_251 = vector.broadcast %shift_right_arithmetic3A : i32 to vector<16xi32>
            %shift_right_arithmetic3A_252 = arith.shrsi %get3A_250, %shift_right_arithmetic3A_251 : vector<16xi32>
            %swap3A = arith.constant 0 : index
            %swap3A_253 = tpu.vector_load %arg11[%swap3A] {strides = array<i32>} : memref<64xi32, #tpu.memory_space<vmem>>, vector<16xi32>,
            tpu.vector_store %arg11[%swap3A], %shift_right_arithmetic3A_252 {strides = array<i32>} : memref<64xi32, #tpu.memory_space<vmem>>, vector<16xi32>,
            %and3A_254 = arith.constant 32767 : i32
            %and3A_255 = vector.broadcast %and3A_254 : i32 to vector<16xi32>
            %and3A_256 = arith.andi %get3A_250, %and3A_255 : vector<16xi32>
            %swap3A_257 = arith.constant 0 : index
            %swap3A_258 = tpu.vector_load %arg12[%swap3A_257] {strides = array<i32>} : memref<64xi32, #tpu.memory_space<vmem>>, vector<16xi32>,
            tpu.vector_store %arg12[%swap3A_257], %and3A_256 {strides = array<i32>} : memref<64xi32, #tpu.memory_space<vmem>>, vector<16xi32>,
            %mul3A_259 = arith.constant 64 : i32
            %mul3A_260 = arith.muli %add3A_245, %mul3A_259 : i32
            %add3A_261 = arith.constant 16 : i32
            %add3A_262 = arith.addi %mul3A_260, %add3A_261 : i32
            %get3A_263 = arith.index_cast %add3A_262 : i32 to index
            %get3A_264 = tpu.vector_load %arg6[%get3A_263] {strides = array<i32>} : memref<10176xi32, #tpu.memory_space<vmem>>, vector<16xi32>,
            %shift_right_arithmetic3A_265 = arith.constant 15 : i32
            %shift_right_arithmetic3A_266 = vector.broadcast %shift_right_arithmetic3A_265 : i32 to vector<16xi32>
            %shift_right_arithmetic3A_267 = arith.shrsi %get3A_264, %shift_right_arithmetic3A_266 : vector<16xi32>
            %swap3A_268 = arith.constant 16 : index
            %swap3A_269 = tpu.vector_load %arg11[%swap3A_268] {strides = array<i32>} : memref<64xi32, #tpu.memory_space<vmem>>, vector<16xi32>,
            tpu.vector_store %arg11[%swap3A_268], %shift_right_arithmetic3A_267 {strides = array<i32>} : memref<64xi32, #tpu.memory_space<vmem>>, vector<16xi32>,
            %and3A_270 = arith.constant 32767 : i32
            %and3A_271 = vector.broadcast %and3A_270 : i32 to vector<16xi32>
            %and3A_272 = arith.andi %get3A_264, %and3A_271 : vector<16xi32>
            %swap3A_273 = arith.constant 16 : index
            %swap3A_274 = tpu.vector_load %arg12[%swap3A_273] {strides = array<i32>} : memref<64xi32, #tpu.memory_space<vmem>>, vector<16xi32>,
            tpu.vector_store %arg12[%swap3A_273], %and3A_272 {strides = array<i32>} : memref<64xi32, #tpu.memory_space<vmem>>, vector<16xi32>,
            %mul3A_275 = arith.constant 64 : i32
            %mul3A_276 = arith.muli %add3A_245, %mul3A_275 : i32
            %add3A_277 = arith.constant 32 : i32
            %add3A_278 = arith.addi %mul3A_276, %add3A_277 : i32
            %get3A_279 = arith.index_cast %add3A_278 : i32 to index
            %get3A_280 = tpu.vector_load %arg6[%get3A_279] {strides = array<i32>} : memref<10176xi32, #tpu.memory_space<vmem>>, vector<16xi32>,
            %shift_right_arithmetic3A_281 = arith.constant 15 : i32
            %shift_right_arithmetic3A_282 = vector.broadcast %shift_right_arithmetic3A_281 : i32 to vector<16xi32>
            %shift_right_arithmetic3A_283 = arith.shrsi %get3A_280, %shift_right_arithmetic3A_282 : vector<16xi32>
            %swap3A_284 = arith.constant 32 : index
            %swap3A_285 = tpu.vector_load %arg11[%swap3A_284] {strides = array<i32>} : memref<64xi32, #tpu.memory_space<vmem>>, vector<16xi32>,
            tpu.vector_store %arg11[%swap3A_284], %shift_right_arithmetic3A_283 {strides = array<i32>} : memref<64xi32, #tpu.memory_space<vmem>>, vector<16xi32>,
            %and3A_286 = arith.constant 32767 : i32
            %and3A_287 = vector.broadcast %and3A_286 : i32 to vector<16xi32>
            %and3A_288 = arith.andi %get3A_280, %and3A_287 : vector<16xi32>
            %swap3A_289 = arith.constant 32 : index
            %swap3A_290 = tpu.vector_load %arg12[%swap3A_289] {strides = array<i32>} : memref<64xi32, #tpu.memory_space<vmem>>, vector<16xi32>,
            tpu.vector_store %arg12[%swap3A_289], %and3A_288 {strides = array<i32>} : memref<64xi32, #tpu.memory_space<vmem>>, vector<16xi32>,
            %mul3A_291 = arith.constant 64 : i32
            %mul3A_292 = arith.muli %add3A_245, %mul3A_291 : i32
            %add3A_293 = arith.constant 48 : i32
            %add3A_294 = arith.addi %mul3A_292, %add3A_293 : i32
            %get3A_295 = arith.index_cast %add3A_294 : i32 to index
            %get3A_296 = tpu.vector_load %arg6[%get3A_295] {strides = array<i32>} : memref<10176xi32, #tpu.memory_space<vmem>>, vector<16xi32>,
            %shift_right_arithmetic3A_297 = arith.constant 15 : i32
            %shift_right_arithmetic3A_298 = vector.broadcast %shift_right_arithmetic3A_297 : i32 to vector<16xi32>
            %shift_right_arithmetic3A_299 = arith.shrsi %get3A_296, %shift_right_arithmetic3A_298 : vector<16xi32>
            %swap3A_300 = arith.constant 48 : index
            %swap3A_301 = tpu.vector_load %arg11[%swap3A_300] {strides = array<i32>} : memref<64xi32, #tpu.memory_space<vmem>>, vector<16xi32>,
            tpu.vector_store %arg11[%swap3A_300], %shift_right_arithmetic3A_299 {strides = array<i32>} : memref<64xi32, #tpu.memory_space<vmem>>, vector<16xi32>,
            %and3A_302 = arith.constant 32767 : i32
            %and3A_303 = vector.broadcast %and3A_302 : i32 to vector<16xi32>
            %and3A_304 = arith.andi %get3A_296, %and3A_303 : vector<16xi32>
            %swap3A_305 = arith.constant 48 : index
            %swap3A_306 = tpu.vector_load %arg12[%swap3A_305] {strides = array<i32>} : memref<64xi32, #tpu.memory_space<vmem>>, vector<16xi32>,
            tpu.vector_store %arg12[%swap3A_305], %and3A_304 {strides = array<i32>} : memref<64xi32, #tpu.memory_space<vmem>>, vector<16xi32>,
            %dma_start3A_307 = arith.constant 0 : i32
            %dma_start3A_308 = arith.constant 0 : i32
            %dma_start3A_309 = tpu.memref_slice %arg2[%dma_start3A_307, %dma_start3A_308] : memref<50000x128xf32, #tpu.memory_space<hbm>> -> memref<50000x128xf32, #tpu.memory_space<hbm>>
            tpu.enqueue_indirect_dma source(%dma_start3A_309 : memref<50000x128xf32, #tpu.memory_space<hbm>>) target(%arg15 : memref<64x128xf32, #tpu.memory_space<vmem>>) offsets(%arg11 : memref<64xi32, #tpu.memory_space<vmem>>) semaphore(%arg21 : memref<!tpu.dma_semaphore, #tpu.memory_space<semaphore_mem>>)
          } else {
          }
          %lt3A_237 = arith.cmpi slt, %add3A_222, %select_n3A : i32
          %convert_element_type3A_238 = arith.extui %lt3A_237 : i1 to i32
          %cond3A_239 = arith.constant 0 : i32
          %cond3A_240 = arith.cmpi ne, %convert_element_type3A_238, %cond3A_239 : i32
          scf.if %cond3A_240 {
            %dma_wait3A_242 = arith.constant 0 : i32
            %dma_wait3A_243 = arith.constant 0 : i32
            %dma_wait3A_244 = tpu.memref_slice %arg2[%dma_wait3A_242, %dma_wait3A_243] : memref<50000x128xf32, #tpu.memory_space<hbm>> -> memref<50000x128xf32, #tpu.memory_space<hbm>>
            tpu.wait_indirect_dma semaphore(%arg22 : memref<!tpu.dma_semaphore, #tpu.memory_space<semaphore_mem>>) src(%dma_wait3A_244 : memref<50000x128xf32, #tpu.memory_space<hbm>>) dst(%arg16 : memref<64x128xf32, #tpu.memory_space<vmem>>)
            "tpu.region"() ({
              %run_scoped3A = tpu.sem_alloc : memref<!tpu.dma_semaphore, #tpu.memory_space<semaphore_mem>>
              %dma_start3A_245 = arith.constant 0 : i32
              %dma_start3A_246 = arith.constant 0 : i32
              %dma_start3A_247 = tpu.memref_slice %arg18[%dma_start3A_245, %dma_start3A_246] : memref<10304x128xf32, #tpu.memory_space<vmem_shared>> -> memref<10304x128xf32, #tpu.memory_space<vmem_shared>>
              tpu.enqueue_indirect_dma source(%arg16 : memref<64x128xf32, #tpu.memory_space<vmem>>) target(%dma_start3A_247 : memref<10304x128xf32, #tpu.memory_space<vmem_shared>>) offsets(%arg14 : memref<64xi32, #tpu.memory_space<vmem>>) semaphore(%run_scoped3A : memref<!tpu.dma_semaphore, #tpu.memory_space<semaphore_mem>>) {add = true}
              %dma_wait3A_248 = arith.constant 0 : i32
              %dma_wait3A_249 = arith.constant 0 : i32
              %dma_wait3A_250 = tpu.memref_slice %arg18[%dma_wait3A_248, %dma_wait3A_249] : memref<10304x128xf32, #tpu.memory_space<vmem_shared>> -> memref<10304x128xf32, #tpu.memory_space<vmem_shared>>
              tpu.wait_indirect_dma semaphore(%run_scoped3A : memref<!tpu.dma_semaphore, #tpu.memory_space<semaphore_mem>>) src(%arg16 : memref<64x128xf32, #tpu.memory_space<vmem>>) dst(%dma_wait3A_250 : memref<10304x128xf32, #tpu.memory_space<vmem_shared>>)
              tpu.yield
            }) : () -> ()
          } else {
          }
          %while3A_241 = arith.constant 0 : i32
          scf.yield %while3A_241 : i32
        }
        %scan3A_216 = arith.constant 0 : i32
        scf.yield %scan3A_216 : i32
      }
      %scan3A_45 = arith.constant 5 : i32
      %barrier3A_46 = arith.constant 0 : index
      tpu.barrier barrier_id(%barrier3A_46)
      %mul3A_47 = arith.constant 640 : i32
      %mul3A_48 = arith.muli %arg1, %mul3A_47 : i32
      %add3A_49 = arith.addi %mul3A_22, %mul3A_48 : i32
      %multiple_of3A_50 = tpu.assume_multiple %add3A_49, 8 : i32
      "tpu.region"() ({
        %run_scoped3A = tpu.sem_alloc : memref<!tpu.dma_semaphore, #tpu.memory_space<semaphore_mem>>
        %dma_start3A = arith.constant 0 : i32
        %dma_start3A_52 = tpu.memref_slice %arg5[%multiple_of3A_50, %dma_start3A] : memref<204800x128xf32, #tpu.memory_space<hbm>> -> memref<640x128xf32, #tpu.memory_space<hbm>>
        %dma_start3A_53 = arith.constant 0 : i32
        %dma_start3A_54 = tpu.memref_slice %arg18[%multiple_of3A, %dma_start3A_53] : memref<10304x128xf32, #tpu.memory_space<vmem_shared>> -> memref<640x128xf32, #tpu.memory_space<vmem_shared>>
        tpu.enqueue_dma source(%dma_start3A_54 : memref<640x128xf32, #tpu.memory_space<vmem_shared>>) target(%dma_start3A_52 : memref<640x128xf32, #tpu.memory_space<hbm>>) target_semaphore(%run_scoped3A : memref<!tpu.dma_semaphore, #tpu.memory_space<semaphore_mem>>)
        %dma_wait3A = arith.constant 0 : i32
        %dma_wait3A_55 = tpu.memref_slice %arg5[%multiple_of3A_50, %dma_wait3A] : memref<204800x128xf32, #tpu.memory_space<hbm>> -> memref<640x128xf32, #tpu.memory_space<hbm>>
        %dma_wait3A_56 = arith.constant 0 : i32
        %dma_wait3A_57 = tpu.memref_slice %arg18[%multiple_of3A, %dma_wait3A_56] : memref<10304x128xf32, #tpu.memory_space<vmem_shared>> -> memref<640x128xf32, #tpu.memory_space<vmem_shared>>
        tpu.wait_dma2 semaphore(%run_scoped3A : memref<!tpu.dma_semaphore, #tpu.memory_space<semaphore_mem>>) src(%dma_wait3A_57 : memref<640x128xf32, #tpu.memory_space<vmem_shared>>) dst(%dma_wait3A_55 : memref<640x128xf32, #tpu.memory_space<hbm>>)
        tpu.yield
      }) : () -> ()
      %scan3A_51 = arith.constant 0 : i32
      scf.yield %scan3A_51 : i32
    }
    %scan3A_15 = arith.constant 10 : i32
    return
  }
}

#map = affine_map<(d0, d1) -> (0, 0)>
#map1 = affine_map<(d0, d1) -> (0)>
module attributes {stable_mosaic.version = 14 : i64} {
  func.func @_sc_kernel(%arg0: i32, %arg1: i32, %arg2: memref<50000x128xf32, #tpu.memory_space<hbm>>, %arg3: memref<800000xi32, #tpu.memory_space<hbm>>, %arg4: memref<800000xi32, #tpu.memory_space<hbm>>, %arg5: memref<204800x128xf32, #tpu.memory_space<hbm>>, %arg6: memref<10176xi32, #tpu.memory_space<vmem>>, %arg7: memref<2000xi32, #tpu.memory_space<vmem>>, %arg8: memref<2000xi32, #tpu.memory_space<vmem>>, %arg9: memref<2000xi32, #tpu.memory_space<vmem>>, %arg10: memref<2000xi32, #tpu.memory_space<vmem>>, %arg11: memref<64xi32, #tpu.memory_space<vmem>>, %arg12: memref<64xi32, #tpu.memory_space<vmem>>, %arg13: memref<64xi32, #tpu.memory_space<vmem>>, %arg14: memref<64xi32, #tpu.memory_space<vmem>>, %arg15: memref<64x128xf32, #tpu.memory_space<vmem>>, %arg16: memref<64x128xf32, #tpu.memory_space<vmem>>, %arg17: memref<32x128xf32, #tpu.memory_space<vmem>>, %arg18: memref<10304x128xf32, #tpu.memory_space<vmem_shared>>, %arg19: memref<!tpu.dma_semaphore, #tpu.memory_space<semaphore_mem>>, %arg20: memref<!tpu.dma_semaphore, #tpu.memory_space<semaphore_mem>>, %arg21: memref<!tpu.dma_semaphore, #tpu.memory_space<semaphore_mem>>, %arg22: memref<!tpu.dma_semaphore, #tpu.memory_space<semaphore_mem>>, %arg23: memref<!tpu.dma_semaphore, #tpu.memory_space<semaphore_mem>>) attributes {dimension_semantics = [#tpu.dimension_semantics<core_parallel>, #tpu.dimension_semantics<subcore_parallel>], iteration_bounds = array<i64: 2, 16>, scalar_prefetch = 0 : i64, scratch_operands = 18 : i64, tpu.core_type = #tpu.core_type<sc_vector_subcore>, window_params = [{transform_indices = #map}, {transform_indices = #map1}, {transform_indices = #map1}, {transform_indices = #map}]} {
    %broadcast_in_dim3A = arith.constant 0.000000e+00 : f32
    %broadcast_in_dim3A_0 = vector.broadcast %broadcast_in_dim3A : f32 to vector<16xf32>
    %scan3A = arith.constant 0 : i32
    %scan3A_1 = arith.constant 0 : i32
    %scan3A_2 = arith.constant 32 : i32
    %scan3A_3 = arith.addi %scan3A_1, %scan3A_2 : i32
    %scan3A_4 = arith.constant 1 : i32
    %scan3A_5 = scf.for %scan3A_16 = %scan3A_1 to %scan3A_3 step %scan3A_4 iter_args(%scan3A_17 = %scan3A) -> (i32)  : i32 {
      %swap3A = arith.index_cast %scan3A_16 : i32 to index
      %swap3A_18 = arith.constant 0 : index
      %swap3A_19 = tpu.vector_load %arg17[%swap3A, %swap3A_18] {strides = array<i32>} : memref<32x128xf32, #tpu.memory_space<vmem>>, vector<16xf32>,
      tpu.vector_store %arg17[%swap3A, %swap3A_18], %broadcast_in_dim3A_0 {strides = array<i32>} : memref<32x128xf32, #tpu.memory_space<vmem>>, vector<16xf32>,
      %swap3A_20 = arith.index_cast %scan3A_16 : i32 to index
      %swap3A_21 = arith.constant 16 : index
      %swap3A_22 = tpu.vector_load %arg17[%swap3A_20, %swap3A_21] {strides = array<i32>} : memref<32x128xf32, #tpu.memory_space<vmem>>, vector<16xf32>,
      tpu.vector_store %arg17[%swap3A_20, %swap3A_21], %broadcast_in_dim3A_0 {strides = array<i32>} : memref<32x128xf32, #tpu.memory_space<vmem>>, vector<16xf32>,
      %swap3A_23 = arith.index_cast %scan3A_16 : i32 to index
      %swap3A_24 = arith.constant 32 : index
      %swap3A_25 = tpu.vector_load %arg17[%swap3A_23, %swap3A_24] {strides = array<i32>} : memref<32x128xf32, #tpu.memory_space<vmem>>, vector<16xf32>,
      tpu.vector_store %arg17[%swap3A_23, %swap3A_24], %broadcast_in_dim3A_0 {strides = array<i32>} : memref<32x128xf32, #tpu.memory_space<vmem>>, vector<16xf32>,
      %swap3A_26 = arith.index_cast %scan3A_16 : i32 to index
      %swap3A_27 = arith.constant 48 : index
      %swap3A_28 = tpu.vector_load %arg17[%swap3A_26, %swap3A_27] {strides = array<i32>} : memref<32x128xf32, #tpu.memory_space<vmem>>, vector<16xf32>,
      tpu.vector_store %arg17[%swap3A_26, %swap3A_27], %broadcast_in_dim3A_0 {strides = array<i32>} : memref<32x128xf32, #tpu.memory_space<vmem>>, vector<16xf32>,
      %swap3A_29 = arith.index_cast %scan3A_16 : i32 to index
      %swap3A_30 = arith.constant 64 : index
      %swap3A_31 = tpu.vector_load %arg17[%swap3A_29, %swap3A_30] {strides = array<i32>} : memref<32x128xf32, #tpu.memory_space<vmem>>, vector<16xf32>,
      tpu.vector_store %arg17[%swap3A_29, %swap3A_30], %broadcast_in_dim3A_0 {strides = array<i32>} : memref<32x128xf32, #tpu.memory_space<vmem>>, vector<16xf32>,
      %swap3A_32 = arith.index_cast %scan3A_16 : i32 to index
      %swap3A_33 = arith.constant 80 : index
      %swap3A_34 = tpu.vector_load %arg17[%swap3A_32, %swap3A_33] {strides = array<i32>} : memref<32x128xf32, #tpu.memory_space<vmem>>, vector<16xf32>,
      tpu.vector_store %arg17[%swap3A_32, %swap3A_33], %broadcast_in_dim3A_0 {strides = array<i32>} : memref<32x128xf32, #tpu.memory_space<vmem>>, vector<16xf32>,
      %swap3A_35 = arith.index_cast %scan3A_16 : i32 to index
      %swap3A_36 = arith.constant 96 : index
      %swap3A_37 = tpu.vector_load %arg17[%swap3A_35, %swap3A_36] {strides = array<i32>} : memref<32x128xf32, #tpu.memory_space<vmem>>, vector<16xf32>,
      tpu.vector_store %arg17[%swap3A_35, %swap3A_36], %broadcast_in_dim3A_0 {strides = array<i32>} : memref<32x128xf32, #tpu.memory_space<vmem>>, vector<16xf32>,
      %swap3A_38 = arith.index_cast %scan3A_16 : i32 to index
      %swap3A_39 = arith.constant 112 : index
      %swap3A_40 = tpu.vector_load %arg17[%swap3A_38, %swap3A_39] {strides = array<i32>} : memref<32x128xf32, #tpu.memory_space<vmem>>, vector<16xf32>,
      tpu.vector_store %arg17[%swap3A_38, %swap3A_39], %broadcast_in_dim3A_0 {strides = array<i32>} : memref<32x128xf32, #tpu.memory_space<vmem>>, vector<16xf32>,
      %scan3A_41 = arith.constant 0 : i32
      scf.yield %scan3A_41 : i32
    }
    %scan3A_6 = arith.constant 32 : i32
    %iota3A = tpu.iota {dimensions = array<i32: 0>} : vector<16xi32>
    %broadcast_in_dim3A_7 = arith.constant 10240 : i32
    %broadcast_in_dim3A_8 = vector.broadcast %broadcast_in_dim3A_7 : i32 to vector<16xi32>
    %scan3A_9 = arith.constant 0 : i32
    %scan3A_10 = arith.constant 0 : i32
    %scan3A_11 = arith.constant 10 : i32
    %scan3A_12 = arith.addi %scan3A_10, %scan3A_11 : i32
    %scan3A_13 = arith.constant 1 : i32
    %scan3A_14 = scf.for %scan3A_16 = %scan3A_10 to %scan3A_12 step %scan3A_13 iter_args(%scan3A_17 = %scan3A_9) -> (i32)  : i32 {
      %mul3A = arith.constant 2 : i32
      %mul3A_18 = arith.muli %scan3A_16, %mul3A : i32
      %add3A = arith.addi %mul3A_18, %arg0 : i32
      %mul3A_19 = arith.constant 2560 : i32
      %mul3A_20 = arith.muli %add3A, %mul3A_19 : i32
      %mul3A_21 = arith.constant 4 : i32
      %mul3A_22 = arith.muli %mul3A_20, %mul3A_21 : i32
      %mul3A_23 = arith.constant 640 : i32
      %mul3A_24 = arith.muli %arg1, %mul3A_23 : i32
      %multiple_of3A = tpu.assume_multiple %mul3A_24, 8 : i32
      %scan3A_25 = arith.constant 0 : i32
      %scan3A_26 = arith.constant 0 : i32
      %scan3A_27 = arith.constant 20 : i32
      %scan3A_28 = arith.addi %scan3A_26, %scan3A_27 : i32
      %scan3A_29 = arith.constant 1 : i32
      %scan3A_30 = scf.for %scan3A_52 = %scan3A_26 to %scan3A_28 step %scan3A_29 iter_args(%scan3A_53 = %scan3A_25) -> (i32)  : i32 {
        %mul3A_54 = arith.constant 32 : i32
        %mul3A_55 = arith.muli %scan3A_52, %mul3A_54 : i32
        %add3A_56 = arith.addi %multiple_of3A, %mul3A_55 : i32
        %dma_start3A = arith.constant 0 : i32
        %dma_start3A_57 = tpu.memref_slice %arg18[%add3A_56, %dma_start3A] : memref<10304x128xf32, #tpu.memory_space<vmem_shared>> -> memref<32x128xf32, #tpu.memory_space<vmem_shared>>
        %dma_start3A_58 = arith.constant 0 : i32
        %dma_start3A_59 = tpu.memref_slice %arg18[%add3A_56, %dma_start3A_58] : memref<10304x128xf32, #tpu.memory_space<vmem_shared>> -> memref<32x128xf32, #tpu.memory_space<vmem_shared>>
        tpu.enqueue_dma source(%arg17 : memref<32x128xf32, #tpu.memory_space<vmem>>) target(%dma_start3A_59 : memref<32x128xf32, #tpu.memory_space<vmem_shared>>) target_semaphore(%arg23 : memref<!tpu.dma_semaphore, #tpu.memory_space<semaphore_mem>>)
        %scan3A_60 = arith.constant 0 : i32
        scf.yield %scan3A_60 : i32
      }
      %scan3A_31 = arith.constant 20 : i32
      %scan3A_32 = arith.constant 0 : i32
      %scan3A_33 = arith.constant 0 : i32
      %scan3A_34 = arith.constant 20 : i32
      %scan3A_35 = arith.addi %scan3A_33, %scan3A_34 : i32
      %scan3A_36 = arith.constant 1 : i32
      %scan3A_37 = scf.for %scan3A_52 = %scan3A_33 to %scan3A_35 step %scan3A_36 iter_args(%scan3A_53 = %scan3A_32) -> (i32)  : i32 {
        %dma_wait3A = arith.constant 0 : i32
        %dma_wait3A_54 = tpu.memref_slice %arg18[%multiple_of3A, %dma_wait3A] : memref<10304x128xf32, #tpu.memory_space<vmem_shared>> -> memref<32x128xf32, #tpu.memory_space<vmem_shared>>
        %dma_wait3A_55 = arith.constant 0 : i32
        %dma_wait3A_56 = tpu.memref_slice %arg18[%multiple_of3A, %dma_wait3A_55] : memref<10304x128xf32, #tpu.memory_space<vmem_shared>> -> memref<32x128xf32, #tpu.memory_space<vmem_shared>>
        tpu.wait_dma2 semaphore(%arg23 : memref<!tpu.dma_semaphore, #tpu.memory_space<semaphore_mem>>) src(%arg17 : memref<32x128xf32, #tpu.memory_space<vmem>>) dst(%dma_wait3A_56 : memref<32x128xf32, #tpu.memory_space<vmem_shared>>)
        %scan3A_57 = arith.constant 0 : i32
        scf.yield %scan3A_57 : i32
      }
      %scan3A_38 = arith.constant 20 : i32
      %barrier3A = arith.constant 0 : index
      tpu.barrier barrier_id(%barrier3A)
      %scan3A_39 = arith.constant 0 : i32
      %scan3A_40 = arith.constant 0 : i32
      %scan3A_41 = arith.constant 5 : i32
      %scan3A_42 = arith.addi %scan3A_40, %scan3A_41 : i32
      %scan3A_43 = arith.constant 1 : i32
      %scan3A_44 = scf.for %scan3A_52 = %scan3A_40 to %scan3A_42 step %scan3A_43 iter_args(%scan3A_53 = %scan3A_39) -> (i32)  : i32 {
        %mul3A_54 = arith.constant 50000 : i32
        %mul3A_55 = arith.muli %arg1, %mul3A_54 : i32
        %mul3A_56 = arith.constant 10000 : i32
        %mul3A_57 = arith.muli %scan3A_52, %mul3A_56 : i32
        %add3A_58 = arith.addi %mul3A_55, %mul3A_57 : i32
        %multiple_of3A_59 = tpu.assume_multiple %add3A_58, 8 : i32
        %dma_start3A = tpu.memref_slice %arg3[%multiple_of3A_59] : memref<800000xi32, #tpu.memory_space<hbm>> -> memref<2000xi32, #tpu.memory_space<hbm>>
        %dma_start3A_60 = tpu.memref_slice %arg3[%multiple_of3A_59] : memref<800000xi32, #tpu.memory_space<hbm>> -> memref<2000xi32, #tpu.memory_space<hbm>>
        tpu.enqueue_dma source(%dma_start3A_60 : memref<2000xi32, #tpu.memory_space<hbm>>) target(%arg7 : memref<2000xi32, #tpu.memory_space<vmem>>) target_semaphore(%arg19 : memref<!tpu.dma_semaphore, #tpu.memory_space<semaphore_mem>>)
        %dma_start3A_61 = tpu.memref_slice %arg4[%multiple_of3A_59] : memref<800000xi32, #tpu.memory_space<hbm>> -> memref<2000xi32, #tpu.memory_space<hbm>>
        %dma_start3A_62 = tpu.memref_slice %arg4[%multiple_of3A_59] : memref<800000xi32, #tpu.memory_space<hbm>> -> memref<2000xi32, #tpu.memory_space<hbm>>
        tpu.enqueue_dma source(%dma_start3A_62 : memref<2000xi32, #tpu.memory_space<hbm>>) target(%arg8 : memref<2000xi32, #tpu.memory_space<vmem>>) target_semaphore(%arg19 : memref<!tpu.dma_semaphore, #tpu.memory_space<semaphore_mem>>)
        %dma_wait3A = tpu.memref_slice %arg3[%multiple_of3A_59] : memref<800000xi32, #tpu.memory_space<hbm>> -> memref<2000xi32, #tpu.memory_space<hbm>>
        %dma_wait3A_63 = tpu.memref_slice %arg3[%multiple_of3A_59] : memref<800000xi32, #tpu.memory_space<hbm>> -> memref<2000xi32, #tpu.memory_space<hbm>>
        tpu.wait_dma2 semaphore(%arg19 : memref<!tpu.dma_semaphore, #tpu.memory_space<semaphore_mem>>) src(%dma_wait3A_63 : memref<2000xi32, #tpu.memory_space<hbm>>) dst(%arg7 : memref<2000xi32, #tpu.memory_space<vmem>>)
        %dma_wait3A_64 = tpu.memref_slice %arg4[%multiple_of3A_59] : memref<800000xi32, #tpu.memory_space<hbm>> -> memref<2000xi32, #tpu.memory_space<hbm>>
        %dma_wait3A_65 = tpu.memref_slice %arg4[%multiple_of3A_59] : memref<800000xi32, #tpu.memory_space<hbm>> -> memref<2000xi32, #tpu.memory_space<hbm>>
        tpu.wait_dma2 semaphore(%arg19 : memref<!tpu.dma_semaphore, #tpu.memory_space<semaphore_mem>>) src(%dma_wait3A_65 : memref<2000xi32, #tpu.memory_space<hbm>>) dst(%arg8 : memref<2000xi32, #tpu.memory_space<vmem>>)
        %add3A_66 = arith.constant 2000 : i32
        %add3A_67 = arith.addi %multiple_of3A_59, %add3A_66 : i32
        %multiple_of3A_68 = tpu.assume_multiple %add3A_67, 8 : i32
        %dma_start3A_69 = tpu.memref_slice %arg3[%multiple_of3A_68] : memref<800000xi32, #tpu.memory_space<hbm>> -> memref<2000xi32, #tpu.memory_space<hbm>>
        %dma_start3A_70 = tpu.memref_slice %arg3[%multiple_of3A_68] : memref<800000xi32, #tpu.memory_space<hbm>> -> memref<2000xi32, #tpu.memory_space<hbm>>
        tpu.enqueue_dma source(%dma_start3A_70 : memref<2000xi32, #tpu.memory_space<hbm>>) target(%arg9 : memref<2000xi32, #tpu.memory_space<vmem>>) target_semaphore(%arg20 : memref<!tpu.dma_semaphore, #tpu.memory_space<semaphore_mem>>)
        %dma_start3A_71 = tpu.memref_slice %arg4[%multiple_of3A_68] : memref<800000xi32, #tpu.memory_space<hbm>> -> memref<2000xi32, #tpu.memory_space<hbm>>
        %dma_start3A_72 = tpu.memref_slice %arg4[%multiple_of3A_68] : memref<800000xi32, #tpu.memory_space<hbm>> -> memref<2000xi32, #tpu.memory_space<hbm>>
        tpu.enqueue_dma source(%dma_start3A_72 : memref<2000xi32, #tpu.memory_space<hbm>>) target(%arg10 : memref<2000xi32, #tpu.memory_space<vmem>>) target_semaphore(%arg20 : memref<!tpu.dma_semaphore, #tpu.memory_space<semaphore_mem>>)
        %scan3A_73 = arith.constant 0 : i32
        %scan3A_74 = arith.constant 0 : i32
        %scan3A_75 = arith.constant 125 : i32
        %scan3A_76 = arith.addi %scan3A_74, %scan3A_75 : i32
        %scan3A_77 = arith.constant 1 : i32
        %scan3A_78 = scf.for %scan3A_217 = %scan3A_74 to %scan3A_76 step %scan3A_77 iter_args(%scan3A_218 = %scan3A_73) -> (i32)  : i32 {
          %mul3A_219 = arith.constant 16 : i32
          %mul3A_220 = arith.muli %scan3A_217, %mul3A_219 : i32
          %get3A = arith.index_cast %mul3A_220 : i32 to index
          %get3A_221 = tpu.vector_load %arg7[%get3A] {strides = array<i32>} : memref<2000xi32, #tpu.memory_space<vmem>>, vector<16xi32>,
          %mul3A_222 = arith.constant 16 : i32
          %mul3A_223 = arith.muli %scan3A_217, %mul3A_222 : i32
          %get3A_224 = arith.index_cast %mul3A_223 : i32 to index
          %get3A_225 = tpu.vector_load %arg8[%get3A_224] {strides = array<i32>} : memref<2000xi32, #tpu.memory_space<vmem>>, vector<16xi32>,
          %ge3A = vector.broadcast %mul3A_22 : i32 to vector<16xi32>
          %ge3A_226 = arith.cmpi sge, %get3A_225, %ge3A : vector<16xi32>
          %add3A_227 = arith.constant 10240 : i32
          %add3A_228 = arith.addi %mul3A_22, %add3A_227 : i32
          %lt3A = vector.broadcast %add3A_228 : i32 to vector<16xi32>
          %lt3A_229 = arith.cmpi slt, %get3A_225, %lt3A : vector<16xi32>
          %and3A_230 = arith.andi %ge3A_226, %lt3A_229 : vector<16xi1>
          %sub3A_231 = vector.broadcast %mul3A_22 : i32 to vector<16xi32>
          %sub3A_232 = arith.subi %get3A_225, %sub3A_231 : vector<16xi32>
          %shift_left3A = arith.constant 15 : i32
          %shift_left3A_233 = vector.broadcast %shift_left3A : i32 to vector<16xi32>
          %shift_left3A_234 = arith.shli %get3A_221, %shift_left3A_233 : vector<16xi32>
          %or3A = arith.ori %shift_left3A_234, %sub3A_232 : vector<16xi32>
          %convert_element_type3A_235 = arith.extui %and3A_230 : vector<16xi1> to vector<16xi32>
          %broadcast_in_dim3A_236 = arith.constant true
          %broadcast_in_dim3A_237 = vector.broadcast %broadcast_in_dim3A_236 : i1 to vector<16xi1>
          %masked_cumsum3A = tpu.scan <sum>, %convert_element_type3A_235 masked %broadcast_in_dim3A_237 : vector<16xi32>, vector<16xi1> -> vector<16xi32>
          %add3A_238 = vector.broadcast %scan3A_218 : i32 to vector<16xi32>
          %add3A_239 = arith.addi %add3A_238, %masked_cumsum3A : vector<16xi32>
          %sub3A_240 = arith.subi %add3A_239, %convert_element_type3A_235 : vector<16xi32>
          tpu.vector_store_idx %arg6[%sub3A_240], %or3A masked %and3A_230 : memref<10176xi32, #tpu.memory_space<vmem>>[vector<16xi32>], vector<16xi32>, vector<16xi1>
          %reduce_sum3A = arith.constant true
          %reduce_sum3A_241 = vector.broadcast %reduce_sum3A : i1 to vector<16xi1>
          %reduce_sum3A_242 = tpu.scan <sum>, %convert_element_type3A_235 masked %reduce_sum3A_241 : vector<16xi32>, vector<16xi1> -> vector<16xi32>
          %reduce_sum3A_243 = vector.extract %reduce_sum3A_242[15] : i32 from vector<16xi32>
          %add3A_244 = arith.addi %scan3A_218, %reduce_sum3A_243 : i32
          scf.yield %add3A_244 : i32
        }
        %scan3A_79 = arith.constant 125 : i32
        %dma_wait3A_80 = tpu.memref_slice %arg3[%multiple_of3A_68] : memref<800000xi32, #tpu.memory_space<hbm>> -> memref<2000xi32, #tpu.memory_space<hbm>>
        %dma_wait3A_81 = tpu.memref_slice %arg3[%multiple_of3A_68] : memref<800000xi32, #tpu.memory_space<hbm>> -> memref<2000xi32, #tpu.memory_space<hbm>>
        tpu.wait_dma2 semaphore(%arg20 : memref<!tpu.dma_semaphore, #tpu.memory_space<semaphore_mem>>) src(%dma_wait3A_81 : memref<2000xi32, #tpu.memory_space<hbm>>) dst(%arg9 : memref<2000xi32, #tpu.memory_space<vmem>>)
        %dma_wait3A_82 = tpu.memref_slice %arg4[%multiple_of3A_68] : memref<800000xi32, #tpu.memory_space<hbm>> -> memref<2000xi32, #tpu.memory_space<hbm>>
        %dma_wait3A_83 = tpu.memref_slice %arg4[%multiple_of3A_68] : memref<800000xi32, #tpu.memory_space<hbm>> -> memref<2000xi32, #tpu.memory_space<hbm>>
        tpu.wait_dma2 semaphore(%arg20 : memref<!tpu.dma_semaphore, #tpu.memory_space<semaphore_mem>>) src(%dma_wait3A_83 : memref<2000xi32, #tpu.memory_space<hbm>>) dst(%arg10 : memref<2000xi32, #tpu.memory_space<vmem>>)
        %add3A_84 = arith.constant 4000 : i32
        %add3A_85 = arith.addi %multiple_of3A_59, %add3A_84 : i32
        %multiple_of3A_86 = tpu.assume_multiple %add3A_85, 8 : i32
        %dma_start3A_87 = tpu.memref_slice %arg3[%multiple_of3A_86] : memref<800000xi32, #tpu.memory_space<hbm>> -> memref<2000xi32, #tpu.memory_space<hbm>>
        %dma_start3A_88 = tpu.memref_slice %arg3[%multiple_of3A_86] : memref<800000xi32, #tpu.memory_space<hbm>> -> memref<2000xi32, #tpu.memory_space<hbm>>
        tpu.enqueue_dma source(%dma_start3A_88 : memref<2000xi32, #tpu.memory_space<hbm>>) target(%arg7 : memref<2000xi32, #tpu.memory_space<vmem>>) target_semaphore(%arg19 : memref<!tpu.dma_semaphore, #tpu.memory_space<semaphore_mem>>)
        %dma_start3A_89 = tpu.memref_slice %arg4[%multiple_of3A_86] : memref<800000xi32, #tpu.memory_space<hbm>> -> memref<2000xi32, #tpu.memory_space<hbm>>
        %dma_start3A_90 = tpu.memref_slice %arg4[%multiple_of3A_86] : memref<800000xi32, #tpu.memory_space<hbm>> -> memref<2000xi32, #tpu.memory_space<hbm>>
        tpu.enqueue_dma source(%dma_start3A_90 : memref<2000xi32, #tpu.memory_space<hbm>>) target(%arg8 : memref<2000xi32, #tpu.memory_space<vmem>>) target_semaphore(%arg19 : memref<!tpu.dma_semaphore, #tpu.memory_space<semaphore_mem>>)
        %scan3A_91 = arith.constant 0 : i32
        %scan3A_92 = arith.constant 125 : i32
        %scan3A_93 = arith.addi %scan3A_91, %scan3A_92 : i32
        %scan3A_94 = arith.constant 1 : i32
        %scan3A_95 = scf.for %scan3A_217 = %scan3A_91 to %scan3A_93 step %scan3A_94 iter_args(%scan3A_218 = %scan3A_78) -> (i32)  : i32 {
          %mul3A_219 = arith.constant 16 : i32
          %mul3A_220 = arith.muli %scan3A_217, %mul3A_219 : i32
          %get3A = arith.index_cast %mul3A_220 : i32 to index
          %get3A_221 = tpu.vector_load %arg9[%get3A] {strides = array<i32>} : memref<2000xi32, #tpu.memory_space<vmem>>, vector<16xi32>,
          %mul3A_222 = arith.constant 16 : i32
          %mul3A_223 = arith.muli %scan3A_217, %mul3A_222 : i32
          %get3A_224 = arith.index_cast %mul3A_223 : i32 to index
          %get3A_225 = tpu.vector_load %arg10[%get3A_224] {strides = array<i32>} : memref<2000xi32, #tpu.memory_space<vmem>>, vector<16xi32>,
          %ge3A = vector.broadcast %mul3A_22 : i32 to vector<16xi32>
          %ge3A_226 = arith.cmpi sge, %get3A_225, %ge3A : vector<16xi32>
          %add3A_227 = arith.constant 10240 : i32
          %add3A_228 = arith.addi %mul3A_22, %add3A_227 : i32
          %lt3A = vector.broadcast %add3A_228 : i32 to vector<16xi32>
          %lt3A_229 = arith.cmpi slt, %get3A_225, %lt3A : vector<16xi32>
          %and3A_230 = arith.andi %ge3A_226, %lt3A_229 : vector<16xi1>
          %sub3A_231 = vector.broadcast %mul3A_22 : i32 to vector<16xi32>
          %sub3A_232 = arith.subi %get3A_225, %sub3A_231 : vector<16xi32>
          %shift_left3A = arith.constant 15 : i32
          %shift_left3A_233 = vector.broadcast %shift_left3A : i32 to vector<16xi32>
          %shift_left3A_234 = arith.shli %get3A_221, %shift_left3A_233 : vector<16xi32>
          %or3A = arith.ori %shift_left3A_234, %sub3A_232 : vector<16xi32>
          %convert_element_type3A_235 = arith.extui %and3A_230 : vector<16xi1> to vector<16xi32>
          %broadcast_in_dim3A_236 = arith.constant true
          %broadcast_in_dim3A_237 = vector.broadcast %broadcast_in_dim3A_236 : i1 to vector<16xi1>
          %masked_cumsum3A = tpu.scan <sum>, %convert_element_type3A_235 masked %broadcast_in_dim3A_237 : vector<16xi32>, vector<16xi1> -> vector<16xi32>
          %add3A_238 = vector.broadcast %scan3A_218 : i32 to vector<16xi32>
          %add3A_239 = arith.addi %add3A_238, %masked_cumsum3A : vector<16xi32>
          %sub3A_240 = arith.subi %add3A_239, %convert_element_type3A_235 : vector<16xi32>
          tpu.vector_store_idx %arg6[%sub3A_240], %or3A masked %and3A_230 : memref<10176xi32, #tpu.memory_space<vmem>>[vector<16xi32>], vector<16xi32>, vector<16xi1>
          %reduce_sum3A = arith.constant true
          %reduce_sum3A_241 = vector.broadcast %reduce_sum3A : i1 to vector<16xi1>
          %reduce_sum3A_242 = tpu.scan <sum>, %convert_element_type3A_235 masked %reduce_sum3A_241 : vector<16xi32>, vector<16xi1> -> vector<16xi32>
          %reduce_sum3A_243 = vector.extract %reduce_sum3A_242[15] : i32 from vector<16xi32>
          %add3A_244 = arith.addi %scan3A_218, %reduce_sum3A_243 : i32
          scf.yield %add3A_244 : i32
        }
        %scan3A_96 = arith.constant 125 : i32
        %dma_wait3A_97 = tpu.memref_slice %arg3[%multiple_of3A_86] : memref<800000xi32, #tpu.memory_space<hbm>> -> memref<2000xi32, #tpu.memory_space<hbm>>
        %dma_wait3A_98 = tpu.memref_slice %arg3[%multiple_of3A_86] : memref<800000xi32, #tpu.memory_space<hbm>> -> memref<2000xi32, #tpu.memory_space<hbm>>
        tpu.wait_dma2 semaphore(%arg19 : memref<!tpu.dma_semaphore, #tpu.memory_space<semaphore_mem>>) src(%dma_wait3A_98 : memref<2000xi32, #tpu.memory_space<hbm>>) dst(%arg7 : memref<2000xi32, #tpu.memory_space<vmem>>)
        %dma_wait3A_99 = tpu.memref_slice %arg4[%multiple_of3A_86] : memref<800000xi32, #tpu.memory_space<hbm>> -> memref<2000xi32, #tpu.memory_space<hbm>>
        %dma_wait3A_100 = tpu.memref_slice %arg4[%multiple_of3A_86] : memref<800000xi32, #tpu.memory_space<hbm>> -> memref<2000xi32, #tpu.memory_space<hbm>>
        tpu.wait_dma2 semaphore(%arg19 : memref<!tpu.dma_semaphore, #tpu.memory_space<semaphore_mem>>) src(%dma_wait3A_100 : memref<2000xi32, #tpu.memory_space<hbm>>) dst(%arg8 : memref<2000xi32, #tpu.memory_space<vmem>>)
        %add3A_101 = arith.constant 6000 : i32
        %add3A_102 = arith.addi %multiple_of3A_59, %add3A_101 : i32
        %multiple_of3A_103 = tpu.assume_multiple %add3A_102, 8 : i32
        %dma_start3A_104 = tpu.memref_slice %arg3[%multiple_of3A_103] : memref<800000xi32, #tpu.memory_space<hbm>> -> memref<2000xi32, #tpu.memory_space<hbm>>
        %dma_start3A_105 = tpu.memref_slice %arg3[%multiple_of3A_103] : memref<800000xi32, #tpu.memory_space<hbm>> -> memref<2000xi32, #tpu.memory_space<hbm>>
        tpu.enqueue_dma source(%dma_start3A_105 : memref<2000xi32, #tpu.memory_space<hbm>>) target(%arg9 : memref<2000xi32, #tpu.memory_space<vmem>>) target_semaphore(%arg20 : memref<!tpu.dma_semaphore, #tpu.memory_space<semaphore_mem>>)
        %dma_start3A_106 = tpu.memref_slice %arg4[%multiple_of3A_103] : memref<800000xi32, #tpu.memory_space<hbm>> -> memref<2000xi32, #tpu.memory_space<hbm>>
        %dma_start3A_107 = tpu.memref_slice %arg4[%multiple_of3A_103] : memref<800000xi32, #tpu.memory_space<hbm>> -> memref<2000xi32, #tpu.memory_space<hbm>>
        tpu.enqueue_dma source(%dma_start3A_107 : memref<2000xi32, #tpu.memory_space<hbm>>) target(%arg10 : memref<2000xi32, #tpu.memory_space<vmem>>) target_semaphore(%arg20 : memref<!tpu.dma_semaphore, #tpu.memory_space<semaphore_mem>>)
        %scan3A_108 = arith.constant 0 : i32
        %scan3A_109 = arith.constant 125 : i32
        %scan3A_110 = arith.addi %scan3A_108, %scan3A_109 : i32
        %scan3A_111 = arith.constant 1 : i32
        %scan3A_112 = scf.for %scan3A_217 = %scan3A_108 to %scan3A_110 step %scan3A_111 iter_args(%scan3A_218 = %scan3A_95) -> (i32)  : i32 {
          %mul3A_219 = arith.constant 16 : i32
          %mul3A_220 = arith.muli %scan3A_217, %mul3A_219 : i32
          %get3A = arith.index_cast %mul3A_220 : i32 to index
          %get3A_221 = tpu.vector_load %arg7[%get3A] {strides = array<i32>} : memref<2000xi32, #tpu.memory_space<vmem>>, vector<16xi32>,
          %mul3A_222 = arith.constant 16 : i32
          %mul3A_223 = arith.muli %scan3A_217, %mul3A_222 : i32
          %get3A_224 = arith.index_cast %mul3A_223 : i32 to index
          %get3A_225 = tpu.vector_load %arg8[%get3A_224] {strides = array<i32>} : memref<2000xi32, #tpu.memory_space<vmem>>, vector<16xi32>,
          %ge3A = vector.broadcast %mul3A_22 : i32 to vector<16xi32>
          %ge3A_226 = arith.cmpi sge, %get3A_225, %ge3A : vector<16xi32>
          %add3A_227 = arith.constant 10240 : i32
          %add3A_228 = arith.addi %mul3A_22, %add3A_227 : i32
          %lt3A = vector.broadcast %add3A_228 : i32 to vector<16xi32>
          %lt3A_229 = arith.cmpi slt, %get3A_225, %lt3A : vector<16xi32>
          %and3A_230 = arith.andi %ge3A_226, %lt3A_229 : vector<16xi1>
          %sub3A_231 = vector.broadcast %mul3A_22 : i32 to vector<16xi32>
          %sub3A_232 = arith.subi %get3A_225, %sub3A_231 : vector<16xi32>
          %shift_left3A = arith.constant 15 : i32
          %shift_left3A_233 = vector.broadcast %shift_left3A : i32 to vector<16xi32>
          %shift_left3A_234 = arith.shli %get3A_221, %shift_left3A_233 : vector<16xi32>
          %or3A = arith.ori %shift_left3A_234, %sub3A_232 : vector<16xi32>
          %convert_element_type3A_235 = arith.extui %and3A_230 : vector<16xi1> to vector<16xi32>
          %broadcast_in_dim3A_236 = arith.constant true
          %broadcast_in_dim3A_237 = vector.broadcast %broadcast_in_dim3A_236 : i1 to vector<16xi1>
          %masked_cumsum3A = tpu.scan <sum>, %convert_element_type3A_235 masked %broadcast_in_dim3A_237 : vector<16xi32>, vector<16xi1> -> vector<16xi32>
          %add3A_238 = vector.broadcast %scan3A_218 : i32 to vector<16xi32>
          %add3A_239 = arith.addi %add3A_238, %masked_cumsum3A : vector<16xi32>
          %sub3A_240 = arith.subi %add3A_239, %convert_element_type3A_235 : vector<16xi32>
          tpu.vector_store_idx %arg6[%sub3A_240], %or3A masked %and3A_230 : memref<10176xi32, #tpu.memory_space<vmem>>[vector<16xi32>], vector<16xi32>, vector<16xi1>
          %reduce_sum3A = arith.constant true
          %reduce_sum3A_241 = vector.broadcast %reduce_sum3A : i1 to vector<16xi1>
          %reduce_sum3A_242 = tpu.scan <sum>, %convert_element_type3A_235 masked %reduce_sum3A_241 : vector<16xi32>, vector<16xi1> -> vector<16xi32>
          %reduce_sum3A_243 = vector.extract %reduce_sum3A_242[15] : i32 from vector<16xi32>
          %add3A_244 = arith.addi %scan3A_218, %reduce_sum3A_243 : i32
          scf.yield %add3A_244 : i32
        }
        %scan3A_113 = arith.constant 125 : i32
        %dma_wait3A_114 = tpu.memref_slice %arg3[%multiple_of3A_103] : memref<800000xi32, #tpu.memory_space<hbm>> -> memref<2000xi32, #tpu.memory_space<hbm>>
        %dma_wait3A_115 = tpu.memref_slice %arg3[%multiple_of3A_103] : memref<800000xi32, #tpu.memory_space<hbm>> -> memref<2000xi32, #tpu.memory_space<hbm>>
        tpu.wait_dma2 semaphore(%arg20 : memref<!tpu.dma_semaphore, #tpu.memory_space<semaphore_mem>>) src(%dma_wait3A_115 : memref<2000xi32, #tpu.memory_space<hbm>>) dst(%arg9 : memref<2000xi32, #tpu.memory_space<vmem>>)
        %dma_wait3A_116 = tpu.memref_slice %arg4[%multiple_of3A_103] : memref<800000xi32, #tpu.memory_space<hbm>> -> memref<2000xi32, #tpu.memory_space<hbm>>
        %dma_wait3A_117 = tpu.memref_slice %arg4[%multiple_of3A_103] : memref<800000xi32, #tpu.memory_space<hbm>> -> memref<2000xi32, #tpu.memory_space<hbm>>
        tpu.wait_dma2 semaphore(%arg20 : memref<!tpu.dma_semaphore, #tpu.memory_space<semaphore_mem>>) src(%dma_wait3A_117 : memref<2000xi32, #tpu.memory_space<hbm>>) dst(%arg10 : memref<2000xi32, #tpu.memory_space<vmem>>)
        %add3A_118 = arith.constant 8000 : i32
        %add3A_119 = arith.addi %multiple_of3A_59, %add3A_118 : i32
        %multiple_of3A_120 = tpu.assume_multiple %add3A_119, 8 : i32
        %dma_start3A_121 = tpu.memref_slice %arg3[%multiple_of3A_120] : memref<800000xi32, #tpu.memory_space<hbm>> -> memref<2000xi32, #tpu.memory_space<hbm>>
        %dma_start3A_122 = tpu.memref_slice %arg3[%multiple_of3A_120] : memref<800000xi32, #tpu.memory_space<hbm>> -> memref<2000xi32, #tpu.memory_space<hbm>>
        tpu.enqueue_dma source(%dma_start3A_122 : memref<2000xi32, #tpu.memory_space<hbm>>) target(%arg7 : memref<2000xi32, #tpu.memory_space<vmem>>) target_semaphore(%arg19 : memref<!tpu.dma_semaphore, #tpu.memory_space<semaphore_mem>>)
        %dma_start3A_123 = tpu.memref_slice %arg4[%multiple_of3A_120] : memref<800000xi32, #tpu.memory_space<hbm>> -> memref<2000xi32, #tpu.memory_space<hbm>>
        %dma_start3A_124 = tpu.memref_slice %arg4[%multiple_of3A_120] : memref<800000xi32, #tpu.memory_space<hbm>> -> memref<2000xi32, #tpu.memory_space<hbm>>
        tpu.enqueue_dma source(%dma_start3A_124 : memref<2000xi32, #tpu.memory_space<hbm>>) target(%arg8 : memref<2000xi32, #tpu.memory_space<vmem>>) target_semaphore(%arg19 : memref<!tpu.dma_semaphore, #tpu.memory_space<semaphore_mem>>)
        %scan3A_125 = arith.constant 0 : i32
        %scan3A_126 = arith.constant 125 : i32
        %scan3A_127 = arith.addi %scan3A_125, %scan3A_126 : i32
        %scan3A_128 = arith.constant 1 : i32
        %scan3A_129 = scf.for %scan3A_217 = %scan3A_125 to %scan3A_127 step %scan3A_128 iter_args(%scan3A_218 = %scan3A_112) -> (i32)  : i32 {
          %mul3A_219 = arith.constant 16 : i32
          %mul3A_220 = arith.muli %scan3A_217, %mul3A_219 : i32
          %get3A = arith.index_cast %mul3A_220 : i32 to index
          %get3A_221 = tpu.vector_load %arg9[%get3A] {strides = array<i32>} : memref<2000xi32, #tpu.memory_space<vmem>>, vector<16xi32>,
          %mul3A_222 = arith.constant 16 : i32
          %mul3A_223 = arith.muli %scan3A_217, %mul3A_222 : i32
          %get3A_224 = arith.index_cast %mul3A_223 : i32 to index
          %get3A_225 = tpu.vector_load %arg10[%get3A_224] {strides = array<i32>} : memref<2000xi32, #tpu.memory_space<vmem>>, vector<16xi32>,
          %ge3A = vector.broadcast %mul3A_22 : i32 to vector<16xi32>
          %ge3A_226 = arith.cmpi sge, %get3A_225, %ge3A : vector<16xi32>
          %add3A_227 = arith.constant 10240 : i32
          %add3A_228 = arith.addi %mul3A_22, %add3A_227 : i32
          %lt3A = vector.broadcast %add3A_228 : i32 to vector<16xi32>
          %lt3A_229 = arith.cmpi slt, %get3A_225, %lt3A : vector<16xi32>
          %and3A_230 = arith.andi %ge3A_226, %lt3A_229 : vector<16xi1>
          %sub3A_231 = vector.broadcast %mul3A_22 : i32 to vector<16xi32>
          %sub3A_232 = arith.subi %get3A_225, %sub3A_231 : vector<16xi32>
          %shift_left3A = arith.constant 15 : i32
          %shift_left3A_233 = vector.broadcast %shift_left3A : i32 to vector<16xi32>
          %shift_left3A_234 = arith.shli %get3A_221, %shift_left3A_233 : vector<16xi32>
          %or3A = arith.ori %shift_left3A_234, %sub3A_232 : vector<16xi32>
          %convert_element_type3A_235 = arith.extui %and3A_230 : vector<16xi1> to vector<16xi32>
          %broadcast_in_dim3A_236 = arith.constant true
          %broadcast_in_dim3A_237 = vector.broadcast %broadcast_in_dim3A_236 : i1 to vector<16xi1>
          %masked_cumsum3A = tpu.scan <sum>, %convert_element_type3A_235 masked %broadcast_in_dim3A_237 : vector<16xi32>, vector<16xi1> -> vector<16xi32>
          %add3A_238 = vector.broadcast %scan3A_218 : i32 to vector<16xi32>
          %add3A_239 = arith.addi %add3A_238, %masked_cumsum3A : vector<16xi32>
          %sub3A_240 = arith.subi %add3A_239, %convert_element_type3A_235 : vector<16xi32>
          tpu.vector_store_idx %arg6[%sub3A_240], %or3A masked %and3A_230 : memref<10176xi32, #tpu.memory_space<vmem>>[vector<16xi32>], vector<16xi32>, vector<16xi1>
          %reduce_sum3A = arith.constant true
          %reduce_sum3A_241 = vector.broadcast %reduce_sum3A : i1 to vector<16xi1>
          %reduce_sum3A_242 = tpu.scan <sum>, %convert_element_type3A_235 masked %reduce_sum3A_241 : vector<16xi32>, vector<16xi1> -> vector<16xi32>
          %reduce_sum3A_243 = vector.extract %reduce_sum3A_242[15] : i32 from vector<16xi32>
          %add3A_244 = arith.addi %scan3A_218, %reduce_sum3A_243 : i32
          scf.yield %add3A_244 : i32
        }
        %scan3A_130 = arith.constant 125 : i32
        %dma_wait3A_131 = tpu.memref_slice %arg3[%multiple_of3A_120] : memref<800000xi32, #tpu.memory_space<hbm>> -> memref<2000xi32, #tpu.memory_space<hbm>>
        %dma_wait3A_132 = tpu.memref_slice %arg3[%multiple_of3A_120] : memref<800000xi32, #tpu.memory_space<hbm>> -> memref<2000xi32, #tpu.memory_space<hbm>>
        tpu.wait_dma2 semaphore(%arg19 : memref<!tpu.dma_semaphore, #tpu.memory_space<semaphore_mem>>) src(%dma_wait3A_132 : memref<2000xi32, #tpu.memory_space<hbm>>) dst(%arg7 : memref<2000xi32, #tpu.memory_space<vmem>>)
        %dma_wait3A_133 = tpu.memref_slice %arg4[%multiple_of3A_120] : memref<800000xi32, #tpu.memory_space<hbm>> -> memref<2000xi32, #tpu.memory_space<hbm>>
        %dma_wait3A_134 = tpu.memref_slice %arg4[%multiple_of3A_120] : memref<800000xi32, #tpu.memory_space<hbm>> -> memref<2000xi32, #tpu.memory_space<hbm>>
        tpu.wait_dma2 semaphore(%arg19 : memref<!tpu.dma_semaphore, #tpu.memory_space<semaphore_mem>>) src(%dma_wait3A_134 : memref<2000xi32, #tpu.memory_space<hbm>>) dst(%arg8 : memref<2000xi32, #tpu.memory_space<vmem>>)
        %scan3A_135 = arith.constant 0 : i32
        %scan3A_136 = arith.constant 125 : i32
        %scan3A_137 = arith.addi %scan3A_135, %scan3A_136 : i32
        %scan3A_138 = arith.constant 1 : i32
        %scan3A_139 = scf.for %scan3A_217 = %scan3A_135 to %scan3A_137 step %scan3A_138 iter_args(%scan3A_218 = %scan3A_129) -> (i32)  : i32 {
          %mul3A_219 = arith.constant 16 : i32
          %mul3A_220 = arith.muli %scan3A_217, %mul3A_219 : i32
          %get3A = arith.index_cast %mul3A_220 : i32 to index
          %get3A_221 = tpu.vector_load %arg7[%get3A] {strides = array<i32>} : memref<2000xi32, #tpu.memory_space<vmem>>, vector<16xi32>,
          %mul3A_222 = arith.constant 16 : i32
          %mul3A_223 = arith.muli %scan3A_217, %mul3A_222 : i32
          %get3A_224 = arith.index_cast %mul3A_223 : i32 to index
          %get3A_225 = tpu.vector_load %arg8[%get3A_224] {strides = array<i32>} : memref<2000xi32, #tpu.memory_space<vmem>>, vector<16xi32>,
          %ge3A = vector.broadcast %mul3A_22 : i32 to vector<16xi32>
          %ge3A_226 = arith.cmpi sge, %get3A_225, %ge3A : vector<16xi32>
          %add3A_227 = arith.constant 10240 : i32
          %add3A_228 = arith.addi %mul3A_22, %add3A_227 : i32
          %lt3A = vector.broadcast %add3A_228 : i32 to vector<16xi32>
          %lt3A_229 = arith.cmpi slt, %get3A_225, %lt3A : vector<16xi32>
          %and3A_230 = arith.andi %ge3A_226, %lt3A_229 : vector<16xi1>
          %sub3A_231 = vector.broadcast %mul3A_22 : i32 to vector<16xi32>
          %sub3A_232 = arith.subi %get3A_225, %sub3A_231 : vector<16xi32>
          %shift_left3A = arith.constant 15 : i32
          %shift_left3A_233 = vector.broadcast %shift_left3A : i32 to vector<16xi32>
          %shift_left3A_234 = arith.shli %get3A_221, %shift_left3A_233 : vector<16xi32>
          %or3A = arith.ori %shift_left3A_234, %sub3A_232 : vector<16xi32>
          %convert_element_type3A_235 = arith.extui %and3A_230 : vector<16xi1> to vector<16xi32>
          %broadcast_in_dim3A_236 = arith.constant true
          %broadcast_in_dim3A_237 = vector.broadcast %broadcast_in_dim3A_236 : i1 to vector<16xi1>
          %masked_cumsum3A = tpu.scan <sum>, %convert_element_type3A_235 masked %broadcast_in_dim3A_237 : vector<16xi32>, vector<16xi1> -> vector<16xi32>
          %add3A_238 = vector.broadcast %scan3A_218 : i32 to vector<16xi32>
          %add3A_239 = arith.addi %add3A_238, %masked_cumsum3A : vector<16xi32>
          %sub3A_240 = arith.subi %add3A_239, %convert_element_type3A_235 : vector<16xi32>
          tpu.vector_store_idx %arg6[%sub3A_240], %or3A masked %and3A_230 : memref<10176xi32, #tpu.memory_space<vmem>>[vector<16xi32>], vector<16xi32>, vector<16xi1>
          %reduce_sum3A = arith.constant true
          %reduce_sum3A_241 = vector.broadcast %reduce_sum3A : i1 to vector<16xi1>
          %reduce_sum3A_242 = tpu.scan <sum>, %convert_element_type3A_235 masked %reduce_sum3A_241 : vector<16xi32>, vector<16xi1> -> vector<16xi32>
          %reduce_sum3A_243 = vector.extract %reduce_sum3A_242[15] : i32 from vector<16xi32>
          %add3A_244 = arith.addi %scan3A_218, %reduce_sum3A_243 : i32
          scf.yield %add3A_244 : i32
        }
        %scan3A_140 = arith.constant 125 : i32
        %add3A_141 = arith.constant 0 : i32
        %add3A_142 = arith.addi %scan3A_139, %add3A_141 : i32
        %add3A_143 = vector.broadcast %add3A_142 : i32 to vector<16xi32>
        %add3A_144 = arith.addi %add3A_143, %iota3A : vector<16xi32>
        tpu.vector_store_idx %arg6[%add3A_144], %broadcast_in_dim3A_8 : memref<10176xi32, #tpu.memory_space<vmem>>[vector<16xi32>], vector<16xi32>,
        %add3A_145 = arith.constant 16 : i32
        %add3A_146 = arith.addi %scan3A_139, %add3A_145 : i32
        %add3A_147 = vector.broadcast %add3A_146 : i32 to vector<16xi32>
        %add3A_148 = arith.addi %add3A_147, %iota3A : vector<16xi32>
        tpu.vector_store_idx %arg6[%add3A_148], %broadcast_in_dim3A_8 : memref<10176xi32, #tpu.memory_space<vmem>>[vector<16xi32>], vector<16xi32>,
        %add3A_149 = arith.constant 32 : i32
        %add3A_150 = arith.addi %scan3A_139, %add3A_149 : i32
        %add3A_151 = vector.broadcast %add3A_150 : i32 to vector<16xi32>
        %add3A_152 = arith.addi %add3A_151, %iota3A : vector<16xi32>
        tpu.vector_store_idx %arg6[%add3A_152], %broadcast_in_dim3A_8 : memref<10176xi32, #tpu.memory_space<vmem>>[vector<16xi32>], vector<16xi32>,
        %add3A_153 = arith.constant 48 : i32
        %add3A_154 = arith.addi %scan3A_139, %add3A_153 : i32
        %add3A_155 = vector.broadcast %add3A_154 : i32 to vector<16xi32>
        %add3A_156 = arith.addi %add3A_155, %iota3A : vector<16xi32>
        tpu.vector_store_idx %arg6[%add3A_156], %broadcast_in_dim3A_8 : memref<10176xi32, #tpu.memory_space<vmem>>[vector<16xi32>], vector<16xi32>,
        %add3A_157 = arith.constant 64 : i32
        %add3A_158 = arith.addi %scan3A_139, %add3A_157 : i32
        %sub3A = arith.constant 1 : i32
        %sub3A_159 = arith.subi %add3A_158, %sub3A : i32
        %jit3A = arith.constant 64 : i32
        %div3A = arith.divsi %sub3A_159, %jit3A : i32
        %sign3A = arith.constant 0 : i32
        %sign3A_160 = arith.cmpi sgt, %sub3A_159, %sign3A : i32
        %sign3A_161 = arith.extui %sign3A_160 : i1 to i32
        %sign3A_162 = arith.constant 0 : i32
        %sign3A_163 = arith.cmpi slt, %sub3A_159, %sign3A_162 : i32
        %sign3A_164 = arith.extui %sign3A_163 : i1 to i32
        %sign3A_165 = arith.subi %sign3A_161, %sign3A_164 : i32
        %sign3A_166 = arith.constant 0 : i32
        %sign3A_167 = arith.cmpi sgt, %jit3A, %sign3A_166 : i32
        %sign3A_168 = arith.extui %sign3A_167 : i1 to i32
        %sign3A_169 = arith.constant 0 : i32
        %sign3A_170 = arith.cmpi slt, %jit3A, %sign3A_169 : i32
        %sign3A_171 = arith.extui %sign3A_170 : i1 to i32
        %sign3A_172 = arith.subi %sign3A_168, %sign3A_171 : i32
        %ne3A = arith.cmpi ne, %sign3A_165, %sign3A_172 : i32
        %rem3A = arith.remsi %sub3A_159, %jit3A : i32
        %ne3A_173 = arith.constant 0 : i32
        %ne3A_174 = arith.cmpi ne, %rem3A, %ne3A_173 : i32
        %and3A = arith.andi %ne3A, %ne3A_174 : i1
        %sub3A_175 = arith.constant 1 : i32
        %sub3A_176 = arith.subi %div3A, %sub3A_175 : i32
        %select_n3A = arith.select %and3A, %sub3A_176, %div3A : i32
        %gt3A = arith.constant 0 : i32
        %gt3A_177 = arith.cmpi sgt, %select_n3A, %gt3A : i32
        %convert_element_type3A = arith.extui %gt3A_177 : i1 to i32
        %cond3A = arith.constant 0 : i32
        %cond3A_178 = arith.cmpi ne, %convert_element_type3A, %cond3A : i32
        scf.if %cond3A_178 {
          %get3A = arith.constant 0 : index
          %get3A_217 = tpu.vector_load %arg6[%get3A] {strides = array<i32>} : memref<10176xi32, #tpu.memory_space<vmem>>, vector<16xi32>,
          %shift_right_arithmetic3A = arith.constant 15 : i32
          %shift_right_arithmetic3A_218 = vector.broadcast %shift_right_arithmetic3A : i32 to vector<16xi32>
          %shift_right_arithmetic3A_219 = arith.shrsi %get3A_217, %shift_right_arithmetic3A_218 : vector<16xi32>
          %swap3A = arith.constant 0 : index
          %swap3A_220 = tpu.vector_load %arg11[%swap3A] {strides = array<i32>} : memref<64xi32, #tpu.memory_space<vmem>>, vector<16xi32>,
          tpu.vector_store %arg11[%swap3A], %shift_right_arithmetic3A_219 {strides = array<i32>} : memref<64xi32, #tpu.memory_space<vmem>>, vector<16xi32>,
          %and3A_221 = arith.constant 32767 : i32
          %and3A_222 = vector.broadcast %and3A_221 : i32 to vector<16xi32>
          %and3A_223 = arith.andi %get3A_217, %and3A_222 : vector<16xi32>
          %swap3A_224 = arith.constant 0 : index
          %swap3A_225 = tpu.vector_load %arg12[%swap3A_224] {strides = array<i32>} : memref<64xi32, #tpu.memory_space<vmem>>, vector<16xi32>,
          tpu.vector_store %arg12[%swap3A_224], %and3A_223 {strides = array<i32>} : memref<64xi32, #tpu.memory_space<vmem>>, vector<16xi32>,
          %get3A_226 = arith.constant 16 : index
          %get3A_227 = tpu.vector_load %arg6[%get3A_226] {strides = array<i32>} : memref<10176xi32, #tpu.memory_space<vmem>>, vector<16xi32>,
          %shift_right_arithmetic3A_228 = arith.constant 15 : i32
          %shift_right_arithmetic3A_229 = vector.broadcast %shift_right_arithmetic3A_228 : i32 to vector<16xi32>
          %shift_right_arithmetic3A_230 = arith.shrsi %get3A_227, %shift_right_arithmetic3A_229 : vector<16xi32>
          %swap3A_231 = arith.constant 16 : index
          %swap3A_232 = tpu.vector_load %arg11[%swap3A_231] {strides = array<i32>} : memref<64xi32, #tpu.memory_space<vmem>>, vector<16xi32>,
          tpu.vector_store %arg11[%swap3A_231], %shift_right_arithmetic3A_230 {strides = array<i32>} : memref<64xi32, #tpu.memory_space<vmem>>, vector<16xi32>,
          %and3A_233 = arith.constant 32767 : i32
          %and3A_234 = vector.broadcast %and3A_233 : i32 to vector<16xi32>
          %and3A_235 = arith.andi %get3A_227, %and3A_234 : vector<16xi32>
          %swap3A_236 = arith.constant 16 : index
          %swap3A_237 = tpu.vector_load %arg12[%swap3A_236] {strides = array<i32>} : memref<64xi32, #tpu.memory_space<vmem>>, vector<16xi32>,
          tpu.vector_store %arg12[%swap3A_236], %and3A_235 {strides = array<i32>} : memref<64xi32, #tpu.memory_space<vmem>>, vector<16xi32>,
          %get3A_238 = arith.constant 32 : index
          %get3A_239 = tpu.vector_load %arg6[%get3A_238] {strides = array<i32>} : memref<10176xi32, #tpu.memory_space<vmem>>, vector<16xi32>,
          %shift_right_arithmetic3A_240 = arith.constant 15 : i32
          %shift_right_arithmetic3A_241 = vector.broadcast %shift_right_arithmetic3A_240 : i32 to vector<16xi32>
          %shift_right_arithmetic3A_242 = arith.shrsi %get3A_239, %shift_right_arithmetic3A_241 : vector<16xi32>
          %swap3A_243 = arith.constant 32 : index
          %swap3A_244 = tpu.vector_load %arg11[%swap3A_243] {strides = array<i32>} : memref<64xi32, #tpu.memory_space<vmem>>, vector<16xi32>,
          tpu.vector_store %arg11[%swap3A_243], %shift_right_arithmetic3A_242 {strides = array<i32>} : memref<64xi32, #tpu.memory_space<vmem>>, vector<16xi32>,
          %and3A_245 = arith.constant 32767 : i32
          %and3A_246 = vector.broadcast %and3A_245 : i32 to vector<16xi32>
          %and3A_247 = arith.andi %get3A_239, %and3A_246 : vector<16xi32>
          %swap3A_248 = arith.constant 32 : index
          %swap3A_249 = tpu.vector_load %arg12[%swap3A_248] {strides = array<i32>} : memref<64xi32, #tpu.memory_space<vmem>>, vector<16xi32>,
          tpu.vector_store %arg12[%swap3A_248], %and3A_247 {strides = array<i32>} : memref<64xi32, #tpu.memory_space<vmem>>, vector<16xi32>,
          %get3A_250 = arith.constant 48 : index
          %get3A_251 = tpu.vector_load %arg6[%get3A_250] {strides = array<i32>} : memref<10176xi32, #tpu.memory_space<vmem>>, vector<16xi32>,
          %shift_right_arithmetic3A_252 = arith.constant 15 : i32
          %shift_right_arithmetic3A_253 = vector.broadcast %shift_right_arithmetic3A_252 : i32 to vector<16xi32>
          %shift_right_arithmetic3A_254 = arith.shrsi %get3A_251, %shift_right_arithmetic3A_253 : vector<16xi32>
          %swap3A_255 = arith.constant 48 : index
          %swap3A_256 = tpu.vector_load %arg11[%swap3A_255] {strides = array<i32>} : memref<64xi32, #tpu.memory_space<vmem>>, vector<16xi32>,
          tpu.vector_store %arg11[%swap3A_255], %shift_right_arithmetic3A_254 {strides = array<i32>} : memref<64xi32, #tpu.memory_space<vmem>>, vector<16xi32>,
          %and3A_257 = arith.constant 32767 : i32
          %and3A_258 = vector.broadcast %and3A_257 : i32 to vector<16xi32>
          %and3A_259 = arith.andi %get3A_251, %and3A_258 : vector<16xi32>
          %swap3A_260 = arith.constant 48 : index
          %swap3A_261 = tpu.vector_load %arg12[%swap3A_260] {strides = array<i32>} : memref<64xi32, #tpu.memory_space<vmem>>, vector<16xi32>,
          tpu.vector_store %arg12[%swap3A_260], %and3A_259 {strides = array<i32>} : memref<64xi32, #tpu.memory_space<vmem>>, vector<16xi32>,
          %dma_start3A_262 = arith.constant 0 : i32
          %dma_start3A_263 = arith.constant 0 : i32
          %dma_start3A_264 = tpu.memref_slice %arg2[%dma_start3A_262, %dma_start3A_263] : memref<50000x128xf32, #tpu.memory_space<hbm>> -> memref<50000x128xf32, #tpu.memory_space<hbm>>
          tpu.enqueue_indirect_dma source(%dma_start3A_264 : memref<50000x128xf32, #tpu.memory_space<hbm>>) target(%arg15 : memref<64x128xf32, #tpu.memory_space<vmem>>) offsets(%arg11 : memref<64xi32, #tpu.memory_space<vmem>>) semaphore(%arg21 : memref<!tpu.dma_semaphore, #tpu.memory_space<semaphore_mem>>)
        } else {
        }
        %add3A_179 = arith.constant 1 : i32
        %add3A_180 = arith.addi %select_n3A, %add3A_179 : i32
        %jit3A_181 = arith.constant 2 : i32
        %div3A_182 = arith.divsi %add3A_180, %jit3A_181 : i32
        %sign3A_183 = arith.constant 0 : i32
        %sign3A_184 = arith.cmpi sgt, %add3A_180, %sign3A_183 : i32
        %sign3A_185 = arith.extui %sign3A_184 : i1 to i32
        %sign3A_186 = arith.constant 0 : i32
        %sign3A_187 = arith.cmpi slt, %add3A_180, %sign3A_186 : i32
        %sign3A_188 = arith.extui %sign3A_187 : i1 to i32
        %sign3A_189 = arith.subi %sign3A_185, %sign3A_188 : i32
        %sign3A_190 = arith.constant 0 : i32
        %sign3A_191 = arith.cmpi sgt, %jit3A_181, %sign3A_190 : i32
        %sign3A_192 = arith.extui %sign3A_191 : i1 to i32
        %sign3A_193 = arith.constant 0 : i32
        %sign3A_194 = arith.cmpi slt, %jit3A_181, %sign3A_193 : i32
        %sign3A_195 = arith.extui %sign3A_194 : i1 to i32
        %sign3A_196 = arith.subi %sign3A_192, %sign3A_195 : i32
        %ne3A_197 = arith.cmpi ne, %sign3A_189, %sign3A_196 : i32
        %rem3A_198 = arith.remsi %add3A_180, %jit3A_181 : i32
        %ne3A_199 = arith.constant 0 : i32
        %ne3A_200 = arith.cmpi ne, %rem3A_198, %ne3A_199 : i32
        %and3A_201 = arith.andi %ne3A_197, %ne3A_200 : i1
        %sub3A_202 = arith.constant 1 : i32
        %sub3A_203 = arith.subi %div3A_182, %sub3A_202 : i32
        %select_n3A_204 = arith.select %and3A_201, %sub3A_203, %div3A_182 : i32
        %while3A = arith.constant 0 : i32
        %while3A_205 = arith.constant 0 : i32
        %while3A_206 = arith.subi %select_n3A_204, %while3A : i32
        %while3A_207 = arith.addi %while3A, %while3A_206 : i32
        %while3A_208 = arith.constant 1 : i32
        %while3A_209 = arith.divsi %while3A_206, %while3A_208 : i32
        %while3A_210 = arith.muli %while3A_209, %while3A_208 : i32
        %while3A_211 = arith.addi %while3A, %while3A_210 : i32
        %while3A_212 = arith.constant 1 : i32
        %while3A_213 = scf.for %while3A_217 = %while3A to %while3A_211 step %while3A_212 iter_args(%while3A_218 = %while3A_205) -> (i32)  : i32 {
          %mul3A_219 = arith.constant 2 : i32
          %mul3A_220 = arith.muli %mul3A_219, %while3A_217 : i32
          %add3A_221 = arith.constant 1 : i32
          %add3A_222 = arith.addi %mul3A_220, %add3A_221 : i32
          %lt3A = arith.cmpi slt, %add3A_222, %select_n3A : i32
          %convert_element_type3A_223 = arith.extui %lt3A : i1 to i32
          %cond3A_224 = arith.constant 0 : i32
          %cond3A_225 = arith.cmpi ne, %convert_element_type3A_223, %cond3A_224 : i32
          scf.if %cond3A_225 {
            %mul3A_242 = arith.constant 64 : i32
            %mul3A_243 = arith.muli %add3A_222, %mul3A_242 : i32
            %add3A_244 = arith.constant 0 : i32
            %add3A_245 = arith.addi %mul3A_243, %add3A_244 : i32
            %get3A = arith.index_cast %add3A_245 : i32 to index
            %get3A_246 = tpu.vector_load %arg6[%get3A] {strides = array<i32>} : memref<10176xi32, #tpu.memory_space<vmem>>, vector<16xi32>,
            %shift_right_arithmetic3A = arith.constant 15 : i32
            %shift_right_arithmetic3A_247 = vector.broadcast %shift_right_arithmetic3A : i32 to vector<16xi32>
            %shift_right_arithmetic3A_248 = arith.shrsi %get3A_246, %shift_right_arithmetic3A_247 : vector<16xi32>
            %swap3A = arith.constant 0 : index
            %swap3A_249 = tpu.vector_load %arg13[%swap3A] {strides = array<i32>} : memref<64xi32, #tpu.memory_space<vmem>>, vector<16xi32>,
            tpu.vector_store %arg13[%swap3A], %shift_right_arithmetic3A_248 {strides = array<i32>} : memref<64xi32, #tpu.memory_space<vmem>>, vector<16xi32>,
            %and3A_250 = arith.constant 32767 : i32
            %and3A_251 = vector.broadcast %and3A_250 : i32 to vector<16xi32>
            %and3A_252 = arith.andi %get3A_246, %and3A_251 : vector<16xi32>
            %swap3A_253 = arith.constant 0 : index
            %swap3A_254 = tpu.vector_load %arg14[%swap3A_253] {strides = array<i32>} : memref<64xi32, #tpu.memory_space<vmem>>, vector<16xi32>,
            tpu.vector_store %arg14[%swap3A_253], %and3A_252 {strides = array<i32>} : memref<64xi32, #tpu.memory_space<vmem>>, vector<16xi32>,
            %mul3A_255 = arith.constant 64 : i32
            %mul3A_256 = arith.muli %add3A_222, %mul3A_255 : i32
            %add3A_257 = arith.constant 16 : i32
            %add3A_258 = arith.addi %mul3A_256, %add3A_257 : i32
            %get3A_259 = arith.index_cast %add3A_258 : i32 to index
            %get3A_260 = tpu.vector_load %arg6[%get3A_259] {strides = array<i32>} : memref<10176xi32, #tpu.memory_space<vmem>>, vector<16xi32>,
            %shift_right_arithmetic3A_261 = arith.constant 15 : i32
            %shift_right_arithmetic3A_262 = vector.broadcast %shift_right_arithmetic3A_261 : i32 to vector<16xi32>
            %shift_right_arithmetic3A_263 = arith.shrsi %get3A_260, %shift_right_arithmetic3A_262 : vector<16xi32>
            %swap3A_264 = arith.constant 16 : index
            %swap3A_265 = tpu.vector_load %arg13[%swap3A_264] {strides = array<i32>} : memref<64xi32, #tpu.memory_space<vmem>>, vector<16xi32>,
            tpu.vector_store %arg13[%swap3A_264], %shift_right_arithmetic3A_263 {strides = array<i32>} : memref<64xi32, #tpu.memory_space<vmem>>, vector<16xi32>,
            %and3A_266 = arith.constant 32767 : i32
            %and3A_267 = vector.broadcast %and3A_266 : i32 to vector<16xi32>
            %and3A_268 = arith.andi %get3A_260, %and3A_267 : vector<16xi32>
            %swap3A_269 = arith.constant 16 : index
            %swap3A_270 = tpu.vector_load %arg14[%swap3A_269] {strides = array<i32>} : memref<64xi32, #tpu.memory_space<vmem>>, vector<16xi32>,
            tpu.vector_store %arg14[%swap3A_269], %and3A_268 {strides = array<i32>} : memref<64xi32, #tpu.memory_space<vmem>>, vector<16xi32>,
            %mul3A_271 = arith.constant 64 : i32
            %mul3A_272 = arith.muli %add3A_222, %mul3A_271 : i32
            %add3A_273 = arith.constant 32 : i32
            %add3A_274 = arith.addi %mul3A_272, %add3A_273 : i32
            %get3A_275 = arith.index_cast %add3A_274 : i32 to index
            %get3A_276 = tpu.vector_load %arg6[%get3A_275] {strides = array<i32>} : memref<10176xi32, #tpu.memory_space<vmem>>, vector<16xi32>,
            %shift_right_arithmetic3A_277 = arith.constant 15 : i32
            %shift_right_arithmetic3A_278 = vector.broadcast %shift_right_arithmetic3A_277 : i32 to vector<16xi32>
            %shift_right_arithmetic3A_279 = arith.shrsi %get3A_276, %shift_right_arithmetic3A_278 : vector<16xi32>
            %swap3A_280 = arith.constant 32 : index
            %swap3A_281 = tpu.vector_load %arg13[%swap3A_280] {strides = array<i32>} : memref<64xi32, #tpu.memory_space<vmem>>, vector<16xi32>,
            tpu.vector_store %arg13[%swap3A_280], %shift_right_arithmetic3A_279 {strides = array<i32>} : memref<64xi32, #tpu.memory_space<vmem>>, vector<16xi32>,
            %and3A_282 = arith.constant 32767 : i32
            %and3A_283 = vector.broadcast %and3A_282 : i32 to vector<16xi32>
            %and3A_284 = arith.andi %get3A_276, %and3A_283 : vector<16xi32>
            %swap3A_285 = arith.constant 32 : index
            %swap3A_286 = tpu.vector_load %arg14[%swap3A_285] {strides = array<i32>} : memref<64xi32, #tpu.memory_space<vmem>>, vector<16xi32>,
            tpu.vector_store %arg14[%swap3A_285], %and3A_284 {strides = array<i32>} : memref<64xi32, #tpu.memory_space<vmem>>, vector<16xi32>,
            %mul3A_287 = arith.constant 64 : i32
            %mul3A_288 = arith.muli %add3A_222, %mul3A_287 : i32
            %add3A_289 = arith.constant 48 : i32
            %add3A_290 = arith.addi %mul3A_288, %add3A_289 : i32
            %get3A_291 = arith.index_cast %add3A_290 : i32 to index
            %get3A_292 = tpu.vector_load %arg6[%get3A_291] {strides = array<i32>} : memref<10176xi32, #tpu.memory_space<vmem>>, vector<16xi32>,
            %shift_right_arithmetic3A_293 = arith.constant 15 : i32
            %shift_right_arithmetic3A_294 = vector.broadcast %shift_right_arithmetic3A_293 : i32 to vector<16xi32>
            %shift_right_arithmetic3A_295 = arith.shrsi %get3A_292, %shift_right_arithmetic3A_294 : vector<16xi32>
            %swap3A_296 = arith.constant 48 : index
            %swap3A_297 = tpu.vector_load %arg13[%swap3A_296] {strides = array<i32>} : memref<64xi32, #tpu.memory_space<vmem>>, vector<16xi32>,
            tpu.vector_store %arg13[%swap3A_296], %shift_right_arithmetic3A_295 {strides = array<i32>} : memref<64xi32, #tpu.memory_space<vmem>>, vector<16xi32>,
            %and3A_298 = arith.constant 32767 : i32
            %and3A_299 = vector.broadcast %and3A_298 : i32 to vector<16xi32>
            %and3A_300 = arith.andi %get3A_292, %and3A_299 : vector<16xi32>
            %swap3A_301 = arith.constant 48 : index
            %swap3A_302 = tpu.vector_load %arg14[%swap3A_301] {strides = array<i32>} : memref<64xi32, #tpu.memory_space<vmem>>, vector<16xi32>,
            tpu.vector_store %arg14[%swap3A_301], %and3A_300 {strides = array<i32>} : memref<64xi32, #tpu.memory_space<vmem>>, vector<16xi32>,
            %dma_start3A_303 = arith.constant 0 : i32
            %dma_start3A_304 = arith.constant 0 : i32
            %dma_start3A_305 = tpu.memref_slice %arg2[%dma_start3A_303, %dma_start3A_304] : memref<50000x128xf32, #tpu.memory_space<hbm>> -> memref<50000x128xf32, #tpu.memory_space<hbm>>
            tpu.enqueue_indirect_dma source(%dma_start3A_305 : memref<50000x128xf32, #tpu.memory_space<hbm>>) target(%arg16 : memref<64x128xf32, #tpu.memory_space<vmem>>) offsets(%arg13 : memref<64xi32, #tpu.memory_space<vmem>>) semaphore(%arg22 : memref<!tpu.dma_semaphore, #tpu.memory_space<semaphore_mem>>)
          } else {
          }
          %dma_wait3A_226 = arith.constant 0 : i32
          %dma_wait3A_227 = arith.constant 0 : i32
          %dma_wait3A_228 = tpu.memref_slice %arg2[%dma_wait3A_226, %dma_wait3A_227] : memref<50000x128xf32, #tpu.memory_space<hbm>> -> memref<50000x128xf32, #tpu.memory_space<hbm>>
          tpu.wait_indirect_dma semaphore(%arg21 : memref<!tpu.dma_semaphore, #tpu.memory_space<semaphore_mem>>) src(%dma_wait3A_228 : memref<50000x128xf32, #tpu.memory_space<hbm>>) dst(%arg15 : memref<64x128xf32, #tpu.memory_space<vmem>>)
          "tpu.region"() ({
            %run_scoped3A = tpu.sem_alloc : memref<!tpu.dma_semaphore, #tpu.memory_space<semaphore_mem>>
            %dma_start3A_242 = arith.constant 0 : i32
            %dma_start3A_243 = arith.constant 0 : i32
            %dma_start3A_244 = tpu.memref_slice %arg18[%dma_start3A_242, %dma_start3A_243] : memref<10304x128xf32, #tpu.memory_space<vmem_shared>> -> memref<10304x128xf32, #tpu.memory_space<vmem_shared>>
            tpu.enqueue_indirect_dma source(%arg15 : memref<64x128xf32, #tpu.memory_space<vmem>>) target(%dma_start3A_244 : memref<10304x128xf32, #tpu.memory_space<vmem_shared>>) offsets(%arg12 : memref<64xi32, #tpu.memory_space<vmem>>) semaphore(%run_scoped3A : memref<!tpu.dma_semaphore, #tpu.memory_space<semaphore_mem>>) {add = true}
            %dma_wait3A_245 = arith.constant 0 : i32
            %dma_wait3A_246 = arith.constant 0 : i32
            %dma_wait3A_247 = tpu.memref_slice %arg18[%dma_wait3A_245, %dma_wait3A_246] : memref<10304x128xf32, #tpu.memory_space<vmem_shared>> -> memref<10304x128xf32, #tpu.memory_space<vmem_shared>>
            tpu.wait_indirect_dma semaphore(%run_scoped3A : memref<!tpu.dma_semaphore, #tpu.memory_space<semaphore_mem>>) src(%arg15 : memref<64x128xf32, #tpu.memory_space<vmem>>) dst(%dma_wait3A_247 : memref<10304x128xf32, #tpu.memory_space<vmem_shared>>)
            tpu.yield
          }) : () -> ()
          %mul3A_229 = arith.constant 2 : i32
          %mul3A_230 = arith.muli %mul3A_229, %while3A_217 : i32
          %add3A_231 = arith.constant 2 : i32
          %add3A_232 = arith.addi %mul3A_230, %add3A_231 : i32
          %lt3A_233 = arith.cmpi slt, %add3A_232, %select_n3A : i32
          %convert_element_type3A_234 = arith.extui %lt3A_233 : i1 to i32
          %cond3A_235 = arith.constant 0 : i32
          %cond3A_236 = arith.cmpi ne, %convert_element_type3A_234, %cond3A_235 : i32
          scf.if %cond3A_236 {
            %mul3A_242 = arith.constant 2 : i32
            %mul3A_243 = arith.muli %mul3A_242, %while3A_217 : i32
            %add3A_244 = arith.constant 2 : i32
            %add3A_245 = arith.addi %mul3A_243, %add3A_244 : i32
            %mul3A_246 = arith.constant 64 : i32
            %mul3A_247 = arith.muli %add3A_245, %mul3A_246 : i32
            %add3A_248 = arith.constant 0 : i32
            %add3A_249 = arith.addi %mul3A_247, %add3A_248 : i32
            %get3A = arith.index_cast %add3A_249 : i32 to index
            %get3A_250 = tpu.vector_load %arg6[%get3A] {strides = array<i32>} : memref<10176xi32, #tpu.memory_space<vmem>>, vector<16xi32>,
            %shift_right_arithmetic3A = arith.constant 15 : i32
            %shift_right_arithmetic3A_251 = vector.broadcast %shift_right_arithmetic3A : i32 to vector<16xi32>
            %shift_right_arithmetic3A_252 = arith.shrsi %get3A_250, %shift_right_arithmetic3A_251 : vector<16xi32>
            %swap3A = arith.constant 0 : index
            %swap3A_253 = tpu.vector_load %arg11[%swap3A] {strides = array<i32>} : memref<64xi32, #tpu.memory_space<vmem>>, vector<16xi32>,
            tpu.vector_store %arg11[%swap3A], %shift_right_arithmetic3A_252 {strides = array<i32>} : memref<64xi32, #tpu.memory_space<vmem>>, vector<16xi32>,
            %and3A_254 = arith.constant 32767 : i32
            %and3A_255 = vector.broadcast %and3A_254 : i32 to vector<16xi32>
            %and3A_256 = arith.andi %get3A_250, %and3A_255 : vector<16xi32>
            %swap3A_257 = arith.constant 0 : index
            %swap3A_258 = tpu.vector_load %arg12[%swap3A_257] {strides = array<i32>} : memref<64xi32, #tpu.memory_space<vmem>>, vector<16xi32>,
            tpu.vector_store %arg12[%swap3A_257], %and3A_256 {strides = array<i32>} : memref<64xi32, #tpu.memory_space<vmem>>, vector<16xi32>,
            %mul3A_259 = arith.constant 64 : i32
            %mul3A_260 = arith.muli %add3A_245, %mul3A_259 : i32
            %add3A_261 = arith.constant 16 : i32
            %add3A_262 = arith.addi %mul3A_260, %add3A_261 : i32
            %get3A_263 = arith.index_cast %add3A_262 : i32 to index
            %get3A_264 = tpu.vector_load %arg6[%get3A_263] {strides = array<i32>} : memref<10176xi32, #tpu.memory_space<vmem>>, vector<16xi32>,
            %shift_right_arithmetic3A_265 = arith.constant 15 : i32
            %shift_right_arithmetic3A_266 = vector.broadcast %shift_right_arithmetic3A_265 : i32 to vector<16xi32>
            %shift_right_arithmetic3A_267 = arith.shrsi %get3A_264, %shift_right_arithmetic3A_266 : vector<16xi32>
            %swap3A_268 = arith.constant 16 : index
            %swap3A_269 = tpu.vector_load %arg11[%swap3A_268] {strides = array<i32>} : memref<64xi32, #tpu.memory_space<vmem>>, vector<16xi32>,
            tpu.vector_store %arg11[%swap3A_268], %shift_right_arithmetic3A_267 {strides = array<i32>} : memref<64xi32, #tpu.memory_space<vmem>>, vector<16xi32>,
            %and3A_270 = arith.constant 32767 : i32
            %and3A_271 = vector.broadcast %and3A_270 : i32 to vector<16xi32>
            %and3A_272 = arith.andi %get3A_264, %and3A_271 : vector<16xi32>
            %swap3A_273 = arith.constant 16 : index
            %swap3A_274 = tpu.vector_load %arg12[%swap3A_273] {strides = array<i32>} : memref<64xi32, #tpu.memory_space<vmem>>, vector<16xi32>,
            tpu.vector_store %arg12[%swap3A_273], %and3A_272 {strides = array<i32>} : memref<64xi32, #tpu.memory_space<vmem>>, vector<16xi32>,
            %mul3A_275 = arith.constant 64 : i32
            %mul3A_276 = arith.muli %add3A_245, %mul3A_275 : i32
            %add3A_277 = arith.constant 32 : i32
            %add3A_278 = arith.addi %mul3A_276, %add3A_277 : i32
            %get3A_279 = arith.index_cast %add3A_278 : i32 to index
            %get3A_280 = tpu.vector_load %arg6[%get3A_279] {strides = array<i32>} : memref<10176xi32, #tpu.memory_space<vmem>>, vector<16xi32>,
            %shift_right_arithmetic3A_281 = arith.constant 15 : i32
            %shift_right_arithmetic3A_282 = vector.broadcast %shift_right_arithmetic3A_281 : i32 to vector<16xi32>
            %shift_right_arithmetic3A_283 = arith.shrsi %get3A_280, %shift_right_arithmetic3A_282 : vector<16xi32>
            %swap3A_284 = arith.constant 32 : index
            %swap3A_285 = tpu.vector_load %arg11[%swap3A_284] {strides = array<i32>} : memref<64xi32, #tpu.memory_space<vmem>>, vector<16xi32>,
            tpu.vector_store %arg11[%swap3A_284], %shift_right_arithmetic3A_283 {strides = array<i32>} : memref<64xi32, #tpu.memory_space<vmem>>, vector<16xi32>,
            %and3A_286 = arith.constant 32767 : i32
            %and3A_287 = vector.broadcast %and3A_286 : i32 to vector<16xi32>
            %and3A_288 = arith.andi %get3A_280, %and3A_287 : vector<16xi32>
            %swap3A_289 = arith.constant 32 : index
            %swap3A_290 = tpu.vector_load %arg12[%swap3A_289] {strides = array<i32>} : memref<64xi32, #tpu.memory_space<vmem>>, vector<16xi32>,
            tpu.vector_store %arg12[%swap3A_289], %and3A_288 {strides = array<i32>} : memref<64xi32, #tpu.memory_space<vmem>>, vector<16xi32>,
            %mul3A_291 = arith.constant 64 : i32
            %mul3A_292 = arith.muli %add3A_245, %mul3A_291 : i32
            %add3A_293 = arith.constant 48 : i32
            %add3A_294 = arith.addi %mul3A_292, %add3A_293 : i32
            %get3A_295 = arith.index_cast %add3A_294 : i32 to index
            %get3A_296 = tpu.vector_load %arg6[%get3A_295] {strides = array<i32>} : memref<10176xi32, #tpu.memory_space<vmem>>, vector<16xi32>,
            %shift_right_arithmetic3A_297 = arith.constant 15 : i32
            %shift_right_arithmetic3A_298 = vector.broadcast %shift_right_arithmetic3A_297 : i32 to vector<16xi32>
            %shift_right_arithmetic3A_299 = arith.shrsi %get3A_296, %shift_right_arithmetic3A_298 : vector<16xi32>
            %swap3A_300 = arith.constant 48 : index
            %swap3A_301 = tpu.vector_load %arg11[%swap3A_300] {strides = array<i32>} : memref<64xi32, #tpu.memory_space<vmem>>, vector<16xi32>,
            tpu.vector_store %arg11[%swap3A_300], %shift_right_arithmetic3A_299 {strides = array<i32>} : memref<64xi32, #tpu.memory_space<vmem>>, vector<16xi32>,
            %and3A_302 = arith.constant 32767 : i32
            %and3A_303 = vector.broadcast %and3A_302 : i32 to vector<16xi32>
            %and3A_304 = arith.andi %get3A_296, %and3A_303 : vector<16xi32>
            %swap3A_305 = arith.constant 48 : index
            %swap3A_306 = tpu.vector_load %arg12[%swap3A_305] {strides = array<i32>} : memref<64xi32, #tpu.memory_space<vmem>>, vector<16xi32>,
            tpu.vector_store %arg12[%swap3A_305], %and3A_304 {strides = array<i32>} : memref<64xi32, #tpu.memory_space<vmem>>, vector<16xi32>,
            %dma_start3A_307 = arith.constant 0 : i32
            %dma_start3A_308 = arith.constant 0 : i32
            %dma_start3A_309 = tpu.memref_slice %arg2[%dma_start3A_307, %dma_start3A_308] : memref<50000x128xf32, #tpu.memory_space<hbm>> -> memref<50000x128xf32, #tpu.memory_space<hbm>>
            tpu.enqueue_indirect_dma source(%dma_start3A_309 : memref<50000x128xf32, #tpu.memory_space<hbm>>) target(%arg15 : memref<64x128xf32, #tpu.memory_space<vmem>>) offsets(%arg11 : memref<64xi32, #tpu.memory_space<vmem>>) semaphore(%arg21 : memref<!tpu.dma_semaphore, #tpu.memory_space<semaphore_mem>>)
          } else {
          }
          %lt3A_237 = arith.cmpi slt, %add3A_222, %select_n3A : i32
          %convert_element_type3A_238 = arith.extui %lt3A_237 : i1 to i32
          %cond3A_239 = arith.constant 0 : i32
          %cond3A_240 = arith.cmpi ne, %convert_element_type3A_238, %cond3A_239 : i32
          scf.if %cond3A_240 {
            %dma_wait3A_242 = arith.constant 0 : i32
            %dma_wait3A_243 = arith.constant 0 : i32
            %dma_wait3A_244 = tpu.memref_slice %arg2[%dma_wait3A_242, %dma_wait3A_243] : memref<50000x128xf32, #tpu.memory_space<hbm>> -> memref<50000x128xf32, #tpu.memory_space<hbm>>
            tpu.wait_indirect_dma semaphore(%arg22 : memref<!tpu.dma_semaphore, #tpu.memory_space<semaphore_mem>>) src(%dma_wait3A_244 : memref<50000x128xf32, #tpu.memory_space<hbm>>) dst(%arg16 : memref<64x128xf32, #tpu.memory_space<vmem>>)
            "tpu.region"() ({
              %run_scoped3A = tpu.sem_alloc : memref<!tpu.dma_semaphore, #tpu.memory_space<semaphore_mem>>
              %dma_start3A_245 = arith.constant 0 : i32
              %dma_start3A_246 = arith.constant 0 : i32
              %dma_start3A_247 = tpu.memref_slice %arg18[%dma_start3A_245, %dma_start3A_246] : memref<10304x128xf32, #tpu.memory_space<vmem_shared>> -> memref<10304x128xf32, #tpu.memory_space<vmem_shared>>
              tpu.enqueue_indirect_dma source(%arg16 : memref<64x128xf32, #tpu.memory_space<vmem>>) target(%dma_start3A_247 : memref<10304x128xf32, #tpu.memory_space<vmem_shared>>) offsets(%arg14 : memref<64xi32, #tpu.memory_space<vmem>>) semaphore(%run_scoped3A : memref<!tpu.dma_semaphore, #tpu.memory_space<semaphore_mem>>) {add = true}
              %dma_wait3A_248 = arith.constant 0 : i32
              %dma_wait3A_249 = arith.constant 0 : i32
              %dma_wait3A_250 = tpu.memref_slice %arg18[%dma_wait3A_248, %dma_wait3A_249] : memref<10304x128xf32, #tpu.memory_space<vmem_shared>> -> memref<10304x128xf32, #tpu.memory_space<vmem_shared>>
              tpu.wait_indirect_dma semaphore(%run_scoped3A : memref<!tpu.dma_semaphore, #tpu.memory_space<semaphore_mem>>) src(%arg16 : memref<64x128xf32, #tpu.memory_space<vmem>>) dst(%dma_wait3A_250 : memref<10304x128xf32, #tpu.memory_space<vmem_shared>>)
              tpu.yield
            }) : () -> ()
          } else {
          }
          %while3A_241 = arith.constant 0 : i32
          scf.yield %while3A_241 : i32
        }
        %while3A_214 = arith.constant 1 : i32
        %while3A_215 = scf.for %while3A_217 = %while3A_211 to %while3A_207 step %while3A_214 iter_args(%while3A_218 = %while3A_213) -> (i32)  : i32 {
          %mul3A_219 = arith.constant 2 : i32
          %mul3A_220 = arith.muli %mul3A_219, %while3A_217 : i32
          %add3A_221 = arith.constant 1 : i32
          %add3A_222 = arith.addi %mul3A_220, %add3A_221 : i32
          %lt3A = arith.cmpi slt, %add3A_222, %select_n3A : i32
          %convert_element_type3A_223 = arith.extui %lt3A : i1 to i32
          %cond3A_224 = arith.constant 0 : i32
          %cond3A_225 = arith.cmpi ne, %convert_element_type3A_223, %cond3A_224 : i32
          scf.if %cond3A_225 {
            %mul3A_242 = arith.constant 64 : i32
            %mul3A_243 = arith.muli %add3A_222, %mul3A_242 : i32
            %add3A_244 = arith.constant 0 : i32
            %add3A_245 = arith.addi %mul3A_243, %add3A_244 : i32
            %get3A = arith.index_cast %add3A_245 : i32 to index
            %get3A_246 = tpu.vector_load %arg6[%get3A] {strides = array<i32>} : memref<10176xi32, #tpu.memory_space<vmem>>, vector<16xi32>,
            %shift_right_arithmetic3A = arith.constant 15 : i32
            %shift_right_arithmetic3A_247 = vector.broadcast %shift_right_arithmetic3A : i32 to vector<16xi32>
            %shift_right_arithmetic3A_248 = arith.shrsi %get3A_246, %shift_right_arithmetic3A_247 : vector<16xi32>
            %swap3A = arith.constant 0 : index
            %swap3A_249 = tpu.vector_load %arg13[%swap3A] {strides = array<i32>} : memref<64xi32, #tpu.memory_space<vmem>>, vector<16xi32>,
            tpu.vector_store %arg13[%swap3A], %shift_right_arithmetic3A_248 {strides = array<i32>} : memref<64xi32, #tpu.memory_space<vmem>>, vector<16xi32>,
            %and3A_250 = arith.constant 32767 : i32
            %and3A_251 = vector.broadcast %and3A_250 : i32 to vector<16xi32>
            %and3A_252 = arith.andi %get3A_246, %and3A_251 : vector<16xi32>
            %swap3A_253 = arith.constant 0 : index
            %swap3A_254 = tpu.vector_load %arg14[%swap3A_253] {strides = array<i32>} : memref<64xi32, #tpu.memory_space<vmem>>, vector<16xi32>,
            tpu.vector_store %arg14[%swap3A_253], %and3A_252 {strides = array<i32>} : memref<64xi32, #tpu.memory_space<vmem>>, vector<16xi32>,
            %mul3A_255 = arith.constant 64 : i32
            %mul3A_256 = arith.muli %add3A_222, %mul3A_255 : i32
            %add3A_257 = arith.constant 16 : i32
            %add3A_258 = arith.addi %mul3A_256, %add3A_257 : i32
            %get3A_259 = arith.index_cast %add3A_258 : i32 to index
            %get3A_260 = tpu.vector_load %arg6[%get3A_259] {strides = array<i32>} : memref<10176xi32, #tpu.memory_space<vmem>>, vector<16xi32>,
            %shift_right_arithmetic3A_261 = arith.constant 15 : i32
            %shift_right_arithmetic3A_262 = vector.broadcast %shift_right_arithmetic3A_261 : i32 to vector<16xi32>
            %shift_right_arithmetic3A_263 = arith.shrsi %get3A_260, %shift_right_arithmetic3A_262 : vector<16xi32>
            %swap3A_264 = arith.constant 16 : index
            %swap3A_265 = tpu.vector_load %arg13[%swap3A_264] {strides = array<i32>} : memref<64xi32, #tpu.memory_space<vmem>>, vector<16xi32>,
            tpu.vector_store %arg13[%swap3A_264], %shift_right_arithmetic3A_263 {strides = array<i32>} : memref<64xi32, #tpu.memory_space<vmem>>, vector<16xi32>,
            %and3A_266 = arith.constant 32767 : i32
            %and3A_267 = vector.broadcast %and3A_266 : i32 to vector<16xi32>
            %and3A_268 = arith.andi %get3A_260, %and3A_267 : vector<16xi32>
            %swap3A_269 = arith.constant 16 : index
            %swap3A_270 = tpu.vector_load %arg14[%swap3A_269] {strides = array<i32>} : memref<64xi32, #tpu.memory_space<vmem>>, vector<16xi32>,
            tpu.vector_store %arg14[%swap3A_269], %and3A_268 {strides = array<i32>} : memref<64xi32, #tpu.memory_space<vmem>>, vector<16xi32>,
            %mul3A_271 = arith.constant 64 : i32
            %mul3A_272 = arith.muli %add3A_222, %mul3A_271 : i32
            %add3A_273 = arith.constant 32 : i32
            %add3A_274 = arith.addi %mul3A_272, %add3A_273 : i32
            %get3A_275 = arith.index_cast %add3A_274 : i32 to index
            %get3A_276 = tpu.vector_load %arg6[%get3A_275] {strides = array<i32>} : memref<10176xi32, #tpu.memory_space<vmem>>, vector<16xi32>,
            %shift_right_arithmetic3A_277 = arith.constant 15 : i32
            %shift_right_arithmetic3A_278 = vector.broadcast %shift_right_arithmetic3A_277 : i32 to vector<16xi32>
            %shift_right_arithmetic3A_279 = arith.shrsi %get3A_276, %shift_right_arithmetic3A_278 : vector<16xi32>
            %swap3A_280 = arith.constant 32 : index
            %swap3A_281 = tpu.vector_load %arg13[%swap3A_280] {strides = array<i32>} : memref<64xi32, #tpu.memory_space<vmem>>, vector<16xi32>,
            tpu.vector_store %arg13[%swap3A_280], %shift_right_arithmetic3A_279 {strides = array<i32>} : memref<64xi32, #tpu.memory_space<vmem>>, vector<16xi32>,
            %and3A_282 = arith.constant 32767 : i32
            %and3A_283 = vector.broadcast %and3A_282 : i32 to vector<16xi32>
            %and3A_284 = arith.andi %get3A_276, %and3A_283 : vector<16xi32>
            %swap3A_285 = arith.constant 32 : index
            %swap3A_286 = tpu.vector_load %arg14[%swap3A_285] {strides = array<i32>} : memref<64xi32, #tpu.memory_space<vmem>>, vector<16xi32>,
            tpu.vector_store %arg14[%swap3A_285], %and3A_284 {strides = array<i32>} : memref<64xi32, #tpu.memory_space<vmem>>, vector<16xi32>,
            %mul3A_287 = arith.constant 64 : i32
            %mul3A_288 = arith.muli %add3A_222, %mul3A_287 : i32
            %add3A_289 = arith.constant 48 : i32
            %add3A_290 = arith.addi %mul3A_288, %add3A_289 : i32
            %get3A_291 = arith.index_cast %add3A_290 : i32 to index
            %get3A_292 = tpu.vector_load %arg6[%get3A_291] {strides = array<i32>} : memref<10176xi32, #tpu.memory_space<vmem>>, vector<16xi32>,
            %shift_right_arithmetic3A_293 = arith.constant 15 : i32
            %shift_right_arithmetic3A_294 = vector.broadcast %shift_right_arithmetic3A_293 : i32 to vector<16xi32>
            %shift_right_arithmetic3A_295 = arith.shrsi %get3A_292, %shift_right_arithmetic3A_294 : vector<16xi32>
            %swap3A_296 = arith.constant 48 : index
            %swap3A_297 = tpu.vector_load %arg13[%swap3A_296] {strides = array<i32>} : memref<64xi32, #tpu.memory_space<vmem>>, vector<16xi32>,
            tpu.vector_store %arg13[%swap3A_296], %shift_right_arithmetic3A_295 {strides = array<i32>} : memref<64xi32, #tpu.memory_space<vmem>>, vector<16xi32>,
            %and3A_298 = arith.constant 32767 : i32
            %and3A_299 = vector.broadcast %and3A_298 : i32 to vector<16xi32>
            %and3A_300 = arith.andi %get3A_292, %and3A_299 : vector<16xi32>
            %swap3A_301 = arith.constant 48 : index
            %swap3A_302 = tpu.vector_load %arg14[%swap3A_301] {strides = array<i32>} : memref<64xi32, #tpu.memory_space<vmem>>, vector<16xi32>,
            tpu.vector_store %arg14[%swap3A_301], %and3A_300 {strides = array<i32>} : memref<64xi32, #tpu.memory_space<vmem>>, vector<16xi32>,
            %dma_start3A_303 = arith.constant 0 : i32
            %dma_start3A_304 = arith.constant 0 : i32
            %dma_start3A_305 = tpu.memref_slice %arg2[%dma_start3A_303, %dma_start3A_304] : memref<50000x128xf32, #tpu.memory_space<hbm>> -> memref<50000x128xf32, #tpu.memory_space<hbm>>
            tpu.enqueue_indirect_dma source(%dma_start3A_305 : memref<50000x128xf32, #tpu.memory_space<hbm>>) target(%arg16 : memref<64x128xf32, #tpu.memory_space<vmem>>) offsets(%arg13 : memref<64xi32, #tpu.memory_space<vmem>>) semaphore(%arg22 : memref<!tpu.dma_semaphore, #tpu.memory_space<semaphore_mem>>)
          } else {
          }
          %dma_wait3A_226 = arith.constant 0 : i32
          %dma_wait3A_227 = arith.constant 0 : i32
          %dma_wait3A_228 = tpu.memref_slice %arg2[%dma_wait3A_226, %dma_wait3A_227] : memref<50000x128xf32, #tpu.memory_space<hbm>> -> memref<50000x128xf32, #tpu.memory_space<hbm>>
          tpu.wait_indirect_dma semaphore(%arg21 : memref<!tpu.dma_semaphore, #tpu.memory_space<semaphore_mem>>) src(%dma_wait3A_228 : memref<50000x128xf32, #tpu.memory_space<hbm>>) dst(%arg15 : memref<64x128xf32, #tpu.memory_space<vmem>>)
          "tpu.region"() ({
            %run_scoped3A = tpu.sem_alloc : memref<!tpu.dma_semaphore, #tpu.memory_space<semaphore_mem>>
            %dma_start3A_242 = arith.constant 0 : i32
            %dma_start3A_243 = arith.constant 0 : i32
            %dma_start3A_244 = tpu.memref_slice %arg18[%dma_start3A_242, %dma_start3A_243] : memref<10304x128xf32, #tpu.memory_space<vmem_shared>> -> memref<10304x128xf32, #tpu.memory_space<vmem_shared>>
            tpu.enqueue_indirect_dma source(%arg15 : memref<64x128xf32, #tpu.memory_space<vmem>>) target(%dma_start3A_244 : memref<10304x128xf32, #tpu.memory_space<vmem_shared>>) offsets(%arg12 : memref<64xi32, #tpu.memory_space<vmem>>) semaphore(%run_scoped3A : memref<!tpu.dma_semaphore, #tpu.memory_space<semaphore_mem>>) {add = true}
            %dma_wait3A_245 = arith.constant 0 : i32
            %dma_wait3A_246 = arith.constant 0 : i32
            %dma_wait3A_247 = tpu.memref_slice %arg18[%dma_wait3A_245, %dma_wait3A_246] : memref<10304x128xf32, #tpu.memory_space<vmem_shared>> -> memref<10304x128xf32, #tpu.memory_space<vmem_shared>>
            tpu.wait_indirect_dma semaphore(%run_scoped3A : memref<!tpu.dma_semaphore, #tpu.memory_space<semaphore_mem>>) src(%arg15 : memref<64x128xf32, #tpu.memory_space<vmem>>) dst(%dma_wait3A_247 : memref<10304x128xf32, #tpu.memory_space<vmem_shared>>)
            tpu.yield
          }) : () -> ()
          %mul3A_229 = arith.constant 2 : i32
          %mul3A_230 = arith.muli %mul3A_229, %while3A_217 : i32
          %add3A_231 = arith.constant 2 : i32
          %add3A_232 = arith.addi %mul3A_230, %add3A_231 : i32
          %lt3A_233 = arith.cmpi slt, %add3A_232, %select_n3A : i32
          %convert_element_type3A_234 = arith.extui %lt3A_233 : i1 to i32
          %cond3A_235 = arith.constant 0 : i32
          %cond3A_236 = arith.cmpi ne, %convert_element_type3A_234, %cond3A_235 : i32
          scf.if %cond3A_236 {
            %mul3A_242 = arith.constant 2 : i32
            %mul3A_243 = arith.muli %mul3A_242, %while3A_217 : i32
            %add3A_244 = arith.constant 2 : i32
            %add3A_245 = arith.addi %mul3A_243, %add3A_244 : i32
            %mul3A_246 = arith.constant 64 : i32
            %mul3A_247 = arith.muli %add3A_245, %mul3A_246 : i32
            %add3A_248 = arith.constant 0 : i32
            %add3A_249 = arith.addi %mul3A_247, %add3A_248 : i32
            %get3A = arith.index_cast %add3A_249 : i32 to index
            %get3A_250 = tpu.vector_load %arg6[%get3A] {strides = array<i32>} : memref<10176xi32, #tpu.memory_space<vmem>>, vector<16xi32>,
            %shift_right_arithmetic3A = arith.constant 15 : i32
            %shift_right_arithmetic3A_251 = vector.broadcast %shift_right_arithmetic3A : i32 to vector<16xi32>
            %shift_right_arithmetic3A_252 = arith.shrsi %get3A_250, %shift_right_arithmetic3A_251 : vector<16xi32>
            %swap3A = arith.constant 0 : index
            %swap3A_253 = tpu.vector_load %arg11[%swap3A] {strides = array<i32>} : memref<64xi32, #tpu.memory_space<vmem>>, vector<16xi32>,
            tpu.vector_store %arg11[%swap3A], %shift_right_arithmetic3A_252 {strides = array<i32>} : memref<64xi32, #tpu.memory_space<vmem>>, vector<16xi32>,
            %and3A_254 = arith.constant 32767 : i32
            %and3A_255 = vector.broadcast %and3A_254 : i32 to vector<16xi32>
            %and3A_256 = arith.andi %get3A_250, %and3A_255 : vector<16xi32>
            %swap3A_257 = arith.constant 0 : index
            %swap3A_258 = tpu.vector_load %arg12[%swap3A_257] {strides = array<i32>} : memref<64xi32, #tpu.memory_space<vmem>>, vector<16xi32>,
            tpu.vector_store %arg12[%swap3A_257], %and3A_256 {strides = array<i32>} : memref<64xi32, #tpu.memory_space<vmem>>, vector<16xi32>,
            %mul3A_259 = arith.constant 64 : i32
            %mul3A_260 = arith.muli %add3A_245, %mul3A_259 : i32
            %add3A_261 = arith.constant 16 : i32
            %add3A_262 = arith.addi %mul3A_260, %add3A_261 : i32
            %get3A_263 = arith.index_cast %add3A_262 : i32 to index
            %get3A_264 = tpu.vector_load %arg6[%get3A_263] {strides = array<i32>} : memref<10176xi32, #tpu.memory_space<vmem>>, vector<16xi32>,
            %shift_right_arithmetic3A_265 = arith.constant 15 : i32
            %shift_right_arithmetic3A_266 = vector.broadcast %shift_right_arithmetic3A_265 : i32 to vector<16xi32>
            %shift_right_arithmetic3A_267 = arith.shrsi %get3A_264, %shift_right_arithmetic3A_266 : vector<16xi32>
            %swap3A_268 = arith.constant 16 : index
            %swap3A_269 = tpu.vector_load %arg11[%swap3A_268] {strides = array<i32>} : memref<64xi32, #tpu.memory_space<vmem>>, vector<16xi32>,
            tpu.vector_store %arg11[%swap3A_268], %shift_right_arithmetic3A_267 {strides = array<i32>} : memref<64xi32, #tpu.memory_space<vmem>>, vector<16xi32>,
            %and3A_270 = arith.constant 32767 : i32
            %and3A_271 = vector.broadcast %and3A_270 : i32 to vector<16xi32>
            %and3A_272 = arith.andi %get3A_264, %and3A_271 : vector<16xi32>
            %swap3A_273 = arith.constant 16 : index
            %swap3A_274 = tpu.vector_load %arg12[%swap3A_273] {strides = array<i32>} : memref<64xi32, #tpu.memory_space<vmem>>, vector<16xi32>,
            tpu.vector_store %arg12[%swap3A_273], %and3A_272 {strides = array<i32>} : memref<64xi32, #tpu.memory_space<vmem>>, vector<16xi32>,
            %mul3A_275 = arith.constant 64 : i32
            %mul3A_276 = arith.muli %add3A_245, %mul3A_275 : i32
            %add3A_277 = arith.constant 32 : i32
            %add3A_278 = arith.addi %mul3A_276, %add3A_277 : i32
            %get3A_279 = arith.index_cast %add3A_278 : i32 to index
            %get3A_280 = tpu.vector_load %arg6[%get3A_279] {strides = array<i32>} : memref<10176xi32, #tpu.memory_space<vmem>>, vector<16xi32>,
            %shift_right_arithmetic3A_281 = arith.constant 15 : i32
            %shift_right_arithmetic3A_282 = vector.broadcast %shift_right_arithmetic3A_281 : i32 to vector<16xi32>
            %shift_right_arithmetic3A_283 = arith.shrsi %get3A_280, %shift_right_arithmetic3A_282 : vector<16xi32>
            %swap3A_284 = arith.constant 32 : index
            %swap3A_285 = tpu.vector_load %arg11[%swap3A_284] {strides = array<i32>} : memref<64xi32, #tpu.memory_space<vmem>>, vector<16xi32>,
            tpu.vector_store %arg11[%swap3A_284], %shift_right_arithmetic3A_283 {strides = array<i32>} : memref<64xi32, #tpu.memory_space<vmem>>, vector<16xi32>,
            %and3A_286 = arith.constant 32767 : i32
            %and3A_287 = vector.broadcast %and3A_286 : i32 to vector<16xi32>
            %and3A_288 = arith.andi %get3A_280, %and3A_287 : vector<16xi32>
            %swap3A_289 = arith.constant 32 : index
            %swap3A_290 = tpu.vector_load %arg12[%swap3A_289] {strides = array<i32>} : memref<64xi32, #tpu.memory_space<vmem>>, vector<16xi32>,
            tpu.vector_store %arg12[%swap3A_289], %and3A_288 {strides = array<i32>} : memref<64xi32, #tpu.memory_space<vmem>>, vector<16xi32>,
            %mul3A_291 = arith.constant 64 : i32
            %mul3A_292 = arith.muli %add3A_245, %mul3A_291 : i32
            %add3A_293 = arith.constant 48 : i32
            %add3A_294 = arith.addi %mul3A_292, %add3A_293 : i32
            %get3A_295 = arith.index_cast %add3A_294 : i32 to index
            %get3A_296 = tpu.vector_load %arg6[%get3A_295] {strides = array<i32>} : memref<10176xi32, #tpu.memory_space<vmem>>, vector<16xi32>,
            %shift_right_arithmetic3A_297 = arith.constant 15 : i32
            %shift_right_arithmetic3A_298 = vector.broadcast %shift_right_arithmetic3A_297 : i32 to vector<16xi32>
            %shift_right_arithmetic3A_299 = arith.shrsi %get3A_296, %shift_right_arithmetic3A_298 : vector<16xi32>
            %swap3A_300 = arith.constant 48 : index
            %swap3A_301 = tpu.vector_load %arg11[%swap3A_300] {strides = array<i32>} : memref<64xi32, #tpu.memory_space<vmem>>, vector<16xi32>,
            tpu.vector_store %arg11[%swap3A_300], %shift_right_arithmetic3A_299 {strides = array<i32>} : memref<64xi32, #tpu.memory_space<vmem>>, vector<16xi32>,
            %and3A_302 = arith.constant 32767 : i32
            %and3A_303 = vector.broadcast %and3A_302 : i32 to vector<16xi32>
            %and3A_304 = arith.andi %get3A_296, %and3A_303 : vector<16xi32>
            %swap3A_305 = arith.constant 48 : index
            %swap3A_306 = tpu.vector_load %arg12[%swap3A_305] {strides = array<i32>} : memref<64xi32, #tpu.memory_space<vmem>>, vector<16xi32>,
            tpu.vector_store %arg12[%swap3A_305], %and3A_304 {strides = array<i32>} : memref<64xi32, #tpu.memory_space<vmem>>, vector<16xi32>,
            %dma_start3A_307 = arith.constant 0 : i32
            %dma_start3A_308 = arith.constant 0 : i32
            %dma_start3A_309 = tpu.memref_slice %arg2[%dma_start3A_307, %dma_start3A_308] : memref<50000x128xf32, #tpu.memory_space<hbm>> -> memref<50000x128xf32, #tpu.memory_space<hbm>>
            tpu.enqueue_indirect_dma source(%dma_start3A_309 : memref<50000x128xf32, #tpu.memory_space<hbm>>) target(%arg15 : memref<64x128xf32, #tpu.memory_space<vmem>>) offsets(%arg11 : memref<64xi32, #tpu.memory_space<vmem>>) semaphore(%arg21 : memref<!tpu.dma_semaphore, #tpu.memory_space<semaphore_mem>>)
          } else {
          }
          %lt3A_237 = arith.cmpi slt, %add3A_222, %select_n3A : i32
          %convert_element_type3A_238 = arith.extui %lt3A_237 : i1 to i32
          %cond3A_239 = arith.constant 0 : i32
          %cond3A_240 = arith.cmpi ne, %convert_element_type3A_238, %cond3A_239 : i32
          scf.if %cond3A_240 {
            %dma_wait3A_242 = arith.constant 0 : i32
            %dma_wait3A_243 = arith.constant 0 : i32
            %dma_wait3A_244 = tpu.memref_slice %arg2[%dma_wait3A_242, %dma_wait3A_243] : memref<50000x128xf32, #tpu.memory_space<hbm>> -> memref<50000x128xf32, #tpu.memory_space<hbm>>
            tpu.wait_indirect_dma semaphore(%arg22 : memref<!tpu.dma_semaphore, #tpu.memory_space<semaphore_mem>>) src(%dma_wait3A_244 : memref<50000x128xf32, #tpu.memory_space<hbm>>) dst(%arg16 : memref<64x128xf32, #tpu.memory_space<vmem>>)
            "tpu.region"() ({
              %run_scoped3A = tpu.sem_alloc : memref<!tpu.dma_semaphore, #tpu.memory_space<semaphore_mem>>
              %dma_start3A_245 = arith.constant 0 : i32
              %dma_start3A_246 = arith.constant 0 : i32
              %dma_start3A_247 = tpu.memref_slice %arg18[%dma_start3A_245, %dma_start3A_246] : memref<10304x128xf32, #tpu.memory_space<vmem_shared>> -> memref<10304x128xf32, #tpu.memory_space<vmem_shared>>
              tpu.enqueue_indirect_dma source(%arg16 : memref<64x128xf32, #tpu.memory_space<vmem>>) target(%dma_start3A_247 : memref<10304x128xf32, #tpu.memory_space<vmem_shared>>) offsets(%arg14 : memref<64xi32, #tpu.memory_space<vmem>>) semaphore(%run_scoped3A : memref<!tpu.dma_semaphore, #tpu.memory_space<semaphore_mem>>) {add = true}
              %dma_wait3A_248 = arith.constant 0 : i32
              %dma_wait3A_249 = arith.constant 0 : i32
              %dma_wait3A_250 = tpu.memref_slice %arg18[%dma_wait3A_248, %dma_wait3A_249] : memref<10304x128xf32, #tpu.memory_space<vmem_shared>> -> memref<10304x128xf32, #tpu.memory_space<vmem_shared>>
              tpu.wait_indirect_dma semaphore(%run_scoped3A : memref<!tpu.dma_semaphore, #tpu.memory_space<semaphore_mem>>) src(%arg16 : memref<64x128xf32, #tpu.memory_space<vmem>>) dst(%dma_wait3A_250 : memref<10304x128xf32, #tpu.memory_space<vmem_shared>>)
              tpu.yield
            }) : () -> ()
          } else {
          }
          %while3A_241 = arith.constant 0 : i32
          scf.yield %while3A_241 : i32
        }
        %scan3A_216 = arith.constant 0 : i32
        scf.yield %scan3A_216 : i32
      }
      %scan3A_45 = arith.constant 5 : i32
      %barrier3A_46 = arith.constant 0 : index
      tpu.barrier barrier_id(%barrier3A_46)
      %mul3A_47 = arith.constant 640 : i32
      %mul3A_48 = arith.muli %arg1, %mul3A_47 : i32
      %add3A_49 = arith.addi %mul3A_22, %mul3A_48 : i32
      %multiple_of3A_50 = tpu.assume_multiple %add3A_49, 8 : i32
      "tpu.region"() ({
        %run_scoped3A = tpu.sem_alloc : memref<!tpu.dma_semaphore, #tpu.memory_space<semaphore_mem>>
        %dma_start3A = arith.constant 0 : i32
        %dma_start3A_52 = tpu.memref_slice %arg5[%multiple_of3A_50, %dma_start3A] : memref<204800x128xf32, #tpu.memory_space<hbm>> -> memref<640x128xf32, #tpu.memory_space<hbm>>
        %dma_start3A_53 = arith.constant 0 : i32
        %dma_start3A_54 = tpu.memref_slice %arg18[%multiple_of3A, %dma_start3A_53] : memref<10304x128xf32, #tpu.memory_space<vmem_shared>> -> memref<640x128xf32, #tpu.memory_space<vmem_shared>>
        tpu.enqueue_dma source(%dma_start3A_54 : memref<640x128xf32, #tpu.memory_space<vmem_shared>>) target(%dma_start3A_52 : memref<640x128xf32, #tpu.memory_space<hbm>>) target_semaphore(%run_scoped3A : memref<!tpu.dma_semaphore, #tpu.memory_space<semaphore_mem>>)
        %dma_wait3A = arith.constant 0 : i32
        %dma_wait3A_55 = tpu.memref_slice %arg5[%multiple_of3A_50, %dma_wait3A] : memref<204800x128xf32, #tpu.memory_space<hbm>> -> memref<640x128xf32, #tpu.memory_space<hbm>>
        %dma_wait3A_56 = arith.constant 0 : i32
        %dma_wait3A_57 = tpu.memref_slice %arg18[%multiple_of3A, %dma_wait3A_56] : memref<10304x128xf32, #tpu.memory_space<vmem_shared>> -> memref<640x128xf32, #tpu.memory_space<vmem_shared>>
        tpu.wait_dma2 semaphore(%run_scoped3A : memref<!tpu.dma_semaphore, #tpu.memory_space<semaphore_mem>>) src(%dma_wait3A_57 : memref<640x128xf32, #tpu.memory_space<vmem_shared>>) dst(%dma_wait3A_55 : memref<640x128xf32, #tpu.memory_space<hbm>>)
        tpu.yield
      }) : () -> ()
      %scan3A_51 = arith.constant 0 : i32
      scf.yield %scan3A_51 : i32
    }
    %scan3A_15 = arith.constant 10 : i32
    return
  }
}

module attributes {stable_mosaic.version = 14 : i64} {
  func.func @_dense_kernel(%arg0: i32, %arg1: memref<2000x512xf32, #tpu.memory_space<vmem>>, %arg2: memref<64x256xf32, #tpu.memory_space<vmem>>, %arg3: memref<1x64xf32, #tpu.memory_space<vmem>>, %arg4: memref<2000x128xf32, #tpu.memory_space<vmem>>) attributes {dimension_semantics = [#tpu.dimension_semantics<arbitrary>], iteration_bounds = array<i64: 25>, scalar_prefetch = 0 : i64, scratch_operands = 0 : i64, tpu.core_type = #tpu.core_type<tc>, window_params = [{transform_indices = @transform_0, window_bounds = array<i64: 2000, 512>}, {pipeline_mode = #tpu.pipeline_mode<synchronous>, transform_indices = @transform_1, window_bounds = array<i64: 64, 256>}, {pipeline_mode = #tpu.pipeline_mode<synchronous>, transform_indices = @transform_2, window_bounds = array<i64: 1, 64>}, {transform_indices = @transform_3, window_bounds = array<i64: 2000, 128>}]} {
    %get3A = arith.constant 0 : index
    %get3A_0 = arith.constant 0 : index
    %get3A_1 = vector.load %arg1[%get3A, %get3A_0] : memref<2000x512xf32, #tpu.memory_space<vmem>>, vector<2000x512xf32>
    %slice3A = vector.extract_strided_slice %get3A_1 {offsets = [0, 0], sizes = [2000, 64], strides = [1, 1]} : vector<2000x512xf32> to vector<2000x64xf32>
    %slice3A_2 = vector.extract_strided_slice %get3A_1 {offsets = [0, 64], sizes = [2000, 1], strides = [1, 1]} : vector<2000x512xf32> to vector<2000x1xf32>
    %max3A = arith.constant 1.000000e+00 : f32
    %max3A_3 = vector.broadcast %max3A : f32 to vector<2000x1xf32>
    %max3A_4 = arith.maximumf %slice3A_2, %max3A_3 : vector<2000x1xf32>
    %div3A = vector.broadcast %max3A_4 : vector<2000x1xf32> to vector<2000x64xf32>
    %div3A_5 = arith.divf %slice3A, %div3A : vector<2000x64xf32>
    %mul3A = arith.mulf %div3A_5, %div3A_5 : vector<2000x64xf32>
    %reduce_sum3A = arith.constant dense<0.000000e+00> : vector<2000xf32>
    %reduce_sum3A_6 = vector.multi_reduction <add>, %mul3A, %reduce_sum3A [1] : vector<2000x64xf32> to vector<2000xf32>
    %broadcast_in_dim3A = vector.shape_cast %reduce_sum3A_6 : vector<2000xf32> to vector<2000x1xf32>
    %sub3A = arith.constant 1.000000e+00 : f32
    %sub3A_7 = vector.broadcast %sub3A : f32 to vector<2000x1xf32>
    %sub3A_8 = arith.subf %sub3A_7, %broadcast_in_dim3A : vector<2000x1xf32>
    %div3A_9 = vector.broadcast %sub3A_8 : vector<2000x1xf32> to vector<2000x64xf32>
    %div3A_10 = arith.divf %div3A_5, %div3A_9 : vector<2000x64xf32>
    %slice3A_11 = vector.extract_strided_slice %get3A_1 {offsets = [0, 128], sizes = [2000, 64], strides = [1, 1]} : vector<2000x512xf32> to vector<2000x64xf32>
    %slice3A_12 = vector.extract_strided_slice %get3A_1 {offsets = [0, 192], sizes = [2000, 1], strides = [1, 1]} : vector<2000x512xf32> to vector<2000x1xf32>
    %max3A_13 = arith.constant 1.000000e+00 : f32
    %max3A_14 = vector.broadcast %max3A_13 : f32 to vector<2000x1xf32>
    %max3A_15 = arith.maximumf %slice3A_12, %max3A_14 : vector<2000x1xf32>
    %div3A_16 = vector.broadcast %max3A_15 : vector<2000x1xf32> to vector<2000x64xf32>
    %div3A_17 = arith.divf %slice3A_11, %div3A_16 : vector<2000x64xf32>
    %mul3A_18 = arith.mulf %div3A_17, %div3A_17 : vector<2000x64xf32>
    %reduce_sum3A_19 = arith.constant dense<0.000000e+00> : vector<2000xf32>
    %reduce_sum3A_20 = vector.multi_reduction <add>, %mul3A_18, %reduce_sum3A_19 [1] : vector<2000x64xf32> to vector<2000xf32>
    %broadcast_in_dim3A_21 = vector.shape_cast %reduce_sum3A_20 : vector<2000xf32> to vector<2000x1xf32>
    %sub3A_22 = arith.constant 1.000000e+00 : f32
    %sub3A_23 = vector.broadcast %sub3A_22 : f32 to vector<2000x1xf32>
    %sub3A_24 = arith.subf %sub3A_23, %broadcast_in_dim3A_21 : vector<2000x1xf32>
    %div3A_25 = vector.broadcast %sub3A_24 : vector<2000x1xf32> to vector<2000x64xf32>
    %div3A_26 = arith.divf %div3A_17, %div3A_25 : vector<2000x64xf32>
    %slice3A_27 = vector.extract_strided_slice %get3A_1 {offsets = [0, 256], sizes = [2000, 64], strides = [1, 1]} : vector<2000x512xf32> to vector<2000x64xf32>
    %slice3A_28 = vector.extract_strided_slice %get3A_1 {offsets = [0, 320], sizes = [2000, 1], strides = [1, 1]} : vector<2000x512xf32> to vector<2000x1xf32>
    %max3A_29 = arith.constant 1.000000e+00 : f32
    %max3A_30 = vector.broadcast %max3A_29 : f32 to vector<2000x1xf32>
    %max3A_31 = arith.maximumf %slice3A_28, %max3A_30 : vector<2000x1xf32>
    %div3A_32 = vector.broadcast %max3A_31 : vector<2000x1xf32> to vector<2000x64xf32>
    %div3A_33 = arith.divf %slice3A_27, %div3A_32 : vector<2000x64xf32>
    %mul3A_34 = arith.mulf %div3A_33, %div3A_33 : vector<2000x64xf32>
    %reduce_sum3A_35 = arith.constant dense<0.000000e+00> : vector<2000xf32>
    %reduce_sum3A_36 = vector.multi_reduction <add>, %mul3A_34, %reduce_sum3A_35 [1] : vector<2000x64xf32> to vector<2000xf32>
    %broadcast_in_dim3A_37 = vector.shape_cast %reduce_sum3A_36 : vector<2000xf32> to vector<2000x1xf32>
    %sub3A_38 = arith.constant 1.000000e+00 : f32
    %sub3A_39 = vector.broadcast %sub3A_38 : f32 to vector<2000x1xf32>
    %sub3A_40 = arith.subf %sub3A_39, %broadcast_in_dim3A_37 : vector<2000x1xf32>
    %div3A_41 = vector.broadcast %sub3A_40 : vector<2000x1xf32> to vector<2000x64xf32>
    %div3A_42 = arith.divf %div3A_33, %div3A_41 : vector<2000x64xf32>
    %slice3A_43 = vector.extract_strided_slice %get3A_1 {offsets = [0, 384], sizes = [2000, 64], strides = [1, 1]} : vector<2000x512xf32> to vector<2000x64xf32>
    %slice3A_44 = vector.extract_strided_slice %get3A_1 {offsets = [0, 448], sizes = [2000, 1], strides = [1, 1]} : vector<2000x512xf32> to vector<2000x1xf32>
    %max3A_45 = arith.constant 1.000000e+00 : f32
    %max3A_46 = vector.broadcast %max3A_45 : f32 to vector<2000x1xf32>
    %max3A_47 = arith.maximumf %slice3A_44, %max3A_46 : vector<2000x1xf32>
    %div3A_48 = vector.broadcast %max3A_47 : vector<2000x1xf32> to vector<2000x64xf32>
    %div3A_49 = arith.divf %slice3A_43, %div3A_48 : vector<2000x64xf32>
    %mul3A_50 = arith.mulf %div3A_49, %div3A_49 : vector<2000x64xf32>
    %reduce_sum3A_51 = arith.constant dense<0.000000e+00> : vector<2000xf32>
    %reduce_sum3A_52 = vector.multi_reduction <add>, %mul3A_50, %reduce_sum3A_51 [1] : vector<2000x64xf32> to vector<2000xf32>
    %broadcast_in_dim3A_53 = vector.shape_cast %reduce_sum3A_52 : vector<2000xf32> to vector<2000x1xf32>
    %sub3A_54 = arith.constant 1.000000e+00 : f32
    %sub3A_55 = vector.broadcast %sub3A_54 : f32 to vector<2000x1xf32>
    %sub3A_56 = arith.subf %sub3A_55, %broadcast_in_dim3A_53 : vector<2000x1xf32>
    %div3A_57 = vector.broadcast %sub3A_56 : vector<2000x1xf32> to vector<2000x64xf32>
    %div3A_58 = arith.divf %div3A_49, %div3A_57 : vector<2000x64xf32>
    %concatenate3A = tpu.concatenate %div3A_10, %div3A_26, %div3A_42, %div3A_58 in 1 : vector<2000x64xf32>, vector<2000x64xf32>, vector<2000x64xf32>, vector<2000x64xf32> -> vector<2000x256xf32>
    %get3A_59 = arith.constant 0 : index
    %get3A_60 = arith.constant 0 : index
    %get3A_61 = vector.load %arg2[%get3A_59, %get3A_60] : memref<64x256xf32, #tpu.memory_space<vmem>>, vector<64x256xf32>
    %transpose3A = tpu.transpose %get3A_61, [1, 0] : vector<64x256xf32> -> vector<256x64xf32>
    %dot_general3A = arith.constant dense<0.000000e+00> : vector<2000x64xf32>
    %dot_general3A_62 = tpu.matmul %concatenate3A, %transpose3A, %dot_general3A {dimension_numbers = #tpu.dot_dimension_numbers<[1], [0], [0], [1], [0, 0, 1, 1], [], []>, transpose_lhs_hint = false} : vector<2000x256xf32>, vector<256x64xf32>, vector<2000x64xf32> -> vector<2000x64xf32>
    %get3A_63 = arith.constant 0 : index
    %get3A_64 = arith.constant 0 : index
    %get3A_65 = vector.load %arg3[%get3A_63, %get3A_64] : memref<1x64xf32, #tpu.memory_space<vmem>>, vector<1x64xf32>
    %add3A = vector.broadcast %get3A_65 : vector<1x64xf32> to vector<2000x64xf32>
    %add3A_66 = arith.addf %dot_general3A_62, %add3A : vector<2000x64xf32>
    %max3A_67 = arith.constant 0.000000e+00 : f32
    %max3A_68 = vector.broadcast %max3A_67 : f32 to vector<2000x64xf32>
    %max3A_69 = arith.maximumf %add3A_66, %max3A_68 : vector<2000x64xf32>
    %swap3A = arith.constant 0 : index
    %swap3A_70 = arith.constant 0 : index
    %swap3A_71 = vector.load %arg4[%swap3A, %swap3A_70] : memref<2000x128xf32, #tpu.memory_space<vmem>>, vector<2000x64xf32>
    tpu.vector_store %arg4[%swap3A, %swap3A_70], %max3A_69 {strides = array<i32>} : memref<2000x128xf32, #tpu.memory_space<vmem>>, vector<2000x64xf32>,
    %broadcast_in_dim3A_72 = arith.constant 1.000000e+00 : f32
    %broadcast_in_dim3A_73 = vector.broadcast %broadcast_in_dim3A_72 : f32 to vector<2000x1xf32>
    %swap3A_74 = arith.constant 0 : index
    %swap3A_75 = arith.constant 64 : index
    %swap3A_76 = vector.load %arg4[%swap3A_74, %swap3A_75] : memref<2000x128xf32, #tpu.memory_space<vmem>>, vector<2000x1xf32>
    tpu.vector_store %arg4[%swap3A_74, %swap3A_75], %broadcast_in_dim3A_73 {strides = array<i32>} : memref<2000x128xf32, #tpu.memory_space<vmem>>, vector<2000x1xf32>,
    %broadcast_in_dim3A_77 = arith.constant 0.000000e+00 : f32
    %broadcast_in_dim3A_78 = vector.broadcast %broadcast_in_dim3A_77 : f32 to vector<2000x63xf32>
    %swap3A_79 = arith.constant 0 : index
    %swap3A_80 = arith.constant 65 : index
    %swap3A_81 = vector.load %arg4[%swap3A_79, %swap3A_80] : memref<2000x128xf32, #tpu.memory_space<vmem>>, vector<2000x63xf32>
    tpu.vector_store %arg4[%swap3A_79, %swap3A_80], %broadcast_in_dim3A_78 {strides = array<i32>} : memref<2000x128xf32, #tpu.memory_space<vmem>>, vector<2000x63xf32>,
    return
  }
  func.func @transform_0(%arg0: i32) -> (i32, i32) {
    %c0_i32 = arith.constant 0 : i32
    %c0_i32_0 = arith.constant 0 : i32
    return %arg0, %c0_i32 : i32, i32
  }
  func.func @transform_1(%arg0: i32) -> (i32, i32) {
    %c0_i32 = arith.constant 0 : i32
    %c0_i32_0 = arith.constant 0 : i32
    %c0_i32_1 = arith.constant 0 : i32
    return %c0_i32, %c0_i32_0 : i32, i32
  }
  func.func @transform_2(%arg0: i32) -> (i32, i32) {
    %c0_i32 = arith.constant 0 : i32
    %c0_i32_0 = arith.constant 0 : i32
    %c0_i32_1 = arith.constant 0 : i32
    return %c0_i32, %c0_i32_0 : i32, i32
  }
  func.func @transform_3(%arg0: i32) -> (i32, i32) {
    %c0_i32 = arith.constant 0 : i32
    %c0_i32_0 = arith.constant 0 : i32
    return %arg0, %c0_i32 : i32, i32
  }
}

module attributes {stable_mosaic.version = 14 : i64} {
  func.func @_dense_kernel(%arg0: i32, %arg1: memref<2000x512xf32, #tpu.memory_space<vmem>>, %arg2: memref<64x256xf32, #tpu.memory_space<vmem>>, %arg3: memref<1x64xf32, #tpu.memory_space<vmem>>, %arg4: memref<2000x64xf32, #tpu.memory_space<vmem>>) attributes {dimension_semantics = [#tpu.dimension_semantics<arbitrary>], iteration_bounds = array<i64: 25>, scalar_prefetch = 0 : i64, scratch_operands = 0 : i64, tpu.core_type = #tpu.core_type<tc>, window_params = [{transform_indices = @transform_0, window_bounds = array<i64: 2000, 512>}, {pipeline_mode = #tpu.pipeline_mode<synchronous>, transform_indices = @transform_1, window_bounds = array<i64: 64, 256>}, {pipeline_mode = #tpu.pipeline_mode<synchronous>, transform_indices = @transform_2, window_bounds = array<i64: 1, 64>}, {transform_indices = @transform_3, window_bounds = array<i64: 2000, 64>}]} {
    %get3A = arith.constant 0 : index
    %get3A_0 = arith.constant 0 : index
    %get3A_1 = vector.load %arg1[%get3A, %get3A_0] : memref<2000x512xf32, #tpu.memory_space<vmem>>, vector<2000x512xf32>
    %slice3A = vector.extract_strided_slice %get3A_1 {offsets = [0, 0], sizes = [2000, 64], strides = [1, 1]} : vector<2000x512xf32> to vector<2000x64xf32>
    %slice3A_2 = vector.extract_strided_slice %get3A_1 {offsets = [0, 64], sizes = [2000, 1], strides = [1, 1]} : vector<2000x512xf32> to vector<2000x1xf32>
    %max3A = arith.constant 1.000000e+00 : f32
    %max3A_3 = vector.broadcast %max3A : f32 to vector<2000x1xf32>
    %max3A_4 = arith.maximumf %slice3A_2, %max3A_3 : vector<2000x1xf32>
    %div3A = vector.broadcast %max3A_4 : vector<2000x1xf32> to vector<2000x64xf32>
    %div3A_5 = arith.divf %slice3A, %div3A : vector<2000x64xf32>
    %mul3A = arith.mulf %div3A_5, %div3A_5 : vector<2000x64xf32>
    %reduce_sum3A = arith.constant dense<0.000000e+00> : vector<2000xf32>
    %reduce_sum3A_6 = vector.multi_reduction <add>, %mul3A, %reduce_sum3A [1] : vector<2000x64xf32> to vector<2000xf32>
    %broadcast_in_dim3A = vector.shape_cast %reduce_sum3A_6 : vector<2000xf32> to vector<2000x1xf32>
    %sub3A = arith.constant 1.000000e+00 : f32
    %sub3A_7 = vector.broadcast %sub3A : f32 to vector<2000x1xf32>
    %sub3A_8 = arith.subf %sub3A_7, %broadcast_in_dim3A : vector<2000x1xf32>
    %div3A_9 = vector.broadcast %sub3A_8 : vector<2000x1xf32> to vector<2000x64xf32>
    %div3A_10 = arith.divf %div3A_5, %div3A_9 : vector<2000x64xf32>
    %slice3A_11 = vector.extract_strided_slice %get3A_1 {offsets = [0, 128], sizes = [2000, 64], strides = [1, 1]} : vector<2000x512xf32> to vector<2000x64xf32>
    %slice3A_12 = vector.extract_strided_slice %get3A_1 {offsets = [0, 192], sizes = [2000, 1], strides = [1, 1]} : vector<2000x512xf32> to vector<2000x1xf32>
    %max3A_13 = arith.constant 1.000000e+00 : f32
    %max3A_14 = vector.broadcast %max3A_13 : f32 to vector<2000x1xf32>
    %max3A_15 = arith.maximumf %slice3A_12, %max3A_14 : vector<2000x1xf32>
    %div3A_16 = vector.broadcast %max3A_15 : vector<2000x1xf32> to vector<2000x64xf32>
    %div3A_17 = arith.divf %slice3A_11, %div3A_16 : vector<2000x64xf32>
    %mul3A_18 = arith.mulf %div3A_17, %div3A_17 : vector<2000x64xf32>
    %reduce_sum3A_19 = arith.constant dense<0.000000e+00> : vector<2000xf32>
    %reduce_sum3A_20 = vector.multi_reduction <add>, %mul3A_18, %reduce_sum3A_19 [1] : vector<2000x64xf32> to vector<2000xf32>
    %broadcast_in_dim3A_21 = vector.shape_cast %reduce_sum3A_20 : vector<2000xf32> to vector<2000x1xf32>
    %sub3A_22 = arith.constant 1.000000e+00 : f32
    %sub3A_23 = vector.broadcast %sub3A_22 : f32 to vector<2000x1xf32>
    %sub3A_24 = arith.subf %sub3A_23, %broadcast_in_dim3A_21 : vector<2000x1xf32>
    %div3A_25 = vector.broadcast %sub3A_24 : vector<2000x1xf32> to vector<2000x64xf32>
    %div3A_26 = arith.divf %div3A_17, %div3A_25 : vector<2000x64xf32>
    %slice3A_27 = vector.extract_strided_slice %get3A_1 {offsets = [0, 256], sizes = [2000, 64], strides = [1, 1]} : vector<2000x512xf32> to vector<2000x64xf32>
    %slice3A_28 = vector.extract_strided_slice %get3A_1 {offsets = [0, 320], sizes = [2000, 1], strides = [1, 1]} : vector<2000x512xf32> to vector<2000x1xf32>
    %max3A_29 = arith.constant 1.000000e+00 : f32
    %max3A_30 = vector.broadcast %max3A_29 : f32 to vector<2000x1xf32>
    %max3A_31 = arith.maximumf %slice3A_28, %max3A_30 : vector<2000x1xf32>
    %div3A_32 = vector.broadcast %max3A_31 : vector<2000x1xf32> to vector<2000x64xf32>
    %div3A_33 = arith.divf %slice3A_27, %div3A_32 : vector<2000x64xf32>
    %mul3A_34 = arith.mulf %div3A_33, %div3A_33 : vector<2000x64xf32>
    %reduce_sum3A_35 = arith.constant dense<0.000000e+00> : vector<2000xf32>
    %reduce_sum3A_36 = vector.multi_reduction <add>, %mul3A_34, %reduce_sum3A_35 [1] : vector<2000x64xf32> to vector<2000xf32>
    %broadcast_in_dim3A_37 = vector.shape_cast %reduce_sum3A_36 : vector<2000xf32> to vector<2000x1xf32>
    %sub3A_38 = arith.constant 1.000000e+00 : f32
    %sub3A_39 = vector.broadcast %sub3A_38 : f32 to vector<2000x1xf32>
    %sub3A_40 = arith.subf %sub3A_39, %broadcast_in_dim3A_37 : vector<2000x1xf32>
    %div3A_41 = vector.broadcast %sub3A_40 : vector<2000x1xf32> to vector<2000x64xf32>
    %div3A_42 = arith.divf %div3A_33, %div3A_41 : vector<2000x64xf32>
    %slice3A_43 = vector.extract_strided_slice %get3A_1 {offsets = [0, 384], sizes = [2000, 64], strides = [1, 1]} : vector<2000x512xf32> to vector<2000x64xf32>
    %slice3A_44 = vector.extract_strided_slice %get3A_1 {offsets = [0, 448], sizes = [2000, 1], strides = [1, 1]} : vector<2000x512xf32> to vector<2000x1xf32>
    %max3A_45 = arith.constant 1.000000e+00 : f32
    %max3A_46 = vector.broadcast %max3A_45 : f32 to vector<2000x1xf32>
    %max3A_47 = arith.maximumf %slice3A_44, %max3A_46 : vector<2000x1xf32>
    %div3A_48 = vector.broadcast %max3A_47 : vector<2000x1xf32> to vector<2000x64xf32>
    %div3A_49 = arith.divf %slice3A_43, %div3A_48 : vector<2000x64xf32>
    %mul3A_50 = arith.mulf %div3A_49, %div3A_49 : vector<2000x64xf32>
    %reduce_sum3A_51 = arith.constant dense<0.000000e+00> : vector<2000xf32>
    %reduce_sum3A_52 = vector.multi_reduction <add>, %mul3A_50, %reduce_sum3A_51 [1] : vector<2000x64xf32> to vector<2000xf32>
    %broadcast_in_dim3A_53 = vector.shape_cast %reduce_sum3A_52 : vector<2000xf32> to vector<2000x1xf32>
    %sub3A_54 = arith.constant 1.000000e+00 : f32
    %sub3A_55 = vector.broadcast %sub3A_54 : f32 to vector<2000x1xf32>
    %sub3A_56 = arith.subf %sub3A_55, %broadcast_in_dim3A_53 : vector<2000x1xf32>
    %div3A_57 = vector.broadcast %sub3A_56 : vector<2000x1xf32> to vector<2000x64xf32>
    %div3A_58 = arith.divf %div3A_49, %div3A_57 : vector<2000x64xf32>
    %concatenate3A = tpu.concatenate %div3A_10, %div3A_26, %div3A_42, %div3A_58 in 1 : vector<2000x64xf32>, vector<2000x64xf32>, vector<2000x64xf32>, vector<2000x64xf32> -> vector<2000x256xf32>
    %get3A_59 = arith.constant 0 : index
    %get3A_60 = arith.constant 0 : index
    %get3A_61 = vector.load %arg2[%get3A_59, %get3A_60] : memref<64x256xf32, #tpu.memory_space<vmem>>, vector<64x256xf32>
    %transpose3A = tpu.transpose %get3A_61, [1, 0] : vector<64x256xf32> -> vector<256x64xf32>
    %dot_general3A = arith.constant dense<0.000000e+00> : vector<2000x64xf32>
    %dot_general3A_62 = tpu.matmul %concatenate3A, %transpose3A, %dot_general3A {dimension_numbers = #tpu.dot_dimension_numbers<[1], [0], [0], [1], [0, 0, 1, 1], [], []>, transpose_lhs_hint = false} : vector<2000x256xf32>, vector<256x64xf32>, vector<2000x64xf32> -> vector<2000x64xf32>
    %get3A_63 = arith.constant 0 : index
    %get3A_64 = arith.constant 0 : index
    %get3A_65 = vector.load %arg3[%get3A_63, %get3A_64] : memref<1x64xf32, #tpu.memory_space<vmem>>, vector<1x64xf32>
    %add3A = vector.broadcast %get3A_65 : vector<1x64xf32> to vector<2000x64xf32>
    %add3A_66 = arith.addf %dot_general3A_62, %add3A : vector<2000x64xf32>
    %max3A_67 = arith.constant 0.000000e+00 : f32
    %max3A_68 = vector.broadcast %max3A_67 : f32 to vector<2000x64xf32>
    %max3A_69 = arith.maximumf %add3A_66, %max3A_68 : vector<2000x64xf32>
    %swap3A = arith.constant 0 : index
    %swap3A_70 = arith.constant 0 : index
    %swap3A_71 = vector.load %arg4[%swap3A, %swap3A_70] : memref<2000x64xf32, #tpu.memory_space<vmem>>, vector<2000x64xf32>
    tpu.vector_store %arg4[%swap3A, %swap3A_70], %max3A_69 {strides = array<i32>} : memref<2000x64xf32, #tpu.memory_space<vmem>>, vector<2000x64xf32>,
    return
  }
  func.func @transform_0(%arg0: i32) -> (i32, i32) {
    %c0_i32 = arith.constant 0 : i32
    %c0_i32_0 = arith.constant 0 : i32
    return %arg0, %c0_i32 : i32, i32
  }
  func.func @transform_1(%arg0: i32) -> (i32, i32) {
    %c0_i32 = arith.constant 0 : i32
    %c0_i32_0 = arith.constant 0 : i32
    %c0_i32_1 = arith.constant 0 : i32
    return %c0_i32, %c0_i32_0 : i32, i32
  }
  func.func @transform_2(%arg0: i32) -> (i32, i32) {
    %c0_i32 = arith.constant 0 : i32
    %c0_i32_0 = arith.constant 0 : i32
    %c0_i32_1 = arith.constant 0 : i32
    return %c0_i32, %c0_i32_0 : i32, i32
  }
  func.func @transform_3(%arg0: i32) -> (i32, i32) {
    %c0_i32 = arith.constant 0 : i32
    %c0_i32_0 = arith.constant 0 : i32
    return %arg0, %c0_i32 : i32, i32
  }
}

</mosaic_0001>

<sc_bundles>
// kernel: kernel.6.cloned.1.call-start
scs
__scs_entry_jumppad:
0x0: {  	(pc) =	sbr.rel $0x88, $3  }
0x1: {  	(tag) =	ssettag $0x0;
	lr =	simm.s32 $0x1  }
0x2: {  	[smem:$0x3F9A] =	sst lr;
	_ =	strace $0xD0000000  }
0x3: {  	_ = 	snop  }
0x4: {  	_ = 	snop  }
0x5: {  	_ = 	snop  }
0x6: {  	_ = 	snop  }
0x7: {  	_ = 	snop  }
__scs_overlays_trampoline_lowered:
0x8: {  	[smem:$0x3FA9] =	sst s0  }
0x9: {  	[smem:$0x3FAA] =	sst s1  }
0xa: {  	[smem:$0x3FAB] =	sst s2  }
0xb: {  	[smem:$0x3FAC] =	sst s3  }
0xc: {  	[smem:$0x3FAD] =	sst s4  }
0xd: {  	[smem:$0x3FAE] =	sst s5  }
0xe: {  	[smem:$0x3FAF] =	sst s6  }
0xf: {  	[smem:$0x3FB0] =	sst s7  }
0x10: {  	[smem:$0x3FB1] =	sst s8  }
0x11: {  	[smem:$0x3FB2] =	sst s9;
	s0 =	simm.s32 @!p0 $0x0  }
0x12: {  	s1 =	sld [smem:$0x3F98];
	s0 =	simm.s32 @p0 $0x1  }
0x13: {  	[smem:$0x3FB3] =	sst s0;
	s0 =	simm.s32 @!p1 $0x0  }
0x14: {  	s2 =	sld [smem:$0x3F97];
	s0 =	simm.s32 @p1 $0x1  }
0x15: {  	[smem:$0x3FB4] =	sst s0;
	s0 =	simm.s32 @!p2 $0x0  }
0x16: {  	s3 =	sld [smem:$0x3FDB];
	s0 =	simm.s32 @p2 $0x1  }
0x17: {  	s4 =	simm.s32 $0x1BF5;
	[smem:$0x3FB6] =	sst s0  }
0x18: {  	s0 =	sld [smem:$0x3F99];
	_ =	swait.ge [sflag:s4], $0x0  }
0x19: {  	s7 =	sld [smem:$0x3F9A]  }
0x1a: {  	s8 =	sadd.s32 $0xFFFFE003, lr  }
0x1b: {  	s9 =	sadd.s32 $0xFFFFFEF7, lr;
	s5 =	simm.s32 $0xFFFFFFFF;
	p2 =	slt.u32 s8, $0xFFFFF086  }
0x1c: {  	p1 =	slt.u32 s9, $0xF7A;
	s5 =	simm.s32 @!p2 $0x0  }
0x1d: {  	s5 =	simm.s32 @p1 $0x1;
	p0 =	seq.s32 s7, s2  }
0x1e: {  	s7 =	smul.u32 @!p0 $0xF7A, s2;
	p2 =	seq.s32 @!p0 s5, $0x0  }
0x1f: {  	s9 =	smul.u32 $0xF7A, s1;
	s8 =	simm.s32 @!p0 $0x1BF5;
	p2 =	por !p2, p0  }
0x20: {  	[sflag:s8] =	ssyncset.s32 @!p0 $0xFFFFF086;
	s6 =	sadd.s32 @!p0 s3, s7;
	s7 =	simm.s32 @!p0 $0x108  }
0x21: {  	s3 =	sadd.s32 s3, s9;
	s6 =	sadd.s32 @!p0 $0x88, s6;
	s7 =	simm.s32 @p2 $0x1082  }
0x22: {  	[simem:s7], [sflag:s8] =	dma.local @!p0 [hbm:s6], $0xF7A  }
0x23: {  	s9 =	sor.u32 $0xD0000000, s2;
	s6 =	simm.s32 $0x108;
	_ =	swait.ge @!p0 [sflag:s8], $0x0  }
0x24: {  	s3 =	sadd.s32 $0x88, s3;
	s6 =	simm.s32 @!p1 $0x1082;
	[sflag:s4] =	ssyncset.s32 $0xFFFFF086  }
0x25: {  	[simem:s6], [sflag:s4] =	dma.local [hbm:s3], $0xF7A  }
0x26: {  	[smem:$0x3F9A] =	sst s1;
	(tag) =	ssettag s2;
	_ =	strace s9  }
0x27: {  	s1 =	sld [smem:$0x3FAA]  }
0x28: {  	s2 =	sld [smem:$0x3FAB]  }
0x29: {  	s4 =	sld [smem:$0x3FAD]  }
0x2a: {  	p0 =	seq.s32 s5, $0x0;
	s5 =	sld [smem:$0x3FAE]  }
0x2b: {  	s6 =	sld [smem:$0x3FAF]  }
0x2c: {  	s7 =	sld [smem:$0x3FB0]  }
0x2d: {  	s3 =	simm.s32 $0x108;
	s8 =	sld [smem:$0x3FB1]  }
0x2e: {  	s3 =	simm.s32 @!p0 $0x1082;
	s9 =	sld [smem:$0x3FB2]  }
0x2f: {  	lr =	sadd.s32 s0, s3;
	s0 =	sld [smem:$0x3FA9]  }
0x30: {  	s3 =	sld [smem:$0x3FAC]  }
0x31: {  	[smem:$0x3FB5] =	sst s10  }
0x32: {  	s10 =	sld [smem:$0x3FB3];
	_ =	sdelay $0x3  }
0x33: {  	p0 =	seq.s32 s10, $0x1;
	s10 =	sld [smem:$0x3FB5];
	_ =	sdelay $0x3  }
0x34: {  	[smem:$0x3FB5] =	sst s10  }
0x35: {  	s10 =	sld [smem:$0x3FB4];
	_ =	sdelay $0x3  }
0x36: {  	p1 =	seq.s32 s10, $0x1;
	s10 =	sld [smem:$0x3FB5];
	_ =	sdelay $0x3  }
0x37: {  	[smem:$0x3FB5] =	sst s10  }
0x38: {  	s10 =	sld [smem:$0x3FB6]  }
0x39: {  	_ = 	snop;
	(pc) =	sbr.ind lr, $3  }
0x3a: {  	_ = 	snop  }
0x3b: {  	_ = 	snop  }
0x3c: {  	p2 =	seq.s32 s10, $0x1;
	s10 =	sld [smem:$0x3FB5]  }
0x3d: {  	_ =	shalt  }
0x3e: {  	_ =	shalt  }
0x3f: {  	_ =	shalt  }
0x40: {  	_ =	shalt  }
0x41: {  	_ =	shalt  }
0x42: {  	_ =	shalt  }
0x43: {  	_ =	shalt  }
0x44: {  	_ =	shalt  }
0x45: {  	_ =	shalt  }
0x46: {  	_ =	shalt  }
0x47: {  	_ =	shalt  }
0x48: {  	_ =	shalt  }
0x49: {  	_ =	shalt  }
0x4a: {  	_ =	shalt  }
0x4b: {  	_ =	shalt  }
0x4c: {  	_ =	shalt  }
0x4d: {  	_ =	shalt  }
0x4e: {  	_ =	shalt  }
0x4f: {  	_ =	shalt  }
0x50: {  	_ =	shalt  }
0x51: {  	_ =	shalt  }
0x52: {  	_ =	shalt  }
0x53: {  	_ =	shalt  }
0x54: {  	_ =	shalt  }
0x55: {  	_ =	shalt  }
0x56: {  	_ =	shalt  }
0x57: {  	_ =	shalt  }
0x58: {  	_ =	shalt  }
0x59: {  	_ =	shalt  }
0x5a: {  	_ =	shalt  }
0x5b: {  	_ =	shalt  }
0x5c: {  	_ =	shalt  }
0x5d: {  	_ =	shalt  }
0x5e: {  	_ =	shalt  }
0x5f: {  	_ =	shalt  }
0x60: {  	_ =	shalt  }
0x61: {  	_ =	shalt  }
0x62: {  	_ =	shalt  }
0x63: {  	_ =	shalt  }
0x64: {  	_ =	shalt  }
0x65: {  	_ =	shalt  }
0x66: {  	_ =	shalt  }
0x67: {  	_ =	shalt  }
0x68: {  	_ =	shalt  }
0x69: {  	_ =	shalt  }
0x6a: {  	_ =	shalt  }
0x6b: {  	_ =	shalt  }
0x6c: {  	_ =	shalt  }
0x6d: {  	_ =	shalt  }
0x6e: {  	_ =	shalt  }
0x6f: {  	_ =	shalt  }
0x70: {  	_ =	shalt  }
0x71: {  	_ =	shalt  }
0x72: {  	_ =	shalt  }
0x73: {  	_ =	shalt  }
0x74: {  	_ =	shalt  }
0x75: {  	_ =	shalt  }
0x76: {  	_ =	shalt  }
0x77: {  	_ =	shalt  }
0x78: {  	_ =	shalt  }
0x79: {  	_ =	shalt  }
0x7a: {  	_ =	shalt  }
0x7b: {  	_ =	shalt  }
0x7c: {  	_ =	shalt  }
0x7d: {  	_ =	shalt  }
0x7e: {  	_ =	shalt  }
0x7f: {  	_ =	shalt  }
0x80: {  	_ =	shalt  }
0x81: {  	_ =	shalt  }
0x82: {  	_ =	shalt  }
0x83: {  	_ =	shalt  }
0x84: {  	_ =	shalt  }
0x85: {  	_ =	shalt  }
0x86: {  	_ =	shalt  }
0x87: {  	_ =	shalt  }
.Lfunc_end0:
.L_simem_size_0:
called_computation_lowered:
.L_overlay_start_0:
0x88: {  	s2 =	sld [smem:$0x3FD9]  }
0x89: {  	s3 =	sld [smem:$0x3FFE];
	_ =	sdelay $0x1  }
0x8a: {  	s1 =	srdreg.scid  }
0x8b: {  	s0 =	sand.u32 $0x1, s1  }
0x8c: {  	s17 =	sshll.u32 s0, $0xA;
	s2 =	sadd.s32 s3, s2  }
0x8d: {  	s2 =	sadd.s32 s2, s17  }
0x8e: {  	[smem:$0x3FC1] =	sst s2  }
0x8f: {  	_ = 	snop  }
0x90: {  	s2 =	sld [smem:$0x3FD0];
	(tm) =	ssettm $0x1  }
0x91: {  	s18 =	sld [smem:$0x3FFB];
	_ =	sdelay $0x3  }
0x92: {  	_ =	strace s18  }
0x93: {  	s3 =	sld [smem:$0x3FFC];
	_ =	sdelay $0x3  }
0x94: {  	_ =	strace s3  }
0x95: {  	s3 =	sld [smem:$0x3FFD];
	_ =	sdelay $0x3  }
0x96: {  	_ =	strace s3  }
0x97: {  	_ =	strace $0x8FFFFFFF  }
0x98: {  	s19 =	sld [smem:$0x3FDB];
	_ =	sdelay $0x1  }
0x99: {  	s4 =	simm.s32 $_scs_section_size  }
0x9a: {  	s5 =	simm.s32 $_size__tile_overlayer_lowered;
	s6 =	simm.s32 $_tile_overlayer_lowered  }
0x9b: {  	s22 =	simm.s32 $0x1BFF;
	s21 =	sshll.u32 s6, $0x1;
	s3 =	sadd.s32 s4, s19  }
0x9c: {  	s7 =	simm.s32 $0x0;
	s20 =	sshll.u32 s5, $0x1;
	s5 =	sadd.s32 s21, s3  }
0x9d: {  	[timem:s7], [sflag:s22] =	dma.local [hbm:s5], s20  }
0x9e: {  	_ =	swait.ge [sflag:s22], s20  }
0x9f: {  	s4 =	ssub.s32 $0x0, s20;
	[sflag:s22] =	ssyncset.done $0x0  }
0xa0: {  	[sflag:s22] =	ssyncadd.s32 s4;
	_ =	sdelay $0x1  }
0xa1: {  	s23 =	simm.s32 $0x1B8B  }
0xa2: {  	_ =	swait.ge [sflag:s23], $0x1  }
0xa3: {  	[sflag:s23] =	ssyncset.done $0x0  }
0xa4: {  	s25 =	simm.s32 $0x1B8E;
	s24 =	sld [smem:$0x3FFE];
	[sflag:s23] =	ssyncadd.s32 $0xFFFFFFFF  }
0xa5: {  	s26 =	simm.s32 $execute0_lowered;
	[smem:$0x3FD2] =	sst s25  }
0xa6: {  	s5 =	sshll.u32 s26, $0x1;
	_ =	strace $0x80000046;
	[dreg:$0x1] =	wrdreg $0xFFFFFFFF  }
0xa7: {  	s28 =	simm.s32 $_size_execute0_lowered;
	s3 =	sadd.s32 s3, s5;
	[dreg:$0x0] =	wrdreg $0x0  }
0xa8: {  	s5 =	sshll.u32 s28, $0x1;
	[dreg:$0x2] =	wrdreg s3  }
0xa9: {  	[dreg:$0x3] =	wrdreg s5  }
0xaa: {  	[dreg:$0x4] =	wrdreg $0xC0  }
0xab: {  	_ =	task [dreg:s7], $0x5FFFF  }
0xac: {  	[dreg:$0x1] =	wrdreg $0xFFFFFFFF  }
0xad: {  	[dreg:$0x0] =	wrdreg $0x60  }
0xae: {  	[dreg:$0x2] =	wrdreg s24  }
0xaf: {  	[dreg:$0x3] =	wrdreg s2  }
0xb0: {  	[dreg:$0x4] =	wrdreg $0x9A000  }
0xb1: {  	[dreg:$0x5] =	wrdreg $0x9  }
0xb2: {  	_ =	task.clear_ibuf [dreg:s7], $0x6FFFF;
	_ =	strace $0x90000046  }
0xb3: {  	s29 =	simm.s32 $0x9;
	_ =	strace $0x80000048  }
0xb4: {  	_ =	swait.ge [sflag:s29], $0x1  }
0xb5: {  	[sflag:s29] =	ssyncadd.s32 $0xFFFFFFFF  }
0xb6: {  	_ =	strace $0x90000048  }
0xb7: {  	_ =	sfence  }
0xb8: {  	s30 =	sld [smem:$0x0];
	_ =	sdelay $0x2  }
0xb9: {  	s31 =	sshll.u32 s1, $0xD;
	s1 =	sshrl.u32 s1, $0x2  }
0xba: {  	s3 =	sand.u32 $0x4000, s31;
	s1 =	sadd.s32 s1, s30  }
0xbb: {  	s0 =	sor.u32 s3, s0;
	s1 =	sshll.u32 s1, $0x11  }
0xbc: {  	s0 =	sor.u32 s1, s0  }
0xbd: {  	s0 =	sadd.s32 $0x8F2B, s0  }
0xbe: {  	[sflag:s0] =	ssyncadd.remote.s32 $0x1  }
0xbf: {  	_ =	sfence.sel $0xFFFF  }
0xc0: {  	[dreg:$0x0] =	wrdreg $0xFFFFFFFF;
	(pc) =	sbr.abs _section_cstart, $3  }
0xc1: {  	[dreg:$0x1] =	wrdreg $0xFFFFFFFF  }
0xc2: {  	_ =	task.clear_ibuf [dreg:s7], $0x2FFFF;
	_ =	strace $0x9FFFFFFF  }
0xc3: {  	(tm) =	ssettm $0x7FFFFFFF  }
tec
execute0_lowered:
.L_overlay_start_1:
0x0: {  	(tag) =	ssettag $0x1  }
0x1: {  	s0 =	rddreg [dreg:$0x0]  }
0x2: {  	s1 =	rddreg [dreg:$0x1]  }
0x3: {  	s2 =	rddreg [dreg:$0x2];
	s4 =	simm.s32 $0x0;
	s3 =	srdreg.scid  }
0x4: {  	s8 =	stileid.u32;
	[smem:$0x7FF] =	sst s4  }
0x5: {  	s5 =	sand.u32 $0x1, s3;
	s30 =	smul.u32 $0x50000, s8;
	s6 =	sadd.s32 $0x19200, s0  }
0x6: {  	s7 =	sadd.s32 $0xA00, s0;
	s0 =	sadd.s32 $0xDC800, s0;
	s9 =	smul.u32 $0x280, s8  }
0x7: {  	_ =	strace $0x80000047;
	[dreg:$0x4] =	wrdreg s5;
	s5 =	ssub.s32 $0x2, s5  }
0x8: {  	[dreg:$0x5] =	wrdreg s0;
	s31 =	sshrl.u32 s5, $0x1;
	s3 =	sshrl.u32 s30, $0x2  }
0x9: {  	[dreg:$0x6] =	wrdreg s9;
	s0 =	ssub.s32 s5, s31;
	s12 =	sadd.s32 s3, s2  }
0xa: {  	s0 =	smax.u32 s0, $0x1;
	[dreg:$0x7] =	wrdreg s12  }
0xb: {  	s10 =	sadd.s32 $0x1000, s12;
	[dreg:$0x8] =	wrdreg s0  }
0xc: {  	s13 =	sadd.s32 $0x2000, s12;
	[dreg:$0x9] =	wrdreg s10  }
0xd: {  	s14 =	sadd.s32 $0x3000, s12;
	[dreg:$0xa] =	wrdreg s13  }
0xe: {  	s15 =	sadd.s32 $0x4000, s12;
	[dreg:$0xb] =	wrdreg s14  }
0xf: {  	s16 =	sadd.s32 $0x5000, s12;
	[dreg:$0xc] =	wrdreg s15  }
0x10: {  	s17 =	sadd.s32 $0x6000, s12;
	[dreg:$0xd] =	wrdreg s16  }
0x11: {  	s18 =	sadd.s32 $0x7000, s12;
	[dreg:$0xe] =	wrdreg s17  }
0x12: {  	s19 =	sadd.s32 $0x8000, s12;
	[dreg:$0xf] =	wrdreg s18  }
0x13: {  	s20 =	sadd.s32 $0x9000, s12;
	[dreg:$0x10] =	wrdreg s19  }
0x14: {  	s21 =	sadd.s32 $0xA000, s12;
	[dreg:$0x11] =	wrdreg s20  }
0x15: {  	s22 =	sadd.s32 $0xB000, s12;
	[dreg:$0x12] =	wrdreg s21  }
0x16: {  	s23 =	sadd.s32 $0xC000, s12;
	[dreg:$0x13] =	wrdreg s22  }
0x17: {  	s24 =	sadd.s32 $0xD000, s12;
	[dreg:$0x14] =	wrdreg s23  }
0x18: {  	s11 =	smul.u32 $0xC350, s8;
	s25 =	sadd.s32 $0xE000, s12;
	[dreg:$0x15] =	wrdreg s24  }
0x19: {  	s8 =	simm.s32 $0x3000;
	s26 =	sadd.s32 $0xF000, s12;
	[dreg:$0x16] =	wrdreg s25  }
0x1a: {  	s9 =	simm.s32 $0x1;
	s28 =	sadd.s32 $0x10000, s12;
	[dreg:$0x17] =	wrdreg s26  }
0x1b: {  	s5 =	simm.s32 $0x2800;
	s29 =	sadd.s32 $0x11000, s12;
	[dreg:$0x18] =	wrdreg s28  }
.Ltmp0:
0x1c: {  	s30 =	sadd.s32 $0x12000, s12;
	[dreg:$0x19] =	wrdreg s29;
	(pc) =	sbr.rel .LBB2_1-.Ltmp0, $4  }
0x1d: {  	s3 =	simm.s32 $0x0;
	s31 =	sadd.s32 $0x13000, s12;
	[dreg:$0x1a] =	wrdreg s30  }
0x1e: {  	[dreg:$0x1b] =	wrdreg s31;
	s13 =	simm.s32 $0x3800;
	s14 =	simm.s32 $0x4000  }
0x1f: {  	v0 =	vimm.f32 $0.0e+00;
	s15 =	simm.s32 $0x2;
	s16 =	simm.s32 $0x3;
	s17 =	simm.s32 $0x40  }
0x20: {  	v1 =	vimm.s32 $0x0;
	v2 =	vlaneseq.u32;
	v3 =	vimm.s32 $0x2800;
	s18 =	simm.s32 $0x4880;
	s19 =	simm.s32 $0x4A00;
	s20 =	simm.s32 $0x7  }
.LBB2_21:
0x21: {  	s3 =	rddreg [dreg:$0x1c]  }
0x22: {  	s0 =	rddreg [dreg:$0x8];
	s3 =	sadd.s32 $0x1, s3  }
0x23: {  	p0 =	sne.s32 s3, s0  }
.Ltmp1:
0x24: {  	_ = 	snop;
	(pc) =	sbr.rel @!p0 .LBB2_22-.Ltmp1, $1  }
0x25: {  	_ =	sdelay $0x3  }
.LBB2_1:
0x26: {  	[dreg:$0x1c] =	wrdreg s3;
	s0 =	simm.s32 $0x0;
	s3 =	simm.s32 $0x200  }
.LBB2_2:
0x27: {  	p0 =	sne.s32 s3, $0x3E00;
	[tilespmem:s0+$0x8A70] =	vst v0  }
0x28: {  	[tilespmem:s0+$0x8A00] =	vst v0  }
0x29: {  	[tilespmem:s0+$0x8A10] =	vst v0  }
.Ltmp2:
0x2a: {  	[tilespmem:s0+$0x8A20] =	vst v0;
	(pc) =	sbr.rel @p0 .LBB2_2-.Ltmp2, $4  }
0x2b: {  	[tilespmem:s0+$0x8A30] =	vst v0  }
0x2c: {  	[tilespmem:s0+$0x8A40] =	vst v0  }
0x2d: {  	[tilespmem:s0+$0x8A50] =	vst v0  }
0x2e: {  	[tilespmem:s0+$0x8A60] =	vst v0;
	s0 =	sshra.s32 s3, $0x2;
	s3 =	sadd.s32 $0x200, s3  }
0x2f: {  	[tilespmem:s0+$0x8A70] =	vst v0  }
0x30: {  	[tilespmem:s0+$0x8A00] =	vst v0  }
0x31: {  	[tilespmem:s0+$0x8A10] =	vst v0  }
.Ltmp3:
0x32: {  	[tilespmem:s0+$0x8A20] =	vst v0;
	(pc) =	sbr.rel .LBB2_4-.Ltmp3, $4  }
0x33: {  	[tilespmem:s0+$0x8A30] =	vst v0  }
0x34: {  	[tilespmem:s0+$0x8A40] =	vst v0  }
0x35: {  	[tilespmem:s0+$0x8A50] =	vst v0  }
0x36: {  	s21 =	simm.s32 $0x0;
	[tilespmem:s0+$0x8A60] =	vst v0  }
.LBB2_20:
0x37: {  	s0 =	rddreg [dreg:$0x6]  }
0x38: {  	s3 =	rddreg [dreg:$0x1e];
	[bflag:$0x0] =	sbarrier.arrive $0xFFFF;
	s29 =	stileid.u32  }
0x39: {  	s31 =	simm.s32 $0x6;
	s0 =	sadd.s32 s0, s3;
	s10 =	rddreg [dreg:$0x5]  }
0x3a: {  	s3 =	sshll.u32 s29, $0x6;
	s12 =	rddreg [dreg:$0x7];
	s0 =	sshll.u32 s0, $0x4  }
0x3b: {  	s3 =	sor.u32 $0x1C06, s3;
	s30 =	sshrl.u32 s12, $0x3;
	s0 =	sadd.s32 s10, s0  }
0x3c: {  	[hbm:s0], [sflag:s3] =	dma.local [spmem:s30], $0x2800  }
0x3d: {  	_ =	swait.ge [sflag:s31], $0x2800  }
0x3e: {  	s21 =	rddreg [dreg:$0x1d]  }
0x3f: {  	s21 =	sadd.s32 $0x1, s21  }
0x40: {  	p0 =	sne.s32 s21, $0xA  }
.Ltmp4:
0x41: {  	_ = 	snop;
	(pc) =	sbr.rel @!p0 .LBB2_21-.Ltmp4, $3  }
0x42: {  	_ =	sdelay $0x1  }
0x43: {  	[sflag:s31] =	ssyncset.done $0x0  }
0x44: {  	[sflag:s31] =	ssyncadd.s32 $0xFFFFD800  }
.LBB2_4:
0x45: {  	s3 =	simm.s32 $0x8A00  }
0x46: {  	[spmem:s12] =	stream.linear.scatter [tilespmem:s3], [sflag:$0x5], $0x1000, $0x38;
	[tilespmem:$0x1DC00] =	vst v63  }
0x47: {  	s0 =	rddreg [dreg:$0x9]  }
0x48: {  	[spmem:s0] =	stream.linear.scatter [tilespmem:s3], [sflag:$0x5], $0x1000, $0x38;
	[tilespmem:$0x1DC00] =	vst v63  }
0x49: {  	s22 =	rddreg [dreg:$0xa]  }
0x4a: {  	[spmem:s22] =	stream.linear.scatter [tilespmem:s3], [sflag:$0x5], $0x1000, $0x38;
	[tilespmem:$0x1DC00] =	vst v63  }
0x4b: {  	s23 =	rddreg [dreg:$0xb]  }
0x4c: {  	[spmem:s23] =	stream.linear.scatter [tilespmem:s3], [sflag:$0x5], $0x1000, $0x38;
	[tilespmem:$0x1DC00] =	vst v63  }
0x4d: {  	s24 =	rddreg [dreg:$0xc]  }
0x4e: {  	[spmem:s24] =	stream.linear.scatter [tilespmem:s3], [sflag:$0x5], $0x1000, $0x38;
	[tilespmem:$0x1DC00] =	vst v63  }
0x4f: {  	s25 =	rddreg [dreg:$0xd]  }
0x50: {  	[spmem:s25] =	stream.linear.scatter [tilespmem:s3], [sflag:$0x5], $0x1000, $0x38;
	[tilespmem:$0x1DC00] =	vst v63  }
0x51: {  	s26 =	rddreg [dreg:$0xe]  }
0x52: {  	[spmem:s26] =	stream.linear.scatter [tilespmem:s3], [sflag:$0x5], $0x1000, $0x38;
	[tilespmem:$0x1DC00] =	vst v63  }
0x53: {  	s28 =	rddreg [dreg:$0xf]  }
0x54: {  	[spmem:s28] =	stream.linear.scatter [tilespmem:s3], [sflag:$0x5], $0x1000, $0x38;
	[tilespmem:$0x1DC00] =	vst v63  }
0x55: {  	s29 =	rddreg [dreg:$0x10]  }
0x56: {  	[spmem:s29] =	stream.linear.scatter [tilespmem:s3], [sflag:$0x5], $0x1000, $0x38;
	[tilespmem:$0x1DC00] =	vst v63  }
0x57: {  	s30 =	rddreg [dreg:$0x11]  }
0x58: {  	[spmem:s30] =	stream.linear.scatter [tilespmem:s3], [sflag:$0x5], $0x1000, $0x38;
	[tilespmem:$0x1DC00] =	vst v63  }
0x59: {  	s31 =	rddreg [dreg:$0x12]  }
0x5a: {  	[spmem:s31] =	stream.linear.scatter [tilespmem:s3], [sflag:$0x5], $0x1000, $0x38;
	[tilespmem:$0x1DC00] =	vst v63  }
0x5b: {  	s10 =	rddreg [dreg:$0x13]  }
0x5c: {  	[spmem:s10] =	stream.linear.scatter [tilespmem:s3], [sflag:$0x5], $0x1000, $0x38;
	[tilespmem:$0x1DC00] =	vst v63  }
0x5d: {  	s12 =	rddreg [dreg:$0x14]  }
0x5e: {  	[spmem:s12] =	stream.linear.scatter [tilespmem:s3], [sflag:$0x5], $0x1000, $0x38;
	[tilespmem:$0x1DC00] =	vst v63  }
0x5f: {  	s22 =	rddreg [dreg:$0x15]  }
0x60: {  	[spmem:s22] =	stream.linear.scatter [tilespmem:s3], [sflag:$0x5], $0x1000, $0x38;
	[tilespmem:$0x1DC00] =	vst v63  }
0x61: {  	s23 =	rddreg [dreg:$0x16]  }
0x62: {  	[spmem:s23] =	stream.linear.scatter [tilespmem:s3], [sflag:$0x5], $0x1000, $0x38;
	[tilespmem:$0x1DC00] =	vst v63  }
0x63: {  	s24 =	rddreg [dreg:$0x17]  }
0x64: {  	[spmem:s24] =	stream.linear.scatter [tilespmem:s3], [sflag:$0x5], $0x1000, $0x38;
	[tilespmem:$0x1DC00] =	vst v63  }
0x65: {  	s25 =	rddreg [dreg:$0x18]  }
0x66: {  	[spmem:s25] =	stream.linear.scatter [tilespmem:s3], [sflag:$0x5], $0x1000, $0x38;
	[tilespmem:$0x1DC00] =	vst v63  }
0x67: {  	s26 =	rddreg [dreg:$0x19]  }
0x68: {  	[spmem:s26] =	stream.linear.scatter [tilespmem:s3], [sflag:$0x5], $0x1000, $0x38;
	[tilespmem:$0x1DC00] =	vst v63  }
0x69: {  	s28 =	rddreg [dreg:$0x1a]  }
0x6a: {  	[spmem:s28] =	stream.linear.scatter [tilespmem:s3], [sflag:$0x5], $0x1000, $0x38;
	[tilespmem:$0x1DC00] =	vst v63  }
0x6b: {  	s29 =	rddreg [dreg:$0x1b];
	s10 =	simm.s32 $0x5  }
0x6c: {  	[spmem:s29] =	stream.linear.scatter [tilespmem:s3], [sflag:$0x5], $0x1000, $0x38;
	[tilespmem:$0x1DC00] =	vst v63  }
0x6d: {  	_ =	swait.ge [sflag:s10], $0x1000  }
0x6e: {  	[sflag:s10] =	ssyncset.done $0x0  }
0x6f: {  	[sflag:s10] =	ssyncadd.s32 $0xFFFFF000  }
0x70: {  	_ =	swait.ge [sflag:s10], $0x1000  }
0x71: {  	[sflag:s10] =	ssyncset.done $0x0  }
0x72: {  	[sflag:s10] =	ssyncadd.s32 $0xFFFFF000  }
0x73: {  	_ =	swait.ge [sflag:s10], $0x1000  }
0x74: {  	[sflag:s10] =	ssyncset.done $0x0  }
0x75: {  	[sflag:s10] =	ssyncadd.s32 $0xFFFFF000  }
0x76: {  	_ =	swait.ge [sflag:s10], $0x1000  }
0x77: {  	[sflag:s10] =	ssyncset.done $0x0  }
0x78: {  	[sflag:s10] =	ssyncadd.s32 $0xFFFFF000  }
0x79: {  	_ =	swait.ge [sflag:s10], $0x1000  }
0x7a: {  	[sflag:s10] =	ssyncset.done $0x0  }
0x7b: {  	[sflag:s10] =	ssyncadd.s32 $0xFFFFF000  }
0x7c: {  	_ =	swait.ge [sflag:s10], $0x1000  }
0x7d: {  	[sflag:s10] =	ssyncset.done $0x0  }
0x7e: {  	[sflag:s10] =	ssyncadd.s32 $0xFFFFF000  }
0x7f: {  	_ =	swait.ge [sflag:s10], $0x1000  }
0x80: {  	[sflag:s10] =	ssyncset.done $0x0  }
0x81: {  	[sflag:s10] =	ssyncadd.s32 $0xFFFFF000  }
0x82: {  	_ =	swait.ge [sflag:s10], $0x1000  }
0x83: {  	[sflag:s10] =	ssyncset.done $0x0  }
0x84: {  	[sflag:s10] =	ssyncadd.s32 $0xFFFFF000  }
0x85: {  	_ =	swait.ge [sflag:s10], $0x1000  }
0x86: {  	[sflag:s10] =	ssyncset.done $0x0  }
0x87: {  	[sflag:s10] =	ssyncadd.s32 $0xFFFFF000  }
0x88: {  	_ =	swait.ge [sflag:s10], $0x1000  }
0x89: {  	[sflag:s10] =	ssyncset.done $0x0  }
0x8a: {  	[sflag:s10] =	ssyncadd.s32 $0xFFFFF000  }
0x8b: {  	_ =	swait.ge [sflag:s10], $0x1000  }
0x8c: {  	[sflag:s10] =	ssyncset.done $0x0  }
0x8d: {  	[sflag:s10] =	ssyncadd.s32 $0xFFFFF000  }
0x8e: {  	_ =	swait.ge [sflag:s10], $0x1000  }
0x8f: {  	[sflag:s10] =	ssyncset.done $0x0  }
0x90: {  	[sflag:s10] =	ssyncadd.s32 $0xFFFFF000  }
0x91: {  	_ =	swait.ge [sflag:s10], $0x1000  }
0x92: {  	[sflag:s10] =	ssyncset.done $0x0  }
0x93: {  	[sflag:s10] =	ssyncadd.s32 $0xFFFFF000  }
0x94: {  	_ =	swait.ge [sflag:s10], $0x1000  }
0x95: {  	[sflag:s10] =	ssyncset.done $0x0  }
0x96: {  	[sflag:s10] =	ssyncadd.s32 $0xFFFFF000  }
0x97: {  	_ =	swait.ge [sflag:s10], $0x1000  }
0x98: {  	[sflag:s10] =	ssyncset.done $0x0  }
0x99: {  	[sflag:s10] =	ssyncadd.s32 $0xFFFFF000  }
0x9a: {  	_ =	swait.ge [sflag:s10], $0x1000  }
0x9b: {  	[sflag:s10] =	ssyncset.done $0x0  }
0x9c: {  	[sflag:s10] =	ssyncadd.s32 $0xFFFFF000  }
0x9d: {  	_ =	swait.ge [sflag:s10], $0x1000  }
0x9e: {  	[sflag:s10] =	ssyncset.done $0x0  }
0x9f: {  	[sflag:s10] =	ssyncadd.s32 $0xFFFFF000  }
0xa0: {  	_ =	swait.ge [sflag:s10], $0x1000  }
0xa1: {  	[sflag:s10] =	ssyncset.done $0x0  }
0xa2: {  	[sflag:s10] =	ssyncadd.s32 $0xFFFFF000  }
0xa3: {  	_ =	swait.ge [sflag:s10], $0x1000  }
0xa4: {  	[dreg:$0x1d] =	wrdreg s21;
	[sflag:s10] =	ssyncset.done $0x0  }
0xa5: {  	s30 =	sshll.u32 s21, $0x1;
	s31 =	rddreg [dreg:$0x4];
	[sflag:s10] =	ssyncadd.s32 $0xFFFFF000  }
.Ltmp5:
0xa6: {  	s0 =	sor.u32 s31, s30;
	_ =	swait.ge [sflag:s10], $0x1000;
	(pc) =	sbr.rel .LBB2_5-.Ltmp5, $4  }
0xa7: {  	s3 =	smul.u32 $0x2800, s0;
	[sflag:s10] =	ssyncset.done $0x0  }
0xa8: {  	[sflag:s10] =	ssyncadd.s32 $0xFFFFF000  }
0xa9: {  	s0 =	sadd.s32 $0x2800, s3;
	[bflag:$0x0] =	sbarrier.arrive $0xFFFF  }
0xaa: {  	s24 =	simm.s32 $0x0;
	v4 =	vmov s3;
	v5 =	vmov s0;
	[dreg:$0x1e] =	wrdreg s3  }
.LBB2_18:
0xab: {  	[tilespmem:$0x48B0] =	vst @!p2 v6  }
0xac: {  	[tilespmem:s3], [sflag:$0x3] =	stream.indirect.gather @!p2 [hbm4b:s6+s23], $0x80, s12, s23, $0xb8;
	[tilespmem:$0x1DC00] =	vst v63  }
0xad: {  	_ =	swait.ge @!p0 [sflag:s10], $0x2000  }
0xae: {  	[sflag:s10] =	ssyncset.done @!p0 $0x0  }
0xaf: {  	[sflag:s10] =	ssyncadd.s32 @!p0 $0xFFFFE000  }
0xb0: {  	[spmem:s2] =	stream.indirect.scatter.add.f32 @!p0 [tilespmem:s0], [sflag:$0x6], $0x80, s22, s31, $0xb8;
	[tilespmem:$0x1DC00] =	vst v63  }
0xb1: {  	_ =	swait.ge @!p0 [sflag:s21], $0x2000  }
0xb2: {  	[sflag:s21] =	ssyncset.done @!p0 $0x0  }
0xb3: {  	[sflag:s21] =	ssyncadd.s32 @!p0 $0xFFFFE000  }
.LBB2_19:
0xb4: {  	s24 =	sadd.s32 $0x1, s24  }
0xb5: {  	p0 =	sne.s32 s24, $0x5  }
.Ltmp6:
0xb6: {  	_ = 	snop;
	(pc) =	sbr.rel @!p0 .LBB2_20-.Ltmp6, $1  }
0xb7: {  	_ =	sdelay $0x3  }
.LBB2_5:
0xb8: {  	s0 =	smul.u32 $0x2710, s24;
	_ =	sdelay $0x1  }
0xb9: {  	s0 =	sadd.s32 s11, s0  }
0xba: {  	s25 =	sshrl.u32 s0, $0x3  }
0xbb: {  	s0 =	simm.s32 $0x0;
	s3 =	sadd.s32 s1, s25  }
0xbc: {  	[tilespmem:s5], [sflag:$0x1] =	stream.linear.gather [hbm4b:s3+s0], $0x7D0, $0x38;
	[tilespmem:$0x1DC00] =	vst v63  }
0xbd: {  	s29 =	sadd.s32 s7, s25  }
0xbe: {  	[tilespmem:s8], [sflag:$0x1] =	stream.linear.gather [hbm4b:s29+s0], $0x7D0, $0x38;
	[tilespmem:$0x1DC00] =	vst v63  }
0xbf: {  	_ =	swait.ge [sflag:s9], $0x7D0  }
0xc0: {  	[sflag:s9] =	ssyncset.done $0x0  }
0xc1: {  	[sflag:s9] =	ssyncadd.s32 $0xFFFFF830  }
0xc2: {  	_ =	swait.ge [sflag:s9], $0x7D0  }
0xc3: {  	s30 =	sadd.s32 $0xFA, s25;
	[sflag:s9] =	ssyncset.done $0x0  }
0xc4: {  	s10 =	sadd.s32 s1, s30;
	[sflag:s9] =	ssyncadd.s32 $0xFFFFF830  }
0xc5: {  	[tilespmem:s13], [sflag:$0x2] =	stream.linear.gather [hbm4b:s10+s0], $0x7D0, $0x38;
	[tilespmem:$0x1DC00] =	vst v63  }
0xc6: {  	s31 =	simm.s32 $0x0;
	s3 =	sadd.s32 s7, s30  }
0xc7: {  	[tilespmem:s14], [sflag:$0x2] =	stream.linear.gather [hbm4b:s3+s0], $0x7D0, $0x38;
	[tilespmem:$0x1DC00] =	vst v63  }
0xc8: {  	v6 =	vld [tilespmem:s31+$0x3000];
	_ =	sdelay $0x4  }
0xc9: {  	vm0 =	vge.s32 v6, v4;
	vm1 =	vlt.s32 v6, v5  }
0xca: {  	vm0 =	vmand vm0, vm1  }
0xcb: {  	v7 =	vsel vm0, $0x1, v1  }
0xcc: {  	(xrf0) =	vadd.scan.msk.s32 $0xffff, v7;
	_ =	sdelay $0x4  }
0xcd: {  	v8 =	vsel vm0, $0xFFFFFFFF, v1;
	v7 =	vld [tilespmem:s31+$0x2800]  }
0xce: {  	v8 =	vadd.s32 s0, v8;
	v9, _, _ =	vpop (xrf0)  }
0xcf: {  	(v2sf) =	vpush v9, $0xF;
	v8 =	vadd.s32 v9, v8;
	_ =	sdelay $0x2  }
0xd0: {  	v6 =	vsub.s32 v6, v4;
	v7 =	vshll.u32 v7, $0xF  }
0xd1: {  	v6 =	vor.u32 v7, v6  }
0xd2: {  	s21 =	simm.s32 $0x10;
	[tilespmem:v8+s4+$0x0] =	vst.idx.msk vm0, v6  }
0xd3: {  	v6 =	vld [tilespmem:s21+$0x3000];
	_ =	sdelay $0x4  }
0xd4: {  	vm0 =	vge.s32 v6, v4;
	vm1 =	vlt.s32 v6, v5  }
0xd5: {  	vm0 =	vmand vm0, vm1  }
0xd6: {  	v7 =	vsel vm0, $0x1, v1  }
0xd7: {  	(xrf0) =	vadd.scan.msk.s32 $0xffff, v7  }
0xd8: {  	s26 =	simm.s32 $0x80;
	s28 =	simm.s32 $0xC0;
	s3 =	spop (v2sf)  }
.LBB2_6:
0xd9: {  	p0 =	sne.s32 s28, $0x1F00;
	s0 =	sadd.s32 s0, s3;
	_ =	sdelay $0x2  }
0xda: {  	v8 =	vsel vm0, $0xFFFFFFFF, v1;
	v7 =	vld [tilespmem:s21+$0x2800]  }
0xdb: {  	v8 =	vadd.s32 s0, v8;
	v9, _, _ =	vpop (xrf0)  }
0xdc: {  	v8 =	vadd.s32 v9, v8;
	(v2sf) =	vpush v9, $0xF;
	_ =	sdelay $0x2  }
0xdd: {  	v6 =	vsub.s32 v6, v4;
	v7 =	vshll.u32 v7, $0xF  }
0xde: {  	v6 =	vor.u32 v7, v6  }
0xdf: {  	s21 =	sshra.s32 s26, $0x2;
	s26 =	smov.u32 s28;
	[tilespmem:v8+s4+$0x0] =	vst.idx.msk vm0, v6  }
0xe0: {  	v6 =	vld [tilespmem:s21+$0x3000];
	_ =	sdelay $0x4  }
.Ltmp7:
0xe1: {  	vm0 =	vge.s32 v6, v4;
	vm1 =	vlt.s32 v6, v5;
	(pc) =	sbr.rel @p0 .LBB2_6-.Ltmp7, $4  }
0xe2: {  	vm0 =	vmand vm0, vm1  }
0xe3: {  	v7 =	vsel vm0, $0x1, v1  }
0xe4: {  	(xrf0) =	vadd.scan.msk.s32 $0xffff, v7  }
0xe5: {  	s28 =	sadd.s32 $0x40, s28;
	s3 =	spop (v2sf)  }
0xe6: {  	_ =	sdelay $0x2  }
0xe7: {  	s0 =	sadd.s32 s0, s3;
	v7 =	vld [tilespmem:s21+$0x2800];
	v8 =	vsel vm0, $0xFFFFFFFF, v1  }
0xe8: {  	v8 =	vadd.s32 s0, v8;
	v9, _, _ =	vpop (xrf0)  }
0xe9: {  	v8 =	vadd.s32 v9, v8;
	_ =	sdelay $0x2  }
0xea: {  	v6 =	vsub.s32 v6, v4;
	v7 =	vshll.u32 v7, $0xF  }
0xeb: {  	v6 =	vor.u32 v7, v6  }
0xec: {  	s23 =	sshra.s32 s26, $0x2;
	[tilespmem:v8+s4+$0x0] =	vst.idx.msk vm0, v6  }
0xed: {  	v6 =	vld [tilespmem:s23+$0x3000];
	_ =	sdelay $0x4  }
0xee: {  	vm0 =	vge.s32 v6, v4;
	vm1 =	vlt.s32 v6, v5  }
0xef: {  	vm0 =	vmand vm0, vm1  }
0xf0: {  	(v2sf) =	vpush v9, $0xF;
	v7 =	vsel vm0, $0x1, v1  }
0xf1: {  	(xrf0) =	vadd.scan.msk.s32 $0xffff, v7;
	_ =	sdelay $0x5  }
0xf2: {  	v7, _, _ =	vpop (xrf0)  }
0xf3: {  	(v2sf) =	vpush v7, $0xF;
	_ =	sdelay $0x6  }
0xf4: {  	s10 =	spop (v2sf)  }
0xf5: {  	v8 =	vld [tilespmem:s23+$0x2800];
	v62 =	vsel vm0, $0xFFFFFFFF, v1;
	s0 =	sadd.s32 s0, s10  }
0xf6: {  	v9 =	vadd.s32 s0, v62  }
0xf7: {  	v7 =	vadd.s32 v7, v9;
	_ =	sdelay $0x2  }
0xf8: {  	v6 =	vsub.s32 v6, v4;
	v8 =	vshll.u32 v8, $0xF  }
0xf9: {  	v6 =	vor.u32 v8, v6  }
0xfa: {  	[tilespmem:v7+s4+$0x0] =	vst.idx.msk vm0, v6;
	s26 =	spop (v2sf)  }
0xfb: {  	_ =	swait.ge [sflag:s15], $0x7D0  }
0xfc: {  	[sflag:s15] =	ssyncset.done $0x0  }
0xfd: {  	[sflag:s15] =	ssyncadd.s32 $0xFFFFF830  }
0xfe: {  	_ =	swait.ge [sflag:s15], $0x7D0  }
0xff: {  	s29 =	sadd.s32 $0x1F4, s25;
	[sflag:s15] =	ssyncset.done $0x0  }
0x100: {  	s30 =	simm.s32 $0x0;
	s12 =	sadd.s32 s1, s29;
	[sflag:s15] =	ssyncadd.s32 $0xFFFFF830  }
0x101: {  	[tilespmem:s5], [sflag:$0x1] =	stream.linear.gather [hbm4b:s12+s30], $0x7D0, $0x38;
	[tilespmem:$0x1DC00] =	vst v63  }
0x102: {  	s31 =	simm.s32 $0x0;
	s10 =	sadd.s32 s7, s29  }
0x103: {  	[tilespmem:s8], [sflag:$0x1] =	stream.linear.gather [hbm4b:s10+s30], $0x7D0, $0x38;
	[tilespmem:$0x1DC00] =	vst v63  }
0x104: {  	v6 =	vld [tilespmem:s31+$0x4000];
	_ =	sdelay $0x4  }
0x105: {  	vm0 =	vge.s32 v6, v4;
	vm1 =	vlt.s32 v6, v5  }
0x106: {  	vm0 =	vmand vm0, vm1  }
0x107: {  	v7 =	vsel vm0, $0x1, v1  }
0x108: {  	(xrf0) =	vadd.scan.msk.s32 $0xffff, v7;
	_ =	sdelay $0x4  }
0x109: {  	s0 =	sadd.s32 s0, s26;
	v8 =	vsel vm0, $0xFFFFFFFF, v1;
	v7 =	vld [tilespmem:s31+$0x3800]  }
0x10a: {  	v8 =	vadd.s32 s0, v8;
	v63, _, _ =	vpop (xrf0)  }
0x10b: {  	(v2sf) =	vpush v63, $0xF;
	v8 =	vadd.s32 v63, v8;
	_ =	sdelay $0x2  }
0x10c: {  	v6 =	vsub.s32 v6, v4;
	v7 =	vshll.u32 v7, $0xF  }
0x10d: {  	v6 =	vor.u32 v7, v6  }
0x10e: {  	s21 =	simm.s32 $0x10;
	[tilespmem:v8+s4+$0x0] =	vst.idx.msk vm0, v6  }
0x10f: {  	v6 =	vld [tilespmem:s21+$0x4000];
	_ =	sdelay $0x4  }
0x110: {  	vm0 =	vge.s32 v6, v4;
	vm1 =	vlt.s32 v6, v5  }
0x111: {  	vm0 =	vmand vm0, vm1  }
0x112: {  	v7 =	vsel vm0, $0x1, v1  }
0x113: {  	(xrf0) =	vadd.scan.msk.s32 $0xffff, v7  }
0x114: {  	s28 =	simm.s32 $0xC0;
	s26 =	simm.s32 $0x80;
	s3 =	spop (v2sf)  }
.LBB2_8:
0x115: {  	p0 =	sne.s32 s28, $0x1F00;
	s0 =	sadd.s32 s0, s3;
	_ =	sdelay $0x2  }
0x116: {  	v8 =	vsel vm0, $0xFFFFFFFF, v1;
	v7 =	vld [tilespmem:s21+$0x3800]  }
0x117: {  	v8 =	vadd.s32 s0, v8;
	v9, _, _ =	vpop (xrf0)  }
0x118: {  	v8 =	vadd.s32 v9, v8;
	(v2sf) =	vpush v9, $0xF;
	_ =	sdelay $0x2  }
0x119: {  	v6 =	vsub.s32 v6, v4;
	v7 =	vshll.u32 v7, $0xF  }
0x11a: {  	v6 =	vor.u32 v7, v6  }
0x11b: {  	s21 =	sshra.s32 s26, $0x2;
	s26 =	smov.u32 s28;
	[tilespmem:v8+s4+$0x0] =	vst.idx.msk vm0, v6  }
0x11c: {  	v6 =	vld [tilespmem:s21+$0x4000];
	_ =	sdelay $0x4  }
.Ltmp8:
0x11d: {  	vm0 =	vge.s32 v6, v4;
	vm1 =	vlt.s32 v6, v5;
	(pc) =	sbr.rel @p0 .LBB2_8-.Ltmp8, $4  }
0x11e: {  	vm0 =	vmand vm0, vm1  }
0x11f: {  	v7 =	vsel vm0, $0x1, v1  }
0x120: {  	(xrf0) =	vadd.scan.msk.s32 $0xffff, v7  }
0x121: {  	s28 =	sadd.s32 $0x40, s28;
	s3 =	spop (v2sf)  }
0x122: {  	_ =	sdelay $0x2  }
0x123: {  	s0 =	sadd.s32 s0, s3;
	v7 =	vld [tilespmem:s21+$0x3800];
	v8 =	vsel vm0, $0xFFFFFFFF, v1  }
0x124: {  	v8 =	vadd.s32 s0, v8;
	v9, _, _ =	vpop (xrf0)  }
0x125: {  	v8 =	vadd.s32 v9, v8;
	_ =	sdelay $0x2  }
0x126: {  	v6 =	vsub.s32 v6, v4;
	v7 =	vshll.u32 v7, $0xF  }
0x127: {  	v6 =	vor.u32 v7, v6  }
0x128: {  	s23 =	sshra.s32 s26, $0x2;
	[tilespmem:v8+s4+$0x0] =	vst.idx.msk vm0, v6  }
0x129: {  	v6 =	vld [tilespmem:s23+$0x4000];
	_ =	sdelay $0x4  }
0x12a: {  	vm0 =	vge.s32 v6, v4;
	vm1 =	vlt.s32 v6, v5  }
0x12b: {  	vm0 =	vmand vm0, vm1  }
0x12c: {  	(v2sf) =	vpush v9, $0xF;
	v7 =	vsel vm0, $0x1, v1  }
0x12d: {  	(xrf0) =	vadd.scan.msk.s32 $0xffff, v7;
	_ =	sdelay $0x5  }
0x12e: {  	v7, _, _ =	vpop (xrf0)  }
0x12f: {  	(v2sf) =	vpush v7, $0xF;
	_ =	sdelay $0x6  }
0x130: {  	s10 =	spop (v2sf)  }
0x131: {  	v8 =	vld [tilespmem:s23+$0x3800];
	v62 =	vsel vm0, $0xFFFFFFFF, v1;
	s0 =	sadd.s32 s0, s10  }
0x132: {  	v9 =	vadd.s32 s0, v62  }
0x133: {  	v7 =	vadd.s32 v7, v9;
	_ =	sdelay $0x2  }
0x134: {  	v6 =	vsub.s32 v6, v4;
	v8 =	vshll.u32 v8, $0xF  }
0x135: {  	v6 =	vor.u32 v8, v6  }
0x136: {  	[tilespmem:v7+s4+$0x0] =	vst.idx.msk vm0, v6;
	s26 =	spop (v2sf)  }
0x137: {  	_ =	swait.ge [sflag:s9], $0x7D0  }
0x138: {  	[sflag:s9] =	ssyncset.done $0x0  }
0x139: {  	[sflag:s9] =	ssyncadd.s32 $0xFFFFF830  }
0x13a: {  	_ =	swait.ge [sflag:s9], $0x7D0  }
0x13b: {  	s29 =	sadd.s32 $0x2EE, s25;
	[sflag:s9] =	ssyncset.done $0x0  }
0x13c: {  	s30 =	simm.s32 $0x0;
	s12 =	sadd.s32 s1, s29;
	[sflag:s9] =	ssyncadd.s32 $0xFFFFF830  }
0x13d: {  	[tilespmem:s13], [sflag:$0x2] =	stream.linear.gather [hbm4b:s12+s30], $0x7D0, $0x38;
	[tilespmem:$0x1DC00] =	vst v63  }
0x13e: {  	s31 =	simm.s32 $0x0;
	s10 =	sadd.s32 s7, s29  }
0x13f: {  	[tilespmem:s14], [sflag:$0x2] =	stream.linear.gather [hbm4b:s10+s30], $0x7D0, $0x38;
	[tilespmem:$0x1DC00] =	vst v63  }
0x140: {  	v6 =	vld [tilespmem:s31+$0x3000];
	_ =	sdelay $0x4  }
0x141: {  	vm0 =	vge.s32 v6, v4;
	vm1 =	vlt.s32 v6, v5  }
0x142: {  	vm0 =	vmand vm0, vm1  }
0x143: {  	v7 =	vsel vm0, $0x1, v1  }
0x144: {  	(xrf0) =	vadd.scan.msk.s32 $0xffff, v7;
	_ =	sdelay $0x4  }
0x145: {  	s0 =	sadd.s32 s0, s26;
	v8 =	vsel vm0, $0xFFFFFFFF, v1;
	v7 =	vld [tilespmem:s31+$0x2800]  }
0x146: {  	v8 =	vadd.s32 s0, v8;
	v63, _, _ =	vpop (xrf0)  }
0x147: {  	(v2sf) =	vpush v63, $0xF;
	v8 =	vadd.s32 v63, v8;
	_ =	sdelay $0x2  }
0x148: {  	v6 =	vsub.s32 v6, v4;
	v7 =	vshll.u32 v7, $0xF  }
0x149: {  	v6 =	vor.u32 v7, v6  }
0x14a: {  	s21 =	simm.s32 $0x10;
	[tilespmem:v8+s4+$0x0] =	vst.idx.msk vm0, v6  }
0x14b: {  	v6 =	vld [tilespmem:s21+$0x3000];
	_ =	sdelay $0x4  }
0x14c: {  	vm0 =	vge.s32 v6, v4;
	vm1 =	vlt.s32 v6, v5  }
0x14d: {  	vm0 =	vmand vm0, vm1  }
0x14e: {  	v7 =	vsel vm0, $0x1, v1  }
0x14f: {  	(xrf0) =	vadd.scan.msk.s32 $0xffff, v7  }
0x150: {  	s28 =	simm.s32 $0xC0;
	s26 =	simm.s32 $0x80;
	s3 =	spop (v2sf)  }
.LBB2_10:
0x151: {  	p0 =	sne.s32 s28, $0x1F00;
	s0 =	sadd.s32 s0, s3;
	_ =	sdelay $0x2  }
0x152: {  	v8 =	vsel vm0, $0xFFFFFFFF, v1;
	v7 =	vld [tilespmem:s21+$0x2800]  }
0x153: {  	v8 =	vadd.s32 s0, v8;
	v9, _, _ =	vpop (xrf0)  }
0x154: {  	v8 =	vadd.s32 v9, v8;
	(v2sf) =	vpush v9, $0xF;
	_ =	sdelay $0x2  }
0x155: {  	v6 =	vsub.s32 v6, v4;
	v7 =	vshll.u32 v7, $0xF  }
0x156: {  	v6 =	vor.u32 v7, v6  }
0x157: {  	s21 =	sshra.s32 s26, $0x2;
	s26 =	smov.u32 s28;
	[tilespmem:v8+s4+$0x0] =	vst.idx.msk vm0, v6  }
0x158: {  	v6 =	vld [tilespmem:s21+$0x3000];
	_ =	sdelay $0x4  }
.Ltmp9:
0x159: {  	vm0 =	vge.s32 v6, v4;
	vm1 =	vlt.s32 v6, v5;
	(pc) =	sbr.rel @p0 .LBB2_10-.Ltmp9, $4  }
0x15a: {  	vm0 =	vmand vm0, vm1  }
0x15b: {  	v7 =	vsel vm0, $0x1, v1  }
0x15c: {  	(xrf0) =	vadd.scan.msk.s32 $0xffff, v7  }
0x15d: {  	s28 =	sadd.s32 $0x40, s28;
	s3 =	spop (v2sf)  }
0x15e: {  	_ =	sdelay $0x2  }
0x15f: {  	s0 =	sadd.s32 s0, s3;
	v7 =	vld [tilespmem:s21+$0x2800];
	v8 =	vsel vm0, $0xFFFFFFFF, v1  }
0x160: {  	v8 =	vadd.s32 s0, v8;
	v9, _, _ =	vpop (xrf0)  }
0x161: {  	v8 =	vadd.s32 v9, v8;
	_ =	sdelay $0x2  }
0x162: {  	v6 =	vsub.s32 v6, v4;
	v7 =	vshll.u32 v7, $0xF  }
0x163: {  	v6 =	vor.u32 v7, v6  }
0x164: {  	s26 =	sshra.s32 s26, $0x2;
	[tilespmem:v8+s4+$0x0] =	vst.idx.msk vm0, v6  }
0x165: {  	v6 =	vld [tilespmem:s26+$0x3000];
	_ =	sdelay $0x4  }
0x166: {  	vm0 =	vge.s32 v6, v4;
	vm1 =	vlt.s32 v6, v5  }
0x167: {  	vm0 =	vmand vm0, vm1  }
0x168: {  	(v2sf) =	vpush v9, $0xF;
	v7 =	vsel vm0, $0x1, v1  }
0x169: {  	(xrf0) =	vadd.scan.msk.s32 $0xffff, v7;
	_ =	sdelay $0x5  }
0x16a: {  	v7, _, _ =	vpop (xrf0)  }
0x16b: {  	(v2sf) =	vpush v7, $0xF;
	_ =	sdelay $0x6  }
0x16c: {  	s10 =	spop (v2sf)  }
0x16d: {  	v8 =	vld [tilespmem:s26+$0x2800];
	v62 =	vsel vm0, $0xFFFFFFFF, v1;
	s0 =	sadd.s32 s0, s10  }
0x16e: {  	v9 =	vadd.s32 s0, v62  }
0x16f: {  	v7 =	vadd.s32 v7, v9;
	_ =	sdelay $0x2  }
0x170: {  	v6 =	vsub.s32 v6, v4;
	v8 =	vshll.u32 v8, $0xF  }
0x171: {  	v6 =	vor.u32 v8, v6  }
0x172: {  	[tilespmem:v7+s4+$0x0] =	vst.idx.msk vm0, v6;
	s28 =	spop (v2sf)  }
0x173: {  	_ =	swait.ge [sflag:s15], $0x7D0  }
0x174: {  	[sflag:s15] =	ssyncset.done $0x0  }
0x175: {  	[sflag:s15] =	ssyncadd.s32 $0xFFFFF830  }
0x176: {  	_ =	swait.ge [sflag:s15], $0x7D0  }
0x177: {  	s29 =	sadd.s32 $0x3E8, s25;
	[sflag:s15] =	ssyncset.done $0x0  }
0x178: {  	s30 =	simm.s32 $0x0;
	s12 =	sadd.s32 s1, s29;
	[sflag:s15] =	ssyncadd.s32 $0xFFFFF830  }
0x179: {  	[tilespmem:s5], [sflag:$0x1] =	stream.linear.gather [hbm4b:s12+s30], $0x7D0, $0x38;
	[tilespmem:$0x1DC00] =	vst v63  }
0x17a: {  	s31 =	simm.s32 $0x0;
	s10 =	sadd.s32 s7, s29  }
0x17b: {  	[tilespmem:s8], [sflag:$0x1] =	stream.linear.gather [hbm4b:s10+s30], $0x7D0, $0x38;
	[tilespmem:$0x1DC00] =	vst v63  }
0x17c: {  	v6 =	vld [tilespmem:s31+$0x4000];
	_ =	sdelay $0x4  }
0x17d: {  	vm0 =	vge.s32 v6, v4;
	vm1 =	vlt.s32 v6, v5  }
0x17e: {  	vm0 =	vmand vm0, vm1  }
0x17f: {  	v7 =	vsel vm0, $0x1, v1  }
0x180: {  	(xrf0) =	vadd.scan.msk.s32 $0xffff, v7;
	_ =	sdelay $0x4  }
0x181: {  	s0 =	sadd.s32 s0, s28;
	v8 =	vsel vm0, $0xFFFFFFFF, v1;
	v7 =	vld [tilespmem:s31+$0x3800]  }
0x182: {  	v8 =	vadd.s32 s0, v8;
	v63, _, _ =	vpop (xrf0)  }
0x183: {  	(v2sf) =	vpush v63, $0xF;
	v8 =	vadd.s32 v63, v8;
	_ =	sdelay $0x2  }
0x184: {  	v6 =	vsub.s32 v6, v4;
	v7 =	vshll.u32 v7, $0xF  }
0x185: {  	v6 =	vor.u32 v7, v6  }
0x186: {  	s21 =	simm.s32 $0x10;
	[tilespmem:v8+s4+$0x0] =	vst.idx.msk vm0, v6  }
0x187: {  	v6 =	vld [tilespmem:s21+$0x4000];
	_ =	sdelay $0x4  }
0x188: {  	vm0 =	vge.s32 v6, v4;
	vm1 =	vlt.s32 v6, v5  }
0x189: {  	vm0 =	vmand vm0, vm1  }
0x18a: {  	v7 =	vsel vm0, $0x1, v1  }
0x18b: {  	(xrf0) =	vadd.scan.msk.s32 $0xffff, v7  }
0x18c: {  	s25 =	simm.s32 $0x80;
	s26 =	simm.s32 $0xC0;
	s3 =	spop (v2sf)  }
.LBB2_12:
0x18d: {  	p0 =	sne.s32 s26, $0x1F00;
	s0 =	sadd.s32 s0, s3;
	_ =	sdelay $0x2  }
0x18e: {  	v8 =	vsel vm0, $0xFFFFFFFF, v1;
	v7 =	vld [tilespmem:s21+$0x3800]  }
0x18f: {  	v8 =	vadd.s32 s0, v8;
	v9, _, _ =	vpop (xrf0)  }
0x190: {  	v8 =	vadd.s32 v9, v8;
	(v2sf) =	vpush v9, $0xF;
	_ =	sdelay $0x2  }
0x191: {  	v6 =	vsub.s32 v6, v4;
	v7 =	vshll.u32 v7, $0xF  }
0x192: {  	v6 =	vor.u32 v7, v6  }
0x193: {  	s21 =	sshra.s32 s25, $0x2;
	s25 =	smov.u32 s26;
	[tilespmem:v8+s4+$0x0] =	vst.idx.msk vm0, v6  }
0x194: {  	v6 =	vld [tilespmem:s21+$0x4000];
	_ =	sdelay $0x4  }
.Ltmp10:
0x195: {  	vm0 =	vge.s32 v6, v4;
	vm1 =	vlt.s32 v6, v5;
	(pc) =	sbr.rel @p0 .LBB2_12-.Ltmp10, $4  }
0x196: {  	vm0 =	vmand vm0, vm1  }
0x197: {  	v7 =	vsel vm0, $0x1, v1  }
0x198: {  	(xrf0) =	vadd.scan.msk.s32 $0xffff, v7  }
0x199: {  	s26 =	sadd.s32 $0x40, s26;
	s3 =	spop (v2sf)  }
0x19a: {  	_ =	sdelay $0x2  }
0x19b: {  	s0 =	sadd.s32 s0, s3;
	v7 =	vld [tilespmem:s21+$0x3800];
	v8 =	vsel vm0, $0xFFFFFFFF, v1  }
0x19c: {  	v8 =	vadd.s32 s0, v8;
	v9, _, _ =	vpop (xrf0)  }
0x19d: {  	v8 =	vadd.s32 v9, v8;
	_ =	sdelay $0x2  }
0x19e: {  	v6 =	vsub.s32 v6, v4;
	v7 =	vshll.u32 v7, $0xF  }
0x19f: {  	v6 =	vor.u32 v7, v6  }
0x1a0: {  	s29 =	sshra.s32 s25, $0x2;
	[tilespmem:v8+s4+$0x0] =	vst.idx.msk vm0, v6  }
0x1a1: {  	v6 =	vld [tilespmem:s29+$0x4000];
	_ =	sdelay $0x4  }
0x1a2: {  	vm0 =	vge.s32 v6, v4;
	vm1 =	vlt.s32 v6, v5  }
0x1a3: {  	vm0 =	vmand vm0, vm1  }
0x1a4: {  	(v2sf) =	vpush v9, $0xF;
	v7 =	vsel vm0, $0x1, v1  }
0x1a5: {  	(xrf0) =	vadd.scan.msk.s32 $0xffff, v7;
	_ =	sdelay $0x5  }
0x1a6: {  	v7, _, _ =	vpop (xrf0)  }
0x1a7: {  	(v2sf) =	vpush v7, $0xF;
	_ =	sdelay $0x6  }
0x1a8: {  	s10 =	spop (v2sf)  }
0x1a9: {  	v8 =	vld [tilespmem:s29+$0x3800];
	v62 =	vsel vm0, $0xFFFFFFFF, v1;
	s0 =	sadd.s32 s0, s10  }
0x1aa: {  	v9 =	vadd.s32 s0, v62  }
0x1ab: {  	v7 =	vadd.s32 v7, v9;
	_ =	sdelay $0x2  }
0x1ac: {  	v6 =	vsub.s32 v6, v4;
	v8 =	vshll.u32 v8, $0xF  }
0x1ad: {  	v6 =	vor.u32 v8, v6  }
0x1ae: {  	[tilespmem:v7+s4+$0x0] =	vst.idx.msk vm0, v6;
	s30 =	spop (v2sf)  }
0x1af: {  	_ =	swait.ge [sflag:s9], $0x7D0  }
0x1b0: {  	[sflag:s9] =	ssyncset.done $0x0  }
0x1b1: {  	[sflag:s9] =	ssyncadd.s32 $0xFFFFF830  }
0x1b2: {  	_ =	swait.ge [sflag:s9], $0x7D0  }
0x1b3: {  	[sflag:s9] =	ssyncset.done $0x0  }
0x1b4: {  	s31 =	simm.s32 $0x0;
	[sflag:s9] =	ssyncadd.s32 $0xFFFFF830  }
0x1b5: {  	v6 =	vld [tilespmem:s31+$0x3000];
	_ =	sdelay $0x4  }
0x1b6: {  	vm0 =	vge.s32 v6, v4;
	vm1 =	vlt.s32 v6, v5  }
0x1b7: {  	vm0 =	vmand vm0, vm1  }
0x1b8: {  	v7 =	vsel vm0, $0x1, v1  }
0x1b9: {  	(xrf0) =	vadd.scan.msk.s32 $0xffff, v7;
	_ =	sdelay $0x4  }
0x1ba: {  	s0 =	sadd.s32 s0, s30;
	v8 =	vsel vm0, $0xFFFFFFFF, v1;
	v7 =	vld [tilespmem:s31+$0x2800]  }
0x1bb: {  	v8 =	vadd.s32 s0, v8;
	v63, _, _ =	vpop (xrf0)  }
0x1bc: {  	(v2sf) =	vpush v63, $0xF;
	v8 =	vadd.s32 v63, v8;
	_ =	sdelay $0x2  }
0x1bd: {  	v6 =	vsub.s32 v6, v4;
	v7 =	vshll.u32 v7, $0xF  }
0x1be: {  	v6 =	vor.u32 v7, v6  }
0x1bf: {  	s21 =	simm.s32 $0x10;
	[tilespmem:v8+s4+$0x0] =	vst.idx.msk vm0, v6  }
0x1c0: {  	v6 =	vld [tilespmem:s21+$0x3000];
	_ =	sdelay $0x4  }
0x1c1: {  	vm0 =	vge.s32 v6, v4;
	vm1 =	vlt.s32 v6, v5  }
0x1c2: {  	vm0 =	vmand vm0, vm1  }
0x1c3: {  	v7 =	vsel vm0, $0x1, v1  }
0x1c4: {  	(xrf0) =	vadd.scan.msk.s32 $0xffff, v7  }
0x1c5: {  	s25 =	simm.s32 $0x80;
	s26 =	simm.s32 $0xC0;
	s3 =	spop (v2sf)  }
.LBB2_14:
0x1c6: {  	p0 =	sne.s32 s26, $0x1F00;
	s0 =	sadd.s32 s0, s3;
	_ =	sdelay $0x2  }
0x1c7: {  	v8 =	vsel vm0, $0xFFFFFFFF, v1;
	v7 =	vld [tilespmem:s21+$0x2800]  }
0x1c8: {  	v8 =	vadd.s32 s0, v8;
	v9, _, _ =	vpop (xrf0)  }
0x1c9: {  	v8 =	vadd.s32 v9, v8;
	(v2sf) =	vpush v9, $0xF;
	_ =	sdelay $0x2  }
0x1ca: {  	v6 =	vsub.s32 v6, v4;
	v7 =	vshll.u32 v7, $0xF  }
0x1cb: {  	v6 =	vor.u32 v7, v6  }
0x1cc: {  	s21 =	sshra.s32 s25, $0x2;
	s25 =	smov.u32 s26;
	[tilespmem:v8+s4+$0x0] =	vst.idx.msk vm0, v6  }
0x1cd: {  	v6 =	vld [tilespmem:s21+$0x3000];
	_ =	sdelay $0x4  }
.Ltmp11:
0x1ce: {  	vm0 =	vge.s32 v6, v4;
	vm1 =	vlt.s32 v6, v5;
	(pc) =	sbr.rel @p0 .LBB2_14-.Ltmp11, $4  }
0x1cf: {  	vm0 =	vmand vm0, vm1  }
0x1d0: {  	v7 =	vsel vm0, $0x1, v1  }
0x1d1: {  	(xrf0) =	vadd.scan.msk.s32 $0xffff, v7  }
0x1d2: {  	s26 =	sadd.s32 $0x40, s26;
	s3 =	spop (v2sf)  }
0x1d3: {  	_ =	sdelay $0x2  }
0x1d4: {  	s0 =	sadd.s32 s0, s3;
	v7 =	vld [tilespmem:s21+$0x2800];
	v8 =	vsel vm0, $0xFFFFFFFF, v1  }
0x1d5: {  	v8 =	vadd.s32 s0, v8;
	v9, _, _ =	vpop (xrf0)  }
0x1d6: {  	v8 =	vadd.s32 v9, v8;
	_ =	sdelay $0x2  }
0x1d7: {  	v6 =	vsub.s32 v6, v4;
	v7 =	vshll.u32 v7, $0xF  }
0x1d8: {  	v6 =	vor.u32 v7, v6  }
0x1d9: {  	s12 =	sshra.s32 s25, $0x2;
	[tilespmem:v8+s4+$0x0] =	vst.idx.msk vm0, v6  }
0x1da: {  	v6 =	vld [tilespmem:s12+$0x3000];
	_ =	sdelay $0x4  }
0x1db: {  	vm15 =	vge.s32 v6, v4;
	vm1 =	vlt.s32 v6, v5  }
0x1dc: {  	vm0 =	vmand vm15, vm1  }
0x1dd: {  	v7 =	vsel vm0, $0x1, v1  }
0x1de: {  	(xrf0) =	vadd.scan.msk.s32 $0xffff, v7;
	_ =	sdelay $0x4  }
0x1df: {  	(v2sf) =	vpush v9, $0xF  }
0x1e0: {  	v7, _, _ =	vpop (xrf0)  }
0x1e1: {  	(v2sf) =	vpush v7, $0xF;
	_ =	sdelay $0xc  }
0x1e2: {  	s10 =	spop (v2sf)  }
0x1e3: {  	v8 =	vld [tilespmem:s12+$0x2800];
	v61 =	vsel vm0, $0xFFFFFFFF, v1;
	s0 =	sadd.s32 s0, s10  }
0x1e4: {  	v9 =	vadd.s32 s0, v61;
	s21 =	spop (v2sf)  }
0x1e5: {  	v7 =	vadd.s32 v7, v9;
	s0 =	sadd.s32 s0, s21  }
0x1e6: {  	v62 =	vadd.s32 s0, v2;
	s3 =	sadd.s32 $0x10, s0  }
0x1e7: {  	s22 =	sadd.s32 $0x20, s0;
	s23 =	sadd.s32 $0x3F, s0;
	v10 =	vadd.s32 s3, v2  }
0x1e8: {  	v6 =	vsub.s32 v6, v4;
	v8 =	vshll.u32 v8, $0xF;
	s0 =	sadd.s32 $0x30, s0;
	v11 =	vadd.s32 s22, v2;
	s25 =	sand.u32 $0x3F, s23  }
0x1e9: {  	v6 =	vor.u32 v8, v6;
	v63 =	vadd.s32 s0, v2;
	s26 =	sshra.s32 s23, $0x1F;
	p0 =	slt.s32 s23, $0x1;
	p1 =	sne.s32 s25, $0x0  }
0x1ea: {  	[tilespmem:v7+s4+$0x0] =	vst.idx.msk vm0, v6;
	s0 =	sshrl.u32 s26, $0x1A;
	p0 =	por !p0, !p1  }
0x1eb: {  	s3 =	simm.s32 $0x1;
	s0 =	sadd.s32 s0, s23;
	p0 =	por !p0, !p0;
	[tilespmem:v62+s4+$0x0] =	vst.idx.msk $0xffff, v3  }
0x1ec: {  	s0 =	sshra.s32 s0, $0x6;
	s3 =	simm.s32 @!p0 $0x0;
	[tilespmem:v10+s4+$0x0] =	vst.idx.msk $0xffff, v3  }
0x1ed: {  	s25 =	ssub.s32 s0, s3;
	[tilespmem:v11+s4+$0x0] =	vst.idx.msk $0xffff, v3  }
0x1ee: {  	p0 =	slt.s32 s25, $0x1;
	[tilespmem:v63+s4+$0x0] =	vst.idx.msk $0xffff, v3  }
0x1ef: {  	v6 =	vld @!p0 [tilespmem:$0x0];
	_ =	sdelay $0x1  }
0x1f0: {  	v7 =	vld @!p0 [tilespmem:$0x10];
	_ =	sdelay $0x1  }
0x1f1: {  	v8 =	vld @!p0 [tilespmem:$0x20]  }
0x1f2: {  	v9 =	vshra.s32 @!p0 v6, $0xF  }
0x1f3: {  	v6 =	vand.u32 @!p0 $0x7FFF, v6;
	[tilespmem:$0x4800] =	vst @!p0 v9;
	v9 =	vld @!p0 [tilespmem:$0x30]  }
0x1f4: {  	[tilespmem:$0x4880] =	vst @!p0 v6;
	v6 =	vshra.s32 @!p0 v7, $0xF  }
0x1f5: {  	[tilespmem:$0x4810] =	vst @!p0 v6;
	v6 =	vand.u32 @!p0 $0x7FFF, v7  }
0x1f6: {  	[tilespmem:$0x4890] =	vst @!p0 v6;
	v6 =	vshra.s32 @!p0 v8, $0xF  }
0x1f7: {  	[tilespmem:$0x4820] =	vst @!p0 v6;
	v6 =	vand.u32 @!p0 $0x7FFF, v8  }
0x1f8: {  	s29 =	sadd.s32 $0x1, s25;
	[tilespmem:$0x48A0] =	vst @!p0 v6;
	v6 =	vshra.s32 @!p0 v9, $0xF  }
0x1f9: {  	p5 =	slt.s32 s25, $0x0;
	s0 =	simm.s32 @!p0 $0x40;
	s30 =	sand.u32 $0x1, s29;
	[tilespmem:$0x4830] =	vst @!p0 v6;
	v6 =	vand.u32 @!p0 $0x7FFF, v9  }
0x1fa: {  	s3 =	simm.s32 @!p0 $0x4800;
	s10 =	simm.s32 @!p0 $0x4A00;
	p6 =	seq.s32 s30, $0x1;
	[tilespmem:$0x48B0] =	vst @!p0 v6  }
0x1fb: {  	[tilespmem:s10], [sflag:$0x3] =	stream.indirect.gather @!p0 [hbm4b:s6+s0], $0x80, s3, s0, $0xb8;
	[tilespmem:$0x1DC00] =	vst v63  }
0x1fc: {  	s31 =	sshrl.u32 s29, $0x1F;
	p0 =	por !p5, !p6  }
0x1fd: {  	s0 =	sadd.s32 s31, s29;
	s3 =	simm.s32 $0x1;
	p0 =	por !p0, !p0  }
0x1fe: {  	s0 =	sshra.s32 s0, $0x1;
	s3 =	simm.s32 @!p0 $0x0  }
0x1ff: {  	s28 =	ssub.s32 s0, s3  }
0x200: {  	p0 =	slt.s32 s28, $0x1  }
.Ltmp12:
0x201: {  	_ = 	snop;
	(pc) =	sbr.rel @p0 .LBB2_19-.Ltmp12, $1  }
0x202: {  	_ =	sdelay $0x3  }
0x203: {  	s3 =	simm.s32 $0xB0;
	p0 =	sle.s32 s25, $0x1  }
0x204: {  	v6 =	vld @!p0 [tilespmem:s3+$0xFFFFFF90];
	_ =	sdelay $0x4  }
0x205: {  	v7 =	vshra.s32 @!p0 v6, $0xF  }
0x206: {  	s26 =	simm.s32 $0x40;
	v6 =	vand.u32 @!p0 $0x7FFF, v6;
	[tilespmem:$0x4900] =	vst @!p0 v7  }
0x207: {  	s0 =	sor.u32 @!p0 $0x50, s26;
	[tilespmem:$0x4980] =	vst @!p0 v6  }
0x208: {  	v6 =	vld @!p0 [tilespmem:s0+$0x0];
	_ =	sdelay $0x4  }
0x209: {  	v7 =	vshra.s32 @!p0 v6, $0xF  }
0x20a: {  	v6 =	vand.u32 @!p0 $0x7FFF, v6;
	[tilespmem:$0x4910] =	vst @!p0 v7  }
0x20b: {  	s0 =	sor.u32 @!p0 $0x60, s26;
	[tilespmem:$0x4990] =	vst @!p0 v6  }
0x20c: {  	v6 =	vld @!p0 [tilespmem:s0+$0x0];
	_ =	sdelay $0x4  }
0x20d: {  	v7 =	vshra.s32 @!p0 v6, $0xF  }
0x20e: {  	v6 =	vand.u32 @!p0 $0x7FFF, v6;
	[tilespmem:$0x4920] =	vst @!p0 v7  }
0x20f: {  	s0 =	sor.u32 @!p0 $0x70, s26;
	[tilespmem:$0x49A0] =	vst @!p0 v6  }
0x210: {  	v6 =	vld @!p0 [tilespmem:s0+$0x0];
	_ =	sdelay $0x4  }
0x211: {  	v7 =	vshra.s32 @!p0 v6, $0xF  }
0x212: {  	v6 =	vand.u32 @!p0 $0x7FFF, v6;
	[tilespmem:$0x4930] =	vst @!p0 v7  }
0x213: {  	s31 =	simm.s32 @!p0 $0x40;
	s10 =	simm.s32 @!p0 $0x4900;
	s0 =	simm.s32 @!p0 $0x6A00;
	[tilespmem:$0x49B0] =	vst @!p0 v6  }
0x214: {  	[tilespmem:s0], [sflag:$0x4] =	stream.indirect.gather @!p0 [hbm4b:s6+s31], $0x80, s10, s31, $0xb8;
	[tilespmem:$0x1DC00] =	vst v63  }
0x215: {  	_ =	swait.ge [sflag:s16], $0x2000  }
0x216: {  	[sflag:s16] =	ssyncset.done $0x0  }
0x217: {  	[sflag:s16] =	ssyncadd.s32 $0xFFFFE000  }
0x218: {  	[spmem:s2] =	stream.indirect.scatter.add.f32 [tilespmem:s19], [sflag:$0x7], $0x80, s18, s17, $0xb8;
	[tilespmem:$0x1DC00] =	vst v63  }
0x219: {  	_ =	swait.ge [sflag:s20], $0x2000  }
0x21a: {  	[sflag:s20] =	ssyncset.done $0x0  }
0x21b: {  	p2 =	sle.s32 s25, $0x2;
	[sflag:s20] =	ssyncadd.s32 $0xFFFFE000  }
0x21c: {  	v6 =	vld @!p2 [tilespmem:s3+$0xFFFFFFD0];
	_ =	sdelay $0x4  }
0x21d: {  	v7 =	vshra.s32 @!p2 v6, $0xF  }
0x21e: {  	v6 =	vand.u32 @!p2 $0x7FFF, v6;
	[tilespmem:$0x4800] =	vst @!p2 v7  }
0x21f: {  	[tilespmem:$0x4880] =	vst @!p2 v6  }
0x220: {  	v6 =	vld @!p2 [tilespmem:s3+$0xFFFFFFE0];
	_ =	sdelay $0x4  }
0x221: {  	v7 =	vshra.s32 @!p2 v6, $0xF  }
0x222: {  	v6 =	vand.u32 @!p2 $0x7FFF, v6;
	[tilespmem:$0x4810] =	vst @!p2 v7  }
0x223: {  	[tilespmem:$0x4890] =	vst @!p2 v6  }
0x224: {  	v6 =	vld @!p2 [tilespmem:s3+$0xFFFFFFF0];
	_ =	sdelay $0x4  }
0x225: {  	v7 =	vshra.s32 @!p2 v6, $0xF  }
0x226: {  	v6 =	vand.u32 @!p2 $0x7FFF, v6;
	[tilespmem:$0x4820] =	vst @!p2 v7  }
0x227: {  	[tilespmem:$0x48A0] =	vst @!p2 v6  }
0x228: {  	s28 =	sadd.s32 $0xFFFFFFFF, s28;
	v6 =	vld @!p2 [tilespmem:s3+$0x0]  }
0x229: {  	p1 =	sne.s32 s28, $0x0  }
.Ltmp13:
0x22a: {  	_ = 	snop;
	(pc) =	sbr.rel @!p1 .LBB2_18-.Ltmp13, $4  }
0x22b: {  	_ = 	snop  }
0x22c: {  	s29 =	simm.s32 $0x2;
	s30 =	simm.s32 $0x130  }
0x22d: {  	s23 =	simm.s32 @!p2 $0x40;
	s12 =	simm.s32 @!p2 $0x4800;
	s22 =	simm.s32 @!p0 $0x4980;
	v7 =	vshra.s32 @!p2 v6, $0xF  }
0x22e: {  	s21 =	simm.s32 @!p0 $0x6;
	s10 =	simm.s32 @!p0 $0x4;
	s3 =	simm.s32 @!p2 $0x4A00;
	v6 =	vand.u32 @!p2 $0x7FFF, v6;
	[tilespmem:$0x4830] =	vst @!p2 v7  }
.LBB2_17:
0x22f: {  	s28 =	sadd.s32 $0xFFFFFFFF, s28;
	[tilespmem:$0x48B0] =	vst @!p2 v6;
	s26 =	sadd.s32 $0x80, s26;
	s29 =	sadd.s32 $0x2, s29  }
0x230: {  	[tilespmem:s3], [sflag:$0x3] =	stream.indirect.gather @!p2 [hbm4b:s6+s23], $0x80, s12, s23, $0xb8;
	[tilespmem:$0x1DC00] =	vst v63  }
0x231: {  	p1 =	sne.s32 s28, $0x0;
	_ =	swait.ge @!p0 [sflag:s10], $0x2000  }
0x232: {  	[sflag:s10] =	ssyncset.done @!p0 $0x0  }
0x233: {  	[sflag:s10] =	ssyncadd.s32 @!p0 $0xFFFFE000  }
0x234: {  	[spmem:s2] =	stream.indirect.scatter.add.f32 @!p0 [tilespmem:s0], [sflag:$0x6], $0x80, s22, s31, $0xb8;
	[tilespmem:$0x1DC00] =	vst v63  }
0x235: {  	_ =	swait.ge @!p0 [sflag:s21], $0x2000  }
0x236: {  	s0 =	sadd.s32 $0xFFFFFFFF, s29;
	[sflag:s21] =	ssyncset.done @!p0 $0x0  }
0x237: {  	[sflag:s21] =	ssyncadd.s32 @!p0 $0xFFFFE000;
	p0 =	sge.s32 s0, s25  }
0x238: {  	v6 =	vld @!p0 [tilespmem:s30+$0xFFFFFF90];
	_ =	sdelay $0x4  }
0x239: {  	v7 =	vshra.s32 @!p0 v6, $0xF;
	v6 =	vand.u32 @!p0 $0x7FFF, v6  }
0x23a: {  	s0 =	sor.u32 @!p0 $0x50, s26;
	[tilespmem:$0x4900] =	vst @!p0 v7  }
0x23b: {  	[tilespmem:$0x4980] =	vst @!p0 v6  }
0x23c: {  	v6 =	vld @!p0 [tilespmem:s0+$0x0];
	_ =	sdelay $0x4  }
0x23d: {  	s0 =	sor.u32 @!p0 $0x60, s26;
	v7 =	vshra.s32 @!p0 v6, $0xF;
	v6 =	vand.u32 @!p0 $0x7FFF, v6  }
0x23e: {  	[tilespmem:$0x4910] =	vst @!p0 v7  }
0x23f: {  	[tilespmem:$0x4990] =	vst @!p0 v6  }
0x240: {  	v6 =	vld @!p0 [tilespmem:s0+$0x0];
	_ =	sdelay $0x3  }
0x241: {  	s0 =	sor.u32 @!p0 $0x70, s26  }
0x242: {  	v7 =	vshra.s32 @!p0 v6, $0xF;
	v6 =	vand.u32 @!p0 $0x7FFF, v6  }
0x243: {  	[tilespmem:$0x4920] =	vst @!p0 v7  }
0x244: {  	[tilespmem:$0x49A0] =	vst @!p0 v6  }
0x245: {  	v6 =	vld @!p0 [tilespmem:s0+$0x0];
	_ =	sdelay $0x2  }
0x246: {  	s31 =	simm.s32 @!p0 $0x40;
	s3 =	simm.s32 @!p0 $0x4900;
	s0 =	simm.s32 @!p0 $0x6A00  }
0x247: {  	_ = 	snop  }
0x248: {  	v7 =	vshra.s32 @!p0 v6, $0xF;
	v6 =	vand.u32 @!p0 $0x7FFF, v6  }
0x249: {  	[tilespmem:$0x4930] =	vst @!p0 v7  }
0x24a: {  	[tilespmem:$0x49B0] =	vst @!p0 v6  }
0x24b: {  	[tilespmem:s0], [sflag:$0x4] =	stream.indirect.gather @!p0 [hbm4b:s6+s31], $0x80, s3, s31, $0xb8;
	[tilespmem:$0x1DC00] =	vst v63  }
0x24c: {  	_ =	swait.ge [sflag:s16], $0x2000  }
0x24d: {  	[sflag:s16] =	ssyncset.done $0x0  }
0x24e: {  	[sflag:s16] =	ssyncadd.s32 $0xFFFFE000  }
0x24f: {  	[spmem:s2] =	stream.indirect.scatter.add.f32 [tilespmem:s19], [sflag:$0x7], $0x80, s18, s17, $0xb8;
	[tilespmem:$0x1DC00] =	vst v63  }
0x250: {  	_ =	swait.ge [sflag:s20], $0x2000  }
0x251: {  	[sflag:s20] =	ssyncset.done $0x0  }
0x252: {  	p2 =	sge.s32 s29, s25;
	[sflag:s20] =	ssyncadd.s32 $0xFFFFE000  }
0x253: {  	v6 =	vld @!p2 [tilespmem:s30+$0xFFFFFFD0];
	_ =	sdelay $0x4  }
0x254: {  	v7 =	vshra.s32 @!p2 v6, $0xF;
	v6 =	vand.u32 @!p2 $0x7FFF, v6  }
0x255: {  	[tilespmem:$0x4800] =	vst @!p2 v7  }
0x256: {  	[tilespmem:$0x4880] =	vst @!p2 v6  }
0x257: {  	v6 =	vld @!p2 [tilespmem:s30+$0xFFFFFFE0];
	_ =	sdelay $0x4  }
0x258: {  	v7 =	vshra.s32 @!p2 v6, $0xF;
	v6 =	vand.u32 @!p2 $0x7FFF, v6  }
0x259: {  	[tilespmem:$0x4810] =	vst @!p2 v7  }
0x25a: {  	[tilespmem:$0x4890] =	vst @!p2 v6  }
0x25b: {  	v6 =	vld @!p2 [tilespmem:s30+$0xFFFFFFF0];
	_ =	sdelay $0x4  }
0x25c: {  	v7 =	vshra.s32 @!p2 v6, $0xF;
	v6 =	vand.u32 @!p2 $0x7FFF, v6  }
0x25d: {  	[tilespmem:$0x4820] =	vst @!p2 v7  }
0x25e: {  	s23 =	simm.s32 @!p2 $0x40;
	s12 =	simm.s32 @!p2 $0x4800;
	s3 =	simm.s32 @!p2 $0x4A00;
	[tilespmem:$0x48A0] =	vst @!p2 v6  }
0x25f: {  	s10 =	simm.s32 @!p0 $0x4;
	v6 =	vld @!p2 [tilespmem:s30+$0x0];
	_ =	sdelay $0x1  }
.Ltmp14:
0x260: {  	(pc) =	sbr.rel @p1 .LBB2_17-.Ltmp14, $4  }
0x261: {  	s22 =	simm.s32 @!p0 $0x4980  }
0x262: {  	s21 =	simm.s32 @!p0 $0x6  }
0x263: {  	v7 =	vshra.s32 @!p2 v6, $0xF;
	v6 =	vand.u32 @!p2 $0x7FFF, v6  }
0x264: {  	s30 =	sadd.s32 $0x80, s30;
	[tilespmem:$0x4830] =	vst @!p2 v7  }
.Ltmp15:
0x265: {  	_ = 	snop;
	(pc) =	sbr.rel .LBB2_18-.Ltmp15, $1  }
0x266: {  	_ =	sdelay $0x3  }
.LBB2_22:
0x267: {  	_ =	sfence.sel $0x180000  }
0x268: {  	[bflag:$0x0] =	sbarrier.arrive $0xFFFF  }
0x269: {  	_ =	strace $0x90000047  }
0x26a: {  	s0 =	stileid.u32;
	[bflag:$0x2] =	sbarrier.arrive $0xFFFF  }
0x26b: {  	p0 =	sne.s32 s0, $0x0;
	s0 =	rddreg [dreg:$0x3]  }
0x26c: {  	s0 =	sadd.s32 @!p0 $0x100000, s0  }
0x26d: {  	[sflag:s0] =	ssyncadd.tile.s32 @!p0 $0x1;
	_ =	shalt  }
.Lfunc_end2:
_tile_overlayer_lowered:
.L_overlay_start_2:
0x26e: {  	(tag) =	ssettag $0x2  }
0x26f: {  	s0 =	rddreg [dreg:$0x0];
	s2 =	stileid.u32  }
0x270: {  	s1 =	rddreg [dreg:$0x1];
	p0 =	sne.s32 s2, $0x0  }
0x271: {  	s3 =	rddreg [dreg:$0x2];
	[bflag:$0x3] =	sbarrier.arrive $0xFFFF;
	s2 =	simm.s32 @!p0 $0x1C06  }
0x272: {  	[timem:s3], [sflag:s2] =	dma.local @!p0 [hbm:s0], s1  }
0x273: {  	s0 =	simm.s32 @!p0 $0x6  }
0x274: {  	_ =	swait.ge @!p0 [sflag:s0], s1  }
0x275: {  	s1 =	ssub.s32 @!p0 $0x0, s1;
	[sflag:s0] =	ssyncset.done @!p0 $0x0  }
0x276: {  	[sflag:s0] =	ssyncadd.s32 @!p0 s1  }
0x277: {  	[bflag:$0x3] =	sbarrier.arrive $0xFFFF  }
0x278: {  	_ =	shalt  }

// kernel: kernel.9.cloned.1.call-start
scs
__scs_entry_jumppad:
0x0: {  	(pc) =	sbr.rel $0x88, $3  }
0x1: {  	(tag) =	ssettag $0x0;
	lr =	simm.s32 $0x1  }
0x2: {  	[smem:$0x3F9A] =	sst lr;
	_ =	strace $0xD0000000  }
0x3: {  	_ = 	snop  }
0x4: {  	_ = 	snop  }
0x5: {  	_ = 	snop  }
0x6: {  	_ = 	snop  }
0x7: {  	_ = 	snop  }
__scs_overlays_trampoline_lowered:
0x8: {  	[smem:$0x3FA9] =	sst s0  }
0x9: {  	[smem:$0x3FAA] =	sst s1  }
0xa: {  	[smem:$0x3FAB] =	sst s2  }
0xb: {  	[smem:$0x3FAC] =	sst s3  }
0xc: {  	[smem:$0x3FAD] =	sst s4  }
0xd: {  	[smem:$0x3FAE] =	sst s5  }
0xe: {  	[smem:$0x3FAF] =	sst s6  }
0xf: {  	[smem:$0x3FB0] =	sst s7  }
0x10: {  	[smem:$0x3FB1] =	sst s8  }
0x11: {  	[smem:$0x3FB2] =	sst s9;
	s0 =	simm.s32 @!p0 $0x0  }
0x12: {  	s1 =	sld [smem:$0x3F98];
	s0 =	simm.s32 @p0 $0x1  }
0x13: {  	[smem:$0x3FB3] =	sst s0;
	s0 =	simm.s32 @!p1 $0x0  }
0x14: {  	s2 =	sld [smem:$0x3F97];
	s0 =	simm.s32 @p1 $0x1  }
0x15: {  	[smem:$0x3FB4] =	sst s0;
	s0 =	simm.s32 @!p2 $0x0  }
0x16: {  	s3 =	sld [smem:$0x3FDB];
	s0 =	simm.s32 @p2 $0x1  }
0x17: {  	s4 =	simm.s32 $0x1BF5;
	[smem:$0x3FB6] =	sst s0  }
0x18: {  	s0 =	sld [smem:$0x3F99];
	_ =	swait.ge [sflag:s4], $0x0  }
0x19: {  	s7 =	sld [smem:$0x3F9A]  }
0x1a: {  	s8 =	sadd.s32 $0xFFFFE003, lr  }
0x1b: {  	s9 =	sadd.s32 $0xFFFFFEF7, lr;
	s5 =	simm.s32 $0xFFFFFFFF;
	p2 =	slt.u32 s8, $0xFFFFF086  }
0x1c: {  	p1 =	slt.u32 s9, $0xF7A;
	s5 =	simm.s32 @!p2 $0x0  }
0x1d: {  	s5 =	simm.s32 @p1 $0x1;
	p0 =	seq.s32 s7, s2  }
0x1e: {  	s7 =	smul.u32 @!p0 $0xF7A, s2;
	p2 =	seq.s32 @!p0 s5, $0x0  }
0x1f: {  	s9 =	smul.u32 $0xF7A, s1;
	s8 =	simm.s32 @!p0 $0x1BF5;
	p2 =	por !p2, p0  }
0x20: {  	[sflag:s8] =	ssyncset.s32 @!p0 $0xFFFFF086;
	s6 =	sadd.s32 @!p0 s3, s7;
	s7 =	simm.s32 @!p0 $0x108  }
0x21: {  	s3 =	sadd.s32 s3, s9;
	s6 =	sadd.s32 @!p0 $0x88, s6;
	s7 =	simm.s32 @p2 $0x1082  }
0x22: {  	[simem:s7], [sflag:s8] =	dma.local @!p0 [hbm:s6], $0xF7A  }
0x23: {  	s9 =	sor.u32 $0xD0000000, s2;
	s6 =	simm.s32 $0x108;
	_ =	swait.ge @!p0 [sflag:s8], $0x0  }
0x24: {  	s3 =	sadd.s32 $0x88, s3;
	s6 =	simm.s32 @!p1 $0x1082;
	[sflag:s4] =	ssyncset.s32 $0xFFFFF086  }
0x25: {  	[simem:s6], [sflag:s4] =	dma.local [hbm:s3], $0xF7A  }
0x26: {  	[smem:$0x3F9A] =	sst s1;
	(tag) =	ssettag s2;
	_ =	strace s9  }
0x27: {  	s1 =	sld [smem:$0x3FAA]  }
0x28: {  	s2 =	sld [smem:$0x3FAB]  }
0x29: {  	s4 =	sld [smem:$0x3FAD]  }
0x2a: {  	p0 =	seq.s32 s5, $0x0;
	s5 =	sld [smem:$0x3FAE]  }
0x2b: {  	s6 =	sld [smem:$0x3FAF]  }
0x2c: {  	s7 =	sld [smem:$0x3FB0]  }
0x2d: {  	s3 =	simm.s32 $0x108;
	s8 =	sld [smem:$0x3FB1]  }
0x2e: {  	s3 =	simm.s32 @!p0 $0x1082;
	s9 =	sld [smem:$0x3FB2]  }
0x2f: {  	lr =	sadd.s32 s0, s3;
	s0 =	sld [smem:$0x3FA9]  }
0x30: {  	s3 =	sld [smem:$0x3FAC]  }
0x31: {  	[smem:$0x3FB5] =	sst s10  }
0x32: {  	s10 =	sld [smem:$0x3FB3];
	_ =	sdelay $0x3  }
0x33: {  	p0 =	seq.s32 s10, $0x1;
	s10 =	sld [smem:$0x3FB5];
	_ =	sdelay $0x3  }
0x34: {  	[smem:$0x3FB5] =	sst s10  }
0x35: {  	s10 =	sld [smem:$0x3FB4];
	_ =	sdelay $0x3  }
0x36: {  	p1 =	seq.s32 s10, $0x1;
	s10 =	sld [smem:$0x3FB5];
	_ =	sdelay $0x3  }
0x37: {  	[smem:$0x3FB5] =	sst s10  }
0x38: {  	s10 =	sld [smem:$0x3FB6]  }
0x39: {  	_ = 	snop;
	(pc) =	sbr.ind lr, $3  }
0x3a: {  	_ = 	snop  }
0x3b: {  	_ = 	snop  }
0x3c: {  	p2 =	seq.s32 s10, $0x1;
	s10 =	sld [smem:$0x3FB5]  }
0x3d: {  	_ =	shalt  }
0x3e: {  	_ =	shalt  }
0x3f: {  	_ =	shalt  }
0x40: {  	_ =	shalt  }
0x41: {  	_ =	shalt  }
0x42: {  	_ =	shalt  }
0x43: {  	_ =	shalt  }
0x44: {  	_ =	shalt  }
0x45: {  	_ =	shalt  }
0x46: {  	_ =	shalt  }
0x47: {  	_ =	shalt  }
0x48: {  	_ =	shalt  }
0x49: {  	_ =	shalt  }
0x4a: {  	_ =	shalt  }
0x4b: {  	_ =	shalt  }
0x4c: {  	_ =	shalt  }
0x4d: {  	_ =	shalt  }
0x4e: {  	_ =	shalt  }
0x4f: {  	_ =	shalt  }
0x50: {  	_ =	shalt  }
0x51: {  	_ =	shalt  }
0x52: {  	_ =	shalt  }
0x53: {  	_ =	shalt  }
0x54: {  	_ =	shalt  }
0x55: {  	_ =	shalt  }
0x56: {  	_ =	shalt  }
0x57: {  	_ =	shalt  }
0x58: {  	_ =	shalt  }
0x59: {  	_ =	shalt  }
0x5a: {  	_ =	shalt  }
0x5b: {  	_ =	shalt  }
0x5c: {  	_ =	shalt  }
0x5d: {  	_ =	shalt  }
0x5e: {  	_ =	shalt  }
0x5f: {  	_ =	shalt  }
0x60: {  	_ =	shalt  }
0x61: {  	_ =	shalt  }
0x62: {  	_ =	shalt  }
0x63: {  	_ =	shalt  }
0x64: {  	_ =	shalt  }
0x65: {  	_ =	shalt  }
0x66: {  	_ =	shalt  }
0x67: {  	_ =	shalt  }
0x68: {  	_ =	shalt  }
0x69: {  	_ =	shalt  }
0x6a: {  	_ =	shalt  }
0x6b: {  	_ =	shalt  }
0x6c: {  	_ =	shalt  }
0x6d: {  	_ =	shalt  }
0x6e: {  	_ =	shalt  }
0x6f: {  	_ =	shalt  }
0x70: {  	_ =	shalt  }
0x71: {  	_ =	shalt  }
0x72: {  	_ =	shalt  }
0x73: {  	_ =	shalt  }
0x74: {  	_ =	shalt  }
0x75: {  	_ =	shalt  }
0x76: {  	_ =	shalt  }
0x77: {  	_ =	shalt  }
0x78: {  	_ =	shalt  }
0x79: {  	_ =	shalt  }
0x7a: {  	_ =	shalt  }
0x7b: {  	_ =	shalt  }
0x7c: {  	_ =	shalt  }
0x7d: {  	_ =	shalt  }
0x7e: {  	_ =	shalt  }
0x7f: {  	_ =	shalt  }
0x80: {  	_ =	shalt  }
0x81: {  	_ =	shalt  }
0x82: {  	_ =	shalt  }
0x83: {  	_ =	shalt  }
0x84: {  	_ =	shalt  }
0x85: {  	_ =	shalt  }
0x86: {  	_ =	shalt  }
0x87: {  	_ =	shalt  }
.Lfunc_end0:
.L_simem_size_0:
called_computation.1_lowered:
.L_overlay_start_0:
0x88: {  	s2 =	sld [smem:$0x3FD9]  }
0x89: {  	s3 =	sld [smem:$0x3FFE];
	_ =	sdelay $0x1  }
0x8a: {  	s1 =	srdreg.scid  }
0x8b: {  	s0 =	sand.u32 $0x1, s1  }
0x8c: {  	s17 =	sshll.u32 s0, $0xA;
	s2 =	sadd.s32 s3, s2  }
0x8d: {  	s2 =	sadd.s32 s2, s17  }
0x8e: {  	[smem:$0x3FC1] =	sst s2  }
0x8f: {  	_ = 	snop  }
0x90: {  	s2 =	sld [smem:$0x3FD0];
	(tm) =	ssettm $0x1  }
0x91: {  	s18 =	sld [smem:$0x3FFB];
	_ =	sdelay $0x3  }
0x92: {  	_ =	strace s18  }
0x93: {  	s3 =	sld [smem:$0x3FFC];
	_ =	sdelay $0x3  }
0x94: {  	_ =	strace s3  }
0x95: {  	s3 =	sld [smem:$0x3FFD];
	_ =	sdelay $0x3  }
0x96: {  	_ =	strace s3  }
0x97: {  	_ =	strace $0x8FFFFFFF  }
0x98: {  	s19 =	sld [smem:$0x3FDB];
	_ =	sdelay $0x1  }
0x99: {  	s4 =	simm.s32 $_scs_section_size  }
0x9a: {  	s5 =	simm.s32 $_size__tile_overlayer_lowered;
	s6 =	simm.s32 $_tile_overlayer_lowered  }
0x9b: {  	s22 =	simm.s32 $0x1BFF;
	s21 =	sshll.u32 s6, $0x1;
	s3 =	sadd.s32 s4, s19  }
0x9c: {  	s7 =	simm.s32 $0x0;
	s20 =	sshll.u32 s5, $0x1;
	s5 =	sadd.s32 s21, s3  }
0x9d: {  	[timem:s7], [sflag:s22] =	dma.local [hbm:s5], s20  }
0x9e: {  	_ =	swait.ge [sflag:s22], s20  }
0x9f: {  	s4 =	ssub.s32 $0x0, s20;
	[sflag:s22] =	ssyncset.done $0x0  }
0xa0: {  	[sflag:s22] =	ssyncadd.s32 s4;
	_ =	sdelay $0x1  }
0xa1: {  	s23 =	simm.s32 $0x1B8B  }
0xa2: {  	_ =	swait.ge [sflag:s23], $0x1  }
0xa3: {  	[sflag:s23] =	ssyncset.done $0x0  }
0xa4: {  	s25 =	simm.s32 $0x1B8E;
	s24 =	sld [smem:$0x3FFE];
	[sflag:s23] =	ssyncadd.s32 $0xFFFFFFFF  }
0xa5: {  	s26 =	simm.s32 $execute0_lowered;
	[smem:$0x3FD2] =	sst s25  }
0xa6: {  	s5 =	sshll.u32 s26, $0x1;
	_ =	strace $0x80000049;
	[dreg:$0x1] =	wrdreg $0xFFFFFFFF  }
0xa7: {  	s28 =	simm.s32 $_size_execute0_lowered;
	s3 =	sadd.s32 s3, s5;
	[dreg:$0x0] =	wrdreg $0x0  }
0xa8: {  	s5 =	sshll.u32 s28, $0x1;
	[dreg:$0x2] =	wrdreg s3  }
0xa9: {  	[dreg:$0x3] =	wrdreg s5  }
0xaa: {  	[dreg:$0x4] =	wrdreg $0xC0  }
0xab: {  	_ =	task [dreg:s7], $0x5FFFF  }
0xac: {  	[dreg:$0x1] =	wrdreg $0xFFFFFFFF  }
0xad: {  	[dreg:$0x0] =	wrdreg $0x60  }
0xae: {  	[dreg:$0x2] =	wrdreg s24  }
0xaf: {  	[dreg:$0x3] =	wrdreg s2  }
0xb0: {  	[dreg:$0x4] =	wrdreg $0x9A000  }
0xb1: {  	[dreg:$0x5] =	wrdreg $0x9  }
0xb2: {  	_ =	task.clear_ibuf [dreg:s7], $0x6FFFF;
	_ =	strace $0x90000049  }
0xb3: {  	s29 =	simm.s32 $0x9;
	_ =	strace $0x8000004B  }
0xb4: {  	_ =	swait.ge [sflag:s29], $0x1  }
0xb5: {  	[sflag:s29] =	ssyncadd.s32 $0xFFFFFFFF  }
0xb6: {  	_ =	strace $0x9000004B  }
0xb7: {  	_ =	sfence  }
0xb8: {  	s30 =	sld [smem:$0x0];
	_ =	sdelay $0x2  }
0xb9: {  	s31 =	sshll.u32 s1, $0xD;
	s1 =	sshrl.u32 s1, $0x2  }
0xba: {  	s3 =	sand.u32 $0x4000, s31;
	s1 =	sadd.s32 s1, s30  }
0xbb: {  	s0 =	sor.u32 s3, s0;
	s1 =	sshll.u32 s1, $0x11  }
0xbc: {  	s0 =	sor.u32 s1, s0  }
0xbd: {  	s0 =	sadd.s32 $0x8F2B, s0  }
0xbe: {  	[sflag:s0] =	ssyncadd.remote.s32 $0x1  }
0xbf: {  	_ =	sfence.sel $0xFFFF  }
0xc0: {  	[dreg:$0x0] =	wrdreg $0xFFFFFFFF;
	(pc) =	sbr.abs _section_cstart, $3  }
0xc1: {  	[dreg:$0x1] =	wrdreg $0xFFFFFFFF  }
0xc2: {  	_ =	task.clear_ibuf [dreg:s7], $0x2FFFF;
	_ =	strace $0x9FFFFFFF  }
0xc3: {  	(tm) =	ssettm $0x7FFFFFFF  }
tec
execute0_lowered:
.L_overlay_start_1:
0x0: {  	(tag) =	ssettag $0x1  }
0x1: {  	s0 =	rddreg [dreg:$0x0]  }
0x2: {  	s1 =	rddreg [dreg:$0x1]  }
0x3: {  	s2 =	rddreg [dreg:$0x2];
	s4 =	simm.s32 $0x0;
	s3 =	srdreg.scid  }
0x4: {  	s8 =	stileid.u32;
	[smem:$0x7FF] =	sst s4  }
0x5: {  	s5 =	sand.u32 $0x1, s3;
	s30 =	smul.u32 $0x50000, s8;
	s6 =	sadd.s32 $0x19200, s0  }
0x6: {  	s7 =	sadd.s32 $0xA00, s0;
	s0 =	sadd.s32 $0xDC800, s0;
	s9 =	smul.u32 $0x280, s8  }
0x7: {  	_ =	strace $0x8000004A;
	[dreg:$0x4] =	wrdreg s5;
	s5 =	ssub.s32 $0x2, s5  }
0x8: {  	[dreg:$0x5] =	wrdreg s0;
	s31 =	sshrl.u32 s5, $0x1;
	s3 =	sshrl.u32 s30, $0x2  }
0x9: {  	[dreg:$0x6] =	wrdreg s9;
	s0 =	ssub.s32 s5, s31;
	s12 =	sadd.s32 s3, s2  }
0xa: {  	s0 =	smax.u32 s0, $0x1;
	[dreg:$0x7] =	wrdreg s12  }
0xb: {  	s10 =	sadd.s32 $0x1000, s12;
	[dreg:$0x8] =	wrdreg s0  }
0xc: {  	s13 =	sadd.s32 $0x2000, s12;
	[dreg:$0x9] =	wrdreg s10  }
0xd: {  	s14 =	sadd.s32 $0x3000, s12;
	[dreg:$0xa] =	wrdreg s13  }
0xe: {  	s15 =	sadd.s32 $0x4000, s12;
	[dreg:$0xb] =	wrdreg s14  }
0xf: {  	s16 =	sadd.s32 $0x5000, s12;
	[dreg:$0xc] =	wrdreg s15  }
0x10: {  	s17 =	sadd.s32 $0x6000, s12;
	[dreg:$0xd] =	wrdreg s16  }
0x11: {  	s18 =	sadd.s32 $0x7000, s12;
	[dreg:$0xe] =	wrdreg s17  }
0x12: {  	s19 =	sadd.s32 $0x8000, s12;
	[dreg:$0xf] =	wrdreg s18  }
0x13: {  	s20 =	sadd.s32 $0x9000, s12;
	[dreg:$0x10] =	wrdreg s19  }
0x14: {  	s21 =	sadd.s32 $0xA000, s12;
	[dreg:$0x11] =	wrdreg s20  }
0x15: {  	s22 =	sadd.s32 $0xB000, s12;
	[dreg:$0x12] =	wrdreg s21  }
0x16: {  	s23 =	sadd.s32 $0xC000, s12;
	[dreg:$0x13] =	wrdreg s22  }
0x17: {  	s24 =	sadd.s32 $0xD000, s12;
	[dreg:$0x14] =	wrdreg s23  }
0x18: {  	s11 =	smul.u32 $0xC350, s8;
	s25 =	sadd.s32 $0xE000, s12;
	[dreg:$0x15] =	wrdreg s24  }
0x19: {  	s8 =	simm.s32 $0x3000;
	s26 =	sadd.s32 $0xF000, s12;
	[dreg:$0x16] =	wrdreg s25  }
0x1a: {  	s9 =	simm.s32 $0x1;
	s28 =	sadd.s32 $0x10000, s12;
	[dreg:$0x17] =	wrdreg s26  }
0x1b: {  	s5 =	simm.s32 $0x2800;
	s29 =	sadd.s32 $0x11000, s12;
	[dreg:$0x18] =	wrdreg s28  }
.Ltmp0:
0x1c: {  	s30 =	sadd.s32 $0x12000, s12;
	[dreg:$0x19] =	wrdreg s29;
	(pc) =	sbr.rel .LBB2_1-.Ltmp0, $4  }
0x1d: {  	s3 =	simm.s32 $0x0;
	s31 =	sadd.s32 $0x13000, s12;
	[dreg:$0x1a] =	wrdreg s30  }
0x1e: {  	[dreg:$0x1b] =	wrdreg s31;
	s13 =	simm.s32 $0x3800;
	s14 =	simm.s32 $0x4000  }
0x1f: {  	v0 =	vimm.f32 $0.0e+00;
	s15 =	simm.s32 $0x2;
	s16 =	simm.s32 $0x3;
	s17 =	simm.s32 $0x40  }
0x20: {  	v1 =	vimm.s32 $0x0;
	v2 =	vlaneseq.u32;
	v3 =	vimm.s32 $0x2800;
	s18 =	simm.s32 $0x4880;
	s19 =	simm.s32 $0x4A00;
	s20 =	simm.s32 $0x7  }
.LBB2_21:
0x21: {  	s3 =	rddreg [dreg:$0x1c]  }
0x22: {  	s0 =	rddreg [dreg:$0x8];
	s3 =	sadd.s32 $0x1, s3  }
0x23: {  	p0 =	sne.s32 s3, s0  }
.Ltmp1:
0x24: {  	_ = 	snop;
	(pc) =	sbr.rel @!p0 .LBB2_22-.Ltmp1, $1  }
0x25: {  	_ =	sdelay $0x3  }
.LBB2_1:
0x26: {  	[dreg:$0x1c] =	wrdreg s3;
	s0 =	simm.s32 $0x0;
	s3 =	simm.s32 $0x200  }
.LBB2_2:
0x27: {  	p0 =	sne.s32 s3, $0x3E00;
	[tilespmem:s0+$0x8A70] =	vst v0  }
0x28: {  	[tilespmem:s0+$0x8A00] =	vst v0  }
0x29: {  	[tilespmem:s0+$0x8A10] =	vst v0  }
.Ltmp2:
0x2a: {  	[tilespmem:s0+$0x8A20] =	vst v0;
	(pc) =	sbr.rel @p0 .LBB2_2-.Ltmp2, $4  }
0x2b: {  	[tilespmem:s0+$0x8A30] =	vst v0  }
0x2c: {  	[tilespmem:s0+$0x8A40] =	vst v0  }
0x2d: {  	[tilespmem:s0+$0x8A50] =	vst v0  }
0x2e: {  	[tilespmem:s0+$0x8A60] =	vst v0;
	s0 =	sshra.s32 s3, $0x2;
	s3 =	sadd.s32 $0x200, s3  }
0x2f: {  	[tilespmem:s0+$0x8A70] =	vst v0  }
0x30: {  	[tilespmem:s0+$0x8A00] =	vst v0  }
0x31: {  	[tilespmem:s0+$0x8A10] =	vst v0  }
.Ltmp3:
0x32: {  	[tilespmem:s0+$0x8A20] =	vst v0;
	(pc) =	sbr.rel .LBB2_4-.Ltmp3, $4  }
0x33: {  	[tilespmem:s0+$0x8A30] =	vst v0  }
0x34: {  	[tilespmem:s0+$0x8A40] =	vst v0  }
0x35: {  	[tilespmem:s0+$0x8A50] =	vst v0  }
0x36: {  	s21 =	simm.s32 $0x0;
	[tilespmem:s0+$0x8A60] =	vst v0  }
.LBB2_20:
0x37: {  	s0 =	rddreg [dreg:$0x6]  }
0x38: {  	s3 =	rddreg [dreg:$0x1e];
	[bflag:$0x0] =	sbarrier.arrive $0xFFFF;
	s29 =	stileid.u32  }
0x39: {  	s31 =	simm.s32 $0x6;
	s0 =	sadd.s32 s0, s3;
	s10 =	rddreg [dreg:$0x5]  }
0x3a: {  	s3 =	sshll.u32 s29, $0x6;
	s12 =	rddreg [dreg:$0x7];
	s0 =	sshll.u32 s0, $0x4  }
0x3b: {  	s3 =	sor.u32 $0x1C06, s3;
	s30 =	sshrl.u32 s12, $0x3;
	s0 =	sadd.s32 s10, s0  }
0x3c: {  	[hbm:s0], [sflag:s3] =	dma.local [spmem:s30], $0x2800  }
0x3d: {  	_ =	swait.ge [sflag:s31], $0x2800  }
0x3e: {  	s21 =	rddreg [dreg:$0x1d]  }
0x3f: {  	s21 =	sadd.s32 $0x1, s21  }
0x40: {  	p0 =	sne.s32 s21, $0xA  }
.Ltmp4:
0x41: {  	_ = 	snop;
	(pc) =	sbr.rel @!p0 .LBB2_21-.Ltmp4, $3  }
0x42: {  	_ =	sdelay $0x1  }
0x43: {  	[sflag:s31] =	ssyncset.done $0x0  }
0x44: {  	[sflag:s31] =	ssyncadd.s32 $0xFFFFD800  }
.LBB2_4:
0x45: {  	s3 =	simm.s32 $0x8A00  }
0x46: {  	[spmem:s12] =	stream.linear.scatter [tilespmem:s3], [sflag:$0x5], $0x1000, $0x38;
	[tilespmem:$0x1DC00] =	vst v63  }
0x47: {  	s0 =	rddreg [dreg:$0x9]  }
0x48: {  	[spmem:s0] =	stream.linear.scatter [tilespmem:s3], [sflag:$0x5], $0x1000, $0x38;
	[tilespmem:$0x1DC00] =	vst v63  }
0x49: {  	s22 =	rddreg [dreg:$0xa]  }
0x4a: {  	[spmem:s22] =	stream.linear.scatter [tilespmem:s3], [sflag:$0x5], $0x1000, $0x38;
	[tilespmem:$0x1DC00] =	vst v63  }
0x4b: {  	s23 =	rddreg [dreg:$0xb]  }
0x4c: {  	[spmem:s23] =	stream.linear.scatter [tilespmem:s3], [sflag:$0x5], $0x1000, $0x38;
	[tilespmem:$0x1DC00] =	vst v63  }
0x4d: {  	s24 =	rddreg [dreg:$0xc]  }
0x4e: {  	[spmem:s24] =	stream.linear.scatter [tilespmem:s3], [sflag:$0x5], $0x1000, $0x38;
	[tilespmem:$0x1DC00] =	vst v63  }
0x4f: {  	s25 =	rddreg [dreg:$0xd]  }
0x50: {  	[spmem:s25] =	stream.linear.scatter [tilespmem:s3], [sflag:$0x5], $0x1000, $0x38;
	[tilespmem:$0x1DC00] =	vst v63  }
0x51: {  	s26 =	rddreg [dreg:$0xe]  }
0x52: {  	[spmem:s26] =	stream.linear.scatter [tilespmem:s3], [sflag:$0x5], $0x1000, $0x38;
	[tilespmem:$0x1DC00] =	vst v63  }
0x53: {  	s28 =	rddreg [dreg:$0xf]  }
0x54: {  	[spmem:s28] =	stream.linear.scatter [tilespmem:s3], [sflag:$0x5], $0x1000, $0x38;
	[tilespmem:$0x1DC00] =	vst v63  }
0x55: {  	s29 =	rddreg [dreg:$0x10]  }
0x56: {  	[spmem:s29] =	stream.linear.scatter [tilespmem:s3], [sflag:$0x5], $0x1000, $0x38;
	[tilespmem:$0x1DC00] =	vst v63  }
0x57: {  	s30 =	rddreg [dreg:$0x11]  }
0x58: {  	[spmem:s30] =	stream.linear.scatter [tilespmem:s3], [sflag:$0x5], $0x1000, $0x38;
	[tilespmem:$0x1DC00] =	vst v63  }
0x59: {  	s31 =	rddreg [dreg:$0x12]  }
0x5a: {  	[spmem:s31] =	stream.linear.scatter [tilespmem:s3], [sflag:$0x5], $0x1000, $0x38;
	[tilespmem:$0x1DC00] =	vst v63  }
0x5b: {  	s10 =	rddreg [dreg:$0x13]  }
0x5c: {  	[spmem:s10] =	stream.linear.scatter [tilespmem:s3], [sflag:$0x5], $0x1000, $0x38;
	[tilespmem:$0x1DC00] =	vst v63  }
0x5d: {  	s12 =	rddreg [dreg:$0x14]  }
0x5e: {  	[spmem:s12] =	stream.linear.scatter [tilespmem:s3], [sflag:$0x5], $0x1000, $0x38;
	[tilespmem:$0x1DC00] =	vst v63  }
0x5f: {  	s22 =	rddreg [dreg:$0x15]  }
0x60: {  	[spmem:s22] =	stream.linear.scatter [tilespmem:s3], [sflag:$0x5], $0x1000, $0x38;
	[tilespmem:$0x1DC00] =	vst v63  }
0x61: {  	s23 =	rddreg [dreg:$0x16]  }
0x62: {  	[spmem:s23] =	stream.linear.scatter [tilespmem:s3], [sflag:$0x5], $0x1000, $0x38;
	[tilespmem:$0x1DC00] =	vst v63  }
0x63: {  	s24 =	rddreg [dreg:$0x17]  }
0x64: {  	[spmem:s24] =	stream.linear.scatter [tilespmem:s3], [sflag:$0x5], $0x1000, $0x38;
	[tilespmem:$0x1DC00] =	vst v63  }
0x65: {  	s25 =	rddreg [dreg:$0x18]  }
0x66: {  	[spmem:s25] =	stream.linear.scatter [tilespmem:s3], [sflag:$0x5], $0x1000, $0x38;
	[tilespmem:$0x1DC00] =	vst v63  }
0x67: {  	s26 =	rddreg [dreg:$0x19]  }
0x68: {  	[spmem:s26] =	stream.linear.scatter [tilespmem:s3], [sflag:$0x5], $0x1000, $0x38;
	[tilespmem:$0x1DC00] =	vst v63  }
0x69: {  	s28 =	rddreg [dreg:$0x1a]  }
0x6a: {  	[spmem:s28] =	stream.linear.scatter [tilespmem:s3], [sflag:$0x5], $0x1000, $0x38;
	[tilespmem:$0x1DC00] =	vst v63  }
0x6b: {  	s29 =	rddreg [dreg:$0x1b];
	s10 =	simm.s32 $0x5  }
0x6c: {  	[spmem:s29] =	stream.linear.scatter [tilespmem:s3], [sflag:$0x5], $0x1000, $0x38;
	[tilespmem:$0x1DC00] =	vst v63  }
0x6d: {  	_ =	swait.ge [sflag:s10], $0x1000  }
0x6e: {  	[sflag:s10] =	ssyncset.done $0x0  }
0x6f: {  	[sflag:s10] =	ssyncadd.s32 $0xFFFFF000  }
0x70: {  	_ =	swait.ge [sflag:s10], $0x1000  }
0x71: {  	[sflag:s10] =	ssyncset.done $0x0  }
0x72: {  	[sflag:s10] =	ssyncadd.s32 $0xFFFFF000  }
0x73: {  	_ =	swait.ge [sflag:s10], $0x1000  }
0x74: {  	[sflag:s10] =	ssyncset.done $0x0  }
0x75: {  	[sflag:s10] =	ssyncadd.s32 $0xFFFFF000  }
0x76: {  	_ =	swait.ge [sflag:s10], $0x1000  }
0x77: {  	[sflag:s10] =	ssyncset.done $0x0  }
0x78: {  	[sflag:s10] =	ssyncadd.s32 $0xFFFFF000  }
0x79: {  	_ =	swait.ge [sflag:s10], $0x1000  }
0x7a: {  	[sflag:s10] =	ssyncset.done $0x0  }
0x7b: {  	[sflag:s10] =	ssyncadd.s32 $0xFFFFF000  }
0x7c: {  	_ =	swait.ge [sflag:s10], $0x1000  }
0x7d: {  	[sflag:s10] =	ssyncset.done $0x0  }
0x7e: {  	[sflag:s10] =	ssyncadd.s32 $0xFFFFF000  }
0x7f: {  	_ =	swait.ge [sflag:s10], $0x1000  }
0x80: {  	[sflag:s10] =	ssyncset.done $0x0  }
0x81: {  	[sflag:s10] =	ssyncadd.s32 $0xFFFFF000  }
0x82: {  	_ =	swait.ge [sflag:s10], $0x1000  }
0x83: {  	[sflag:s10] =	ssyncset.done $0x0  }
0x84: {  	[sflag:s10] =	ssyncadd.s32 $0xFFFFF000  }
0x85: {  	_ =	swait.ge [sflag:s10], $0x1000  }
0x86: {  	[sflag:s10] =	ssyncset.done $0x0  }
0x87: {  	[sflag:s10] =	ssyncadd.s32 $0xFFFFF000  }
0x88: {  	_ =	swait.ge [sflag:s10], $0x1000  }
0x89: {  	[sflag:s10] =	ssyncset.done $0x0  }
0x8a: {  	[sflag:s10] =	ssyncadd.s32 $0xFFFFF000  }
0x8b: {  	_ =	swait.ge [sflag:s10], $0x1000  }
0x8c: {  	[sflag:s10] =	ssyncset.done $0x0  }
0x8d: {  	[sflag:s10] =	ssyncadd.s32 $0xFFFFF000  }
0x8e: {  	_ =	swait.ge [sflag:s10], $0x1000  }
0x8f: {  	[sflag:s10] =	ssyncset.done $0x0  }
0x90: {  	[sflag:s10] =	ssyncadd.s32 $0xFFFFF000  }
0x91: {  	_ =	swait.ge [sflag:s10], $0x1000  }
0x92: {  	[sflag:s10] =	ssyncset.done $0x0  }
0x93: {  	[sflag:s10] =	ssyncadd.s32 $0xFFFFF000  }
0x94: {  	_ =	swait.ge [sflag:s10], $0x1000  }
0x95: {  	[sflag:s10] =	ssyncset.done $0x0  }
0x96: {  	[sflag:s10] =	ssyncadd.s32 $0xFFFFF000  }
0x97: {  	_ =	swait.ge [sflag:s10], $0x1000  }
0x98: {  	[sflag:s10] =	ssyncset.done $0x0  }
0x99: {  	[sflag:s10] =	ssyncadd.s32 $0xFFFFF000  }
0x9a: {  	_ =	swait.ge [sflag:s10], $0x1000  }
0x9b: {  	[sflag:s10] =	ssyncset.done $0x0  }
0x9c: {  	[sflag:s10] =	ssyncadd.s32 $0xFFFFF000  }
0x9d: {  	_ =	swait.ge [sflag:s10], $0x1000  }
0x9e: {  	[sflag:s10] =	ssyncset.done $0x0  }
0x9f: {  	[sflag:s10] =	ssyncadd.s32 $0xFFFFF000  }
0xa0: {  	_ =	swait.ge [sflag:s10], $0x1000  }
0xa1: {  	[sflag:s10] =	ssyncset.done $0x0  }
0xa2: {  	[sflag:s10] =	ssyncadd.s32 $0xFFFFF000  }
0xa3: {  	_ =	swait.ge [sflag:s10], $0x1000  }
0xa4: {  	[dreg:$0x1d] =	wrdreg s21;
	[sflag:s10] =	ssyncset.done $0x0  }
0xa5: {  	s30 =	sshll.u32 s21, $0x1;
	s31 =	rddreg [dreg:$0x4];
	[sflag:s10] =	ssyncadd.s32 $0xFFFFF000  }
.Ltmp5:
0xa6: {  	s0 =	sor.u32 s31, s30;
	_ =	swait.ge [sflag:s10], $0x1000;
	(pc) =	sbr.rel .LBB2_5-.Ltmp5, $4  }
0xa7: {  	s3 =	smul.u32 $0x2800, s0;
	[sflag:s10] =	ssyncset.done $0x0  }
0xa8: {  	[sflag:s10] =	ssyncadd.s32 $0xFFFFF000  }
0xa9: {  	s0 =	sadd.s32 $0x2800, s3;
	[bflag:$0x0] =	sbarrier.arrive $0xFFFF  }
0xaa: {  	s24 =	simm.s32 $0x0;
	v4 =	vmov s3;
	v5 =	vmov s0;
	[dreg:$0x1e] =	wrdreg s3  }
.LBB2_18:
0xab: {  	[tilespmem:$0x48B0] =	vst @!p2 v6  }
0xac: {  	[tilespmem:s3], [sflag:$0x3] =	stream.indirect.gather @!p2 [hbm4b:s6+s23], $0x80, s12, s23, $0xb8;
	[tilespmem:$0x1DC00] =	vst v63  }
0xad: {  	_ =	swait.ge @!p0 [sflag:s10], $0x2000  }
0xae: {  	[sflag:s10] =	ssyncset.done @!p0 $0x0  }
0xaf: {  	[sflag:s10] =	ssyncadd.s32 @!p0 $0xFFFFE000  }
0xb0: {  	[spmem:s2] =	stream.indirect.scatter.add.f32 @!p0 [tilespmem:s0], [sflag:$0x6], $0x80, s22, s31, $0xb8;
	[tilespmem:$0x1DC00] =	vst v63  }
0xb1: {  	_ =	swait.ge @!p0 [sflag:s21], $0x2000  }
0xb2: {  	[sflag:s21] =	ssyncset.done @!p0 $0x0  }
0xb3: {  	[sflag:s21] =	ssyncadd.s32 @!p0 $0xFFFFE000  }
.LBB2_19:
0xb4: {  	s24 =	sadd.s32 $0x1, s24  }
0xb5: {  	p0 =	sne.s32 s24, $0x5  }
.Ltmp6:
0xb6: {  	_ = 	snop;
	(pc) =	sbr.rel @!p0 .LBB2_20-.Ltmp6, $1  }
0xb7: {  	_ =	sdelay $0x3  }
.LBB2_5:
0xb8: {  	s0 =	smul.u32 $0x2710, s24;
	_ =	sdelay $0x1  }
0xb9: {  	s0 =	sadd.s32 s11, s0  }
0xba: {  	s25 =	sshrl.u32 s0, $0x3  }
0xbb: {  	s0 =	simm.s32 $0x0;
	s3 =	sadd.s32 s1, s25  }
0xbc: {  	[tilespmem:s5], [sflag:$0x1] =	stream.linear.gather [hbm4b:s3+s0], $0x7D0, $0x38;
	[tilespmem:$0x1DC00] =	vst v63  }
0xbd: {  	s29 =	sadd.s32 s7, s25  }
0xbe: {  	[tilespmem:s8], [sflag:$0x1] =	stream.linear.gather [hbm4b:s29+s0], $0x7D0, $0x38;
	[tilespmem:$0x1DC00] =	vst v63  }
0xbf: {  	_ =	swait.ge [sflag:s9], $0x7D0  }
0xc0: {  	[sflag:s9] =	ssyncset.done $0x0  }
0xc1: {  	[sflag:s9] =	ssyncadd.s32 $0xFFFFF830  }
0xc2: {  	_ =	swait.ge [sflag:s9], $0x7D0  }
0xc3: {  	s30 =	sadd.s32 $0xFA, s25;
	[sflag:s9] =	ssyncset.done $0x0  }
0xc4: {  	s10 =	sadd.s32 s1, s30;
	[sflag:s9] =	ssyncadd.s32 $0xFFFFF830  }
0xc5: {  	[tilespmem:s13], [sflag:$0x2] =	stream.linear.gather [hbm4b:s10+s0], $0x7D0, $0x38;
	[tilespmem:$0x1DC00] =	vst v63  }
0xc6: {  	s31 =	simm.s32 $0x0;
	s3 =	sadd.s32 s7, s30  }
0xc7: {  	[tilespmem:s14], [sflag:$0x2] =	stream.linear.gather [hbm4b:s3+s0], $0x7D0, $0x38;
	[tilespmem:$0x1DC00] =	vst v63  }
0xc8: {  	v6 =	vld [tilespmem:s31+$0x3000];
	_ =	sdelay $0x4  }
0xc9: {  	vm0 =	vge.s32 v6, v4;
	vm1 =	vlt.s32 v6, v5  }
0xca: {  	vm0 =	vmand vm0, vm1  }
0xcb: {  	v7 =	vsel vm0, $0x1, v1  }
0xcc: {  	(xrf0) =	vadd.scan.msk.s32 $0xffff, v7;
	_ =	sdelay $0x4  }
0xcd: {  	v8 =	vsel vm0, $0xFFFFFFFF, v1;
	v7 =	vld [tilespmem:s31+$0x2800]  }
0xce: {  	v8 =	vadd.s32 s0, v8;
	v9, _, _ =	vpop (xrf0)  }
0xcf: {  	(v2sf) =	vpush v9, $0xF;
	v8 =	vadd.s32 v9, v8;
	_ =	sdelay $0x2  }
0xd0: {  	v6 =	vsub.s32 v6, v4;
	v7 =	vshll.u32 v7, $0xF  }
0xd1: {  	v6 =	vor.u32 v7, v6  }
0xd2: {  	s21 =	simm.s32 $0x10;
	[tilespmem:v8+s4+$0x0] =	vst.idx.msk vm0, v6  }
0xd3: {  	v6 =	vld [tilespmem:s21+$0x3000];
	_ =	sdelay $0x4  }
0xd4: {  	vm0 =	vge.s32 v6, v4;
	vm1 =	vlt.s32 v6, v5  }
0xd5: {  	vm0 =	vmand vm0, vm1  }
0xd6: {  	v7 =	vsel vm0, $0x1, v1  }
0xd7: {  	(xrf0) =	vadd.scan.msk.s32 $0xffff, v7  }
0xd8: {  	s26 =	simm.s32 $0x80;
	s28 =	simm.s32 $0xC0;
	s3 =	spop (v2sf)  }
.LBB2_6:
0xd9: {  	p0 =	sne.s32 s28, $0x1F00;
	s0 =	sadd.s32 s0, s3;
	_ =	sdelay $0x2  }
0xda: {  	v8 =	vsel vm0, $0xFFFFFFFF, v1;
	v7 =	vld [tilespmem:s21+$0x2800]  }
0xdb: {  	v8 =	vadd.s32 s0, v8;
	v9, _, _ =	vpop (xrf0)  }
0xdc: {  	v8 =	vadd.s32 v9, v8;
	(v2sf) =	vpush v9, $0xF;
	_ =	sdelay $0x2  }
0xdd: {  	v6 =	vsub.s32 v6, v4;
	v7 =	vshll.u32 v7, $0xF  }
0xde: {  	v6 =	vor.u32 v7, v6  }
0xdf: {  	s21 =	sshra.s32 s26, $0x2;
	s26 =	smov.u32 s28;
	[tilespmem:v8+s4+$0x0] =	vst.idx.msk vm0, v6  }
0xe0: {  	v6 =	vld [tilespmem:s21+$0x3000];
	_ =	sdelay $0x4  }
.Ltmp7:
0xe1: {  	vm0 =	vge.s32 v6, v4;
	vm1 =	vlt.s32 v6, v5;
	(pc) =	sbr.rel @p0 .LBB2_6-.Ltmp7, $4  }
0xe2: {  	vm0 =	vmand vm0, vm1  }
0xe3: {  	v7 =	vsel vm0, $0x1, v1  }
0xe4: {  	(xrf0) =	vadd.scan.msk.s32 $0xffff, v7  }
0xe5: {  	s28 =	sadd.s32 $0x40, s28;
	s3 =	spop (v2sf)  }
0xe6: {  	_ =	sdelay $0x2  }
0xe7: {  	s0 =	sadd.s32 s0, s3;
	v7 =	vld [tilespmem:s21+$0x2800];
	v8 =	vsel vm0, $0xFFFFFFFF, v1  }
0xe8: {  	v8 =	vadd.s32 s0, v8;
	v9, _, _ =	vpop (xrf0)  }
0xe9: {  	v8 =	vadd.s32 v9, v8;
	_ =	sdelay $0x2  }
0xea: {  	v6 =	vsub.s32 v6, v4;
	v7 =	vshll.u32 v7, $0xF  }
0xeb: {  	v6 =	vor.u32 v7, v6  }
0xec: {  	s23 =	sshra.s32 s26, $0x2;
	[tilespmem:v8+s4+$0x0] =	vst.idx.msk vm0, v6  }
0xed: {  	v6 =	vld [tilespmem:s23+$0x3000];
	_ =	sdelay $0x4  }
0xee: {  	vm0 =	vge.s32 v6, v4;
	vm1 =	vlt.s32 v6, v5  }
0xef: {  	vm0 =	vmand vm0, vm1  }
0xf0: {  	(v2sf) =	vpush v9, $0xF;
	v7 =	vsel vm0, $0x1, v1  }
0xf1: {  	(xrf0) =	vadd.scan.msk.s32 $0xffff, v7;
	_ =	sdelay $0x5  }
0xf2: {  	v7, _, _ =	vpop (xrf0)  }
0xf3: {  	(v2sf) =	vpush v7, $0xF;
	_ =	sdelay $0x6  }
0xf4: {  	s10 =	spop (v2sf)  }
0xf5: {  	v8 =	vld [tilespmem:s23+$0x2800];
	v62 =	vsel vm0, $0xFFFFFFFF, v1;
	s0 =	sadd.s32 s0, s10  }
0xf6: {  	v9 =	vadd.s32 s0, v62  }
0xf7: {  	v7 =	vadd.s32 v7, v9;
	_ =	sdelay $0x2  }
0xf8: {  	v6 =	vsub.s32 v6, v4;
	v8 =	vshll.u32 v8, $0xF  }
0xf9: {  	v6 =	vor.u32 v8, v6  }
0xfa: {  	[tilespmem:v7+s4+$0x0] =	vst.idx.msk vm0, v6;
	s26 =	spop (v2sf)  }
0xfb: {  	_ =	swait.ge [sflag:s15], $0x7D0  }
0xfc: {  	[sflag:s15] =	ssyncset.done $0x0  }
0xfd: {  	[sflag:s15] =	ssyncadd.s32 $0xFFFFF830  }
0xfe: {  	_ =	swait.ge [sflag:s15], $0x7D0  }
0xff: {  	s29 =	sadd.s32 $0x1F4, s25;
	[sflag:s15] =	ssyncset.done $0x0  }
0x100: {  	s30 =	simm.s32 $0x0;
	s12 =	sadd.s32 s1, s29;
	[sflag:s15] =	ssyncadd.s32 $0xFFFFF830  }
0x101: {  	[tilespmem:s5], [sflag:$0x1] =	stream.linear.gather [hbm4b:s12+s30], $0x7D0, $0x38;
	[tilespmem:$0x1DC00] =	vst v63  }
0x102: {  	s31 =	simm.s32 $0x0;
	s10 =	sadd.s32 s7, s29  }
0x103: {  	[tilespmem:s8], [sflag:$0x1] =	stream.linear.gather [hbm4b:s10+s30], $0x7D0, $0x38;
	[tilespmem:$0x1DC00] =	vst v63  }
0x104: {  	v6 =	vld [tilespmem:s31+$0x4000];
	_ =	sdelay $0x4  }
0x105: {  	vm0 =	vge.s32 v6, v4;
	vm1 =	vlt.s32 v6, v5  }
0x106: {  	vm0 =	vmand vm0, vm1  }
0x107: {  	v7 =	vsel vm0, $0x1, v1  }
0x108: {  	(xrf0) =	vadd.scan.msk.s32 $0xffff, v7;
	_ =	sdelay $0x4  }
0x109: {  	s0 =	sadd.s32 s0, s26;
	v8 =	vsel vm0, $0xFFFFFFFF, v1;
	v7 =	vld [tilespmem:s31+$0x3800]  }
0x10a: {  	v8 =	vadd.s32 s0, v8;
	v63, _, _ =	vpop (xrf0)  }
0x10b: {  	(v2sf) =	vpush v63, $0xF;
	v8 =	vadd.s32 v63, v8;
	_ =	sdelay $0x2  }
0x10c: {  	v6 =	vsub.s32 v6, v4;
	v7 =	vshll.u32 v7, $0xF  }
0x10d: {  	v6 =	vor.u32 v7, v6  }
0x10e: {  	s21 =	simm.s32 $0x10;
	[tilespmem:v8+s4+$0x0] =	vst.idx.msk vm0, v6  }
0x10f: {  	v6 =	vld [tilespmem:s21+$0x4000];
	_ =	sdelay $0x4  }
0x110: {  	vm0 =	vge.s32 v6, v4;
	vm1 =	vlt.s32 v6, v5  }
0x111: {  	vm0 =	vmand vm0, vm1  }
0x112: {  	v7 =	vsel vm0, $0x1, v1  }
0x113: {  	(xrf0) =	vadd.scan.msk.s32 $0xffff, v7  }
0x114: {  	s28 =	simm.s32 $0xC0;
	s26 =	simm.s32 $0x80;
	s3 =	spop (v2sf)  }
.LBB2_8:
0x115: {  	p0 =	sne.s32 s28, $0x1F00;
	s0 =	sadd.s32 s0, s3;
	_ =	sdelay $0x2  }
0x116: {  	v8 =	vsel vm0, $0xFFFFFFFF, v1;
	v7 =	vld [tilespmem:s21+$0x3800]  }
0x117: {  	v8 =	vadd.s32 s0, v8;
	v9, _, _ =	vpop (xrf0)  }
0x118: {  	v8 =	vadd.s32 v9, v8;
	(v2sf) =	vpush v9, $0xF;
	_ =	sdelay $0x2  }
0x119: {  	v6 =	vsub.s32 v6, v4;
	v7 =	vshll.u32 v7, $0xF  }
0x11a: {  	v6 =	vor.u32 v7, v6  }
0x11b: {  	s21 =	sshra.s32 s26, $0x2;
	s26 =	smov.u32 s28;
	[tilespmem:v8+s4+$0x0] =	vst.idx.msk vm0, v6  }
0x11c: {  	v6 =	vld [tilespmem:s21+$0x4000];
	_ =	sdelay $0x4  }
.Ltmp8:
0x11d: {  	vm0 =	vge.s32 v6, v4;
	vm1 =	vlt.s32 v6, v5;
	(pc) =	sbr.rel @p0 .LBB2_8-.Ltmp8, $4  }
0x11e: {  	vm0 =	vmand vm0, vm1  }
0x11f: {  	v7 =	vsel vm0, $0x1, v1  }
0x120: {  	(xrf0) =	vadd.scan.msk.s32 $0xffff, v7  }
0x121: {  	s28 =	sadd.s32 $0x40, s28;
	s3 =	spop (v2sf)  }
0x122: {  	_ =	sdelay $0x2  }
0x123: {  	s0 =	sadd.s32 s0, s3;
	v7 =	vld [tilespmem:s21+$0x3800];
	v8 =	vsel vm0, $0xFFFFFFFF, v1  }
0x124: {  	v8 =	vadd.s32 s0, v8;
	v9, _, _ =	vpop (xrf0)  }
0x125: {  	v8 =	vadd.s32 v9, v8;
	_ =	sdelay $0x2  }
0x126: {  	v6 =	vsub.s32 v6, v4;
	v7 =	vshll.u32 v7, $0xF  }
0x127: {  	v6 =	vor.u32 v7, v6  }
0x128: {  	s23 =	sshra.s32 s26, $0x2;
	[tilespmem:v8+s4+$0x0] =	vst.idx.msk vm0, v6  }
0x129: {  	v6 =	vld [tilespmem:s23+$0x4000];
	_ =	sdelay $0x4  }
0x12a: {  	vm0 =	vge.s32 v6, v4;
	vm1 =	vlt.s32 v6, v5  }
0x12b: {  	vm0 =	vmand vm0, vm1  }
0x12c: {  	(v2sf) =	vpush v9, $0xF;
	v7 =	vsel vm0, $0x1, v1  }
0x12d: {  	(xrf0) =	vadd.scan.msk.s32 $0xffff, v7;
	_ =	sdelay $0x5  }
0x12e: {  	v7, _, _ =	vpop (xrf0)  }
0x12f: {  	(v2sf) =	vpush v7, $0xF;
	_ =	sdelay $0x6  }
0x130: {  	s10 =	spop (v2sf)  }
0x131: {  	v8 =	vld [tilespmem:s23+$0x3800];
	v62 =	vsel vm0, $0xFFFFFFFF, v1;
	s0 =	sadd.s32 s0, s10  }
0x132: {  	v9 =	vadd.s32 s0, v62  }
0x133: {  	v7 =	vadd.s32 v7, v9;
	_ =	sdelay $0x2  }
0x134: {  	v6 =	vsub.s32 v6, v4;
	v8 =	vshll.u32 v8, $0xF  }
0x135: {  	v6 =	vor.u32 v8, v6  }
0x136: {  	[tilespmem:v7+s4+$0x0] =	vst.idx.msk vm0, v6;
	s26 =	spop (v2sf)  }
0x137: {  	_ =	swait.ge [sflag:s9], $0x7D0  }
0x138: {  	[sflag:s9] =	ssyncset.done $0x0  }
0x139: {  	[sflag:s9] =	ssyncadd.s32 $0xFFFFF830  }
0x13a: {  	_ =	swait.ge [sflag:s9], $0x7D0  }
0x13b: {  	s29 =	sadd.s32 $0x2EE, s25;
	[sflag:s9] =	ssyncset.done $0x0  }
0x13c: {  	s30 =	simm.s32 $0x0;
	s12 =	sadd.s32 s1, s29;
	[sflag:s9] =	ssyncadd.s32 $0xFFFFF830  }
0x13d: {  	[tilespmem:s13], [sflag:$0x2] =	stream.linear.gather [hbm4b:s12+s30], $0x7D0, $0x38;
	[tilespmem:$0x1DC00] =	vst v63  }
0x13e: {  	s31 =	simm.s32 $0x0;
	s10 =	sadd.s32 s7, s29  }
0x13f: {  	[tilespmem:s14], [sflag:$0x2] =	stream.linear.gather [hbm4b:s10+s30], $0x7D0, $0x38;
	[tilespmem:$0x1DC00] =	vst v63  }
0x140: {  	v6 =	vld [tilespmem:s31+$0x3000];
	_ =	sdelay $0x4  }
0x141: {  	vm0 =	vge.s32 v6, v4;
	vm1 =	vlt.s32 v6, v5  }
0x142: {  	vm0 =	vmand vm0, vm1  }
0x143: {  	v7 =	vsel vm0, $0x1, v1  }
0x144: {  	(xrf0) =	vadd.scan.msk.s32 $0xffff, v7;
	_ =	sdelay $0x4  }
0x145: {  	s0 =	sadd.s32 s0, s26;
	v8 =	vsel vm0, $0xFFFFFFFF, v1;
	v7 =	vld [tilespmem:s31+$0x2800]  }
0x146: {  	v8 =	vadd.s32 s0, v8;
	v63, _, _ =	vpop (xrf0)  }
0x147: {  	(v2sf) =	vpush v63, $0xF;
	v8 =	vadd.s32 v63, v8;
	_ =	sdelay $0x2  }
0x148: {  	v6 =	vsub.s32 v6, v4;
	v7 =	vshll.u32 v7, $0xF  }
0x149: {  	v6 =	vor.u32 v7, v6  }
0x14a: {  	s21 =	simm.s32 $0x10;
	[tilespmem:v8+s4+$0x0] =	vst.idx.msk vm0, v6  }
0x14b: {  	v6 =	vld [tilespmem:s21+$0x3000];
	_ =	sdelay $0x4  }
0x14c: {  	vm0 =	vge.s32 v6, v4;
	vm1 =	vlt.s32 v6, v5  }
0x14d: {  	vm0 =	vmand vm0, vm1  }
0x14e: {  	v7 =	vsel vm0, $0x1, v1  }
0x14f: {  	(xrf0) =	vadd.scan.msk.s32 $0xffff, v7  }
0x150: {  	s28 =	simm.s32 $0xC0;
	s26 =	simm.s32 $0x80;
	s3 =	spop (v2sf)  }
.LBB2_10:
0x151: {  	p0 =	sne.s32 s28, $0x1F00;
	s0 =	sadd.s32 s0, s3;
	_ =	sdelay $0x2  }
0x152: {  	v8 =	vsel vm0, $0xFFFFFFFF, v1;
	v7 =	vld [tilespmem:s21+$0x2800]  }
0x153: {  	v8 =	vadd.s32 s0, v8;
	v9, _, _ =	vpop (xrf0)  }
0x154: {  	v8 =	vadd.s32 v9, v8;
	(v2sf) =	vpush v9, $0xF;
	_ =	sdelay $0x2  }
0x155: {  	v6 =	vsub.s32 v6, v4;
	v7 =	vshll.u32 v7, $0xF  }
0x156: {  	v6 =	vor.u32 v7, v6  }
0x157: {  	s21 =	sshra.s32 s26, $0x2;
	s26 =	smov.u32 s28;
	[tilespmem:v8+s4+$0x0] =	vst.idx.msk vm0, v6  }
0x158: {  	v6 =	vld [tilespmem:s21+$0x3000];
	_ =	sdelay $0x4  }
.Ltmp9:
0x159: {  	vm0 =	vge.s32 v6, v4;
	vm1 =	vlt.s32 v6, v5;
	(pc) =	sbr.rel @p0 .LBB2_10-.Ltmp9, $4  }
0x15a: {  	vm0 =	vmand vm0, vm1  }
0x15b: {  	v7 =	vsel vm0, $0x1, v1  }
0x15c: {  	(xrf0) =	vadd.scan.msk.s32 $0xffff, v7  }
0x15d: {  	s28 =	sadd.s32 $0x40, s28;
	s3 =	spop (v2sf)  }
0x15e: {  	_ =	sdelay $0x2  }
0x15f: {  	s0 =	sadd.s32 s0, s3;
	v7 =	vld [tilespmem:s21+$0x2800];
	v8 =	vsel vm0, $0xFFFFFFFF, v1  }
0x160: {  	v8 =	vadd.s32 s0, v8;
	v9, _, _ =	vpop (xrf0)  }
0x161: {  	v8 =	vadd.s32 v9, v8;
	_ =	sdelay $0x2  }
0x162: {  	v6 =	vsub.s32 v6, v4;
	v7 =	vshll.u32 v7, $0xF  }
0x163: {  	v6 =	vor.u32 v7, v6  }
0x164: {  	s26 =	sshra.s32 s26, $0x2;
	[tilespmem:v8+s4+$0x0] =	vst.idx.msk vm0, v6  }
0x165: {  	v6 =	vld [tilespmem:s26+$0x3000];
	_ =	sdelay $0x4  }
0x166: {  	vm0 =	vge.s32 v6, v4;
	vm1 =	vlt.s32 v6, v5  }
0x167: {  	vm0 =	vmand vm0, vm1  }
0x168: {  	(v2sf) =	vpush v9, $0xF;
	v7 =	vsel vm0, $0x1, v1  }
0x169: {  	(xrf0) =	vadd.scan.msk.s32 $0xffff, v7;
	_ =	sdelay $0x5  }
0x16a: {  	v7, _, _ =	vpop (xrf0)  }
0x16b: {  	(v2sf) =	vpush v7, $0xF;
	_ =	sdelay $0x6  }
0x16c: {  	s10 =	spop (v2sf)  }
0x16d: {  	v8 =	vld [tilespmem:s26+$0x2800];
	v62 =	vsel vm0, $0xFFFFFFFF, v1;
	s0 =	sadd.s32 s0, s10  }
0x16e: {  	v9 =	vadd.s32 s0, v62  }
0x16f: {  	v7 =	vadd.s32 v7, v9;
	_ =	sdelay $0x2  }
0x170: {  	v6 =	vsub.s32 v6, v4;
	v8 =	vshll.u32 v8, $0xF  }
0x171: {  	v6 =	vor.u32 v8, v6  }
0x172: {  	[tilespmem:v7+s4+$0x0] =	vst.idx.msk vm0, v6;
	s28 =	spop (v2sf)  }
0x173: {  	_ =	swait.ge [sflag:s15], $0x7D0  }
0x174: {  	[sflag:s15] =	ssyncset.done $0x0  }
0x175: {  	[sflag:s15] =	ssyncadd.s32 $0xFFFFF830  }
0x176: {  	_ =	swait.ge [sflag:s15], $0x7D0  }
0x177: {  	s29 =	sadd.s32 $0x3E8, s25;
	[sflag:s15] =	ssyncset.done $0x0  }
0x178: {  	s30 =	simm.s32 $0x0;
	s12 =	sadd.s32 s1, s29;
	[sflag:s15] =	ssyncadd.s32 $0xFFFFF830  }
0x179: {  	[tilespmem:s5], [sflag:$0x1] =	stream.linear.gather [hbm4b:s12+s30], $0x7D0, $0x38;
	[tilespmem:$0x1DC00] =	vst v63  }
0x17a: {  	s31 =	simm.s32 $0x0;
	s10 =	sadd.s32 s7, s29  }
0x17b: {  	[tilespmem:s8], [sflag:$0x1] =	stream.linear.gather [hbm4b:s10+s30], $0x7D0, $0x38;
	[tilespmem:$0x1DC00] =	vst v63  }
0x17c: {  	v6 =	vld [tilespmem:s31+$0x4000];
	_ =	sdelay $0x4  }
0x17d: {  	vm0 =	vge.s32 v6, v4;
	vm1 =	vlt.s32 v6, v5  }
0x17e: {  	vm0 =	vmand vm0, vm1  }
0x17f: {  	v7 =	vsel vm0, $0x1, v1  }
0x180: {  	(xrf0) =	vadd.scan.msk.s32 $0xffff, v7;
	_ =	sdelay $0x4  }
0x181: {  	s0 =	sadd.s32 s0, s28;
	v8 =	vsel vm0, $0xFFFFFFFF, v1;
	v7 =	vld [tilespmem:s31+$0x3800]  }
0x182: {  	v8 =	vadd.s32 s0, v8;
	v63, _, _ =	vpop (xrf0)  }
0x183: {  	(v2sf) =	vpush v63, $0xF;
	v8 =	vadd.s32 v63, v8;
	_ =	sdelay $0x2  }
0x184: {  	v6 =	vsub.s32 v6, v4;
	v7 =	vshll.u32 v7, $0xF  }
0x185: {  	v6 =	vor.u32 v7, v6  }
0x186: {  	s21 =	simm.s32 $0x10;
	[tilespmem:v8+s4+$0x0] =	vst.idx.msk vm0, v6  }
0x187: {  	v6 =	vld [tilespmem:s21+$0x4000];
	_ =	sdelay $0x4  }
0x188: {  	vm0 =	vge.s32 v6, v4;
	vm1 =	vlt.s32 v6, v5  }
0x189: {  	vm0 =	vmand vm0, vm1  }
0x18a: {  	v7 =	vsel vm0, $0x1, v1  }
0x18b: {  	(xrf0) =	vadd.scan.msk.s32 $0xffff, v7  }
0x18c: {  	s25 =	simm.s32 $0x80;
	s26 =	simm.s32 $0xC0;
	s3 =	spop (v2sf)  }
.LBB2_12:
0x18d: {  	p0 =	sne.s32 s26, $0x1F00;
	s0 =	sadd.s32 s0, s3;
	_ =	sdelay $0x2  }
0x18e: {  	v8 =	vsel vm0, $0xFFFFFFFF, v1;
	v7 =	vld [tilespmem:s21+$0x3800]  }
0x18f: {  	v8 =	vadd.s32 s0, v8;
	v9, _, _ =	vpop (xrf0)  }
0x190: {  	v8 =	vadd.s32 v9, v8;
	(v2sf) =	vpush v9, $0xF;
	_ =	sdelay $0x2  }
0x191: {  	v6 =	vsub.s32 v6, v4;
	v7 =	vshll.u32 v7, $0xF  }
0x192: {  	v6 =	vor.u32 v7, v6  }
0x193: {  	s21 =	sshra.s32 s25, $0x2;
	s25 =	smov.u32 s26;
	[tilespmem:v8+s4+$0x0] =	vst.idx.msk vm0, v6  }
0x194: {  	v6 =	vld [tilespmem:s21+$0x4000];
	_ =	sdelay $0x4  }
.Ltmp10:
0x195: {  	vm0 =	vge.s32 v6, v4;
	vm1 =	vlt.s32 v6, v5;
	(pc) =	sbr.rel @p0 .LBB2_12-.Ltmp10, $4  }
0x196: {  	vm0 =	vmand vm0, vm1  }
0x197: {  	v7 =	vsel vm0, $0x1, v1  }
0x198: {  	(xrf0) =	vadd.scan.msk.s32 $0xffff, v7  }
0x199: {  	s26 =	sadd.s32 $0x40, s26;
	s3 =	spop (v2sf)  }
0x19a: {  	_ =	sdelay $0x2  }
0x19b: {  	s0 =	sadd.s32 s0, s3;
	v7 =	vld [tilespmem:s21+$0x3800];
	v8 =	vsel vm0, $0xFFFFFFFF, v1  }
0x19c: {  	v8 =	vadd.s32 s0, v8;
	v9, _, _ =	vpop (xrf0)  }
0x19d: {  	v8 =	vadd.s32 v9, v8;
	_ =	sdelay $0x2  }
0x19e: {  	v6 =	vsub.s32 v6, v4;
	v7 =	vshll.u32 v7, $0xF  }
0x19f: {  	v6 =	vor.u32 v7, v6  }
0x1a0: {  	s29 =	sshra.s32 s25, $0x2;
	[tilespmem:v8+s4+$0x0] =	vst.idx.msk vm0, v6  }
0x1a1: {  	v6 =	vld [tilespmem:s29+$0x4000];
	_ =	sdelay $0x4  }
0x1a2: {  	vm0 =	vge.s32 v6, v4;
	vm1 =	vlt.s32 v6, v5  }
0x1a3: {  	vm0 =	vmand vm0, vm1  }
0x1a4: {  	(v2sf) =	vpush v9, $0xF;
	v7 =	vsel vm0, $0x1, v1  }
0x1a5: {  	(xrf0) =	vadd.scan.msk.s32 $0xffff, v7;
	_ =	sdelay $0x5  }
0x1a6: {  	v7, _, _ =	vpop (xrf0)  }
0x1a7: {  	(v2sf) =	vpush v7, $0xF;
	_ =	sdelay $0x6  }
0x1a8: {  	s10 =	spop (v2sf)  }
0x1a9: {  	v8 =	vld [tilespmem:s29+$0x3800];
	v62 =	vsel vm0, $0xFFFFFFFF, v1;
	s0 =	sadd.s32 s0, s10  }
0x1aa: {  	v9 =	vadd.s32 s0, v62  }
0x1ab: {  	v7 =	vadd.s32 v7, v9;
	_ =	sdelay $0x2  }
0x1ac: {  	v6 =	vsub.s32 v6, v4;
	v8 =	vshll.u32 v8, $0xF  }
0x1ad: {  	v6 =	vor.u32 v8, v6  }
0x1ae: {  	[tilespmem:v7+s4+$0x0] =	vst.idx.msk vm0, v6;
	s30 =	spop (v2sf)  }
0x1af: {  	_ =	swait.ge [sflag:s9], $0x7D0  }
0x1b0: {  	[sflag:s9] =	ssyncset.done $0x0  }
0x1b1: {  	[sflag:s9] =	ssyncadd.s32 $0xFFFFF830  }
0x1b2: {  	_ =	swait.ge [sflag:s9], $0x7D0  }
0x1b3: {  	[sflag:s9] =	ssyncset.done $0x0  }
0x1b4: {  	s31 =	simm.s32 $0x0;
	[sflag:s9] =	ssyncadd.s32 $0xFFFFF830  }
0x1b5: {  	v6 =	vld [tilespmem:s31+$0x3000];
	_ =	sdelay $0x4  }
0x1b6: {  	vm0 =	vge.s32 v6, v4;
	vm1 =	vlt.s32 v6, v5  }
0x1b7: {  	vm0 =	vmand vm0, vm1  }
0x1b8: {  	v7 =	vsel vm0, $0x1, v1  }
0x1b9: {  	(xrf0) =	vadd.scan.msk.s32 $0xffff, v7;
	_ =	sdelay $0x4  }
0x1ba: {  	s0 =	sadd.s32 s0, s30;
	v8 =	vsel vm0, $0xFFFFFFFF, v1;
	v7 =	vld [tilespmem:s31+$0x2800]  }
0x1bb: {  	v8 =	vadd.s32 s0, v8;
	v63, _, _ =	vpop (xrf0)  }
0x1bc: {  	(v2sf) =	vpush v63, $0xF;
	v8 =	vadd.s32 v63, v8;
	_ =	sdelay $0x2  }
0x1bd: {  	v6 =	vsub.s32 v6, v4;
	v7 =	vshll.u32 v7, $0xF  }
0x1be: {  	v6 =	vor.u32 v7, v6  }
0x1bf: {  	s21 =	simm.s32 $0x10;
	[tilespmem:v8+s4+$0x0] =	vst.idx.msk vm0, v6  }
0x1c0: {  	v6 =	vld [tilespmem:s21+$0x3000];
	_ =	sdelay $0x4  }
0x1c1: {  	vm0 =	vge.s32 v6, v4;
	vm1 =	vlt.s32 v6, v5  }
0x1c2: {  	vm0 =	vmand vm0, vm1  }
0x1c3: {  	v7 =	vsel vm0, $0x1, v1  }
0x1c4: {  	(xrf0) =	vadd.scan.msk.s32 $0xffff, v7  }
0x1c5: {  	s25 =	simm.s32 $0x80;
	s26 =	simm.s32 $0xC0;
	s3 =	spop (v2sf)  }
.LBB2_14:
0x1c6: {  	p0 =	sne.s32 s26, $0x1F00;
	s0 =	sadd.s32 s0, s3;
	_ =	sdelay $0x2  }
0x1c7: {  	v8 =	vsel vm0, $0xFFFFFFFF, v1;
	v7 =	vld [tilespmem:s21+$0x2800]  }
0x1c8: {  	v8 =	vadd.s32 s0, v8;
	v9, _, _ =	vpop (xrf0)  }
0x1c9: {  	v8 =	vadd.s32 v9, v8;
	(v2sf) =	vpush v9, $0xF;
	_ =	sdelay $0x2  }
0x1ca: {  	v6 =	vsub.s32 v6, v4;
	v7 =	vshll.u32 v7, $0xF  }
0x1cb: {  	v6 =	vor.u32 v7, v6  }
0x1cc: {  	s21 =	sshra.s32 s25, $0x2;
	s25 =	smov.u32 s26;
	[tilespmem:v8+s4+$0x0] =	vst.idx.msk vm0, v6  }
0x1cd: {  	v6 =	vld [tilespmem:s21+$0x3000];
	_ =	sdelay $0x4  }
.Ltmp11:
0x1ce: {  	vm0 =	vge.s32 v6, v4;
	vm1 =	vlt.s32 v6, v5;
	(pc) =	sbr.rel @p0 .LBB2_14-.Ltmp11, $4  }
0x1cf: {  	vm0 =	vmand vm0, vm1  }
0x1d0: {  	v7 =	vsel vm0, $0x1, v1  }
0x1d1: {  	(xrf0) =	vadd.scan.msk.s32 $0xffff, v7  }
0x1d2: {  	s26 =	sadd.s32 $0x40, s26;
	s3 =	spop (v2sf)  }
0x1d3: {  	_ =	sdelay $0x2  }
0x1d4: {  	s0 =	sadd.s32 s0, s3;
	v7 =	vld [tilespmem:s21+$0x2800];
	v8 =	vsel vm0, $0xFFFFFFFF, v1  }
0x1d5: {  	v8 =	vadd.s32 s0, v8;
	v9, _, _ =	vpop (xrf0)  }
0x1d6: {  	v8 =	vadd.s32 v9, v8;
	_ =	sdelay $0x2  }
0x1d7: {  	v6 =	vsub.s32 v6, v4;
	v7 =	vshll.u32 v7, $0xF  }
0x1d8: {  	v6 =	vor.u32 v7, v6  }
0x1d9: {  	s12 =	sshra.s32 s25, $0x2;
	[tilespmem:v8+s4+$0x0] =	vst.idx.msk vm0, v6  }
0x1da: {  	v6 =	vld [tilespmem:s12+$0x3000];
	_ =	sdelay $0x4  }
0x1db: {  	vm15 =	vge.s32 v6, v4;
	vm1 =	vlt.s32 v6, v5  }
0x1dc: {  	vm0 =	vmand vm15, vm1  }
0x1dd: {  	v7 =	vsel vm0, $0x1, v1  }
0x1de: {  	(xrf0) =	vadd.scan.msk.s32 $0xffff, v7;
	_ =	sdelay $0x4  }
0x1df: {  	(v2sf) =	vpush v9, $0xF  }
0x1e0: {  	v7, _, _ =	vpop (xrf0)  }
0x1e1: {  	(v2sf) =	vpush v7, $0xF;
	_ =	sdelay $0xc  }
0x1e2: {  	s10 =	spop (v2sf)  }
0x1e3: {  	v8 =	vld [tilespmem:s12+$0x2800];
	v61 =	vsel vm0, $0xFFFFFFFF, v1;
	s0 =	sadd.s32 s0, s10  }
0x1e4: {  	v9 =	vadd.s32 s0, v61;
	s21 =	spop (v2sf)  }
0x1e5: {  	v7 =	vadd.s32 v7, v9;
	s0 =	sadd.s32 s0, s21  }
0x1e6: {  	v62 =	vadd.s32 s0, v2;
	s3 =	sadd.s32 $0x10, s0  }
0x1e7: {  	s22 =	sadd.s32 $0x20, s0;
	s23 =	sadd.s32 $0x3F, s0;
	v10 =	vadd.s32 s3, v2  }
0x1e8: {  	v6 =	vsub.s32 v6, v4;
	v8 =	vshll.u32 v8, $0xF;
	s0 =	sadd.s32 $0x30, s0;
	v11 =	vadd.s32 s22, v2;
	s25 =	sand.u32 $0x3F, s23  }
0x1e9: {  	v6 =	vor.u32 v8, v6;
	v63 =	vadd.s32 s0, v2;
	s26 =	sshra.s32 s23, $0x1F;
	p0 =	slt.s32 s23, $0x1;
	p1 =	sne.s32 s25, $0x0  }
0x1ea: {  	[tilespmem:v7+s4+$0x0] =	vst.idx.msk vm0, v6;
	s0 =	sshrl.u32 s26, $0x1A;
	p0 =	por !p0, !p1  }
0x1eb: {  	s3 =	simm.s32 $0x1;
	s0 =	sadd.s32 s0, s23;
	p0 =	por !p0, !p0;
	[tilespmem:v62+s4+$0x0] =	vst.idx.msk $0xffff, v3  }
0x1ec: {  	s0 =	sshra.s32 s0, $0x6;
	s3 =	simm.s32 @!p0 $0x0;
	[tilespmem:v10+s4+$0x0] =	vst.idx.msk $0xffff, v3  }
0x1ed: {  	s25 =	ssub.s32 s0, s3;
	[tilespmem:v11+s4+$0x0] =	vst.idx.msk $0xffff, v3  }
0x1ee: {  	p0 =	slt.s32 s25, $0x1;
	[tilespmem:v63+s4+$0x0] =	vst.idx.msk $0xffff, v3  }
0x1ef: {  	v6 =	vld @!p0 [tilespmem:$0x0];
	_ =	sdelay $0x1  }
0x1f0: {  	v7 =	vld @!p0 [tilespmem:$0x10];
	_ =	sdelay $0x1  }
0x1f1: {  	v8 =	vld @!p0 [tilespmem:$0x20]  }
0x1f2: {  	v9 =	vshra.s32 @!p0 v6, $0xF  }
0x1f3: {  	v6 =	vand.u32 @!p0 $0x7FFF, v6;
	[tilespmem:$0x4800] =	vst @!p0 v9;
	v9 =	vld @!p0 [tilespmem:$0x30]  }
0x1f4: {  	[tilespmem:$0x4880] =	vst @!p0 v6;
	v6 =	vshra.s32 @!p0 v7, $0xF  }
0x1f5: {  	[tilespmem:$0x4810] =	vst @!p0 v6;
	v6 =	vand.u32 @!p0 $0x7FFF, v7  }
0x1f6: {  	[tilespmem:$0x4890] =	vst @!p0 v6;
	v6 =	vshra.s32 @!p0 v8, $0xF  }
0x1f7: {  	[tilespmem:$0x4820] =	vst @!p0 v6;
	v6 =	vand.u32 @!p0 $0x7FFF, v8  }
0x1f8: {  	s29 =	sadd.s32 $0x1, s25;
	[tilespmem:$0x48A0] =	vst @!p0 v6;
	v6 =	vshra.s32 @!p0 v9, $0xF  }
0x1f9: {  	p5 =	slt.s32 s25, $0x0;
	s0 =	simm.s32 @!p0 $0x40;
	s30 =	sand.u32 $0x1, s29;
	[tilespmem:$0x4830] =	vst @!p0 v6;
	v6 =	vand.u32 @!p0 $0x7FFF, v9  }
0x1fa: {  	s3 =	simm.s32 @!p0 $0x4800;
	s10 =	simm.s32 @!p0 $0x4A00;
	p6 =	seq.s32 s30, $0x1;
	[tilespmem:$0x48B0] =	vst @!p0 v6  }
0x1fb: {  	[tilespmem:s10], [sflag:$0x3] =	stream.indirect.gather @!p0 [hbm4b:s6+s0], $0x80, s3, s0, $0xb8;
	[tilespmem:$0x1DC00] =	vst v63  }
0x1fc: {  	s31 =	sshrl.u32 s29, $0x1F;
	p0 =	por !p5, !p6  }
0x1fd: {  	s0 =	sadd.s32 s31, s29;
	s3 =	simm.s32 $0x1;
	p0 =	por !p0, !p0  }
0x1fe: {  	s0 =	sshra.s32 s0, $0x1;
	s3 =	simm.s32 @!p0 $0x0  }
0x1ff: {  	s28 =	ssub.s32 s0, s3  }
0x200: {  	p0 =	slt.s32 s28, $0x1  }
.Ltmp12:
0x201: {  	_ = 	snop;
	(pc) =	sbr.rel @p0 .LBB2_19-.Ltmp12, $1  }
0x202: {  	_ =	sdelay $0x3  }
0x203: {  	s3 =	simm.s32 $0xB0;
	p0 =	sle.s32 s25, $0x1  }
0x204: {  	v6 =	vld @!p0 [tilespmem:s3+$0xFFFFFF90];
	_ =	sdelay $0x4  }
0x205: {  	v7 =	vshra.s32 @!p0 v6, $0xF  }
0x206: {  	s26 =	simm.s32 $0x40;
	v6 =	vand.u32 @!p0 $0x7FFF, v6;
	[tilespmem:$0x4900] =	vst @!p0 v7  }
0x207: {  	s0 =	sor.u32 @!p0 $0x50, s26;
	[tilespmem:$0x4980] =	vst @!p0 v6  }
0x208: {  	v6 =	vld @!p0 [tilespmem:s0+$0x0];
	_ =	sdelay $0x4  }
0x209: {  	v7 =	vshra.s32 @!p0 v6, $0xF  }
0x20a: {  	v6 =	vand.u32 @!p0 $0x7FFF, v6;
	[tilespmem:$0x4910] =	vst @!p0 v7  }
0x20b: {  	s0 =	sor.u32 @!p0 $0x60, s26;
	[tilespmem:$0x4990] =	vst @!p0 v6  }
0x20c: {  	v6 =	vld @!p0 [tilespmem:s0+$0x0];
	_ =	sdelay $0x4  }
0x20d: {  	v7 =	vshra.s32 @!p0 v6, $0xF  }
0x20e: {  	v6 =	vand.u32 @!p0 $0x7FFF, v6;
	[tilespmem:$0x4920] =	vst @!p0 v7  }
0x20f: {  	s0 =	sor.u32 @!p0 $0x70, s26;
	[tilespmem:$0x49A0] =	vst @!p0 v6  }
0x210: {  	v6 =	vld @!p0 [tilespmem:s0+$0x0];
	_ =	sdelay $0x4  }
0x211: {  	v7 =	vshra.s32 @!p0 v6, $0xF  }
0x212: {  	v6 =	vand.u32 @!p0 $0x7FFF, v6;
	[tilespmem:$0x4930] =	vst @!p0 v7  }
0x213: {  	s31 =	simm.s32 @!p0 $0x40;
	s10 =	simm.s32 @!p0 $0x4900;
	s0 =	simm.s32 @!p0 $0x6A00;
	[tilespmem:$0x49B0] =	vst @!p0 v6  }
0x214: {  	[tilespmem:s0], [sflag:$0x4] =	stream.indirect.gather @!p0 [hbm4b:s6+s31], $0x80, s10, s31, $0xb8;
	[tilespmem:$0x1DC00] =	vst v63  }
0x215: {  	_ =	swait.ge [sflag:s16], $0x2000  }
0x216: {  	[sflag:s16] =	ssyncset.done $0x0  }
0x217: {  	[sflag:s16] =	ssyncadd.s32 $0xFFFFE000  }
0x218: {  	[spmem:s2] =	stream.indirect.scatter.add.f32 [tilespmem:s19], [sflag:$0x7], $0x80, s18, s17, $0xb8;
	[tilespmem:$0x1DC00] =	vst v63  }
0x219: {  	_ =	swait.ge [sflag:s20], $0x2000  }
0x21a: {  	[sflag:s20] =	ssyncset.done $0x0  }
0x21b: {  	p2 =	sle.s32 s25, $0x2;
	[sflag:s20] =	ssyncadd.s32 $0xFFFFE000  }
0x21c: {  	v6 =	vld @!p2 [tilespmem:s3+$0xFFFFFFD0];
	_ =	sdelay $0x4  }
0x21d: {  	v7 =	vshra.s32 @!p2 v6, $0xF  }
0x21e: {  	v6 =	vand.u32 @!p2 $0x7FFF, v6;
	[tilespmem:$0x4800] =	vst @!p2 v7  }
0x21f: {  	[tilespmem:$0x4880] =	vst @!p2 v6  }
0x220: {  	v6 =	vld @!p2 [tilespmem:s3+$0xFFFFFFE0];
	_ =	sdelay $0x4  }
0x221: {  	v7 =	vshra.s32 @!p2 v6, $0xF  }
0x222: {  	v6 =	vand.u32 @!p2 $0x7FFF, v6;
	[tilespmem:$0x4810] =	vst @!p2 v7  }
0x223: {  	[tilespmem:$0x4890] =	vst @!p2 v6  }
0x224: {  	v6 =	vld @!p2 [tilespmem:s3+$0xFFFFFFF0];
	_ =	sdelay $0x4  }
0x225: {  	v7 =	vshra.s32 @!p2 v6, $0xF  }
0x226: {  	v6 =	vand.u32 @!p2 $0x7FFF, v6;
	[tilespmem:$0x4820] =	vst @!p2 v7  }
0x227: {  	[tilespmem:$0x48A0] =	vst @!p2 v6  }
0x228: {  	s28 =	sadd.s32 $0xFFFFFFFF, s28;
	v6 =	vld @!p2 [tilespmem:s3+$0x0]  }
0x229: {  	p1 =	sne.s32 s28, $0x0  }
.Ltmp13:
0x22a: {  	_ = 	snop;
	(pc) =	sbr.rel @!p1 .LBB2_18-.Ltmp13, $4  }
0x22b: {  	_ = 	snop  }
0x22c: {  	s29 =	simm.s32 $0x2;
	s30 =	simm.s32 $0x130  }
0x22d: {  	s23 =	simm.s32 @!p2 $0x40;
	s12 =	simm.s32 @!p2 $0x4800;
	s22 =	simm.s32 @!p0 $0x4980;
	v7 =	vshra.s32 @!p2 v6, $0xF  }
0x22e: {  	s21 =	simm.s32 @!p0 $0x6;
	s10 =	simm.s32 @!p0 $0x4;
	s3 =	simm.s32 @!p2 $0x4A00;
	v6 =	vand.u32 @!p2 $0x7FFF, v6;
	[tilespmem:$0x4830] =	vst @!p2 v7  }
.LBB2_17:
0x22f: {  	s28 =	sadd.s32 $0xFFFFFFFF, s28;
	[tilespmem:$0x48B0] =	vst @!p2 v6;
	s26 =	sadd.s32 $0x80, s26;
	s29 =	sadd.s32 $0x2, s29  }
0x230: {  	[tilespmem:s3], [sflag:$0x3] =	stream.indirect.gather @!p2 [hbm4b:s6+s23], $0x80, s12, s23, $0xb8;
	[tilespmem:$0x1DC00] =	vst v63  }
0x231: {  	p1 =	sne.s32 s28, $0x0;
	_ =	swait.ge @!p0 [sflag:s10], $0x2000  }
0x232: {  	[sflag:s10] =	ssyncset.done @!p0 $0x0  }
0x233: {  	[sflag:s10] =	ssyncadd.s32 @!p0 $0xFFFFE000  }
0x234: {  	[spmem:s2] =	stream.indirect.scatter.add.f32 @!p0 [tilespmem:s0], [sflag:$0x6], $0x80, s22, s31, $0xb8;
	[tilespmem:$0x1DC00] =	vst v63  }
0x235: {  	_ =	swait.ge @!p0 [sflag:s21], $0x2000  }
0x236: {  	s0 =	sadd.s32 $0xFFFFFFFF, s29;
	[sflag:s21] =	ssyncset.done @!p0 $0x0  }
0x237: {  	[sflag:s21] =	ssyncadd.s32 @!p0 $0xFFFFE000;
	p0 =	sge.s32 s0, s25  }
0x238: {  	v6 =	vld @!p0 [tilespmem:s30+$0xFFFFFF90];
	_ =	sdelay $0x4  }
0x239: {  	v7 =	vshra.s32 @!p0 v6, $0xF;
	v6 =	vand.u32 @!p0 $0x7FFF, v6  }
0x23a: {  	s0 =	sor.u32 @!p0 $0x50, s26;
	[tilespmem:$0x4900] =	vst @!p0 v7  }
0x23b: {  	[tilespmem:$0x4980] =	vst @!p0 v6  }
0x23c: {  	v6 =	vld @!p0 [tilespmem:s0+$0x0];
	_ =	sdelay $0x4  }
0x23d: {  	s0 =	sor.u32 @!p0 $0x60, s26;
	v7 =	vshra.s32 @!p0 v6, $0xF;
	v6 =	vand.u32 @!p0 $0x7FFF, v6  }
0x23e: {  	[tilespmem:$0x4910] =	vst @!p0 v7  }
0x23f: {  	[tilespmem:$0x4990] =	vst @!p0 v6  }
0x240: {  	v6 =	vld @!p0 [tilespmem:s0+$0x0];
	_ =	sdelay $0x3  }
0x241: {  	s0 =	sor.u32 @!p0 $0x70, s26  }
0x242: {  	v7 =	vshra.s32 @!p0 v6, $0xF;
	v6 =	vand.u32 @!p0 $0x7FFF, v6  }
0x243: {  	[tilespmem:$0x4920] =	vst @!p0 v7  }
0x244: {  	[tilespmem:$0x49A0] =	vst @!p0 v6  }
0x245: {  	v6 =	vld @!p0 [tilespmem:s0+$0x0];
	_ =	sdelay $0x2  }
0x246: {  	s31 =	simm.s32 @!p0 $0x40;
	s3 =	simm.s32 @!p0 $0x4900;
	s0 =	simm.s32 @!p0 $0x6A00  }
0x247: {  	_ = 	snop  }
0x248: {  	v7 =	vshra.s32 @!p0 v6, $0xF;
	v6 =	vand.u32 @!p0 $0x7FFF, v6  }
0x249: {  	[tilespmem:$0x4930] =	vst @!p0 v7  }
0x24a: {  	[tilespmem:$0x49B0] =	vst @!p0 v6  }
0x24b: {  	[tilespmem:s0], [sflag:$0x4] =	stream.indirect.gather @!p0 [hbm4b:s6+s31], $0x80, s3, s31, $0xb8;
	[tilespmem:$0x1DC00] =	vst v63  }
0x24c: {  	_ =	swait.ge [sflag:s16], $0x2000  }
0x24d: {  	[sflag:s16] =	ssyncset.done $0x0  }
0x24e: {  	[sflag:s16] =	ssyncadd.s32 $0xFFFFE000  }
0x24f: {  	[spmem:s2] =	stream.indirect.scatter.add.f32 [tilespmem:s19], [sflag:$0x7], $0x80, s18, s17, $0xb8;
	[tilespmem:$0x1DC00] =	vst v63  }
0x250: {  	_ =	swait.ge [sflag:s20], $0x2000  }
0x251: {  	[sflag:s20] =	ssyncset.done $0x0  }
0x252: {  	p2 =	sge.s32 s29, s25;
	[sflag:s20] =	ssyncadd.s32 $0xFFFFE000  }
0x253: {  	v6 =	vld @!p2 [tilespmem:s30+$0xFFFFFFD0];
	_ =	sdelay $0x4  }
0x254: {  	v7 =	vshra.s32 @!p2 v6, $0xF;
	v6 =	vand.u32 @!p2 $0x7FFF, v6  }
0x255: {  	[tilespmem:$0x4800] =	vst @!p2 v7  }
0x256: {  	[tilespmem:$0x4880] =	vst @!p2 v6  }
0x257: {  	v6 =	vld @!p2 [tilespmem:s30+$0xFFFFFFE0];
	_ =	sdelay $0x4  }
0x258: {  	v7 =	vshra.s32 @!p2 v6, $0xF;
	v6 =	vand.u32 @!p2 $0x7FFF, v6  }
0x259: {  	[tilespmem:$0x4810] =	vst @!p2 v7  }
0x25a: {  	[tilespmem:$0x4890] =	vst @!p2 v6  }
0x25b: {  	v6 =	vld @!p2 [tilespmem:s30+$0xFFFFFFF0];
	_ =	sdelay $0x4  }
0x25c: {  	v7 =	vshra.s32 @!p2 v6, $0xF;
	v6 =	vand.u32 @!p2 $0x7FFF, v6  }
0x25d: {  	[tilespmem:$0x4820] =	vst @!p2 v7  }
0x25e: {  	s23 =	simm.s32 @!p2 $0x40;
	s12 =	simm.s32 @!p2 $0x4800;
	s3 =	simm.s32 @!p2 $0x4A00;
	[tilespmem:$0x48A0] =	vst @!p2 v6  }
0x25f: {  	s10 =	simm.s32 @!p0 $0x4;
	v6 =	vld @!p2 [tilespmem:s30+$0x0];
	_ =	sdelay $0x1  }
.Ltmp14:
0x260: {  	(pc) =	sbr.rel @p1 .LBB2_17-.Ltmp14, $4  }
0x261: {  	s22 =	simm.s32 @!p0 $0x4980  }
0x262: {  	s21 =	simm.s32 @!p0 $0x6  }
0x263: {  	v7 =	vshra.s32 @!p2 v6, $0xF;
	v6 =	vand.u32 @!p2 $0x7FFF, v6  }
0x264: {  	s30 =	sadd.s32 $0x80, s30;
	[tilespmem:$0x4830] =	vst @!p2 v7  }
.Ltmp15:
0x265: {  	_ = 	snop;
	(pc) =	sbr.rel .LBB2_18-.Ltmp15, $1  }
0x266: {  	_ =	sdelay $0x3  }
.LBB2_22:
0x267: {  	_ =	sfence.sel $0x180000  }
0x268: {  	[bflag:$0x0] =	sbarrier.arrive $0xFFFF  }
0x269: {  	_ =	strace $0x9000004A  }
0x26a: {  	s0 =	stileid.u32;
	[bflag:$0x2] =	sbarrier.arrive $0xFFFF  }
0x26b: {  	p0 =	sne.s32 s0, $0x0;
	s0 =	rddreg [dreg:$0x3]  }
0x26c: {  	s0 =	sadd.s32 @!p0 $0x100000, s0  }
0x26d: {  	[sflag:s0] =	ssyncadd.tile.s32 @!p0 $0x1;
	_ =	shalt  }
.Lfunc_end2:
_tile_overlayer_lowered:
.L_overlay_start_2:
0x26e: {  	(tag) =	ssettag $0x2  }
0x26f: {  	s0 =	rddreg [dreg:$0x0];
	s2 =	stileid.u32  }
0x270: {  	s1 =	rddreg [dreg:$0x1];
	p0 =	sne.s32 s2, $0x0  }
0x271: {  	s3 =	rddreg [dreg:$0x2];
	[bflag:$0x3] =	sbarrier.arrive $0xFFFF;
	s2 =	simm.s32 @!p0 $0x1C06  }
0x272: {  	[timem:s3], [sflag:s2] =	dma.local @!p0 [hbm:s0], s1  }
0x273: {  	s0 =	simm.s32 @!p0 $0x6  }
0x274: {  	_ =	swait.ge @!p0 [sflag:s0], s1  }
0x275: {  	s1 =	ssub.s32 @!p0 $0x0, s1;
	[sflag:s0] =	ssyncset.done @!p0 $0x0  }
0x276: {  	[sflag:s0] =	ssyncadd.s32 @!p0 s1  }
0x277: {  	[bflag:$0x3] =	sbarrier.arrive $0xFFFF  }
0x278: {  	_ =	shalt  }

</sc_bundles>
